<compile_context>
chip_gen: v7x
topology: tpu7x:2x2x1
jax: 0.10.2.dev20260603
libtpu: 0.0.44.dev20260713+nightly
codegen_flags: <defaults>
</compile_context>

<pallas_src>
import functools

import jax
import jax.numpy as jnp
from jax import lax
from jax.experimental import pallas as pl
from jax.experimental.pallas import tpu as pltpu
from jax.experimental.pallas import tpu_sc as plsc

N = 10000
E = 320000
D = 128
H1 = 64
H2 = 32
G = 64

CH = 128
NC = 2
NS = 16
NW = NC * NS
CPW = 80
CPW0 = 88
CPW1 = 72
NCHP = NW * CPW
E_PAD = NCHP * CH

_SC_PARAMS = pltpu.CompilerParams(
    needs_layout_passes=False, use_tc_tiling_on_sc=False)

STRIPE = 624
LAST_STRIPE = N - (NS - 1) * STRIPE


def _zero_rows(buf, nrows, width):
    def body(k, _):
        for p in range(width // 16):
            buf[k, pl.ds(p * 16, 16)] = jnp.zeros((16,), jnp.float32)
        return 0
    lax.fori_loop(0, nrows, body, 0)


def _zero_acc_stripe(acc, zsrc, s):
    base = pl.multiple_of(s * STRIPE, 8)

    @pl.when(s < NS - 1)
    def _():
        for j, sz in enumerate([128, 128, 128, 128, 112]):
            pltpu.sync_copy(
                zsrc.at[pl.ds(0, sz)],
                acc.at[pl.ds(pl.multiple_of(base + j * 128, 8), sz)])

    @pl.when(s == NS - 1)
    def _():
        for j in range(5):
            pltpu.sync_copy(
                zsrc,
                acc.at[pl.ds(pl.multiple_of(base + j * 128, 8), 128)])


def _copy_out_stripe(acc, out_hbm, c, s):
    base = pl.multiple_of(s * STRIPE, 8)

    @pl.when(s < NS - 1)
    def _():
        pltpu.sync_copy(acc.at[pl.ds(base, STRIPE)],
                        out_hbm.at[c, pl.ds(base, STRIPE)])

    @pl.when(s == NS - 1)
    def _():
        pltpu.sync_copy(acc.at[pl.ds(base, LAST_STRIPE)],
                        out_hbm.at[c, pl.ds(base, LAST_STRIPE)])


def _make_deg_kernel():
    mesh = plsc.VectorSubcoreMesh(core_axis_name="c", subcore_axis_name="s")

    @functools.partial(
        pl.kernel,
        out_type=jax.ShapeDtypeStruct((NC, N), jnp.float32),
        mesh=mesh,
        compiler_params=_SC_PARAMS,
        scratch_types=[
            pltpu.VMEM((CPW, CH), jnp.int32),
            pltpu.VMEM((CPW, CH), jnp.float32),
            pltpu.VMEM((LAST_STRIPE,), jnp.float32),
            pltpu.VMEM_SHARED((N,), jnp.float32),
            pltpu.SemaphoreType.DMA,
        ],
    )
    def k(col_hbm, ew_hbm, out_hbm, col_all, ew_all, zbuf, acc, sem):
        c = lax.axis_index("c")
        s = lax.axis_index("s")
        w = c * NS + s

        def zb(k2, _):
            zbuf[pl.ds(k2 * 16, 16)] = jnp.zeros((16,), jnp.float32)
            return 0
        lax.fori_loop(0, LAST_STRIPE // 16, zb, 0)
        base = pl.multiple_of(s * STRIPE, 8)

        @pl.when(s < NS - 1)
        def _():
            pltpu.sync_copy(zbuf.at[pl.ds(0, STRIPE)],
                            acc.at[pl.ds(base, STRIPE)])

        @pl.when(s == NS - 1)
        def _():
            pltpu.sync_copy(zbuf, acc.at[pl.ds(base, LAST_STRIPE)])

        plsc.subcore_barrier()
        cb = pl.multiple_of(w * CPW, 8)
        pltpu.sync_copy(col_hbm.at[pl.ds(cb, CPW)], col_all)
        pltpu.sync_copy(ew_hbm.at[pl.ds(cb, CPW)], ew_all)

        def grp(i, _):
            for j in range(8):
                g = i * 8 + j
                pltpu.async_copy(ew_all.at[g], acc.at[col_all.at[g]], sem,
                                 add=True)
            for j in range(8):
                g = i * 8 + j
                pltpu.make_async_copy(ew_all.at[g], acc.at[col_all.at[g]],
                                      sem).wait()
            return 0

        lax.fori_loop(0, CPW // 8, grp, 0)
        plsc.subcore_barrier()

        @pl.when(s < NS - 1)
        def _():
            pltpu.sync_copy(acc.at[pl.ds(base, STRIPE)],
                            out_hbm.at[c, pl.ds(base, STRIPE)])

        @pl.when(s == NS - 1)
        def _():
            pltpu.sync_copy(acc.at[pl.ds(base, LAST_STRIPE)],
                            out_hbm.at[c, pl.ds(base, LAST_STRIPE)])

    return k


def _make_conv_kernel(width):
    mesh = plsc.VectorSubcoreMesh(core_axis_name="c", subcore_axis_name="s")

    @functools.partial(
        pl.kernel,
        out_type=jax.ShapeDtypeStruct((NC, N, width), jnp.float32),
        mesh=mesh,
        compiler_params=_SC_PARAMS,
        scratch_types=[
            pltpu.VMEM((CPW0, CH), jnp.int32),
            pltpu.VMEM((CPW0, CH), jnp.int32),
            pltpu.VMEM((CPW0, CH), jnp.float32),
            pltpu.VMEM((CH, width), jnp.float32),
            pltpu.VMEM((CH, width), jnp.float32),
            pltpu.VMEM_SHARED((N, width), jnp.float32),
            pltpu.VMEM_SHARED((N, width), jnp.float32),
            pltpu.SemaphoreType.DMA,
            pltpu.SemaphoreType.DMA,
            pltpu.SemaphoreType.DMA,
            pltpu.SemaphoreType.DMA,
        ],
    )
    def k(row_hbm, col_hbm, ew_hbm, xws_hbm, out_hbm,
          row_all, col_all, ew_all, rows0, rows1, acc, xws_s, g0, g1, s0, s1):
        c = lax.axis_index("c")
        s = lax.axis_index("s")
        w = c * NS + s
        base = pl.multiple_of(s * STRIPE, 8)

        @pl.when(s < NS - 1)
        def _():
            pltpu.sync_copy(xws_hbm.at[pl.ds(base, STRIPE)],
                            xws_s.at[pl.ds(base, STRIPE)])

        @pl.when(s == NS - 1)
        def _():
            pltpu.sync_copy(xws_hbm.at[pl.ds(base, LAST_STRIPE)],
                            xws_s.at[pl.ds(base, LAST_STRIPE)])

        _zero_rows(rows0, CH, width)
        _zero_acc_stripe(acc, rows0, s)
        plsc.subcore_barrier()

        def run(cpw, cbase):
            pltpu.sync_copy(row_hbm.at[pl.ds(cbase, cpw)],
                            row_all.at[pl.ds(0, cpw)])
            pltpu.sync_copy(col_hbm.at[pl.ds(cbase, cpw)],
                            col_all.at[pl.ds(0, cpw)])
            pltpu.sync_copy(ew_hbm.at[pl.ds(cbase, cpw)],
                            ew_all.at[pl.ds(0, cpw)])
            pltpu.async_copy(xws_s.at[row_all.at[0]], rows0, g0)

            def pair(i, _):
                for j in range(2):
                    g = i * 2 + j
                    if j == 0:
                        cur, gc, sc_ = rows0, g0, s0
                        nxt, gn, sn_ = rows1, g1, s1
                    else:
                        cur, gc, sc_ = rows1, g1, s1
                        nxt, gn, sn_ = rows0, g0, s0
                    pltpu.make_async_copy(xws_s.at[row_all.at[g]], cur,
                                          gc).wait()

                    @pl.when(g >= 1)
                    def _():
                        pltpu.make_async_copy(nxt, acc.at[col_all.at[g - 1]],
                                              sn_).wait()

                    @pl.when(g + 1 < cpw)
                    def _():
                        pltpu.async_copy(xws_s.at[row_all.at[g + 1]], nxt,
                                         gn)

                    @plsc.parallel_loop(0, CH, step=1, unroll=8)
                    def _(k2):
                        f = plsc.load_gather(
                            ew_all, [jnp.full((16,), g, jnp.int32),
                                     jnp.full((16,), k2, jnp.int32)])
                        for p in range(width // 16):
                            v = cur[k2, pl.ds(p * 16, 16)]
                            cur[k2, pl.ds(p * 16, 16)] = v * f
                    pltpu.async_copy(cur, acc.at[col_all.at[g]], sc_,
                                     add=True)
                return 0

            lax.fori_loop(0, cpw // 2, pair, 0)
            pltpu.make_async_copy(rows1, acc.at[col_all.at[cpw - 1]],
                                  s1).wait()

        @pl.when(c == 0)
        def _():
            run(CPW0, pl.multiple_of(s * CPW0, 8))

        @pl.when(c == 1)
        def _():
            run(CPW1, pl.multiple_of(NS * CPW0 + s * CPW1, 8))

        plsc.subcore_barrier()
        _copy_out_stripe(acc, out_hbm, c, s)

    return k


_deg_kernel = _make_deg_kernel()
_conv64 = _make_conv_kernel(H1)
_conv32 = _make_conv_kernel(H2)


def _tc1_body(degp_ref, x_ref, w1_ref, dinv_ref, xws1_ref):
    deg = 1.0 + degp_ref[0] + degp_ref[1]
    dinv = lax.rsqrt(deg)
    dinv_ref[...] = dinv
    xw = jnp.dot(x_ref[...], w1_ref[...], preferred_element_type=jnp.float32)
    xws1_ref[...] = xw * dinv


def _tc2_body(s1_ref, xws1_ref, dinv_ref, b1_ref, w2_ref, xws2_ref):
    dinv = dinv_ref[...]
    pre = dinv * (s1_ref[0] + s1_ref[1] + xws1_ref[...]) + b1_ref[...]
    h1 = jnp.maximum(pre, 0.0)
    xw2 = jnp.dot(h1, w2_ref[...], preferred_element_type=jnp.float32)
    xws2_ref[...] = xw2 * dinv


WIN = 1000
NWIN = N // WIN


def _tc3_body(s2_ref, xws2_ref, dinv_ref, b2_ref, batch_ref, bnds_ref,
              wl_ref, bl_ref, out_ref, pooled):
    dinv = dinv_ref[...]
    pre = dinv * (s2_ref[0] + s2_ref[1] + xws2_ref[...]) + b2_ref[...]
    h2 = jnp.maximum(pre, 0.0)
    batch = batch_ref[...]
    pooled[...] = jnp.full((G, H2), -jnp.inf, jnp.float32)
    for wdw in range(NWIN):
        rows = h2[wdw * WIN:(wdw + 1) * WIN]
        bwin = batch[wdw * WIN:(wdw + 1) * WIN]
        g0 = bnds_ref[wdw]
        g1 = bnds_ref[NWIN + wdw]

        def seg(g, _):
            m = bwin == g
            v = jnp.where(m, rows, -jnp.inf)
            cur = pooled[pl.ds(g, 1), :]
            pooled[pl.ds(g, 1), :] = jnp.maximum(
                cur, jnp.max(v, axis=0, keepdims=True))
            return 0

        lax.fori_loop(g0, g1 + 1, seg, 0)
    out_ref[...] = jnp.dot(pooled[...], wl_ref[...],
                           preferred_element_type=jnp.float32) + bl_ref[...]


def kernel(x, edge_index, edge_weight, batch, W1, b1, W2, b2, Wl, bl):
    pad = E_PAD - E
    idt = edge_index.dtype
    row2d = jnp.concatenate(
        [edge_index[0], jnp.zeros((pad,), idt)]).reshape(NCHP, CH)
    col2d = jnp.concatenate(
        [edge_index[1], jnp.zeros((pad,), idt)]).reshape(NCHP, CH)
    ew2d = jnp.concatenate(
        [edge_weight, jnp.zeros((pad,), edge_weight.dtype)]).reshape(NCHP, CH)

    degp = _deg_kernel(col2d, ew2d).reshape(NC, N, 1)

    dinv, xws1 = pl.pallas_call(
        _tc1_body,
        out_shape=(jax.ShapeDtypeStruct((N, 1), jnp.float32),
                   jax.ShapeDtypeStruct((N, H1), jnp.float32)),
    )(degp, x, W1)

    s1 = _conv64(row2d, col2d, ew2d, xws1)

    xws2 = pl.pallas_call(
        _tc2_body,
        out_shape=jax.ShapeDtypeStruct((N, H2), jnp.float32),
    )(s1, xws1, dinv, b1.reshape(1, H1), W2)

    s2 = _conv32(row2d, col2d, ew2d, xws2)

    bnds = jnp.concatenate([batch[0::WIN], batch[WIN - 1::WIN]])

    out = pl.pallas_call(
        _tc3_body,
        out_shape=jax.ShapeDtypeStruct((G, 4), jnp.float32),
        in_specs=[
            pl.BlockSpec(), pl.BlockSpec(), pl.BlockSpec(), pl.BlockSpec(),
            pl.BlockSpec(), pl.BlockSpec(memory_space=pltpu.SMEM),
            pl.BlockSpec(), pl.BlockSpec()],
        scratch_shapes=[pltpu.VMEM((G, H2), jnp.float32)],
    )(s2, xws2, dinv, b2.reshape(1, H2), batch.reshape(N, 1),
      bnds.astype(jnp.int32), Wl, bl.reshape(1, 4))

    return out

# --- scband reference (transcript-rebuilt; emitter-appended) ---
"""Pipeline reference for scband-gcn-1657857376632 (READ-ONLY COPY).

The authoritative reference and input builder live on the scoring server;
editing this copy changes nothing except your own understanding.
"""

import jax, jax.numpy as jnp
import numpy as np

N = 10000
E = 320000
D = 128
H = 64
G = 64


def gcn_conv(x, edge_index, edge_weight, W, b, num_nodes):
    # PyG GCNConv: add self-loops (weight 1), symmetric normalization, then propagate
    loop = jnp.arange(num_nodes, dtype=edge_index.dtype)
    ei = jnp.concatenate([edge_index, jnp.stack([loop, loop])], axis=1)
    ew = jnp.concatenate([edge_weight, jnp.ones((num_nodes,), dtype=edge_weight.dtype)])
    row, col = ei[0], ei[1]
    deg = jnp.zeros((num_nodes,), dtype=x.dtype).at[col].add(ew)
    dinv = jnp.where(deg > 0, deg ** -0.5, 0.0)
    norm = dinv[row] * ew * dinv[col]
    xw = x @ W
    msg = xw[row] * norm[:, None]
    out = jnp.zeros((num_nodes, W.shape[1]), dtype=x.dtype).at[col].add(msg)
    return out + b


def setup_inputs(seed: int = 0):
    key = jax.random.key(seed)
    ks = jax.random.split(key, 10)
    x = jax.random.normal(ks[0], (N, D), dtype=jnp.float32)
    edge_index = jax.random.randint(ks[1], (2, E), 0, N)
    edge_weight = jax.random.uniform(ks[2], (E,), dtype=jnp.float32)
    batch = jnp.sort(jax.random.randint(ks[3], (N,), 0, G))
    W1 = jax.random.normal(ks[4], (D, H), dtype=jnp.float32) * 0.05
    b1 = jnp.zeros((H,), dtype=jnp.float32)
    W2 = jax.random.normal(ks[5], (H, H // 2), dtype=jnp.float32) * 0.05
    b2 = jnp.zeros((H // 2,), dtype=jnp.float32)
    Wl = jax.random.normal(ks[6], (H // 2, 4), dtype=jnp.float32) * 0.05
    bl = jnp.zeros((4,), dtype=jnp.float32)
    return {"x": x, "edge_index": edge_index, "edge_weight": edge_weight, "batch": batch,
            "W1": W1, "b1": b1, "W2": W2, "b2": b2, "Wl": Wl, "bl": bl}


def reference(x, edge_index, edge_weight, batch, W1, b1, W2, b2, Wl, bl):
    h = gcn_conv(x, edge_index, edge_weight, W1, b1, N)
    h = jax.nn.relu(h)
    h = gcn_conv(h, edge_index, edge_weight, W2, b2, N)
    h = jax.nn.relu(h)
    pooled = jax.ops.segment_max(h, batch, num_segments=G, indices_are_sorted=True)
    out = pooled @ Wl + bl
    return out

if __name__ == "__main__":
    import jax
    _d = setup_inputs()
    print(jax.jit(kernel)(*tuple(_d.values())))

</pallas_src>

<mosaic_0001>
#map = affine_map<(d0, d1) -> (0, 0)>
module attributes {stable_mosaic.version = 14 : i64} {
  func.func @k(%arg0: i32, %arg1: i32, %arg2: memref<2560x128xi32, #tpu.memory_space<hbm>>, %arg3: memref<2560x128xf32, #tpu.memory_space<hbm>>, %arg4: memref<2x10000xf32, #tpu.memory_space<hbm>>, %arg5: memref<80x128xi32, #tpu.memory_space<vmem>>, %arg6: memref<80x128xf32, #tpu.memory_space<vmem>>, %arg7: memref<640xf32, #tpu.memory_space<vmem>>, %arg8: memref<10000xf32, #tpu.memory_space<vmem_shared>>, %arg9: memref<!tpu.dma_semaphore, #tpu.memory_space<semaphore_mem>>) attributes {dimension_semantics = [#tpu.dimension_semantics<core_parallel>, #tpu.dimension_semantics<subcore_parallel>], iteration_bounds = array<i64: 2, 16>, scalar_prefetch = 0 : i64, scratch_operands = 5 : i64, tpu.core_type = #tpu.core_type<sc_vector_subcore>, window_params = [{transform_indices = #map}, {transform_indices = #map}, {transform_indices = #map}]} {
    %mul3A = arith.constant 16 : i32
    %mul3A_0 = arith.muli %arg0, %mul3A : i32
    %add3A = arith.addi %mul3A_0, %arg1 : i32
    %scan3A = arith.constant 0 : i32
    %scan3A_1 = arith.constant 0 : i32
    %scan3A_2 = arith.constant 40 : i32
    %scan3A_3 = arith.addi %scan3A_1, %scan3A_2 : i32
    %scan3A_4 = arith.constant 1 : i32
    %scan3A_5 = scf.for %scan3A_36 = %scan3A_1 to %scan3A_3 step %scan3A_4 iter_args(%scan3A_37 = %scan3A) -> (i32)  : i32 {
      %broadcast_in_dim3A = arith.constant 0.000000e+00 : f32
      %broadcast_in_dim3A_38 = vector.broadcast %broadcast_in_dim3A : f32 to vector<16xf32>
      %mul3A_39 = arith.constant 16 : i32
      %mul3A_40 = arith.muli %scan3A_36, %mul3A_39 : i32
      %swap3A = arith.index_cast %mul3A_40 : i32 to index
      %swap3A_41 = tpu.vector_load %arg7[%swap3A] {strides = array<i32>} : memref<640xf32, #tpu.memory_space<vmem>>, vector<16xf32>,
      tpu.vector_store %arg7[%swap3A], %broadcast_in_dim3A_38 {strides = array<i32>} : memref<640xf32, #tpu.memory_space<vmem>>, vector<16xf32>,
      %scan3A_42 = arith.constant 0 : i32
      scf.yield %scan3A_42 : i32
    }
    %scan3A_6 = arith.constant 40 : i32
    %mul3A_7 = arith.constant 624 : i32
    %mul3A_8 = arith.muli %arg1, %mul3A_7 : i32
    %multiple_of3A = tpu.assume_multiple %mul3A_8, 8 : i32
    %lt3A = arith.constant 15 : i32
    %lt3A_9 = arith.cmpi slt, %arg1, %lt3A : i32
    %convert_element_type3A = arith.extui %lt3A_9 : i1 to i32
    %cond3A = arith.constant 0 : i32
    %cond3A_10 = arith.cmpi ne, %convert_element_type3A, %cond3A : i32
    scf.if %cond3A_10 {
      "tpu.region"() ({
        %run_scoped3A = tpu.sem_alloc : memref<!tpu.dma_semaphore, #tpu.memory_space<semaphore_mem>>
        %dma_start3A = arith.constant 0 : i32
        %dma_start3A_36 = tpu.memref_slice %arg7[%dma_start3A] : memref<640xf32, #tpu.memory_space<vmem>> -> memref<624xf32, #tpu.memory_space<vmem>>
        %dma_start3A_37 = tpu.memref_slice %arg8[%multiple_of3A] : memref<10000xf32, #tpu.memory_space<vmem_shared>> -> memref<624xf32, #tpu.memory_space<vmem_shared>>
        %dma_start3A_38 = tpu.memref_slice %arg8[%multiple_of3A] : memref<10000xf32, #tpu.memory_space<vmem_shared>> -> memref<624xf32, #tpu.memory_space<vmem_shared>>
        %dma_start3A_39 = arith.constant 0 : i32
        %dma_start3A_40 = tpu.memref_slice %arg7[%dma_start3A_39] : memref<640xf32, #tpu.memory_space<vmem>> -> memref<624xf32, #tpu.memory_space<vmem>>
        tpu.enqueue_dma source(%dma_start3A_40 : memref<624xf32, #tpu.memory_space<vmem>>) target(%dma_start3A_38 : memref<624xf32, #tpu.memory_space<vmem_shared>>) target_semaphore(%run_scoped3A : memref<!tpu.dma_semaphore, #tpu.memory_space<semaphore_mem>>)
        %dma_wait3A = arith.constant 0 : i32
        %dma_wait3A_41 = tpu.memref_slice %arg7[%dma_wait3A] : memref<640xf32, #tpu.memory_space<vmem>> -> memref<624xf32, #tpu.memory_space<vmem>>
        %dma_wait3A_42 = tpu.memref_slice %arg8[%multiple_of3A] : memref<10000xf32, #tpu.memory_space<vmem_shared>> -> memref<624xf32, #tpu.memory_space<vmem_shared>>
        %dma_wait3A_43 = tpu.memref_slice %arg8[%multiple_of3A] : memref<10000xf32, #tpu.memory_space<vmem_shared>> -> memref<624xf32, #tpu.memory_space<vmem_shared>>
        %dma_wait3A_44 = arith.constant 0 : i32
        %dma_wait3A_45 = tpu.memref_slice %arg7[%dma_wait3A_44] : memref<640xf32, #tpu.memory_space<vmem>> -> memref<624xf32, #tpu.memory_space<vmem>>
        tpu.wait_dma2 semaphore(%run_scoped3A : memref<!tpu.dma_semaphore, #tpu.memory_space<semaphore_mem>>) src(%dma_wait3A_45 : memref<624xf32, #tpu.memory_space<vmem>>) dst(%dma_wait3A_43 : memref<624xf32, #tpu.memory_space<vmem_shared>>)
        tpu.yield
      }) : () -> ()
    } else {
    }
    %eq3A = arith.constant 15 : i32
    %eq3A_11 = arith.cmpi eq, %arg1, %eq3A : i32
    %convert_element_type3A_12 = arith.extui %eq3A_11 : i1 to i32
    %cond3A_13 = arith.constant 0 : i32
    %cond3A_14 = arith.cmpi ne, %convert_element_type3A_12, %cond3A_13 : i32
    scf.if %cond3A_14 {
      "tpu.region"() ({
        %run_scoped3A = tpu.sem_alloc : memref<!tpu.dma_semaphore, #tpu.memory_space<semaphore_mem>>
        %dma_start3A = tpu.memref_slice %arg8[%multiple_of3A] : memref<10000xf32, #tpu.memory_space<vmem_shared>> -> memref<640xf32, #tpu.memory_space<vmem_shared>>
        %dma_start3A_36 = tpu.memref_slice %arg8[%multiple_of3A] : memref<10000xf32, #tpu.memory_space<vmem_shared>> -> memref<640xf32, #tpu.memory_space<vmem_shared>>
        tpu.enqueue_dma source(%arg7 : memref<640xf32, #tpu.memory_space<vmem>>) target(%dma_start3A_36 : memref<640xf32, #tpu.memory_space<vmem_shared>>) target_semaphore(%run_scoped3A : memref<!tpu.dma_semaphore, #tpu.memory_space<semaphore_mem>>)
        %dma_wait3A = tpu.memref_slice %arg8[%multiple_of3A] : memref<10000xf32, #tpu.memory_space<vmem_shared>> -> memref<640xf32, #tpu.memory_space<vmem_shared>>
        %dma_wait3A_37 = tpu.memref_slice %arg8[%multiple_of3A] : memref<10000xf32, #tpu.memory_space<vmem_shared>> -> memref<640xf32, #tpu.memory_space<vmem_shared>>
        tpu.wait_dma2 semaphore(%run_scoped3A : memref<!tpu.dma_semaphore, #tpu.memory_space<semaphore_mem>>) src(%arg7 : memref<640xf32, #tpu.memory_space<vmem>>) dst(%dma_wait3A_37 : memref<640xf32, #tpu.memory_space<vmem_shared>>)
        tpu.yield
      }) : () -> ()
    } else {
    }
    %barrier3A = arith.constant 0 : index
    tpu.barrier barrier_id(%barrier3A)
    %mul3A_15 = arith.constant 80 : i32
    %mul3A_16 = arith.muli %add3A, %mul3A_15 : i32
    %multiple_of3A_17 = tpu.assume_multiple %mul3A_16, 8 : i32
    "tpu.region"() ({
      %run_scoped3A = tpu.sem_alloc : memref<!tpu.dma_semaphore, #tpu.memory_space<semaphore_mem>>
      %dma_start3A = arith.constant 0 : i32
      %dma_start3A_36 = tpu.memref_slice %arg2[%multiple_of3A_17, %dma_start3A] : memref<2560x128xi32, #tpu.memory_space<hbm>> -> memref<80x128xi32, #tpu.memory_space<hbm>>
      %dma_start3A_37 = arith.constant 0 : i32
      %dma_start3A_38 = tpu.memref_slice %arg2[%multiple_of3A_17, %dma_start3A_37] : memref<2560x128xi32, #tpu.memory_space<hbm>> -> memref<80x128xi32, #tpu.memory_space<hbm>>
      tpu.enqueue_dma source(%dma_start3A_38 : memref<80x128xi32, #tpu.memory_space<hbm>>) target(%arg5 : memref<80x128xi32, #tpu.memory_space<vmem>>) target_semaphore(%run_scoped3A : memref<!tpu.dma_semaphore, #tpu.memory_space<semaphore_mem>>)
      %dma_wait3A = arith.constant 0 : i32
      %dma_wait3A_39 = tpu.memref_slice %arg2[%multiple_of3A_17, %dma_wait3A] : memref<2560x128xi32, #tpu.memory_space<hbm>> -> memref<80x128xi32, #tpu.memory_space<hbm>>
      %dma_wait3A_40 = arith.constant 0 : i32
      %dma_wait3A_41 = tpu.memref_slice %arg2[%multiple_of3A_17, %dma_wait3A_40] : memref<2560x128xi32, #tpu.memory_space<hbm>> -> memref<80x128xi32, #tpu.memory_space<hbm>>
      tpu.wait_dma2 semaphore(%run_scoped3A : memref<!tpu.dma_semaphore, #tpu.memory_space<semaphore_mem>>) src(%dma_wait3A_41 : memref<80x128xi32, #tpu.memory_space<hbm>>) dst(%arg5 : memref<80x128xi32, #tpu.memory_space<vmem>>)
      tpu.yield
    }) : () -> ()
    "tpu.region"() ({
      %run_scoped3A = tpu.sem_alloc : memref<!tpu.dma_semaphore, #tpu.memory_space<semaphore_mem>>
      %dma_start3A = arith.constant 0 : i32
      %dma_start3A_36 = tpu.memref_slice %arg3[%multiple_of3A_17, %dma_start3A] : memref<2560x128xf32, #tpu.memory_space<hbm>> -> memref<80x128xf32, #tpu.memory_space<hbm>>
      %dma_start3A_37 = arith.constant 0 : i32
      %dma_start3A_38 = tpu.memref_slice %arg3[%multiple_of3A_17, %dma_start3A_37] : memref<2560x128xf32, #tpu.memory_space<hbm>> -> memref<80x128xf32, #tpu.memory_space<hbm>>
      tpu.enqueue_dma source(%dma_start3A_38 : memref<80x128xf32, #tpu.memory_space<hbm>>) target(%arg6 : memref<80x128xf32, #tpu.memory_space<vmem>>) target_semaphore(%run_scoped3A : memref<!tpu.dma_semaphore, #tpu.memory_space<semaphore_mem>>)
      %dma_wait3A = arith.constant 0 : i32
      %dma_wait3A_39 = tpu.memref_slice %arg3[%multiple_of3A_17, %dma_wait3A] : memref<2560x128xf32, #tpu.memory_space<hbm>> -> memref<80x128xf32, #tpu.memory_space<hbm>>
      %dma_wait3A_40 = arith.constant 0 : i32
      %dma_wait3A_41 = tpu.memref_slice %arg3[%multiple_of3A_17, %dma_wait3A_40] : memref<2560x128xf32, #tpu.memory_space<hbm>> -> memref<80x128xf32, #tpu.memory_space<hbm>>
      tpu.wait_dma2 semaphore(%run_scoped3A : memref<!tpu.dma_semaphore, #tpu.memory_space<semaphore_mem>>) src(%dma_wait3A_41 : memref<80x128xf32, #tpu.memory_space<hbm>>) dst(%arg6 : memref<80x128xf32, #tpu.memory_space<vmem>>)
      tpu.yield
    }) : () -> ()
    %scan3A_18 = arith.constant 0 : i32
    %scan3A_19 = arith.constant 0 : i32
    %scan3A_20 = arith.constant 10 : i32
    %scan3A_21 = arith.addi %scan3A_19, %scan3A_20 : i32
    %scan3A_22 = arith.constant 1 : i32
    %scan3A_23 = scf.for %scan3A_36 = %scan3A_19 to %scan3A_21 step %scan3A_22 iter_args(%scan3A_37 = %scan3A_18) -> (i32)  : i32 {
      %mul3A_38 = arith.constant 8 : i32
      %mul3A_39 = arith.muli %scan3A_36, %mul3A_38 : i32
      %add3A_40 = arith.constant 0 : i32
      %add3A_41 = arith.addi %mul3A_39, %add3A_40 : i32
      %dma_start3A = arith.constant 0 : i32
      %dma_start3A_42 = tpu.memref_slice %arg6[%add3A_41, %dma_start3A] : memref<80x128xf32, #tpu.memory_space<vmem>> -> memref<1x128xf32, #tpu.memory_space<vmem>>
      %dma_start3A_43 = tpu.memref_squeeze %dma_start3A_42 : memref<1x128xf32, #tpu.memory_space<vmem>> -> memref<128xf32, #tpu.memory_space<vmem>>
      %dma_start3A_44 = arith.constant 0 : i32
      %dma_start3A_45 = tpu.memref_slice %arg5[%add3A_41, %dma_start3A_44] : memref<80x128xi32, #tpu.memory_space<vmem>> -> memref<1x128xi32, #tpu.memory_space<vmem>>
      %dma_start3A_46 = tpu.memref_squeeze %dma_start3A_45 : memref<1x128xi32, #tpu.memory_space<vmem>> -> memref<128xi32, #tpu.memory_space<vmem>>
      %dma_start3A_47 = arith.constant 0 : i32
      %dma_start3A_48 = tpu.memref_slice %arg8[%dma_start3A_47] : memref<10000xf32, #tpu.memory_space<vmem_shared>> -> memref<10000xf32, #tpu.memory_space<vmem_shared>>
      tpu.enqueue_indirect_dma source(%dma_start3A_43 : memref<128xf32, #tpu.memory_space<vmem>>) target(%dma_start3A_48 : memref<10000xf32, #tpu.memory_space<vmem_shared>>) offsets(%dma_start3A_46 : memref<128xi32, #tpu.memory_space<vmem>>) semaphore(%arg9 : memref<!tpu.dma_semaphore, #tpu.memory_space<semaphore_mem>>) {add = true}
      %mul3A_49 = arith.constant 8 : i32
      %mul3A_50 = arith.muli %scan3A_36, %mul3A_49 : i32
      %add3A_51 = arith.constant 1 : i32
      %add3A_52 = arith.addi %mul3A_50, %add3A_51 : i32
      %dma_start3A_53 = arith.constant 0 : i32
      %dma_start3A_54 = tpu.memref_slice %arg6[%add3A_52, %dma_start3A_53] : memref<80x128xf32, #tpu.memory_space<vmem>> -> memref<1x128xf32, #tpu.memory_space<vmem>>
      %dma_start3A_55 = tpu.memref_squeeze %dma_start3A_54 : memref<1x128xf32, #tpu.memory_space<vmem>> -> memref<128xf32, #tpu.memory_space<vmem>>
      %dma_start3A_56 = arith.constant 0 : i32
      %dma_start3A_57 = tpu.memref_slice %arg5[%add3A_52, %dma_start3A_56] : memref<80x128xi32, #tpu.memory_space<vmem>> -> memref<1x128xi32, #tpu.memory_space<vmem>>
      %dma_start3A_58 = tpu.memref_squeeze %dma_start3A_57 : memref<1x128xi32, #tpu.memory_space<vmem>> -> memref<128xi32, #tpu.memory_space<vmem>>
      %dma_start3A_59 = arith.constant 0 : i32
      %dma_start3A_60 = tpu.memref_slice %arg8[%dma_start3A_59] : memref<10000xf32, #tpu.memory_space<vmem_shared>> -> memref<10000xf32, #tpu.memory_space<vmem_shared>>
      tpu.enqueue_indirect_dma source(%dma_start3A_55 : memref<128xf32, #tpu.memory_space<vmem>>) target(%dma_start3A_60 : memref<10000xf32, #tpu.memory_space<vmem_shared>>) offsets(%dma_start3A_58 : memref<128xi32, #tpu.memory_space<vmem>>) semaphore(%arg9 : memref<!tpu.dma_semaphore, #tpu.memory_space<semaphore_mem>>) {add = true}
      %mul3A_61 = arith.constant 8 : i32
      %mul3A_62 = arith.muli %scan3A_36, %mul3A_61 : i32
      %add3A_63 = arith.constant 2 : i32
      %add3A_64 = arith.addi %mul3A_62, %add3A_63 : i32
      %dma_start3A_65 = arith.constant 0 : i32
      %dma_start3A_66 = tpu.memref_slice %arg6[%add3A_64, %dma_start3A_65] : memref<80x128xf32, #tpu.memory_space<vmem>> -> memref<1x128xf32, #tpu.memory_space<vmem>>
      %dma_start3A_67 = tpu.memref_squeeze %dma_start3A_66 : memref<1x128xf32, #tpu.memory_space<vmem>> -> memref<128xf32, #tpu.memory_space<vmem>>
      %dma_start3A_68 = arith.constant 0 : i32
      %dma_start3A_69 = tpu.memref_slice %arg5[%add3A_64, %dma_start3A_68] : memref<80x128xi32, #tpu.memory_space<vmem>> -> memref<1x128xi32, #tpu.memory_space<vmem>>
      %dma_start3A_70 = tpu.memref_squeeze %dma_start3A_69 : memref<1x128xi32, #tpu.memory_space<vmem>> -> memref<128xi32, #tpu.memory_space<vmem>>
      %dma_start3A_71 = arith.constant 0 : i32
      %dma_start3A_72 = tpu.memref_slice %arg8[%dma_start3A_71] : memref<10000xf32, #tpu.memory_space<vmem_shared>> -> memref<10000xf32, #tpu.memory_space<vmem_shared>>
      tpu.enqueue_indirect_dma source(%dma_start3A_67 : memref<128xf32, #tpu.memory_space<vmem>>) target(%dma_start3A_72 : memref<10000xf32, #tpu.memory_space<vmem_shared>>) offsets(%dma_start3A_70 : memref<128xi32, #tpu.memory_space<vmem>>) semaphore(%arg9 : memref<!tpu.dma_semaphore, #tpu.memory_space<semaphore_mem>>) {add = true}
      %mul3A_73 = arith.constant 8 : i32
      %mul3A_74 = arith.muli %scan3A_36, %mul3A_73 : i32
      %add3A_75 = arith.constant 3 : i32
      %add3A_76 = arith.addi %mul3A_74, %add3A_75 : i32
      %dma_start3A_77 = arith.constant 0 : i32
      %dma_start3A_78 = tpu.memref_slice %arg6[%add3A_76, %dma_start3A_77] : memref<80x128xf32, #tpu.memory_space<vmem>> -> memref<1x128xf32, #tpu.memory_space<vmem>>
      %dma_start3A_79 = tpu.memref_squeeze %dma_start3A_78 : memref<1x128xf32, #tpu.memory_space<vmem>> -> memref<128xf32, #tpu.memory_space<vmem>>
      %dma_start3A_80 = arith.constant 0 : i32
      %dma_start3A_81 = tpu.memref_slice %arg5[%add3A_76, %dma_start3A_80] : memref<80x128xi32, #tpu.memory_space<vmem>> -> memref<1x128xi32, #tpu.memory_space<vmem>>
      %dma_start3A_82 = tpu.memref_squeeze %dma_start3A_81 : memref<1x128xi32, #tpu.memory_space<vmem>> -> memref<128xi32, #tpu.memory_space<vmem>>
      %dma_start3A_83 = arith.constant 0 : i32
      %dma_start3A_84 = tpu.memref_slice %arg8[%dma_start3A_83] : memref<10000xf32, #tpu.memory_space<vmem_shared>> -> memref<10000xf32, #tpu.memory_space<vmem_shared>>
      tpu.enqueue_indirect_dma source(%dma_start3A_79 : memref<128xf32, #tpu.memory_space<vmem>>) target(%dma_start3A_84 : memref<10000xf32, #tpu.memory_space<vmem_shared>>) offsets(%dma_start3A_82 : memref<128xi32, #tpu.memory_space<vmem>>) semaphore(%arg9 : memref<!tpu.dma_semaphore, #tpu.memory_space<semaphore_mem>>) {add = true}
      %mul3A_85 = arith.constant 8 : i32
      %mul3A_86 = arith.muli %scan3A_36, %mul3A_85 : i32
      %add3A_87 = arith.constant 4 : i32
      %add3A_88 = arith.addi %mul3A_86, %add3A_87 : i32
      %dma_start3A_89 = arith.constant 0 : i32
      %dma_start3A_90 = tpu.memref_slice %arg6[%add3A_88, %dma_start3A_89] : memref<80x128xf32, #tpu.memory_space<vmem>> -> memref<1x128xf32, #tpu.memory_space<vmem>>
      %dma_start3A_91 = tpu.memref_squeeze %dma_start3A_90 : memref<1x128xf32, #tpu.memory_space<vmem>> -> memref<128xf32, #tpu.memory_space<vmem>>
      %dma_start3A_92 = arith.constant 0 : i32
      %dma_start3A_93 = tpu.memref_slice %arg5[%add3A_88, %dma_start3A_92] : memref<80x128xi32, #tpu.memory_space<vmem>> -> memref<1x128xi32, #tpu.memory_space<vmem>>
      %dma_start3A_94 = tpu.memref_squeeze %dma_start3A_93 : memref<1x128xi32, #tpu.memory_space<vmem>> -> memref<128xi32, #tpu.memory_space<vmem>>
      %dma_start3A_95 = arith.constant 0 : i32
      %dma_start3A_96 = tpu.memref_slice %arg8[%dma_start3A_95] : memref<10000xf32, #tpu.memory_space<vmem_shared>> -> memref<10000xf32, #tpu.memory_space<vmem_shared>>
      tpu.enqueue_indirect_dma source(%dma_start3A_91 : memref<128xf32, #tpu.memory_space<vmem>>) target(%dma_start3A_96 : memref<10000xf32, #tpu.memory_space<vmem_shared>>) offsets(%dma_start3A_94 : memref<128xi32, #tpu.memory_space<vmem>>) semaphore(%arg9 : memref<!tpu.dma_semaphore, #tpu.memory_space<semaphore_mem>>) {add = true}
      %mul3A_97 = arith.constant 8 : i32
      %mul3A_98 = arith.muli %scan3A_36, %mul3A_97 : i32
      %add3A_99 = arith.constant 5 : i32
      %add3A_100 = arith.addi %mul3A_98, %add3A_99 : i32
      %dma_start3A_101 = arith.constant 0 : i32
      %dma_start3A_102 = tpu.memref_slice %arg6[%add3A_100, %dma_start3A_101] : memref<80x128xf32, #tpu.memory_space<vmem>> -> memref<1x128xf32, #tpu.memory_space<vmem>>
      %dma_start3A_103 = tpu.memref_squeeze %dma_start3A_102 : memref<1x128xf32, #tpu.memory_space<vmem>> -> memref<128xf32, #tpu.memory_space<vmem>>
      %dma_start3A_104 = arith.constant 0 : i32
      %dma_start3A_105 = tpu.memref_slice %arg5[%add3A_100, %dma_start3A_104] : memref<80x128xi32, #tpu.memory_space<vmem>> -> memref<1x128xi32, #tpu.memory_space<vmem>>
      %dma_start3A_106 = tpu.memref_squeeze %dma_start3A_105 : memref<1x128xi32, #tpu.memory_space<vmem>> -> memref<128xi32, #tpu.memory_space<vmem>>
      %dma_start3A_107 = arith.constant 0 : i32
      %dma_start3A_108 = tpu.memref_slice %arg8[%dma_start3A_107] : memref<10000xf32, #tpu.memory_space<vmem_shared>> -> memref<10000xf32, #tpu.memory_space<vmem_shared>>
      tpu.enqueue_indirect_dma source(%dma_start3A_103 : memref<128xf32, #tpu.memory_space<vmem>>) target(%dma_start3A_108 : memref<10000xf32, #tpu.memory_space<vmem_shared>>) offsets(%dma_start3A_106 : memref<128xi32, #tpu.memory_space<vmem>>) semaphore(%arg9 : memref<!tpu.dma_semaphore, #tpu.memory_space<semaphore_mem>>) {add = true}
      %mul3A_109 = arith.constant 8 : i32
      %mul3A_110 = arith.muli %scan3A_36, %mul3A_109 : i32
      %add3A_111 = arith.constant 6 : i32
      %add3A_112 = arith.addi %mul3A_110, %add3A_111 : i32
      %dma_start3A_113 = arith.constant 0 : i32
      %dma_start3A_114 = tpu.memref_slice %arg6[%add3A_112, %dma_start3A_113] : memref<80x128xf32, #tpu.memory_space<vmem>> -> memref<1x128xf32, #tpu.memory_space<vmem>>
      %dma_start3A_115 = tpu.memref_squeeze %dma_start3A_114 : memref<1x128xf32, #tpu.memory_space<vmem>> -> memref<128xf32, #tpu.memory_space<vmem>>
      %dma_start3A_116 = arith.constant 0 : i32
      %dma_start3A_117 = tpu.memref_slice %arg5[%add3A_112, %dma_start3A_116] : memref<80x128xi32, #tpu.memory_space<vmem>> -> memref<1x128xi32, #tpu.memory_space<vmem>>
      %dma_start3A_118 = tpu.memref_squeeze %dma_start3A_117 : memref<1x128xi32, #tpu.memory_space<vmem>> -> memref<128xi32, #tpu.memory_space<vmem>>
      %dma_start3A_119 = arith.constant 0 : i32
      %dma_start3A_120 = tpu.memref_slice %arg8[%dma_start3A_119] : memref<10000xf32, #tpu.memory_space<vmem_shared>> -> memref<10000xf32, #tpu.memory_space<vmem_shared>>
      tpu.enqueue_indirect_dma source(%dma_start3A_115 : memref<128xf32, #tpu.memory_space<vmem>>) target(%dma_start3A_120 : memref<10000xf32, #tpu.memory_space<vmem_shared>>) offsets(%dma_start3A_118 : memref<128xi32, #tpu.memory_space<vmem>>) semaphore(%arg9 : memref<!tpu.dma_semaphore, #tpu.memory_space<semaphore_mem>>) {add = true}
      %mul3A_121 = arith.constant 8 : i32
      %mul3A_122 = arith.muli %scan3A_36, %mul3A_121 : i32
      %add3A_123 = arith.constant 7 : i32
      %add3A_124 = arith.addi %mul3A_122, %add3A_123 : i32
      %dma_start3A_125 = arith.constant 0 : i32
      %dma_start3A_126 = tpu.memref_slice %arg6[%add3A_124, %dma_start3A_125] : memref<80x128xf32, #tpu.memory_space<vmem>> -> memref<1x128xf32, #tpu.memory_space<vmem>>
      %dma_start3A_127 = tpu.memref_squeeze %dma_start3A_126 : memref<1x128xf32, #tpu.memory_space<vmem>> -> memref<128xf32, #tpu.memory_space<vmem>>
      %dma_start3A_128 = arith.constant 0 : i32
      %dma_start3A_129 = tpu.memref_slice %arg5[%add3A_124, %dma_start3A_128] : memref<80x128xi32, #tpu.memory_space<vmem>> -> memref<1x128xi32, #tpu.memory_space<vmem>>
      %dma_start3A_130 = tpu.memref_squeeze %dma_start3A_129 : memref<1x128xi32, #tpu.memory_space<vmem>> -> memref<128xi32, #tpu.memory_space<vmem>>
      %dma_start3A_131 = arith.constant 0 : i32
      %dma_start3A_132 = tpu.memref_slice %arg8[%dma_start3A_131] : memref<10000xf32, #tpu.memory_space<vmem_shared>> -> memref<10000xf32, #tpu.memory_space<vmem_shared>>
      tpu.enqueue_indirect_dma source(%dma_start3A_127 : memref<128xf32, #tpu.memory_space<vmem>>) target(%dma_start3A_132 : memref<10000xf32, #tpu.memory_space<vmem_shared>>) offsets(%dma_start3A_130 : memref<128xi32, #tpu.memory_space<vmem>>) semaphore(%arg9 : memref<!tpu.dma_semaphore, #tpu.memory_space<semaphore_mem>>) {add = true}
      %mul3A_133 = arith.constant 8 : i32
      %mul3A_134 = arith.muli %scan3A_36, %mul3A_133 : i32
      %add3A_135 = arith.constant 0 : i32
      %add3A_136 = arith.addi %mul3A_134, %add3A_135 : i32
      %dma_wait3A = arith.constant 0 : i32
      %dma_wait3A_137 = tpu.memref_slice %arg6[%add3A_136, %dma_wait3A] : memref<80x128xf32, #tpu.memory_space<vmem>> -> memref<1x128xf32, #tpu.memory_space<vmem>>
      %dma_wait3A_138 = tpu.memref_squeeze %dma_wait3A_137 : memref<1x128xf32, #tpu.memory_space<vmem>> -> memref<128xf32, #tpu.memory_space<vmem>>
      %dma_wait3A_139 = arith.constant 0 : i32
      %dma_wait3A_140 = tpu.memref_slice %arg5[%add3A_136, %dma_wait3A_139] : memref<80x128xi32, #tpu.memory_space<vmem>> -> memref<1x128xi32, #tpu.memory_space<vmem>>
      %dma_wait3A_141 = tpu.memref_squeeze %dma_wait3A_140 : memref<1x128xi32, #tpu.memory_space<vmem>> -> memref<128xi32, #tpu.memory_space<vmem>>
      %dma_wait3A_142 = arith.constant 0 : i32
      %dma_wait3A_143 = tpu.memref_slice %arg8[%dma_wait3A_142] : memref<10000xf32, #tpu.memory_space<vmem_shared>> -> memref<10000xf32, #tpu.memory_space<vmem_shared>>
      tpu.wait_indirect_dma semaphore(%arg9 : memref<!tpu.dma_semaphore, #tpu.memory_space<semaphore_mem>>) src(%dma_wait3A_138 : memref<128xf32, #tpu.memory_space<vmem>>) dst(%dma_wait3A_143 : memref<10000xf32, #tpu.memory_space<vmem_shared>>)
      %mul3A_144 = arith.constant 8 : i32
      %mul3A_145 = arith.muli %scan3A_36, %mul3A_144 : i32
      %add3A_146 = arith.constant 1 : i32
      %add3A_147 = arith.addi %mul3A_145, %add3A_146 : i32
      %dma_wait3A_148 = arith.constant 0 : i32
      %dma_wait3A_149 = tpu.memref_slice %arg6[%add3A_147, %dma_wait3A_148] : memref<80x128xf32, #tpu.memory_space<vmem>> -> memref<1x128xf32, #tpu.memory_space<vmem>>
      %dma_wait3A_150 = tpu.memref_squeeze %dma_wait3A_149 : memref<1x128xf32, #tpu.memory_space<vmem>> -> memref<128xf32, #tpu.memory_space<vmem>>
      %dma_wait3A_151 = arith.constant 0 : i32
      %dma_wait3A_152 = tpu.memref_slice %arg5[%add3A_147, %dma_wait3A_151] : memref<80x128xi32, #tpu.memory_space<vmem>> -> memref<1x128xi32, #tpu.memory_space<vmem>>
      %dma_wait3A_153 = tpu.memref_squeeze %dma_wait3A_152 : memref<1x128xi32, #tpu.memory_space<vmem>> -> memref<128xi32, #tpu.memory_space<vmem>>
      %dma_wait3A_154 = arith.constant 0 : i32
      %dma_wait3A_155 = tpu.memref_slice %arg8[%dma_wait3A_154] : memref<10000xf32, #tpu.memory_space<vmem_shared>> -> memref<10000xf32, #tpu.memory_space<vmem_shared>>
      tpu.wait_indirect_dma semaphore(%arg9 : memref<!tpu.dma_semaphore, #tpu.memory_space<semaphore_mem>>) src(%dma_wait3A_150 : memref<128xf32, #tpu.memory_space<vmem>>) dst(%dma_wait3A_155 : memref<10000xf32, #tpu.memory_space<vmem_shared>>)
      %mul3A_156 = arith.constant 8 : i32
      %mul3A_157 = arith.muli %scan3A_36, %mul3A_156 : i32
      %add3A_158 = arith.constant 2 : i32
      %add3A_159 = arith.addi %mul3A_157, %add3A_158 : i32
      %dma_wait3A_160 = arith.constant 0 : i32
      %dma_wait3A_161 = tpu.memref_slice %arg6[%add3A_159, %dma_wait3A_160] : memref<80x128xf32, #tpu.memory_space<vmem>> -> memref<1x128xf32, #tpu.memory_space<vmem>>
      %dma_wait3A_162 = tpu.memref_squeeze %dma_wait3A_161 : memref<1x128xf32, #tpu.memory_space<vmem>> -> memref<128xf32, #tpu.memory_space<vmem>>
      %dma_wait3A_163 = arith.constant 0 : i32
      %dma_wait3A_164 = tpu.memref_slice %arg5[%add3A_159, %dma_wait3A_163] : memref<80x128xi32, #tpu.memory_space<vmem>> -> memref<1x128xi32, #tpu.memory_space<vmem>>
      %dma_wait3A_165 = tpu.memref_squeeze %dma_wait3A_164 : memref<1x128xi32, #tpu.memory_space<vmem>> -> memref<128xi32, #tpu.memory_space<vmem>>
      %dma_wait3A_166 = arith.constant 0 : i32
      %dma_wait3A_167 = tpu.memref_slice %arg8[%dma_wait3A_166] : memref<10000xf32, #tpu.memory_space<vmem_shared>> -> memref<10000xf32, #tpu.memory_space<vmem_shared>>
      tpu.wait_indirect_dma semaphore(%arg9 : memref<!tpu.dma_semaphore, #tpu.memory_space<semaphore_mem>>) src(%dma_wait3A_162 : memref<128xf32, #tpu.memory_space<vmem>>) dst(%dma_wait3A_167 : memref<10000xf32, #tpu.memory_space<vmem_shared>>)
      %mul3A_168 = arith.constant 8 : i32
      %mul3A_169 = arith.muli %scan3A_36, %mul3A_168 : i32
      %add3A_170 = arith.constant 3 : i32
      %add3A_171 = arith.addi %mul3A_169, %add3A_170 : i32
      %dma_wait3A_172 = arith.constant 0 : i32
      %dma_wait3A_173 = tpu.memref_slice %arg6[%add3A_171, %dma_wait3A_172] : memref<80x128xf32, #tpu.memory_space<vmem>> -> memref<1x128xf32, #tpu.memory_space<vmem>>
      %dma_wait3A_174 = tpu.memref_squeeze %dma_wait3A_173 : memref<1x128xf32, #tpu.memory_space<vmem>> -> memref<128xf32, #tpu.memory_space<vmem>>
      %dma_wait3A_175 = arith.constant 0 : i32
      %dma_wait3A_176 = tpu.memref_slice %arg5[%add3A_171, %dma_wait3A_175] : memref<80x128xi32, #tpu.memory_space<vmem>> -> memref<1x128xi32, #tpu.memory_space<vmem>>
      %dma_wait3A_177 = tpu.memref_squeeze %dma_wait3A_176 : memref<1x128xi32, #tpu.memory_space<vmem>> -> memref<128xi32, #tpu.memory_space<vmem>>
      %dma_wait3A_178 = arith.constant 0 : i32
      %dma_wait3A_179 = tpu.memref_slice %arg8[%dma_wait3A_178] : memref<10000xf32, #tpu.memory_space<vmem_shared>> -> memref<10000xf32, #tpu.memory_space<vmem_shared>>
      tpu.wait_indirect_dma semaphore(%arg9 : memref<!tpu.dma_semaphore, #tpu.memory_space<semaphore_mem>>) src(%dma_wait3A_174 : memref<128xf32, #tpu.memory_space<vmem>>) dst(%dma_wait3A_179 : memref<10000xf32, #tpu.memory_space<vmem_shared>>)
      %mul3A_180 = arith.constant 8 : i32
      %mul3A_181 = arith.muli %scan3A_36, %mul3A_180 : i32
      %add3A_182 = arith.constant 4 : i32
      %add3A_183 = arith.addi %mul3A_181, %add3A_182 : i32
      %dma_wait3A_184 = arith.constant 0 : i32
      %dma_wait3A_185 = tpu.memref_slice %arg6[%add3A_183, %dma_wait3A_184] : memref<80x128xf32, #tpu.memory_space<vmem>> -> memref<1x128xf32, #tpu.memory_space<vmem>>
      %dma_wait3A_186 = tpu.memref_squeeze %dma_wait3A_185 : memref<1x128xf32, #tpu.memory_space<vmem>> -> memref<128xf32, #tpu.memory_space<vmem>>
      %dma_wait3A_187 = arith.constant 0 : i32
      %dma_wait3A_188 = tpu.memref_slice %arg5[%add3A_183, %dma_wait3A_187] : memref<80x128xi32, #tpu.memory_space<vmem>> -> memref<1x128xi32, #tpu.memory_space<vmem>>
      %dma_wait3A_189 = tpu.memref_squeeze %dma_wait3A_188 : memref<1x128xi32, #tpu.memory_space<vmem>> -> memref<128xi32, #tpu.memory_space<vmem>>
      %dma_wait3A_190 = arith.constant 0 : i32
      %dma_wait3A_191 = tpu.memref_slice %arg8[%dma_wait3A_190] : memref<10000xf32, #tpu.memory_space<vmem_shared>> -> memref<10000xf32, #tpu.memory_space<vmem_shared>>
      tpu.wait_indirect_dma semaphore(%arg9 : memref<!tpu.dma_semaphore, #tpu.memory_space<semaphore_mem>>) src(%dma_wait3A_186 : memref<128xf32, #tpu.memory_space<vmem>>) dst(%dma_wait3A_191 : memref<10000xf32, #tpu.memory_space<vmem_shared>>)
      %mul3A_192 = arith.constant 8 : i32
      %mul3A_193 = arith.muli %scan3A_36, %mul3A_192 : i32
      %add3A_194 = arith.constant 5 : i32
      %add3A_195 = arith.addi %mul3A_193, %add3A_194 : i32
      %dma_wait3A_196 = arith.constant 0 : i32
      %dma_wait3A_197 = tpu.memref_slice %arg6[%add3A_195, %dma_wait3A_196] : memref<80x128xf32, #tpu.memory_space<vmem>> -> memref<1x128xf32, #tpu.memory_space<vmem>>
      %dma_wait3A_198 = tpu.memref_squeeze %dma_wait3A_197 : memref<1x128xf32, #tpu.memory_space<vmem>> -> memref<128xf32, #tpu.memory_space<vmem>>
      %dma_wait3A_199 = arith.constant 0 : i32
      %dma_wait3A_200 = tpu.memref_slice %arg5[%add3A_195, %dma_wait3A_199] : memref<80x128xi32, #tpu.memory_space<vmem>> -> memref<1x128xi32, #tpu.memory_space<vmem>>
      %dma_wait3A_201 = tpu.memref_squeeze %dma_wait3A_200 : memref<1x128xi32, #tpu.memory_space<vmem>> -> memref<128xi32, #tpu.memory_space<vmem>>
      %dma_wait3A_202 = arith.constant 0 : i32
      %dma_wait3A_203 = tpu.memref_slice %arg8[%dma_wait3A_202] : memref<10000xf32, #tpu.memory_space<vmem_shared>> -> memref<10000xf32, #tpu.memory_space<vmem_shared>>
      tpu.wait_indirect_dma semaphore(%arg9 : memref<!tpu.dma_semaphore, #tpu.memory_space<semaphore_mem>>) src(%dma_wait3A_198 : memref<128xf32, #tpu.memory_space<vmem>>) dst(%dma_wait3A_203 : memref<10000xf32, #tpu.memory_space<vmem_shared>>)
      %mul3A_204 = arith.constant 8 : i32
      %mul3A_205 = arith.muli %scan3A_36, %mul3A_204 : i32
      %add3A_206 = arith.constant 6 : i32
      %add3A_207 = arith.addi %mul3A_205, %add3A_206 : i32
      %dma_wait3A_208 = arith.constant 0 : i32
      %dma_wait3A_209 = tpu.memref_slice %arg6[%add3A_207, %dma_wait3A_208] : memref<80x128xf32, #tpu.memory_space<vmem>> -> memref<1x128xf32, #tpu.memory_space<vmem>>
      %dma_wait3A_210 = tpu.memref_squeeze %dma_wait3A_209 : memref<1x128xf32, #tpu.memory_space<vmem>> -> memref<128xf32, #tpu.memory_space<vmem>>
      %dma_wait3A_211 = arith.constant 0 : i32
      %dma_wait3A_212 = tpu.memref_slice %arg5[%add3A_207, %dma_wait3A_211] : memref<80x128xi32, #tpu.memory_space<vmem>> -> memref<1x128xi32, #tpu.memory_space<vmem>>
      %dma_wait3A_213 = tpu.memref_squeeze %dma_wait3A_212 : memref<1x128xi32, #tpu.memory_space<vmem>> -> memref<128xi32, #tpu.memory_space<vmem>>
      %dma_wait3A_214 = arith.constant 0 : i32
      %dma_wait3A_215 = tpu.memref_slice %arg8[%dma_wait3A_214] : memref<10000xf32, #tpu.memory_space<vmem_shared>> -> memref<10000xf32, #tpu.memory_space<vmem_shared>>
      tpu.wait_indirect_dma semaphore(%arg9 : memref<!tpu.dma_semaphore, #tpu.memory_space<semaphore_mem>>) src(%dma_wait3A_210 : memref<128xf32, #tpu.memory_space<vmem>>) dst(%dma_wait3A_215 : memref<10000xf32, #tpu.memory_space<vmem_shared>>)
      %mul3A_216 = arith.constant 8 : i32
      %mul3A_217 = arith.muli %scan3A_36, %mul3A_216 : i32
      %add3A_218 = arith.constant 7 : i32
      %add3A_219 = arith.addi %mul3A_217, %add3A_218 : i32
      %dma_wait3A_220 = arith.constant 0 : i32
      %dma_wait3A_221 = tpu.memref_slice %arg6[%add3A_219, %dma_wait3A_220] : memref<80x128xf32, #tpu.memory_space<vmem>> -> memref<1x128xf32, #tpu.memory_space<vmem>>
      %dma_wait3A_222 = tpu.memref_squeeze %dma_wait3A_221 : memref<1x128xf32, #tpu.memory_space<vmem>> -> memref<128xf32, #tpu.memory_space<vmem>>
      %dma_wait3A_223 = arith.constant 0 : i32
      %dma_wait3A_224 = tpu.memref_slice %arg5[%add3A_219, %dma_wait3A_223] : memref<80x128xi32, #tpu.memory_space<vmem>> -> memref<1x128xi32, #tpu.memory_space<vmem>>
      %dma_wait3A_225 = tpu.memref_squeeze %dma_wait3A_224 : memref<1x128xi32, #tpu.memory_space<vmem>> -> memref<128xi32, #tpu.memory_space<vmem>>
      %dma_wait3A_226 = arith.constant 0 : i32
      %dma_wait3A_227 = tpu.memref_slice %arg8[%dma_wait3A_226] : memref<10000xf32, #tpu.memory_space<vmem_shared>> -> memref<10000xf32, #tpu.memory_space<vmem_shared>>
      tpu.wait_indirect_dma semaphore(%arg9 : memref<!tpu.dma_semaphore, #tpu.memory_space<semaphore_mem>>) src(%dma_wait3A_222 : memref<128xf32, #tpu.memory_space<vmem>>) dst(%dma_wait3A_227 : memref<10000xf32, #tpu.memory_space<vmem_shared>>)
      %scan3A_228 = arith.constant 0 : i32
      scf.yield %scan3A_228 : i32
    }
    %scan3A_24 = arith.constant 10 : i32
    %barrier3A_25 = arith.constant 0 : index
    tpu.barrier barrier_id(%barrier3A_25)
    %lt3A_26 = arith.constant 15 : i32
    %lt3A_27 = arith.cmpi slt, %arg1, %lt3A_26 : i32
    %convert_element_type3A_28 = arith.extui %lt3A_27 : i1 to i32
    %cond3A_29 = arith.constant 0 : i32
    %cond3A_30 = arith.cmpi ne, %convert_element_type3A_28, %cond3A_29 : i32
    scf.if %cond3A_30 {
      "tpu.region"() ({
        %run_scoped3A = tpu.sem_alloc : memref<!tpu.dma_semaphore, #tpu.memory_space<semaphore_mem>>
        %dma_start3A = tpu.memref_slice %arg4[%arg0, %multiple_of3A] : memref<2x10000xf32, #tpu.memory_space<hbm>> -> memref<1x624xf32, #tpu.memory_space<hbm>>
        %dma_start3A_36 = tpu.memref_squeeze %dma_start3A : memref<1x624xf32, #tpu.memory_space<hbm>> -> memref<624xf32, #tpu.memory_space<hbm>>
        %dma_start3A_37 = tpu.memref_slice %arg8[%multiple_of3A] : memref<10000xf32, #tpu.memory_space<vmem_shared>> -> memref<624xf32, #tpu.memory_space<vmem_shared>>
        tpu.enqueue_dma source(%dma_start3A_37 : memref<624xf32, #tpu.memory_space<vmem_shared>>) target(%dma_start3A_36 : memref<624xf32, #tpu.memory_space<hbm>>) target_semaphore(%run_scoped3A : memref<!tpu.dma_semaphore, #tpu.memory_space<semaphore_mem>>)
        %dma_wait3A = tpu.memref_slice %arg4[%arg0, %multiple_of3A] : memref<2x10000xf32, #tpu.memory_space<hbm>> -> memref<1x624xf32, #tpu.memory_space<hbm>>
        %dma_wait3A_38 = tpu.memref_squeeze %dma_wait3A : memref<1x624xf32, #tpu.memory_space<hbm>> -> memref<624xf32, #tpu.memory_space<hbm>>
        %dma_wait3A_39 = tpu.memref_slice %arg8[%multiple_of3A] : memref<10000xf32, #tpu.memory_space<vmem_shared>> -> memref<624xf32, #tpu.memory_space<vmem_shared>>
        tpu.wait_dma2 semaphore(%run_scoped3A : memref<!tpu.dma_semaphore, #tpu.memory_space<semaphore_mem>>) src(%dma_wait3A_39 : memref<624xf32, #tpu.memory_space<vmem_shared>>) dst(%dma_wait3A_38 : memref<624xf32, #tpu.memory_space<hbm>>)
        tpu.yield
      }) : () -> ()
    } else {
    }
    %eq3A_31 = arith.constant 15 : i32
    %eq3A_32 = arith.cmpi eq, %arg1, %eq3A_31 : i32
    %convert_element_type3A_33 = arith.extui %eq3A_32 : i1 to i32
    %cond3A_34 = arith.constant 0 : i32
    %cond3A_35 = arith.cmpi ne, %convert_element_type3A_33, %cond3A_34 : i32
    scf.if %cond3A_35 {
      "tpu.region"() ({
        %run_scoped3A = tpu.sem_alloc : memref<!tpu.dma_semaphore, #tpu.memory_space<semaphore_mem>>
        %dma_start3A = tpu.memref_slice %arg4[%arg0, %multiple_of3A] : memref<2x10000xf32, #tpu.memory_space<hbm>> -> memref<1x640xf32, #tpu.memory_space<hbm>>
        %dma_start3A_36 = tpu.memref_squeeze %dma_start3A : memref<1x640xf32, #tpu.memory_space<hbm>> -> memref<640xf32, #tpu.memory_space<hbm>>
        %dma_start3A_37 = tpu.memref_slice %arg8[%multiple_of3A] : memref<10000xf32, #tpu.memory_space<vmem_shared>> -> memref<640xf32, #tpu.memory_space<vmem_shared>>
        tpu.enqueue_dma source(%dma_start3A_37 : memref<640xf32, #tpu.memory_space<vmem_shared>>) target(%dma_start3A_36 : memref<640xf32, #tpu.memory_space<hbm>>) target_semaphore(%run_scoped3A : memref<!tpu.dma_semaphore, #tpu.memory_space<semaphore_mem>>)
        %dma_wait3A = tpu.memref_slice %arg4[%arg0, %multiple_of3A] : memref<2x10000xf32, #tpu.memory_space<hbm>> -> memref<1x640xf32, #tpu.memory_space<hbm>>
        %dma_wait3A_38 = tpu.memref_squeeze %dma_wait3A : memref<1x640xf32, #tpu.memory_space<hbm>> -> memref<640xf32, #tpu.memory_space<hbm>>
        %dma_wait3A_39 = tpu.memref_slice %arg8[%multiple_of3A] : memref<10000xf32, #tpu.memory_space<vmem_shared>> -> memref<640xf32, #tpu.memory_space<vmem_shared>>
        tpu.wait_dma2 semaphore(%run_scoped3A : memref<!tpu.dma_semaphore, #tpu.memory_space<semaphore_mem>>) src(%dma_wait3A_39 : memref<640xf32, #tpu.memory_space<vmem_shared>>) dst(%dma_wait3A_38 : memref<640xf32, #tpu.memory_space<hbm>>)
        tpu.yield
      }) : () -> ()
    } else {
    }
    return
  }
}

#map = affine_map<(d0, d1) -> (0, 0)>
#map1 = affine_map<(d0, d1) -> (0, 0, 0)>
module attributes {stable_mosaic.version = 14 : i64} {
  func.func @k(%arg0: i32, %arg1: i32, %arg2: memref<2560x128xi32, #tpu.memory_space<hbm>>, %arg3: memref<2560x128xi32, #tpu.memory_space<hbm>>, %arg4: memref<2560x128xf32, #tpu.memory_space<hbm>>, %arg5: memref<10000x32xf32, #tpu.memory_space<hbm>>, %arg6: memref<2x10000x32xf32, #tpu.memory_space<hbm>>, %arg7: memref<88x128xi32, #tpu.memory_space<vmem>>, %arg8: memref<88x128xi32, #tpu.memory_space<vmem>>, %arg9: memref<88x128xf32, #tpu.memory_space<vmem>>, %arg10: memref<128x32xf32, #tpu.memory_space<vmem>>, %arg11: memref<128x32xf32, #tpu.memory_space<vmem>>, %arg12: memref<10000x32xf32, #tpu.memory_space<vmem_shared>>, %arg13: memref<10000x32xf32, #tpu.memory_space<vmem_shared>>, %arg14: memref<!tpu.dma_semaphore, #tpu.memory_space<semaphore_mem>>, %arg15: memref<!tpu.dma_semaphore, #tpu.memory_space<semaphore_mem>>, %arg16: memref<!tpu.dma_semaphore, #tpu.memory_space<semaphore_mem>>, %arg17: memref<!tpu.dma_semaphore, #tpu.memory_space<semaphore_mem>>) attributes {dimension_semantics = [#tpu.dimension_semantics<core_parallel>, #tpu.dimension_semantics<subcore_parallel>], iteration_bounds = array<i64: 2, 16>, scalar_prefetch = 0 : i64, scratch_operands = 11 : i64, tpu.core_type = #tpu.core_type<sc_vector_subcore>, window_params = [{transform_indices = #map}, {transform_indices = #map}, {transform_indices = #map}, {transform_indices = #map}, {transform_indices = #map1}]} {
    %mul3A = arith.constant 16 : i32
    %mul3A_0 = arith.muli %arg0, %mul3A : i32
    %add3A = arith.addi %mul3A_0, %arg1 : i32
    %mul3A_1 = arith.constant 624 : i32
    %mul3A_2 = arith.muli %arg1, %mul3A_1 : i32
    %multiple_of3A = tpu.assume_multiple %mul3A_2, 8 : i32
    %lt3A = arith.constant 15 : i32
    %lt3A_3 = arith.cmpi slt, %arg1, %lt3A : i32
    %convert_element_type3A = arith.extui %lt3A_3 : i1 to i32
    %cond3A = arith.constant 0 : i32
    %cond3A_4 = arith.cmpi ne, %convert_element_type3A, %cond3A : i32
    scf.if %cond3A_4 {
      "tpu.region"() ({
        %run_scoped3A = tpu.sem_alloc : memref<!tpu.dma_semaphore, #tpu.memory_space<semaphore_mem>>
        %dma_start3A = arith.constant 0 : i32
        %dma_start3A_52 = tpu.memref_slice %arg13[%multiple_of3A, %dma_start3A] : memref<10000x32xf32, #tpu.memory_space<vmem_shared>> -> memref<624x32xf32, #tpu.memory_space<vmem_shared>>
        %dma_start3A_53 = arith.constant 0 : i32
        %dma_start3A_54 = tpu.memref_slice %arg5[%multiple_of3A, %dma_start3A_53] : memref<10000x32xf32, #tpu.memory_space<hbm>> -> memref<624x32xf32, #tpu.memory_space<hbm>>
        tpu.enqueue_dma source(%dma_start3A_54 : memref<624x32xf32, #tpu.memory_space<hbm>>) target(%dma_start3A_52 : memref<624x32xf32, #tpu.memory_space<vmem_shared>>) target_semaphore(%run_scoped3A : memref<!tpu.dma_semaphore, #tpu.memory_space<semaphore_mem>>)
        %dma_wait3A = arith.constant 0 : i32
        %dma_wait3A_55 = tpu.memref_slice %arg13[%multiple_of3A, %dma_wait3A] : memref<10000x32xf32, #tpu.memory_space<vmem_shared>> -> memref<624x32xf32, #tpu.memory_space<vmem_shared>>
        %dma_wait3A_56 = arith.constant 0 : i32
        %dma_wait3A_57 = tpu.memref_slice %arg5[%multiple_of3A, %dma_wait3A_56] : memref<10000x32xf32, #tpu.memory_space<hbm>> -> memref<624x32xf32, #tpu.memory_space<hbm>>
        tpu.wait_dma2 semaphore(%run_scoped3A : memref<!tpu.dma_semaphore, #tpu.memory_space<semaphore_mem>>) src(%dma_wait3A_57 : memref<624x32xf32, #tpu.memory_space<hbm>>) dst(%dma_wait3A_55 : memref<624x32xf32, #tpu.memory_space<vmem_shared>>)
        tpu.yield
      }) : () -> ()
    } else {
    }
    %eq3A = arith.constant 15 : i32
    %eq3A_5 = arith.cmpi eq, %arg1, %eq3A : i32
    %convert_element_type3A_6 = arith.extui %eq3A_5 : i1 to i32
    %cond3A_7 = arith.constant 0 : i32
    %cond3A_8 = arith.cmpi ne, %convert_element_type3A_6, %cond3A_7 : i32
    scf.if %cond3A_8 {
      "tpu.region"() ({
        %run_scoped3A = tpu.sem_alloc : memref<!tpu.dma_semaphore, #tpu.memory_space<semaphore_mem>>
        %dma_start3A = arith.constant 0 : i32
        %dma_start3A_52 = tpu.memref_slice %arg13[%multiple_of3A, %dma_start3A] : memref<10000x32xf32, #tpu.memory_space<vmem_shared>> -> memref<640x32xf32, #tpu.memory_space<vmem_shared>>
        %dma_start3A_53 = arith.constant 0 : i32
        %dma_start3A_54 = tpu.memref_slice %arg5[%multiple_of3A, %dma_start3A_53] : memref<10000x32xf32, #tpu.memory_space<hbm>> -> memref<640x32xf32, #tpu.memory_space<hbm>>
        tpu.enqueue_dma source(%dma_start3A_54 : memref<640x32xf32, #tpu.memory_space<hbm>>) target(%dma_start3A_52 : memref<640x32xf32, #tpu.memory_space<vmem_shared>>) target_semaphore(%run_scoped3A : memref<!tpu.dma_semaphore, #tpu.memory_space<semaphore_mem>>)
        %dma_wait3A = arith.constant 0 : i32
        %dma_wait3A_55 = tpu.memref_slice %arg13[%multiple_of3A, %dma_wait3A] : memref<10000x32xf32, #tpu.memory_space<vmem_shared>> -> memref<640x32xf32, #tpu.memory_space<vmem_shared>>
        %dma_wait3A_56 = arith.constant 0 : i32
        %dma_wait3A_57 = tpu.memref_slice %arg5[%multiple_of3A, %dma_wait3A_56] : memref<10000x32xf32, #tpu.memory_space<hbm>> -> memref<640x32xf32, #tpu.memory_space<hbm>>
        tpu.wait_dma2 semaphore(%run_scoped3A : memref<!tpu.dma_semaphore, #tpu.memory_space<semaphore_mem>>) src(%dma_wait3A_57 : memref<640x32xf32, #tpu.memory_space<hbm>>) dst(%dma_wait3A_55 : memref<640x32xf32, #tpu.memory_space<vmem_shared>>)
        tpu.yield
      }) : () -> ()
    } else {
    }
    %scan3A = arith.constant 0 : i32
    %scan3A_9 = arith.constant 0 : i32
    %scan3A_10 = arith.constant 128 : i32
    %scan3A_11 = arith.addi %scan3A_9, %scan3A_10 : i32
    %scan3A_12 = arith.constant 1 : i32
    %scan3A_13 = scf.for %scan3A_52 = %scan3A_9 to %scan3A_11 step %scan3A_12 iter_args(%scan3A_53 = %scan3A) -> (i32)  : i32 {
      %broadcast_in_dim3A = arith.constant 0.000000e+00 : f32
      %broadcast_in_dim3A_54 = vector.broadcast %broadcast_in_dim3A : f32 to vector<16xf32>
      %swap3A = arith.index_cast %scan3A_52 : i32 to index
      %swap3A_55 = arith.constant 0 : index
      %swap3A_56 = tpu.vector_load %arg10[%swap3A, %swap3A_55] {strides = array<i32>} : memref<128x32xf32, #tpu.memory_space<vmem>>, vector<16xf32>,
      tpu.vector_store %arg10[%swap3A, %swap3A_55], %broadcast_in_dim3A_54 {strides = array<i32>} : memref<128x32xf32, #tpu.memory_space<vmem>>, vector<16xf32>,
      %broadcast_in_dim3A_57 = arith.constant 0.000000e+00 : f32
      %broadcast_in_dim3A_58 = vector.broadcast %broadcast_in_dim3A_57 : f32 to vector<16xf32>
      %swap3A_59 = arith.index_cast %scan3A_52 : i32 to index
      %swap3A_60 = arith.constant 16 : index
      %swap3A_61 = tpu.vector_load %arg10[%swap3A_59, %swap3A_60] {strides = array<i32>} : memref<128x32xf32, #tpu.memory_space<vmem>>, vector<16xf32>,
      tpu.vector_store %arg10[%swap3A_59, %swap3A_60], %broadcast_in_dim3A_58 {strides = array<i32>} : memref<128x32xf32, #tpu.memory_space<vmem>>, vector<16xf32>,
      %scan3A_62 = arith.constant 0 : i32
      scf.yield %scan3A_62 : i32
    }
    %scan3A_14 = arith.constant 128 : i32
    %mul3A_15 = arith.constant 624 : i32
    %mul3A_16 = arith.muli %arg1, %mul3A_15 : i32
    %multiple_of3A_17 = tpu.assume_multiple %mul3A_16, 8 : i32
    %lt3A_18 = arith.constant 15 : i32
    %lt3A_19 = arith.cmpi slt, %arg1, %lt3A_18 : i32
    %convert_element_type3A_20 = arith.extui %lt3A_19 : i1 to i32
    %cond3A_21 = arith.constant 0 : i32
    %cond3A_22 = arith.cmpi ne, %convert_element_type3A_20, %cond3A_21 : i32
    scf.if %cond3A_22 {
      %add3A_52 = arith.constant 0 : i32
      %add3A_53 = arith.addi %multiple_of3A_17, %add3A_52 : i32
      %multiple_of3A_54 = tpu.assume_multiple %add3A_53, 8 : i32
      "tpu.region"() ({
        %run_scoped3A = tpu.sem_alloc : memref<!tpu.dma_semaphore, #tpu.memory_space<semaphore_mem>>
        %dma_start3A = arith.constant 0 : i32
        %dma_start3A_67 = arith.constant 0 : i32
        %dma_start3A_68 = tpu.memref_slice %arg10[%dma_start3A, %dma_start3A_67] : memref<128x32xf32, #tpu.memory_space<vmem>> -> memref<128x32xf32, #tpu.memory_space<vmem>>
        %dma_start3A_69 = arith.constant 0 : i32
        %dma_start3A_70 = tpu.memref_slice %arg12[%multiple_of3A_54, %dma_start3A_69] : memref<10000x32xf32, #tpu.memory_space<vmem_shared>> -> memref<128x32xf32, #tpu.memory_space<vmem_shared>>
        %dma_start3A_71 = arith.constant 0 : i32
        %dma_start3A_72 = tpu.memref_slice %arg12[%multiple_of3A_54, %dma_start3A_71] : memref<10000x32xf32, #tpu.memory_space<vmem_shared>> -> memref<128x32xf32, #tpu.memory_space<vmem_shared>>
        %dma_start3A_73 = arith.constant 0 : i32
        %dma_start3A_74 = arith.constant 0 : i32
        %dma_start3A_75 = tpu.memref_slice %arg10[%dma_start3A_73, %dma_start3A_74] : memref<128x32xf32, #tpu.memory_space<vmem>> -> memref<128x32xf32, #tpu.memory_space<vmem>>
        tpu.enqueue_dma source(%dma_start3A_75 : memref<128x32xf32, #tpu.memory_space<vmem>>) target(%dma_start3A_72 : memref<128x32xf32, #tpu.memory_space<vmem_shared>>) target_semaphore(%run_scoped3A : memref<!tpu.dma_semaphore, #tpu.memory_space<semaphore_mem>>)
        %dma_wait3A = arith.constant 0 : i32
        %dma_wait3A_76 = arith.constant 0 : i32
        %dma_wait3A_77 = tpu.memref_slice %arg10[%dma_wait3A, %dma_wait3A_76] : memref<128x32xf32, #tpu.memory_space<vmem>> -> memref<128x32xf32, #tpu.memory_space<vmem>>
        %dma_wait3A_78 = arith.constant 0 : i32
        %dma_wait3A_79 = tpu.memref_slice %arg12[%multiple_of3A_54, %dma_wait3A_78] : memref<10000x32xf32, #tpu.memory_space<vmem_shared>> -> memref<128x32xf32, #tpu.memory_space<vmem_shared>>
        %dma_wait3A_80 = arith.constant 0 : i32
        %dma_wait3A_81 = tpu.memref_slice %arg12[%multiple_of3A_54, %dma_wait3A_80] : memref<10000x32xf32, #tpu.memory_space<vmem_shared>> -> memref<128x32xf32, #tpu.memory_space<vmem_shared>>
        %dma_wait3A_82 = arith.constant 0 : i32
        %dma_wait3A_83 = arith.constant 0 : i32
        %dma_wait3A_84 = tpu.memref_slice %arg10[%dma_wait3A_82, %dma_wait3A_83] : memref<128x32xf32, #tpu.memory_space<vmem>> -> memref<128x32xf32, #tpu.memory_space<vmem>>
        tpu.wait_dma2 semaphore(%run_scoped3A : memref<!tpu.dma_semaphore, #tpu.memory_space<semaphore_mem>>) src(%dma_wait3A_84 : memref<128x32xf32, #tpu.memory_space<vmem>>) dst(%dma_wait3A_81 : memref<128x32xf32, #tpu.memory_space<vmem_shared>>)
        tpu.yield
      }) : () -> ()
      %add3A_55 = arith.constant 128 : i32
      %add3A_56 = arith.addi %multiple_of3A_17, %add3A_55 : i32
      %multiple_of3A_57 = tpu.assume_multiple %add3A_56, 8 : i32
      "tpu.region"() ({
        %run_scoped3A = tpu.sem_alloc : memref<!tpu.dma_semaphore, #tpu.memory_space<semaphore_mem>>
        %dma_start3A = arith.constant 0 : i32
        %dma_start3A_67 = arith.constant 0 : i32
        %dma_start3A_68 = tpu.memref_slice %arg10[%dma_start3A, %dma_start3A_67] : memref<128x32xf32, #tpu.memory_space<vmem>> -> memref<128x32xf32, #tpu.memory_space<vmem>>
        %dma_start3A_69 = arith.constant 0 : i32
        %dma_start3A_70 = tpu.memref_slice %arg12[%multiple_of3A_57, %dma_start3A_69] : memref<10000x32xf32, #tpu.memory_space<vmem_shared>> -> memref<128x32xf32, #tpu.memory_space<vmem_shared>>
        %dma_start3A_71 = arith.constant 0 : i32
        %dma_start3A_72 = tpu.memref_slice %arg12[%multiple_of3A_57, %dma_start3A_71] : memref<10000x32xf32, #tpu.memory_space<vmem_shared>> -> memref<128x32xf32, #tpu.memory_space<vmem_shared>>
        %dma_start3A_73 = arith.constant 0 : i32
        %dma_start3A_74 = arith.constant 0 : i32
        %dma_start3A_75 = tpu.memref_slice %arg10[%dma_start3A_73, %dma_start3A_74] : memref<128x32xf32, #tpu.memory_space<vmem>> -> memref<128x32xf32, #tpu.memory_space<vmem>>
        tpu.enqueue_dma source(%dma_start3A_75 : memref<128x32xf32, #tpu.memory_space<vmem>>) target(%dma_start3A_72 : memref<128x32xf32, #tpu.memory_space<vmem_shared>>) target_semaphore(%run_scoped3A : memref<!tpu.dma_semaphore, #tpu.memory_space<semaphore_mem>>)
        %dma_wait3A = arith.constant 0 : i32
        %dma_wait3A_76 = arith.constant 0 : i32
        %dma_wait3A_77 = tpu.memref_slice %arg10[%dma_wait3A, %dma_wait3A_76] : memref<128x32xf32, #tpu.memory_space<vmem>> -> memref<128x32xf32, #tpu.memory_space<vmem>>
        %dma_wait3A_78 = arith.constant 0 : i32
        %dma_wait3A_79 = tpu.memref_slice %arg12[%multiple_of3A_57, %dma_wait3A_78] : memref<10000x32xf32, #tpu.memory_space<vmem_shared>> -> memref<128x32xf32, #tpu.memory_space<vmem_shared>>
        %dma_wait3A_80 = arith.constant 0 : i32
        %dma_wait3A_81 = tpu.memref_slice %arg12[%multiple_of3A_57, %dma_wait3A_80] : memref<10000x32xf32, #tpu.memory_space<vmem_shared>> -> memref<128x32xf32, #tpu.memory_space<vmem_shared>>
        %dma_wait3A_82 = arith.constant 0 : i32
        %dma_wait3A_83 = arith.constant 0 : i32
        %dma_wait3A_84 = tpu.memref_slice %arg10[%dma_wait3A_82, %dma_wait3A_83] : memref<128x32xf32, #tpu.memory_space<vmem>> -> memref<128x32xf32, #tpu.memory_space<vmem>>
        tpu.wait_dma2 semaphore(%run_scoped3A : memref<!tpu.dma_semaphore, #tpu.memory_space<semaphore_mem>>) src(%dma_wait3A_84 : memref<128x32xf32, #tpu.memory_space<vmem>>) dst(%dma_wait3A_81 : memref<128x32xf32, #tpu.memory_space<vmem_shared>>)
        tpu.yield
      }) : () -> ()
      %add3A_58 = arith.constant 256 : i32
      %add3A_59 = arith.addi %multiple_of3A_17, %add3A_58 : i32
      %multiple_of3A_60 = tpu.assume_multiple %add3A_59, 8 : i32
      "tpu.region"() ({
        %run_scoped3A = tpu.sem_alloc : memref<!tpu.dma_semaphore, #tpu.memory_space<semaphore_mem>>
        %dma_start3A = arith.constant 0 : i32
        %dma_start3A_67 = arith.constant 0 : i32
        %dma_start3A_68 = tpu.memref_slice %arg10[%dma_start3A, %dma_start3A_67] : memref<128x32xf32, #tpu.memory_space<vmem>> -> memref<128x32xf32, #tpu.memory_space<vmem>>
        %dma_start3A_69 = arith.constant 0 : i32
        %dma_start3A_70 = tpu.memref_slice %arg12[%multiple_of3A_60, %dma_start3A_69] : memref<10000x32xf32, #tpu.memory_space<vmem_shared>> -> memref<128x32xf32, #tpu.memory_space<vmem_shared>>
        %dma_start3A_71 = arith.constant 0 : i32
        %dma_start3A_72 = tpu.memref_slice %arg12[%multiple_of3A_60, %dma_start3A_71] : memref<10000x32xf32, #tpu.memory_space<vmem_shared>> -> memref<128x32xf32, #tpu.memory_space<vmem_shared>>
        %dma_start3A_73 = arith.constant 0 : i32
        %dma_start3A_74 = arith.constant 0 : i32
        %dma_start3A_75 = tpu.memref_slice %arg10[%dma_start3A_73, %dma_start3A_74] : memref<128x32xf32, #tpu.memory_space<vmem>> -> memref<128x32xf32, #tpu.memory_space<vmem>>
        tpu.enqueue_dma source(%dma_start3A_75 : memref<128x32xf32, #tpu.memory_space<vmem>>) target(%dma_start3A_72 : memref<128x32xf32, #tpu.memory_space<vmem_shared>>) target_semaphore(%run_scoped3A : memref<!tpu.dma_semaphore, #tpu.memory_space<semaphore_mem>>)
        %dma_wait3A = arith.constant 0 : i32
        %dma_wait3A_76 = arith.constant 0 : i32
        %dma_wait3A_77 = tpu.memref_slice %arg10[%dma_wait3A, %dma_wait3A_76] : memref<128x32xf32, #tpu.memory_space<vmem>> -> memref<128x32xf32, #tpu.memory_space<vmem>>
        %dma_wait3A_78 = arith.constant 0 : i32
        %dma_wait3A_79 = tpu.memref_slice %arg12[%multiple_of3A_60, %dma_wait3A_78] : memref<10000x32xf32, #tpu.memory_space<vmem_shared>> -> memref<128x32xf32, #tpu.memory_space<vmem_shared>>
        %dma_wait3A_80 = arith.constant 0 : i32
        %dma_wait3A_81 = tpu.memref_slice %arg12[%multiple_of3A_60, %dma_wait3A_80] : memref<10000x32xf32, #tpu.memory_space<vmem_shared>> -> memref<128x32xf32, #tpu.memory_space<vmem_shared>>
        %dma_wait3A_82 = arith.constant 0 : i32
        %dma_wait3A_83 = arith.constant 0 : i32
        %dma_wait3A_84 = tpu.memref_slice %arg10[%dma_wait3A_82, %dma_wait3A_83] : memref<128x32xf32, #tpu.memory_space<vmem>> -> memref<128x32xf32, #tpu.memory_space<vmem>>
        tpu.wait_dma2 semaphore(%run_scoped3A : memref<!tpu.dma_semaphore, #tpu.memory_space<semaphore_mem>>) src(%dma_wait3A_84 : memref<128x32xf32, #tpu.memory_space<vmem>>) dst(%dma_wait3A_81 : memref<128x32xf32, #tpu.memory_space<vmem_shared>>)
        tpu.yield
      }) : () -> ()
      %add3A_61 = arith.constant 384 : i32
      %add3A_62 = arith.addi %multiple_of3A_17, %add3A_61 : i32
      %multiple_of3A_63 = tpu.assume_multiple %add3A_62, 8 : i32
      "tpu.region"() ({
        %run_scoped3A = tpu.sem_alloc : memref<!tpu.dma_semaphore, #tpu.memory_space<semaphore_mem>>
        %dma_start3A = arith.constant 0 : i32
        %dma_start3A_67 = arith.constant 0 : i32
        %dma_start3A_68 = tpu.memref_slice %arg10[%dma_start3A, %dma_start3A_67] : memref<128x32xf32, #tpu.memory_space<vmem>> -> memref<128x32xf32, #tpu.memory_space<vmem>>
        %dma_start3A_69 = arith.constant 0 : i32
        %dma_start3A_70 = tpu.memref_slice %arg12[%multiple_of3A_63, %dma_start3A_69] : memref<10000x32xf32, #tpu.memory_space<vmem_shared>> -> memref<128x32xf32, #tpu.memory_space<vmem_shared>>
        %dma_start3A_71 = arith.constant 0 : i32
        %dma_start3A_72 = tpu.memref_slice %arg12[%multiple_of3A_63, %dma_start3A_71] : memref<10000x32xf32, #tpu.memory_space<vmem_shared>> -> memref<128x32xf32, #tpu.memory_space<vmem_shared>>
        %dma_start3A_73 = arith.constant 0 : i32
        %dma_start3A_74 = arith.constant 0 : i32
        %dma_start3A_75 = tpu.memref_slice %arg10[%dma_start3A_73, %dma_start3A_74] : memref<128x32xf32, #tpu.memory_space<vmem>> -> memref<128x32xf32, #tpu.memory_space<vmem>>
        tpu.enqueue_dma source(%dma_start3A_75 : memref<128x32xf32, #tpu.memory_space<vmem>>) target(%dma_start3A_72 : memref<128x32xf32, #tpu.memory_space<vmem_shared>>) target_semaphore(%run_scoped3A : memref<!tpu.dma_semaphore, #tpu.memory_space<semaphore_mem>>)
        %dma_wait3A = arith.constant 0 : i32
        %dma_wait3A_76 = arith.constant 0 : i32
        %dma_wait3A_77 = tpu.memref_slice %arg10[%dma_wait3A, %dma_wait3A_76] : memref<128x32xf32, #tpu.memory_space<vmem>> -> memref<128x32xf32, #tpu.memory_space<vmem>>
        %dma_wait3A_78 = arith.constant 0 : i32
        %dma_wait3A_79 = tpu.memref_slice %arg12[%multiple_of3A_63, %dma_wait3A_78] : memref<10000x32xf32, #tpu.memory_space<vmem_shared>> -> memref<128x32xf32, #tpu.memory_space<vmem_shared>>
        %dma_wait3A_80 = arith.constant 0 : i32
        %dma_wait3A_81 = tpu.memref_slice %arg12[%multiple_of3A_63, %dma_wait3A_80] : memref<10000x32xf32, #tpu.memory_space<vmem_shared>> -> memref<128x32xf32, #tpu.memory_space<vmem_shared>>
        %dma_wait3A_82 = arith.constant 0 : i32
        %dma_wait3A_83 = arith.constant 0 : i32
        %dma_wait3A_84 = tpu.memref_slice %arg10[%dma_wait3A_82, %dma_wait3A_83] : memref<128x32xf32, #tpu.memory_space<vmem>> -> memref<128x32xf32, #tpu.memory_space<vmem>>
        tpu.wait_dma2 semaphore(%run_scoped3A : memref<!tpu.dma_semaphore, #tpu.memory_space<semaphore_mem>>) src(%dma_wait3A_84 : memref<128x32xf32, #tpu.memory_space<vmem>>) dst(%dma_wait3A_81 : memref<128x32xf32, #tpu.memory_space<vmem_shared>>)
        tpu.yield
      }) : () -> ()
      %add3A_64 = arith.constant 512 : i32
      %add3A_65 = arith.addi %multiple_of3A_17, %add3A_64 : i32
      %multiple_of3A_66 = tpu.assume_multiple %add3A_65, 8 : i32
      "tpu.region"() ({
        %run_scoped3A = tpu.sem_alloc : memref<!tpu.dma_semaphore, #tpu.memory_space<semaphore_mem>>
        %dma_start3A = arith.constant 0 : i32
        %dma_start3A_67 = arith.constant 0 : i32
        %dma_start3A_68 = tpu.memref_slice %arg10[%dma_start3A, %dma_start3A_67] : memref<128x32xf32, #tpu.memory_space<vmem>> -> memref<112x32xf32, #tpu.memory_space<vmem>>
        %dma_start3A_69 = arith.constant 0 : i32
        %dma_start3A_70 = tpu.memref_slice %arg12[%multiple_of3A_66, %dma_start3A_69] : memref<10000x32xf32, #tpu.memory_space<vmem_shared>> -> memref<112x32xf32, #tpu.memory_space<vmem_shared>>
        %dma_start3A_71 = arith.constant 0 : i32
        %dma_start3A_72 = tpu.memref_slice %arg12[%multiple_of3A_66, %dma_start3A_71] : memref<10000x32xf32, #tpu.memory_space<vmem_shared>> -> memref<112x32xf32, #tpu.memory_space<vmem_shared>>
        %dma_start3A_73 = arith.constant 0 : i32
        %dma_start3A_74 = arith.constant 0 : i32
        %dma_start3A_75 = tpu.memref_slice %arg10[%dma_start3A_73, %dma_start3A_74] : memref<128x32xf32, #tpu.memory_space<vmem>> -> memref<112x32xf32, #tpu.memory_space<vmem>>
        tpu.enqueue_dma source(%dma_start3A_75 : memref<112x32xf32, #tpu.memory_space<vmem>>) target(%dma_start3A_72 : memref<112x32xf32, #tpu.memory_space<vmem_shared>>) target_semaphore(%run_scoped3A : memref<!tpu.dma_semaphore, #tpu.memory_space<semaphore_mem>>)
        %dma_wait3A = arith.constant 0 : i32
        %dma_wait3A_76 = arith.constant 0 : i32
        %dma_wait3A_77 = tpu.memref_slice %arg10[%dma_wait3A, %dma_wait3A_76] : memref<128x32xf32, #tpu.memory_space<vmem>> -> memref<112x32xf32, #tpu.memory_space<vmem>>
        %dma_wait3A_78 = arith.constant 0 : i32
        %dma_wait3A_79 = tpu.memref_slice %arg12[%multiple_of3A_66, %dma_wait3A_78] : memref<10000x32xf32, #tpu.memory_space<vmem_shared>> -> memref<112x32xf32, #tpu.memory_space<vmem_shared>>
        %dma_wait3A_80 = arith.constant 0 : i32
        %dma_wait3A_81 = tpu.memref_slice %arg12[%multiple_of3A_66, %dma_wait3A_80] : memref<10000x32xf32, #tpu.memory_space<vmem_shared>> -> memref<112x32xf32, #tpu.memory_space<vmem_shared>>
        %dma_wait3A_82 = arith.constant 0 : i32
        %dma_wait3A_83 = arith.constant 0 : i32
        %dma_wait3A_84 = tpu.memref_slice %arg10[%dma_wait3A_82, %dma_wait3A_83] : memref<128x32xf32, #tpu.memory_space<vmem>> -> memref<112x32xf32, #tpu.memory_space<vmem>>
        tpu.wait_dma2 semaphore(%run_scoped3A : memref<!tpu.dma_semaphore, #tpu.memory_space<semaphore_mem>>) src(%dma_wait3A_84 : memref<112x32xf32, #tpu.memory_space<vmem>>) dst(%dma_wait3A_81 : memref<112x32xf32, #tpu.memory_space<vmem_shared>>)
        tpu.yield
      }) : () -> ()
    } else {
    }
    %eq3A_23 = arith.constant 15 : i32
    %eq3A_24 = arith.cmpi eq, %arg1, %eq3A_23 : i32
    %convert_element_type3A_25 = arith.extui %eq3A_24 : i1 to i32
    %cond3A_26 = arith.constant 0 : i32
    %cond3A_27 = arith.cmpi ne, %convert_element_type3A_25, %cond3A_26 : i32
    scf.if %cond3A_27 {
      %add3A_52 = arith.constant 0 : i32
      %add3A_53 = arith.addi %multiple_of3A_17, %add3A_52 : i32
      %multiple_of3A_54 = tpu.assume_multiple %add3A_53, 8 : i32
      "tpu.region"() ({
        %run_scoped3A = tpu.sem_alloc : memref<!tpu.dma_semaphore, #tpu.memory_space<semaphore_mem>>
        %dma_start3A = arith.constant 0 : i32
        %dma_start3A_67 = tpu.memref_slice %arg12[%multiple_of3A_54, %dma_start3A] : memref<10000x32xf32, #tpu.memory_space<vmem_shared>> -> memref<128x32xf32, #tpu.memory_space<vmem_shared>>
        %dma_start3A_68 = arith.constant 0 : i32
        %dma_start3A_69 = tpu.memref_slice %arg12[%multiple_of3A_54, %dma_start3A_68] : memref<10000x32xf32, #tpu.memory_space<vmem_shared>> -> memref<128x32xf32, #tpu.memory_space<vmem_shared>>
        tpu.enqueue_dma source(%arg10 : memref<128x32xf32, #tpu.memory_space<vmem>>) target(%dma_start3A_69 : memref<128x32xf32, #tpu.memory_space<vmem_shared>>) target_semaphore(%run_scoped3A : memref<!tpu.dma_semaphore, #tpu.memory_space<semaphore_mem>>)
        %dma_wait3A = arith.constant 0 : i32
        %dma_wait3A_70 = tpu.memref_slice %arg12[%multiple_of3A_54, %dma_wait3A] : memref<10000x32xf32, #tpu.memory_space<vmem_shared>> -> memref<128x32xf32, #tpu.memory_space<vmem_shared>>
        %dma_wait3A_71 = arith.constant 0 : i32
        %dma_wait3A_72 = tpu.memref_slice %arg12[%multiple_of3A_54, %dma_wait3A_71] : memref<10000x32xf32, #tpu.memory_space<vmem_shared>> -> memref<128x32xf32, #tpu.memory_space<vmem_shared>>
        tpu.wait_dma2 semaphore(%run_scoped3A : memref<!tpu.dma_semaphore, #tpu.memory_space<semaphore_mem>>) src(%arg10 : memref<128x32xf32, #tpu.memory_space<vmem>>) dst(%dma_wait3A_72 : memref<128x32xf32, #tpu.memory_space<vmem_shared>>)
        tpu.yield
      }) : () -> ()
      %add3A_55 = arith.constant 128 : i32
      %add3A_56 = arith.addi %multiple_of3A_17, %add3A_55 : i32
      %multiple_of3A_57 = tpu.assume_multiple %add3A_56, 8 : i32
      "tpu.region"() ({
        %run_scoped3A = tpu.sem_alloc : memref<!tpu.dma_semaphore, #tpu.memory_space<semaphore_mem>>
        %dma_start3A = arith.constant 0 : i32
        %dma_start3A_67 = tpu.memref_slice %arg12[%multiple_of3A_57, %dma_start3A] : memref<10000x32xf32, #tpu.memory_space<vmem_shared>> -> memref<128x32xf32, #tpu.memory_space<vmem_shared>>
        %dma_start3A_68 = arith.constant 0 : i32
        %dma_start3A_69 = tpu.memref_slice %arg12[%multiple_of3A_57, %dma_start3A_68] : memref<10000x32xf32, #tpu.memory_space<vmem_shared>> -> memref<128x32xf32, #tpu.memory_space<vmem_shared>>
        tpu.enqueue_dma source(%arg10 : memref<128x32xf32, #tpu.memory_space<vmem>>) target(%dma_start3A_69 : memref<128x32xf32, #tpu.memory_space<vmem_shared>>) target_semaphore(%run_scoped3A : memref<!tpu.dma_semaphore, #tpu.memory_space<semaphore_mem>>)
        %dma_wait3A = arith.constant 0 : i32
        %dma_wait3A_70 = tpu.memref_slice %arg12[%multiple_of3A_57, %dma_wait3A] : memref<10000x32xf32, #tpu.memory_space<vmem_shared>> -> memref<128x32xf32, #tpu.memory_space<vmem_shared>>
        %dma_wait3A_71 = arith.constant 0 : i32
        %dma_wait3A_72 = tpu.memref_slice %arg12[%multiple_of3A_57, %dma_wait3A_71] : memref<10000x32xf32, #tpu.memory_space<vmem_shared>> -> memref<128x32xf32, #tpu.memory_space<vmem_shared>>
        tpu.wait_dma2 semaphore(%run_scoped3A : memref<!tpu.dma_semaphore, #tpu.memory_space<semaphore_mem>>) src(%arg10 : memref<128x32xf32, #tpu.memory_space<vmem>>) dst(%dma_wait3A_72 : memref<128x32xf32, #tpu.memory_space<vmem_shared>>)
        tpu.yield
      }) : () -> ()
      %add3A_58 = arith.constant 256 : i32
      %add3A_59 = arith.addi %multiple_of3A_17, %add3A_58 : i32
      %multiple_of3A_60 = tpu.assume_multiple %add3A_59, 8 : i32
      "tpu.region"() ({
        %run_scoped3A = tpu.sem_alloc : memref<!tpu.dma_semaphore, #tpu.memory_space<semaphore_mem>>
        %dma_start3A = arith.constant 0 : i32
        %dma_start3A_67 = tpu.memref_slice %arg12[%multiple_of3A_60, %dma_start3A] : memref<10000x32xf32, #tpu.memory_space<vmem_shared>> -> memref<128x32xf32, #tpu.memory_space<vmem_shared>>
        %dma_start3A_68 = arith.constant 0 : i32
        %dma_start3A_69 = tpu.memref_slice %arg12[%multiple_of3A_60, %dma_start3A_68] : memref<10000x32xf32, #tpu.memory_space<vmem_shared>> -> memref<128x32xf32, #tpu.memory_space<vmem_shared>>
        tpu.enqueue_dma source(%arg10 : memref<128x32xf32, #tpu.memory_space<vmem>>) target(%dma_start3A_69 : memref<128x32xf32, #tpu.memory_space<vmem_shared>>) target_semaphore(%run_scoped3A : memref<!tpu.dma_semaphore, #tpu.memory_space<semaphore_mem>>)
        %dma_wait3A = arith.constant 0 : i32
        %dma_wait3A_70 = tpu.memref_slice %arg12[%multiple_of3A_60, %dma_wait3A] : memref<10000x32xf32, #tpu.memory_space<vmem_shared>> -> memref<128x32xf32, #tpu.memory_space<vmem_shared>>
        %dma_wait3A_71 = arith.constant 0 : i32
        %dma_wait3A_72 = tpu.memref_slice %arg12[%multiple_of3A_60, %dma_wait3A_71] : memref<10000x32xf32, #tpu.memory_space<vmem_shared>> -> memref<128x32xf32, #tpu.memory_space<vmem_shared>>
        tpu.wait_dma2 semaphore(%run_scoped3A : memref<!tpu.dma_semaphore, #tpu.memory_space<semaphore_mem>>) src(%arg10 : memref<128x32xf32, #tpu.memory_space<vmem>>) dst(%dma_wait3A_72 : memref<128x32xf32, #tpu.memory_space<vmem_shared>>)
        tpu.yield
      }) : () -> ()
      %add3A_61 = arith.constant 384 : i32
      %add3A_62 = arith.addi %multiple_of3A_17, %add3A_61 : i32
      %multiple_of3A_63 = tpu.assume_multiple %add3A_62, 8 : i32
      "tpu.region"() ({
        %run_scoped3A = tpu.sem_alloc : memref<!tpu.dma_semaphore, #tpu.memory_space<semaphore_mem>>
        %dma_start3A = arith.constant 0 : i32
        %dma_start3A_67 = tpu.memref_slice %arg12[%multiple_of3A_63, %dma_start3A] : memref<10000x32xf32, #tpu.memory_space<vmem_shared>> -> memref<128x32xf32, #tpu.memory_space<vmem_shared>>
        %dma_start3A_68 = arith.constant 0 : i32
        %dma_start3A_69 = tpu.memref_slice %arg12[%multiple_of3A_63, %dma_start3A_68] : memref<10000x32xf32, #tpu.memory_space<vmem_shared>> -> memref<128x32xf32, #tpu.memory_space<vmem_shared>>
        tpu.enqueue_dma source(%arg10 : memref<128x32xf32, #tpu.memory_space<vmem>>) target(%dma_start3A_69 : memref<128x32xf32, #tpu.memory_space<vmem_shared>>) target_semaphore(%run_scoped3A : memref<!tpu.dma_semaphore, #tpu.memory_space<semaphore_mem>>)
        %dma_wait3A = arith.constant 0 : i32
        %dma_wait3A_70 = tpu.memref_slice %arg12[%multiple_of3A_63, %dma_wait3A] : memref<10000x32xf32, #tpu.memory_space<vmem_shared>> -> memref<128x32xf32, #tpu.memory_space<vmem_shared>>
        %dma_wait3A_71 = arith.constant 0 : i32
        %dma_wait3A_72 = tpu.memref_slice %arg12[%multiple_of3A_63, %dma_wait3A_71] : memref<10000x32xf32, #tpu.memory_space<vmem_shared>> -> memref<128x32xf32, #tpu.memory_space<vmem_shared>>
        tpu.wait_dma2 semaphore(%run_scoped3A : memref<!tpu.dma_semaphore, #tpu.memory_space<semaphore_mem>>) src(%arg10 : memref<128x32xf32, #tpu.memory_space<vmem>>) dst(%dma_wait3A_72 : memref<128x32xf32, #tpu.memory_space<vmem_shared>>)
        tpu.yield
      }) : () -> ()
      %add3A_64 = arith.constant 512 : i32
      %add3A_65 = arith.addi %multiple_of3A_17, %add3A_64 : i32
      %multiple_of3A_66 = tpu.assume_multiple %add3A_65, 8 : i32
      "tpu.region"() ({
        %run_scoped3A = tpu.sem_alloc : memref<!tpu.dma_semaphore, #tpu.memory_space<semaphore_mem>>
        %dma_start3A = arith.constant 0 : i32
        %dma_start3A_67 = tpu.memref_slice %arg12[%multiple_of3A_66, %dma_start3A] : memref<10000x32xf32, #tpu.memory_space<vmem_shared>> -> memref<128x32xf32, #tpu.memory_space<vmem_shared>>
        %dma_start3A_68 = arith.constant 0 : i32
        %dma_start3A_69 = tpu.memref_slice %arg12[%multiple_of3A_66, %dma_start3A_68] : memref<10000x32xf32, #tpu.memory_space<vmem_shared>> -> memref<128x32xf32, #tpu.memory_space<vmem_shared>>
        tpu.enqueue_dma source(%arg10 : memref<128x32xf32, #tpu.memory_space<vmem>>) target(%dma_start3A_69 : memref<128x32xf32, #tpu.memory_space<vmem_shared>>) target_semaphore(%run_scoped3A : memref<!tpu.dma_semaphore, #tpu.memory_space<semaphore_mem>>)
        %dma_wait3A = arith.constant 0 : i32
        %dma_wait3A_70 = tpu.memref_slice %arg12[%multiple_of3A_66, %dma_wait3A] : memref<10000x32xf32, #tpu.memory_space<vmem_shared>> -> memref<128x32xf32, #tpu.memory_space<vmem_shared>>
        %dma_wait3A_71 = arith.constant 0 : i32
        %dma_wait3A_72 = tpu.memref_slice %arg12[%multiple_of3A_66, %dma_wait3A_71] : memref<10000x32xf32, #tpu.memory_space<vmem_shared>> -> memref<128x32xf32, #tpu.memory_space<vmem_shared>>
        tpu.wait_dma2 semaphore(%run_scoped3A : memref<!tpu.dma_semaphore, #tpu.memory_space<semaphore_mem>>) src(%arg10 : memref<128x32xf32, #tpu.memory_space<vmem>>) dst(%dma_wait3A_72 : memref<128x32xf32, #tpu.memory_space<vmem_shared>>)
        tpu.yield
      }) : () -> ()
    } else {
    }
    %barrier3A = arith.constant 0 : index
    tpu.barrier barrier_id(%barrier3A)
    %eq3A_28 = arith.constant 0 : i32
    %eq3A_29 = arith.cmpi eq, %arg0, %eq3A_28 : i32
    %convert_element_type3A_30 = arith.extui %eq3A_29 : i1 to i32
    %cond3A_31 = arith.constant 0 : i32
    %cond3A_32 = arith.cmpi ne, %convert_element_type3A_30, %cond3A_31 : i32
    scf.if %cond3A_32 {
      %mul3A_52 = arith.constant 88 : i32
      %mul3A_53 = arith.muli %arg1, %mul3A_52 : i32
      %multiple_of3A_54 = tpu.assume_multiple %mul3A_53, 8 : i32
      "tpu.region"() ({
        %run_scoped3A = tpu.sem_alloc : memref<!tpu.dma_semaphore, #tpu.memory_space<semaphore_mem>>
        %dma_start3A_74 = arith.constant 0 : i32
        %dma_start3A_75 = arith.constant 0 : i32
        %dma_start3A_76 = tpu.memref_slice %arg7[%dma_start3A_74, %dma_start3A_75] : memref<88x128xi32, #tpu.memory_space<vmem>> -> memref<88x128xi32, #tpu.memory_space<vmem>>
        %dma_start3A_77 = arith.constant 0 : i32
        %dma_start3A_78 = tpu.memref_slice %arg2[%multiple_of3A_54, %dma_start3A_77] : memref<2560x128xi32, #tpu.memory_space<hbm>> -> memref<88x128xi32, #tpu.memory_space<hbm>>
        %dma_start3A_79 = arith.constant 0 : i32
        %dma_start3A_80 = arith.constant 0 : i32
        %dma_start3A_81 = tpu.memref_slice %arg7[%dma_start3A_79, %dma_start3A_80] : memref<88x128xi32, #tpu.memory_space<vmem>> -> memref<88x128xi32, #tpu.memory_space<vmem>>
        %dma_start3A_82 = arith.constant 0 : i32
        %dma_start3A_83 = tpu.memref_slice %arg2[%multiple_of3A_54, %dma_start3A_82] : memref<2560x128xi32, #tpu.memory_space<hbm>> -> memref<88x128xi32, #tpu.memory_space<hbm>>
        tpu.enqueue_dma source(%dma_start3A_83 : memref<88x128xi32, #tpu.memory_space<hbm>>) target(%dma_start3A_81 : memref<88x128xi32, #tpu.memory_space<vmem>>) target_semaphore(%run_scoped3A : memref<!tpu.dma_semaphore, #tpu.memory_space<semaphore_mem>>)
        %dma_wait3A_84 = arith.constant 0 : i32
        %dma_wait3A_85 = arith.constant 0 : i32
        %dma_wait3A_86 = tpu.memref_slice %arg7[%dma_wait3A_84, %dma_wait3A_85] : memref<88x128xi32, #tpu.memory_space<vmem>> -> memref<88x128xi32, #tpu.memory_space<vmem>>
        %dma_wait3A_87 = arith.constant 0 : i32
        %dma_wait3A_88 = tpu.memref_slice %arg2[%multiple_of3A_54, %dma_wait3A_87] : memref<2560x128xi32, #tpu.memory_space<hbm>> -> memref<88x128xi32, #tpu.memory_space<hbm>>
        %dma_wait3A_89 = arith.constant 0 : i32
        %dma_wait3A_90 = arith.constant 0 : i32
        %dma_wait3A_91 = tpu.memref_slice %arg7[%dma_wait3A_89, %dma_wait3A_90] : memref<88x128xi32, #tpu.memory_space<vmem>> -> memref<88x128xi32, #tpu.memory_space<vmem>>
        %dma_wait3A_92 = arith.constant 0 : i32
        %dma_wait3A_93 = tpu.memref_slice %arg2[%multiple_of3A_54, %dma_wait3A_92] : memref<2560x128xi32, #tpu.memory_space<hbm>> -> memref<88x128xi32, #tpu.memory_space<hbm>>
        tpu.wait_dma2 semaphore(%run_scoped3A : memref<!tpu.dma_semaphore, #tpu.memory_space<semaphore_mem>>) src(%dma_wait3A_93 : memref<88x128xi32, #tpu.memory_space<hbm>>) dst(%dma_wait3A_91 : memref<88x128xi32, #tpu.memory_space<vmem>>)
        tpu.yield
      }) : () -> ()
      "tpu.region"() ({
        %run_scoped3A = tpu.sem_alloc : memref<!tpu.dma_semaphore, #tpu.memory_space<semaphore_mem>>
        %dma_start3A_74 = arith.constant 0 : i32
        %dma_start3A_75 = arith.constant 0 : i32
        %dma_start3A_76 = tpu.memref_slice %arg8[%dma_start3A_74, %dma_start3A_75] : memref<88x128xi32, #tpu.memory_space<vmem>> -> memref<88x128xi32, #tpu.memory_space<vmem>>
        %dma_start3A_77 = arith.constant 0 : i32
        %dma_start3A_78 = tpu.memref_slice %arg3[%multiple_of3A_54, %dma_start3A_77] : memref<2560x128xi32, #tpu.memory_space<hbm>> -> memref<88x128xi32, #tpu.memory_space<hbm>>
        %dma_start3A_79 = arith.constant 0 : i32
        %dma_start3A_80 = arith.constant 0 : i32
        %dma_start3A_81 = tpu.memref_slice %arg8[%dma_start3A_79, %dma_start3A_80] : memref<88x128xi32, #tpu.memory_space<vmem>> -> memref<88x128xi32, #tpu.memory_space<vmem>>
        %dma_start3A_82 = arith.constant 0 : i32
        %dma_start3A_83 = tpu.memref_slice %arg3[%multiple_of3A_54, %dma_start3A_82] : memref<2560x128xi32, #tpu.memory_space<hbm>> -> memref<88x128xi32, #tpu.memory_space<hbm>>
        tpu.enqueue_dma source(%dma_start3A_83 : memref<88x128xi32, #tpu.memory_space<hbm>>) target(%dma_start3A_81 : memref<88x128xi32, #tpu.memory_space<vmem>>) target_semaphore(%run_scoped3A : memref<!tpu.dma_semaphore, #tpu.memory_space<semaphore_mem>>)
        %dma_wait3A_84 = arith.constant 0 : i32
        %dma_wait3A_85 = arith.constant 0 : i32
        %dma_wait3A_86 = tpu.memref_slice %arg8[%dma_wait3A_84, %dma_wait3A_85] : memref<88x128xi32, #tpu.memory_space<vmem>> -> memref<88x128xi32, #tpu.memory_space<vmem>>
        %dma_wait3A_87 = arith.constant 0 : i32
        %dma_wait3A_88 = tpu.memref_slice %arg3[%multiple_of3A_54, %dma_wait3A_87] : memref<2560x128xi32, #tpu.memory_space<hbm>> -> memref<88x128xi32, #tpu.memory_space<hbm>>
        %dma_wait3A_89 = arith.constant 0 : i32
        %dma_wait3A_90 = arith.constant 0 : i32
        %dma_wait3A_91 = tpu.memref_slice %arg8[%dma_wait3A_89, %dma_wait3A_90] : memref<88x128xi32, #tpu.memory_space<vmem>> -> memref<88x128xi32, #tpu.memory_space<vmem>>
        %dma_wait3A_92 = arith.constant 0 : i32
        %dma_wait3A_93 = tpu.memref_slice %arg3[%multiple_of3A_54, %dma_wait3A_92] : memref<2560x128xi32, #tpu.memory_space<hbm>> -> memref<88x128xi32, #tpu.memory_space<hbm>>
        tpu.wait_dma2 semaphore(%run_scoped3A : memref<!tpu.dma_semaphore, #tpu.memory_space<semaphore_mem>>) src(%dma_wait3A_93 : memref<88x128xi32, #tpu.memory_space<hbm>>) dst(%dma_wait3A_91 : memref<88x128xi32, #tpu.memory_space<vmem>>)
        tpu.yield
      }) : () -> ()
      "tpu.region"() ({
        %run_scoped3A = tpu.sem_alloc : memref<!tpu.dma_semaphore, #tpu.memory_space<semaphore_mem>>
        %dma_start3A_74 = arith.constant 0 : i32
        %dma_start3A_75 = arith.constant 0 : i32
        %dma_start3A_76 = tpu.memref_slice %arg9[%dma_start3A_74, %dma_start3A_75] : memref<88x128xf32, #tpu.memory_space<vmem>> -> memref<88x128xf32, #tpu.memory_space<vmem>>
        %dma_start3A_77 = arith.constant 0 : i32
        %dma_start3A_78 = tpu.memref_slice %arg4[%multiple_of3A_54, %dma_start3A_77] : memref<2560x128xf32, #tpu.memory_space<hbm>> -> memref<88x128xf32, #tpu.memory_space<hbm>>
        %dma_start3A_79 = arith.constant 0 : i32
        %dma_start3A_80 = arith.constant 0 : i32
        %dma_start3A_81 = tpu.memref_slice %arg9[%dma_start3A_79, %dma_start3A_80] : memref<88x128xf32, #tpu.memory_space<vmem>> -> memref<88x128xf32, #tpu.memory_space<vmem>>
        %dma_start3A_82 = arith.constant 0 : i32
        %dma_start3A_83 = tpu.memref_slice %arg4[%multiple_of3A_54, %dma_start3A_82] : memref<2560x128xf32, #tpu.memory_space<hbm>> -> memref<88x128xf32, #tpu.memory_space<hbm>>
        tpu.enqueue_dma source(%dma_start3A_83 : memref<88x128xf32, #tpu.memory_space<hbm>>) target(%dma_start3A_81 : memref<88x128xf32, #tpu.memory_space<vmem>>) target_semaphore(%run_scoped3A : memref<!tpu.dma_semaphore, #tpu.memory_space<semaphore_mem>>)
        %dma_wait3A_84 = arith.constant 0 : i32
        %dma_wait3A_85 = arith.constant 0 : i32
        %dma_wait3A_86 = tpu.memref_slice %arg9[%dma_wait3A_84, %dma_wait3A_85] : memref<88x128xf32, #tpu.memory_space<vmem>> -> memref<88x128xf32, #tpu.memory_space<vmem>>
        %dma_wait3A_87 = arith.constant 0 : i32
        %dma_wait3A_88 = tpu.memref_slice %arg4[%multiple_of3A_54, %dma_wait3A_87] : memref<2560x128xf32, #tpu.memory_space<hbm>> -> memref<88x128xf32, #tpu.memory_space<hbm>>
        %dma_wait3A_89 = arith.constant 0 : i32
        %dma_wait3A_90 = arith.constant 0 : i32
        %dma_wait3A_91 = tpu.memref_slice %arg9[%dma_wait3A_89, %dma_wait3A_90] : memref<88x128xf32, #tpu.memory_space<vmem>> -> memref<88x128xf32, #tpu.memory_space<vmem>>
        %dma_wait3A_92 = arith.constant 0 : i32
        %dma_wait3A_93 = tpu.memref_slice %arg4[%multiple_of3A_54, %dma_wait3A_92] : memref<2560x128xf32, #tpu.memory_space<hbm>> -> memref<88x128xf32, #tpu.memory_space<hbm>>
        tpu.wait_dma2 semaphore(%run_scoped3A : memref<!tpu.dma_semaphore, #tpu.memory_space<semaphore_mem>>) src(%dma_wait3A_93 : memref<88x128xf32, #tpu.memory_space<hbm>>) dst(%dma_wait3A_91 : memref<88x128xf32, #tpu.memory_space<vmem>>)
        tpu.yield
      }) : () -> ()
      %dma_start3A = arith.constant 0 : i32
      %dma_start3A_55 = arith.constant 0 : i32
      %dma_start3A_56 = tpu.memref_slice %arg7[%dma_start3A, %dma_start3A_55] : memref<88x128xi32, #tpu.memory_space<vmem>> -> memref<1x128xi32, #tpu.memory_space<vmem>>
      %dma_start3A_57 = tpu.memref_squeeze %dma_start3A_56 : memref<1x128xi32, #tpu.memory_space<vmem>> -> memref<128xi32, #tpu.memory_space<vmem>>
      %dma_start3A_58 = arith.constant 0 : i32
      %dma_start3A_59 = arith.constant 0 : i32
      %dma_start3A_60 = tpu.memref_slice %arg13[%dma_start3A_58, %dma_start3A_59] : memref<10000x32xf32, #tpu.memory_space<vmem_shared>> -> memref<10000x32xf32, #tpu.memory_space<vmem_shared>>
      tpu.enqueue_indirect_dma source(%dma_start3A_60 : memref<10000x32xf32, #tpu.memory_space<vmem_shared>>) target(%arg10 : memref<128x32xf32, #tpu.memory_space<vmem>>) offsets(%dma_start3A_57 : memref<128xi32, #tpu.memory_space<vmem>>) semaphore(%arg14 : memref<!tpu.dma_semaphore, #tpu.memory_space<semaphore_mem>>)
      %scan3A_61 = arith.constant 0 : i32
      %scan3A_62 = arith.constant 0 : i32
      %scan3A_63 = arith.constant 44 : i32
      %scan3A_64 = arith.addi %scan3A_62, %scan3A_63 : i32
      %scan3A_65 = arith.constant 1 : i32
      %scan3A_66 = scf.for %scan3A_74 = %scan3A_62 to %scan3A_64 step %scan3A_65 iter_args(%scan3A_75 = %scan3A_61) -> (i32)  : i32 {
        %mul3A_76 = arith.constant 2 : i32
        %mul3A_77 = arith.muli %scan3A_74, %mul3A_76 : i32
        %add3A_78 = arith.constant 0 : i32
        %add3A_79 = arith.addi %mul3A_77, %add3A_78 : i32
        %dma_wait3A_80 = arith.constant 0 : i32
        %dma_wait3A_81 = tpu.memref_slice %arg7[%add3A_79, %dma_wait3A_80] : memref<88x128xi32, #tpu.memory_space<vmem>> -> memref<1x128xi32, #tpu.memory_space<vmem>>
        %dma_wait3A_82 = tpu.memref_squeeze %dma_wait3A_81 : memref<1x128xi32, #tpu.memory_space<vmem>> -> memref<128xi32, #tpu.memory_space<vmem>>
        %dma_wait3A_83 = arith.constant 0 : i32
        %dma_wait3A_84 = arith.constant 0 : i32
        %dma_wait3A_85 = tpu.memref_slice %arg13[%dma_wait3A_83, %dma_wait3A_84] : memref<10000x32xf32, #tpu.memory_space<vmem_shared>> -> memref<10000x32xf32, #tpu.memory_space<vmem_shared>>
        tpu.wait_indirect_dma semaphore(%arg14 : memref<!tpu.dma_semaphore, #tpu.memory_space<semaphore_mem>>) src(%dma_wait3A_85 : memref<10000x32xf32, #tpu.memory_space<vmem_shared>>) dst(%arg10 : memref<128x32xf32, #tpu.memory_space<vmem>>)
        %ge3A = arith.constant 1 : i32
        %ge3A_86 = arith.cmpi sge, %add3A_79, %ge3A : i32
        %convert_element_type3A_87 = arith.extui %ge3A_86 : i1 to i32
        %cond3A_88 = arith.constant 0 : i32
        %cond3A_89 = arith.cmpi ne, %convert_element_type3A_87, %cond3A_88 : i32
        scf.if %cond3A_89 {
          %sub3A = arith.constant 1 : i32
          %sub3A_137 = arith.subi %add3A_79, %sub3A : i32
          %dma_wait3A_138 = arith.constant 0 : i32
          %dma_wait3A_139 = tpu.memref_slice %arg8[%sub3A_137, %dma_wait3A_138] : memref<88x128xi32, #tpu.memory_space<vmem>> -> memref<1x128xi32, #tpu.memory_space<vmem>>
          %dma_wait3A_140 = tpu.memref_squeeze %dma_wait3A_139 : memref<1x128xi32, #tpu.memory_space<vmem>> -> memref<128xi32, #tpu.memory_space<vmem>>
          %dma_wait3A_141 = arith.constant 0 : i32
          %dma_wait3A_142 = arith.constant 0 : i32
          %dma_wait3A_143 = tpu.memref_slice %arg12[%dma_wait3A_141, %dma_wait3A_142] : memref<10000x32xf32, #tpu.memory_space<vmem_shared>> -> memref<10000x32xf32, #tpu.memory_space<vmem_shared>>
          tpu.wait_indirect_dma semaphore(%arg17 : memref<!tpu.dma_semaphore, #tpu.memory_space<semaphore_mem>>) src(%arg11 : memref<128x32xf32, #tpu.memory_space<vmem>>) dst(%dma_wait3A_143 : memref<10000x32xf32, #tpu.memory_space<vmem_shared>>)
        } else {
        }
        %add3A_90 = arith.constant 1 : i32
        %add3A_91 = arith.addi %add3A_79, %add3A_90 : i32
        %lt3A_92 = arith.constant 88 : i32
        %lt3A_93 = arith.cmpi slt, %add3A_91, %lt3A_92 : i32
        %convert_element_type3A_94 = arith.extui %lt3A_93 : i1 to i32
        %cond3A_95 = arith.constant 0 : i32
        %cond3A_96 = arith.cmpi ne, %convert_element_type3A_94, %cond3A_95 : i32
        scf.if %cond3A_96 {
          %add3A_137 = arith.constant 1 : i32
          %add3A_138 = arith.addi %add3A_79, %add3A_137 : i32
          %dma_start3A_139 = arith.constant 0 : i32
          %dma_start3A_140 = tpu.memref_slice %arg7[%add3A_138, %dma_start3A_139] : memref<88x128xi32, #tpu.memory_space<vmem>> -> memref<1x128xi32, #tpu.memory_space<vmem>>
          %dma_start3A_141 = tpu.memref_squeeze %dma_start3A_140 : memref<1x128xi32, #tpu.memory_space<vmem>> -> memref<128xi32, #tpu.memory_space<vmem>>
          %dma_start3A_142 = arith.constant 0 : i32
          %dma_start3A_143 = arith.constant 0 : i32
          %dma_start3A_144 = tpu.memref_slice %arg13[%dma_start3A_142, %dma_start3A_143] : memref<10000x32xf32, #tpu.memory_space<vmem_shared>> -> memref<10000x32xf32, #tpu.memory_space<vmem_shared>>
          tpu.enqueue_indirect_dma source(%dma_start3A_144 : memref<10000x32xf32, #tpu.memory_space<vmem_shared>>) target(%arg11 : memref<128x32xf32, #tpu.memory_space<vmem>>) offsets(%dma_start3A_141 : memref<128xi32, #tpu.memory_space<vmem>>) semaphore(%arg15 : memref<!tpu.dma_semaphore, #tpu.memory_space<semaphore_mem>>)
        } else {
        }
        %parallel_loop3A = arith.constant 0 : i32
        %parallel_loop3A_97 = arith.constant 128 : i32
        %parallel_loop3A_98 = arith.constant 1 : i32
        scf.for %parallel_loop3A_137 = %parallel_loop3A to %parallel_loop3A_97 step %parallel_loop3A_98  : i32 {
          %parallel_loop3A_138 = vector.broadcast %add3A_79 : i32 to vector<16xi32>
          %parallel_loop3A_139 = vector.broadcast %parallel_loop3A_137 : i32 to vector<16xi32>
          %parallel_loop3A_140 = tpu.vector_load_idx %arg9[%parallel_loop3A_138, %parallel_loop3A_139] : memref<88x128xf32, #tpu.memory_space<vmem>>[vector<16xi32>, vector<16xi32>], vector<16xf32>,
          %parallel_loop3A_141 = arith.index_cast %parallel_loop3A_137 : i32 to index
          %parallel_loop3A_142 = arith.constant 0 : index
          %parallel_loop3A_143 = tpu.vector_load %arg10[%parallel_loop3A_141, %parallel_loop3A_142] {strides = array<i32>} : memref<128x32xf32, #tpu.memory_space<vmem>>, vector<16xf32>,
          %parallel_loop3A_144 = arith.mulf %parallel_loop3A_143, %parallel_loop3A_140 : vector<16xf32>
          %parallel_loop3A_145 = arith.index_cast %parallel_loop3A_137 : i32 to index
          %parallel_loop3A_146 = arith.constant 0 : index
          %parallel_loop3A_147 = tpu.vector_load %arg10[%parallel_loop3A_145, %parallel_loop3A_146] {strides = array<i32>} : memref<128x32xf32, #tpu.memory_space<vmem>>, vector<16xf32>,
          tpu.vector_store %arg10[%parallel_loop3A_145, %parallel_loop3A_146], %parallel_loop3A_144 {strides = array<i32>} : memref<128x32xf32, #tpu.memory_space<vmem>>, vector<16xf32>,
          %parallel_loop3A_148 = arith.index_cast %parallel_loop3A_137 : i32 to index
          %parallel_loop3A_149 = arith.constant 16 : index
          %parallel_loop3A_150 = tpu.vector_load %arg10[%parallel_loop3A_148, %parallel_loop3A_149] {strides = array<i32>} : memref<128x32xf32, #tpu.memory_space<vmem>>, vector<16xf32>,
          %parallel_loop3A_151 = arith.mulf %parallel_loop3A_150, %parallel_loop3A_140 : vector<16xf32>
          %parallel_loop3A_152 = arith.index_cast %parallel_loop3A_137 : i32 to index
          %parallel_loop3A_153 = arith.constant 16 : index
          %parallel_loop3A_154 = tpu.vector_load %arg10[%parallel_loop3A_152, %parallel_loop3A_153] {strides = array<i32>} : memref<128x32xf32, #tpu.memory_space<vmem>>, vector<16xf32>,
          tpu.vector_store %arg10[%parallel_loop3A_152, %parallel_loop3A_153], %parallel_loop3A_151 {strides = array<i32>} : memref<128x32xf32, #tpu.memory_space<vmem>>, vector<16xf32>,
        } {sc.loop_unroll_factor = 8 : i64, sc.parallel_access}
        %dma_start3A_99 = arith.constant 0 : i32
        %dma_start3A_100 = tpu.memref_slice %arg8[%add3A_79, %dma_start3A_99] : memref<88x128xi32, #tpu.memory_space<vmem>> -> memref<1x128xi32, #tpu.memory_space<vmem>>
        %dma_start3A_101 = tpu.memref_squeeze %dma_start3A_100 : memref<1x128xi32, #tpu.memory_space<vmem>> -> memref<128xi32, #tpu.memory_space<vmem>>
        %dma_start3A_102 = arith.constant 0 : i32
        %dma_start3A_103 = arith.constant 0 : i32
        %dma_start3A_104 = tpu.memref_slice %arg12[%dma_start3A_102, %dma_start3A_103] : memref<10000x32xf32, #tpu.memory_space<vmem_shared>> -> memref<10000x32xf32, #tpu.memory_space<vmem_shared>>
        tpu.enqueue_indirect_dma source(%arg10 : memref<128x32xf32, #tpu.memory_space<vmem>>) target(%dma_start3A_104 : memref<10000x32xf32, #tpu.memory_space<vmem_shared>>) offsets(%dma_start3A_101 : memref<128xi32, #tpu.memory_space<vmem>>) semaphore(%arg16 : memref<!tpu.dma_semaphore, #tpu.memory_space<semaphore_mem>>) {add = true}
        %mul3A_105 = arith.constant 2 : i32
        %mul3A_106 = arith.muli %scan3A_74, %mul3A_105 : i32
        %add3A_107 = arith.constant 1 : i32
        %add3A_108 = arith.addi %mul3A_106, %add3A_107 : i32
        %dma_wait3A_109 = arith.constant 0 : i32
        %dma_wait3A_110 = tpu.memref_slice %arg7[%add3A_108, %dma_wait3A_109] : memref<88x128xi32, #tpu.memory_space<vmem>> -> memref<1x128xi32, #tpu.memory_space<vmem>>
        %dma_wait3A_111 = tpu.memref_squeeze %dma_wait3A_110 : memref<1x128xi32, #tpu.memory_space<vmem>> -> memref<128xi32, #tpu.memory_space<vmem>>
        %dma_wait3A_112 = arith.constant 0 : i32
        %dma_wait3A_113 = arith.constant 0 : i32
        %dma_wait3A_114 = tpu.memref_slice %arg13[%dma_wait3A_112, %dma_wait3A_113] : memref<10000x32xf32, #tpu.memory_space<vmem_shared>> -> memref<10000x32xf32, #tpu.memory_space<vmem_shared>>
        tpu.wait_indirect_dma semaphore(%arg15 : memref<!tpu.dma_semaphore, #tpu.memory_space<semaphore_mem>>) src(%dma_wait3A_114 : memref<10000x32xf32, #tpu.memory_space<vmem_shared>>) dst(%arg11 : memref<128x32xf32, #tpu.memory_space<vmem>>)
        %ge3A_115 = arith.constant 1 : i32
        %ge3A_116 = arith.cmpi sge, %add3A_108, %ge3A_115 : i32
        %convert_element_type3A_117 = arith.extui %ge3A_116 : i1 to i32
        %cond3A_118 = arith.constant 0 : i32
        %cond3A_119 = arith.cmpi ne, %convert_element_type3A_117, %cond3A_118 : i32
        scf.if %cond3A_119 {
          %sub3A = arith.constant 1 : i32
          %sub3A_137 = arith.subi %add3A_108, %sub3A : i32
          %dma_wait3A_138 = arith.constant 0 : i32
          %dma_wait3A_139 = tpu.memref_slice %arg8[%sub3A_137, %dma_wait3A_138] : memref<88x128xi32, #tpu.memory_space<vmem>> -> memref<1x128xi32, #tpu.memory_space<vmem>>
          %dma_wait3A_140 = tpu.memref_squeeze %dma_wait3A_139 : memref<1x128xi32, #tpu.memory_space<vmem>> -> memref<128xi32, #tpu.memory_space<vmem>>
          %dma_wait3A_141 = arith.constant 0 : i32
          %dma_wait3A_142 = arith.constant 0 : i32
          %dma_wait3A_143 = tpu.memref_slice %arg12[%dma_wait3A_141, %dma_wait3A_142] : memref<10000x32xf32, #tpu.memory_space<vmem_shared>> -> memref<10000x32xf32, #tpu.memory_space<vmem_shared>>
          tpu.wait_indirect_dma semaphore(%arg16 : memref<!tpu.dma_semaphore, #tpu.memory_space<semaphore_mem>>) src(%arg10 : memref<128x32xf32, #tpu.memory_space<vmem>>) dst(%dma_wait3A_143 : memref<10000x32xf32, #tpu.memory_space<vmem_shared>>)
        } else {
        }
        %add3A_120 = arith.constant 1 : i32
        %add3A_121 = arith.addi %add3A_108, %add3A_120 : i32
        %lt3A_122 = arith.constant 88 : i32
        %lt3A_123 = arith.cmpi slt, %add3A_121, %lt3A_122 : i32
        %convert_element_type3A_124 = arith.extui %lt3A_123 : i1 to i32
        %cond3A_125 = arith.constant 0 : i32
        %cond3A_126 = arith.cmpi ne, %convert_element_type3A_124, %cond3A_125 : i32
        scf.if %cond3A_126 {
          %add3A_137 = arith.constant 1 : i32
          %add3A_138 = arith.addi %add3A_108, %add3A_137 : i32
          %dma_start3A_139 = arith.constant 0 : i32
          %dma_start3A_140 = tpu.memref_slice %arg7[%add3A_138, %dma_start3A_139] : memref<88x128xi32, #tpu.memory_space<vmem>> -> memref<1x128xi32, #tpu.memory_space<vmem>>
          %dma_start3A_141 = tpu.memref_squeeze %dma_start3A_140 : memref<1x128xi32, #tpu.memory_space<vmem>> -> memref<128xi32, #tpu.memory_space<vmem>>
          %dma_start3A_142 = arith.constant 0 : i32
          %dma_start3A_143 = arith.constant 0 : i32
          %dma_start3A_144 = tpu.memref_slice %arg13[%dma_start3A_142, %dma_start3A_143] : memref<10000x32xf32, #tpu.memory_space<vmem_shared>> -> memref<10000x32xf32, #tpu.memory_space<vmem_shared>>
          tpu.enqueue_indirect_dma source(%dma_start3A_144 : memref<10000x32xf32, #tpu.memory_space<vmem_shared>>) target(%arg10 : memref<128x32xf32, #tpu.memory_space<vmem>>) offsets(%dma_start3A_141 : memref<128xi32, #tpu.memory_space<vmem>>) semaphore(%arg14 : memref<!tpu.dma_semaphore, #tpu.memory_space<semaphore_mem>>)
        } else {
        }
        %parallel_loop3A_127 = arith.constant 0 : i32
        %parallel_loop3A_128 = arith.constant 128 : i32
        %parallel_loop3A_129 = arith.constant 1 : i32
        scf.for %parallel_loop3A_137 = %parallel_loop3A_127 to %parallel_loop3A_128 step %parallel_loop3A_129  : i32 {
          %parallel_loop3A_138 = vector.broadcast %add3A_108 : i32 to vector<16xi32>
          %parallel_loop3A_139 = vector.broadcast %parallel_loop3A_137 : i32 to vector<16xi32>
          %parallel_loop3A_140 = tpu.vector_load_idx %arg9[%parallel_loop3A_138, %parallel_loop3A_139] : memref<88x128xf32, #tpu.memory_space<vmem>>[vector<16xi32>, vector<16xi32>], vector<16xf32>,
          %parallel_loop3A_141 = arith.index_cast %parallel_loop3A_137 : i32 to index
          %parallel_loop3A_142 = arith.constant 0 : index
          %parallel_loop3A_143 = tpu.vector_load %arg11[%parallel_loop3A_141, %parallel_loop3A_142] {strides = array<i32>} : memref<128x32xf32, #tpu.memory_space<vmem>>, vector<16xf32>,
          %parallel_loop3A_144 = arith.mulf %parallel_loop3A_143, %parallel_loop3A_140 : vector<16xf32>
          %parallel_loop3A_145 = arith.index_cast %parallel_loop3A_137 : i32 to index
          %parallel_loop3A_146 = arith.constant 0 : index
          %parallel_loop3A_147 = tpu.vector_load %arg11[%parallel_loop3A_145, %parallel_loop3A_146] {strides = array<i32>} : memref<128x32xf32, #tpu.memory_space<vmem>>, vector<16xf32>,
          tpu.vector_store %arg11[%parallel_loop3A_145, %parallel_loop3A_146], %parallel_loop3A_144 {strides = array<i32>} : memref<128x32xf32, #tpu.memory_space<vmem>>, vector<16xf32>,
          %parallel_loop3A_148 = arith.index_cast %parallel_loop3A_137 : i32 to index
          %parallel_loop3A_149 = arith.constant 16 : index
          %parallel_loop3A_150 = tpu.vector_load %arg11[%parallel_loop3A_148, %parallel_loop3A_149] {strides = array<i32>} : memref<128x32xf32, #tpu.memory_space<vmem>>, vector<16xf32>,
          %parallel_loop3A_151 = arith.mulf %parallel_loop3A_150, %parallel_loop3A_140 : vector<16xf32>
          %parallel_loop3A_152 = arith.index_cast %parallel_loop3A_137 : i32 to index
          %parallel_loop3A_153 = arith.constant 16 : index
          %parallel_loop3A_154 = tpu.vector_load %arg11[%parallel_loop3A_152, %parallel_loop3A_153] {strides = array<i32>} : memref<128x32xf32, #tpu.memory_space<vmem>>, vector<16xf32>,
          tpu.vector_store %arg11[%parallel_loop3A_152, %parallel_loop3A_153], %parallel_loop3A_151 {strides = array<i32>} : memref<128x32xf32, #tpu.memory_space<vmem>>, vector<16xf32>,
        } {sc.loop_unroll_factor = 8 : i64, sc.parallel_access}
        %dma_start3A_130 = arith.constant 0 : i32
        %dma_start3A_131 = tpu.memref_slice %arg8[%add3A_108, %dma_start3A_130] : memref<88x128xi32, #tpu.memory_space<vmem>> -> memref<1x128xi32, #tpu.memory_space<vmem>>
        %dma_start3A_132 = tpu.memref_squeeze %dma_start3A_131 : memref<1x128xi32, #tpu.memory_space<vmem>> -> memref<128xi32, #tpu.memory_space<vmem>>
        %dma_start3A_133 = arith.constant 0 : i32
        %dma_start3A_134 = arith.constant 0 : i32
        %dma_start3A_135 = tpu.memref_slice %arg12[%dma_start3A_133, %dma_start3A_134] : memref<10000x32xf32, #tpu.memory_space<vmem_shared>> -> memref<10000x32xf32, #tpu.memory_space<vmem_shared>>
        tpu.enqueue_indirect_dma source(%arg11 : memref<128x32xf32, #tpu.memory_space<vmem>>) target(%dma_start3A_135 : memref<10000x32xf32, #tpu.memory_space<vmem_shared>>) offsets(%dma_start3A_132 : memref<128xi32, #tpu.memory_space<vmem>>) semaphore(%arg17 : memref<!tpu.dma_semaphore, #tpu.memory_space<semaphore_mem>>) {add = true}
        %scan3A_136 = arith.constant 0 : i32
        scf.yield %scan3A_136 : i32
      }
      %scan3A_67 = arith.constant 44 : i32
      %dma_wait3A = arith.constant 87 : i32
      %dma_wait3A_68 = arith.constant 0 : i32
      %dma_wait3A_69 = tpu.memref_slice %arg8[%dma_wait3A, %dma_wait3A_68] : memref<88x128xi32, #tpu.memory_space<vmem>> -> memref<1x128xi32, #tpu.memory_space<vmem>>
      %dma_wait3A_70 = tpu.memref_squeeze %dma_wait3A_69 : memref<1x128xi32, #tpu.memory_space<vmem>> -> memref<128xi32, #tpu.memory_space<vmem>>
      %dma_wait3A_71 = arith.constant 0 : i32
      %dma_wait3A_72 = arith.constant 0 : i32
      %dma_wait3A_73 = tpu.memref_slice %arg12[%dma_wait3A_71, %dma_wait3A_72] : memref<10000x32xf32, #tpu.memory_space<vmem_shared>> -> memref<10000x32xf32, #tpu.memory_space<vmem_shared>>
      tpu.wait_indirect_dma semaphore(%arg17 : memref<!tpu.dma_semaphore, #tpu.memory_space<semaphore_mem>>) src(%arg11 : memref<128x32xf32, #tpu.memory_space<vmem>>) dst(%dma_wait3A_73 : memref<10000x32xf32, #tpu.memory_space<vmem_shared>>)
    } else {
    }
    %eq3A_33 = arith.constant 1 : i32
    %eq3A_34 = arith.cmpi eq, %arg0, %eq3A_33 : i32
    %convert_element_type3A_35 = arith.extui %eq3A_34 : i1 to i32
    %cond3A_36 = arith.constant 0 : i32
    %cond3A_37 = arith.cmpi ne, %convert_element_type3A_35, %cond3A_36 : i32
    scf.if %cond3A_37 {
      %mul3A_52 = arith.constant 72 : i32
      %mul3A_53 = arith.muli %arg1, %mul3A_52 : i32
      %add3A_54 = arith.constant 1408 : i32
      %add3A_55 = arith.addi %add3A_54, %mul3A_53 : i32
      %multiple_of3A_56 = tpu.assume_multiple %add3A_55, 8 : i32
      "tpu.region"() ({
        %run_scoped3A = tpu.sem_alloc : memref<!tpu.dma_semaphore, #tpu.memory_space<semaphore_mem>>
        %dma_start3A_76 = arith.constant 0 : i32
        %dma_start3A_77 = arith.constant 0 : i32
        %dma_start3A_78 = tpu.memref_slice %arg7[%dma_start3A_76, %dma_start3A_77] : memref<88x128xi32, #tpu.memory_space<vmem>> -> memref<72x128xi32, #tpu.memory_space<vmem>>
        %dma_start3A_79 = arith.constant 0 : i32
        %dma_start3A_80 = tpu.memref_slice %arg2[%multiple_of3A_56, %dma_start3A_79] : memref<2560x128xi32, #tpu.memory_space<hbm>> -> memref<72x128xi32, #tpu.memory_space<hbm>>
        %dma_start3A_81 = arith.constant 0 : i32
        %dma_start3A_82 = arith.constant 0 : i32
        %dma_start3A_83 = tpu.memref_slice %arg7[%dma_start3A_81, %dma_start3A_82] : memref<88x128xi32, #tpu.memory_space<vmem>> -> memref<72x128xi32, #tpu.memory_space<vmem>>
        %dma_start3A_84 = arith.constant 0 : i32
        %dma_start3A_85 = tpu.memref_slice %arg2[%multiple_of3A_56, %dma_start3A_84] : memref<2560x128xi32, #tpu.memory_space<hbm>> -> memref<72x128xi32, #tpu.memory_space<hbm>>
        tpu.enqueue_dma source(%dma_start3A_85 : memref<72x128xi32, #tpu.memory_space<hbm>>) target(%dma_start3A_83 : memref<72x128xi32, #tpu.memory_space<vmem>>) target_semaphore(%run_scoped3A : memref<!tpu.dma_semaphore, #tpu.memory_space<semaphore_mem>>)
        %dma_wait3A_86 = arith.constant 0 : i32
        %dma_wait3A_87 = arith.constant 0 : i32
        %dma_wait3A_88 = tpu.memref_slice %arg7[%dma_wait3A_86, %dma_wait3A_87] : memref<88x128xi32, #tpu.memory_space<vmem>> -> memref<72x128xi32, #tpu.memory_space<vmem>>
        %dma_wait3A_89 = arith.constant 0 : i32
        %dma_wait3A_90 = tpu.memref_slice %arg2[%multiple_of3A_56, %dma_wait3A_89] : memref<2560x128xi32, #tpu.memory_space<hbm>> -> memref<72x128xi32, #tpu.memory_space<hbm>>
        %dma_wait3A_91 = arith.constant 0 : i32
        %dma_wait3A_92 = arith.constant 0 : i32
        %dma_wait3A_93 = tpu.memref_slice %arg7[%dma_wait3A_91, %dma_wait3A_92] : memref<88x128xi32, #tpu.memory_space<vmem>> -> memref<72x128xi32, #tpu.memory_space<vmem>>
        %dma_wait3A_94 = arith.constant 0 : i32
        %dma_wait3A_95 = tpu.memref_slice %arg2[%multiple_of3A_56, %dma_wait3A_94] : memref<2560x128xi32, #tpu.memory_space<hbm>> -> memref<72x128xi32, #tpu.memory_space<hbm>>
        tpu.wait_dma2 semaphore(%run_scoped3A : memref<!tpu.dma_semaphore, #tpu.memory_space<semaphore_mem>>) src(%dma_wait3A_95 : memref<72x128xi32, #tpu.memory_space<hbm>>) dst(%dma_wait3A_93 : memref<72x128xi32, #tpu.memory_space<vmem>>)
        tpu.yield
      }) : () -> ()
      "tpu.region"() ({
        %run_scoped3A = tpu.sem_alloc : memref<!tpu.dma_semaphore, #tpu.memory_space<semaphore_mem>>
        %dma_start3A_76 = arith.constant 0 : i32
        %dma_start3A_77 = arith.constant 0 : i32
        %dma_start3A_78 = tpu.memref_slice %arg8[%dma_start3A_76, %dma_start3A_77] : memref<88x128xi32, #tpu.memory_space<vmem>> -> memref<72x128xi32, #tpu.memory_space<vmem>>
        %dma_start3A_79 = arith.constant 0 : i32
        %dma_start3A_80 = tpu.memref_slice %arg3[%multiple_of3A_56, %dma_start3A_79] : memref<2560x128xi32, #tpu.memory_space<hbm>> -> memref<72x128xi32, #tpu.memory_space<hbm>>
        %dma_start3A_81 = arith.constant 0 : i32
        %dma_start3A_82 = arith.constant 0 : i32
        %dma_start3A_83 = tpu.memref_slice %arg8[%dma_start3A_81, %dma_start3A_82] : memref<88x128xi32, #tpu.memory_space<vmem>> -> memref<72x128xi32, #tpu.memory_space<vmem>>
        %dma_start3A_84 = arith.constant 0 : i32
        %dma_start3A_85 = tpu.memref_slice %arg3[%multiple_of3A_56, %dma_start3A_84] : memref<2560x128xi32, #tpu.memory_space<hbm>> -> memref<72x128xi32, #tpu.memory_space<hbm>>
        tpu.enqueue_dma source(%dma_start3A_85 : memref<72x128xi32, #tpu.memory_space<hbm>>) target(%dma_start3A_83 : memref<72x128xi32, #tpu.memory_space<vmem>>) target_semaphore(%run_scoped3A : memref<!tpu.dma_semaphore, #tpu.memory_space<semaphore_mem>>)
        %dma_wait3A_86 = arith.constant 0 : i32
        %dma_wait3A_87 = arith.constant 0 : i32
        %dma_wait3A_88 = tpu.memref_slice %arg8[%dma_wait3A_86, %dma_wait3A_87] : memref<88x128xi32, #tpu.memory_space<vmem>> -> memref<72x128xi32, #tpu.memory_space<vmem>>
        %dma_wait3A_89 = arith.constant 0 : i32
        %dma_wait3A_90 = tpu.memref_slice %arg3[%multiple_of3A_56, %dma_wait3A_89] : memref<2560x128xi32, #tpu.memory_space<hbm>> -> memref<72x128xi32, #tpu.memory_space<hbm>>
        %dma_wait3A_91 = arith.constant 0 : i32
        %dma_wait3A_92 = arith.constant 0 : i32
        %dma_wait3A_93 = tpu.memref_slice %arg8[%dma_wait3A_91, %dma_wait3A_92] : memref<88x128xi32, #tpu.memory_space<vmem>> -> memref<72x128xi32, #tpu.memory_space<vmem>>
        %dma_wait3A_94 = arith.constant 0 : i32
        %dma_wait3A_95 = tpu.memref_slice %arg3[%multiple_of3A_56, %dma_wait3A_94] : memref<2560x128xi32, #tpu.memory_space<hbm>> -> memref<72x128xi32, #tpu.memory_space<hbm>>
        tpu.wait_dma2 semaphore(%run_scoped3A : memref<!tpu.dma_semaphore, #tpu.memory_space<semaphore_mem>>) src(%dma_wait3A_95 : memref<72x128xi32, #tpu.memory_space<hbm>>) dst(%dma_wait3A_93 : memref<72x128xi32, #tpu.memory_space<vmem>>)
        tpu.yield
      }) : () -> ()
      "tpu.region"() ({
        %run_scoped3A = tpu.sem_alloc : memref<!tpu.dma_semaphore, #tpu.memory_space<semaphore_mem>>
        %dma_start3A_76 = arith.constant 0 : i32
        %dma_start3A_77 = arith.constant 0 : i32
        %dma_start3A_78 = tpu.memref_slice %arg9[%dma_start3A_76, %dma_start3A_77] : memref<88x128xf32, #tpu.memory_space<vmem>> -> memref<72x128xf32, #tpu.memory_space<vmem>>
        %dma_start3A_79 = arith.constant 0 : i32
        %dma_start3A_80 = tpu.memref_slice %arg4[%multiple_of3A_56, %dma_start3A_79] : memref<2560x128xf32, #tpu.memory_space<hbm>> -> memref<72x128xf32, #tpu.memory_space<hbm>>
        %dma_start3A_81 = arith.constant 0 : i32
        %dma_start3A_82 = arith.constant 0 : i32
        %dma_start3A_83 = tpu.memref_slice %arg9[%dma_start3A_81, %dma_start3A_82] : memref<88x128xf32, #tpu.memory_space<vmem>> -> memref<72x128xf32, #tpu.memory_space<vmem>>
        %dma_start3A_84 = arith.constant 0 : i32
        %dma_start3A_85 = tpu.memref_slice %arg4[%multiple_of3A_56, %dma_start3A_84] : memref<2560x128xf32, #tpu.memory_space<hbm>> -> memref<72x128xf32, #tpu.memory_space<hbm>>
        tpu.enqueue_dma source(%dma_start3A_85 : memref<72x128xf32, #tpu.memory_space<hbm>>) target(%dma_start3A_83 : memref<72x128xf32, #tpu.memory_space<vmem>>) target_semaphore(%run_scoped3A : memref<!tpu.dma_semaphore, #tpu.memory_space<semaphore_mem>>)
        %dma_wait3A_86 = arith.constant 0 : i32
        %dma_wait3A_87 = arith.constant 0 : i32
        %dma_wait3A_88 = tpu.memref_slice %arg9[%dma_wait3A_86, %dma_wait3A_87] : memref<88x128xf32, #tpu.memory_space<vmem>> -> memref<72x128xf32, #tpu.memory_space<vmem>>
        %dma_wait3A_89 = arith.constant 0 : i32
        %dma_wait3A_90 = tpu.memref_slice %arg4[%multiple_of3A_56, %dma_wait3A_89] : memref<2560x128xf32, #tpu.memory_space<hbm>> -> memref<72x128xf32, #tpu.memory_space<hbm>>
        %dma_wait3A_91 = arith.constant 0 : i32
        %dma_wait3A_92 = arith.constant 0 : i32
        %dma_wait3A_93 = tpu.memref_slice %arg9[%dma_wait3A_91, %dma_wait3A_92] : memref<88x128xf32, #tpu.memory_space<vmem>> -> memref<72x128xf32, #tpu.memory_space<vmem>>
        %dma_wait3A_94 = arith.constant 0 : i32
        %dma_wait3A_95 = tpu.memref_slice %arg4[%multiple_of3A_56, %dma_wait3A_94] : memref<2560x128xf32, #tpu.memory_space<hbm>> -> memref<72x128xf32, #tpu.memory_space<hbm>>
        tpu.wait_dma2 semaphore(%run_scoped3A : memref<!tpu.dma_semaphore, #tpu.memory_space<semaphore_mem>>) src(%dma_wait3A_95 : memref<72x128xf32, #tpu.memory_space<hbm>>) dst(%dma_wait3A_93 : memref<72x128xf32, #tpu.memory_space<vmem>>)
        tpu.yield
      }) : () -> ()
      %dma_start3A = arith.constant 0 : i32
      %dma_start3A_57 = arith.constant 0 : i32
      %dma_start3A_58 = tpu.memref_slice %arg7[%dma_start3A, %dma_start3A_57] : memref<88x128xi32, #tpu.memory_space<vmem>> -> memref<1x128xi32, #tpu.memory_space<vmem>>
      %dma_start3A_59 = tpu.memref_squeeze %dma_start3A_58 : memref<1x128xi32, #tpu.memory_space<vmem>> -> memref<128xi32, #tpu.memory_space<vmem>>
      %dma_start3A_60 = arith.constant 0 : i32
      %dma_start3A_61 = arith.constant 0 : i32
      %dma_start3A_62 = tpu.memref_slice %arg13[%dma_start3A_60, %dma_start3A_61] : memref<10000x32xf32, #tpu.memory_space<vmem_shared>> -> memref<10000x32xf32, #tpu.memory_space<vmem_shared>>
      tpu.enqueue_indirect_dma source(%dma_start3A_62 : memref<10000x32xf32, #tpu.memory_space<vmem_shared>>) target(%arg10 : memref<128x32xf32, #tpu.memory_space<vmem>>) offsets(%dma_start3A_59 : memref<128xi32, #tpu.memory_space<vmem>>) semaphore(%arg14 : memref<!tpu.dma_semaphore, #tpu.memory_space<semaphore_mem>>)
      %scan3A_63 = arith.constant 0 : i32
      %scan3A_64 = arith.constant 0 : i32
      %scan3A_65 = arith.constant 36 : i32
      %scan3A_66 = arith.addi %scan3A_64, %scan3A_65 : i32
      %scan3A_67 = arith.constant 1 : i32
      %scan3A_68 = scf.for %scan3A_76 = %scan3A_64 to %scan3A_66 step %scan3A_67 iter_args(%scan3A_77 = %scan3A_63) -> (i32)  : i32 {
        %mul3A_78 = arith.constant 2 : i32
        %mul3A_79 = arith.muli %scan3A_76, %mul3A_78 : i32
        %add3A_80 = arith.constant 0 : i32
        %add3A_81 = arith.addi %mul3A_79, %add3A_80 : i32
        %dma_wait3A_82 = arith.constant 0 : i32
        %dma_wait3A_83 = tpu.memref_slice %arg7[%add3A_81, %dma_wait3A_82] : memref<88x128xi32, #tpu.memory_space<vmem>> -> memref<1x128xi32, #tpu.memory_space<vmem>>
        %dma_wait3A_84 = tpu.memref_squeeze %dma_wait3A_83 : memref<1x128xi32, #tpu.memory_space<vmem>> -> memref<128xi32, #tpu.memory_space<vmem>>
        %dma_wait3A_85 = arith.constant 0 : i32
        %dma_wait3A_86 = arith.constant 0 : i32
        %dma_wait3A_87 = tpu.memref_slice %arg13[%dma_wait3A_85, %dma_wait3A_86] : memref<10000x32xf32, #tpu.memory_space<vmem_shared>> -> memref<10000x32xf32, #tpu.memory_space<vmem_shared>>
        tpu.wait_indirect_dma semaphore(%arg14 : memref<!tpu.dma_semaphore, #tpu.memory_space<semaphore_mem>>) src(%dma_wait3A_87 : memref<10000x32xf32, #tpu.memory_space<vmem_shared>>) dst(%arg10 : memref<128x32xf32, #tpu.memory_space<vmem>>)
        %ge3A = arith.constant 1 : i32
        %ge3A_88 = arith.cmpi sge, %add3A_81, %ge3A : i32
        %convert_element_type3A_89 = arith.extui %ge3A_88 : i1 to i32
        %cond3A_90 = arith.constant 0 : i32
        %cond3A_91 = arith.cmpi ne, %convert_element_type3A_89, %cond3A_90 : i32
        scf.if %cond3A_91 {
          %sub3A = arith.constant 1 : i32
          %sub3A_139 = arith.subi %add3A_81, %sub3A : i32
          %dma_wait3A_140 = arith.constant 0 : i32
          %dma_wait3A_141 = tpu.memref_slice %arg8[%sub3A_139, %dma_wait3A_140] : memref<88x128xi32, #tpu.memory_space<vmem>> -> memref<1x128xi32, #tpu.memory_space<vmem>>
          %dma_wait3A_142 = tpu.memref_squeeze %dma_wait3A_141 : memref<1x128xi32, #tpu.memory_space<vmem>> -> memref<128xi32, #tpu.memory_space<vmem>>
          %dma_wait3A_143 = arith.constant 0 : i32
          %dma_wait3A_144 = arith.constant 0 : i32
          %dma_wait3A_145 = tpu.memref_slice %arg12[%dma_wait3A_143, %dma_wait3A_144] : memref<10000x32xf32, #tpu.memory_space<vmem_shared>> -> memref<10000x32xf32, #tpu.memory_space<vmem_shared>>
          tpu.wait_indirect_dma semaphore(%arg17 : memref<!tpu.dma_semaphore, #tpu.memory_space<semaphore_mem>>) src(%arg11 : memref<128x32xf32, #tpu.memory_space<vmem>>) dst(%dma_wait3A_145 : memref<10000x32xf32, #tpu.memory_space<vmem_shared>>)
        } else {
        }
        %add3A_92 = arith.constant 1 : i32
        %add3A_93 = arith.addi %add3A_81, %add3A_92 : i32
        %lt3A_94 = arith.constant 72 : i32
        %lt3A_95 = arith.cmpi slt, %add3A_93, %lt3A_94 : i32
        %convert_element_type3A_96 = arith.extui %lt3A_95 : i1 to i32
        %cond3A_97 = arith.constant 0 : i32
        %cond3A_98 = arith.cmpi ne, %convert_element_type3A_96, %cond3A_97 : i32
        scf.if %cond3A_98 {
          %add3A_139 = arith.constant 1 : i32
          %add3A_140 = arith.addi %add3A_81, %add3A_139 : i32
          %dma_start3A_141 = arith.constant 0 : i32
          %dma_start3A_142 = tpu.memref_slice %arg7[%add3A_140, %dma_start3A_141] : memref<88x128xi32, #tpu.memory_space<vmem>> -> memref<1x128xi32, #tpu.memory_space<vmem>>
          %dma_start3A_143 = tpu.memref_squeeze %dma_start3A_142 : memref<1x128xi32, #tpu.memory_space<vmem>> -> memref<128xi32, #tpu.memory_space<vmem>>
          %dma_start3A_144 = arith.constant 0 : i32
          %dma_start3A_145 = arith.constant 0 : i32
          %dma_start3A_146 = tpu.memref_slice %arg13[%dma_start3A_144, %dma_start3A_145] : memref<10000x32xf32, #tpu.memory_space<vmem_shared>> -> memref<10000x32xf32, #tpu.memory_space<vmem_shared>>
          tpu.enqueue_indirect_dma source(%dma_start3A_146 : memref<10000x32xf32, #tpu.memory_space<vmem_shared>>) target(%arg11 : memref<128x32xf32, #tpu.memory_space<vmem>>) offsets(%dma_start3A_143 : memref<128xi32, #tpu.memory_space<vmem>>) semaphore(%arg15 : memref<!tpu.dma_semaphore, #tpu.memory_space<semaphore_mem>>)
        } else {
        }
        %parallel_loop3A = arith.constant 0 : i32
        %parallel_loop3A_99 = arith.constant 128 : i32
        %parallel_loop3A_100 = arith.constant 1 : i32
        scf.for %parallel_loop3A_139 = %parallel_loop3A to %parallel_loop3A_99 step %parallel_loop3A_100  : i32 {
          %parallel_loop3A_140 = vector.broadcast %add3A_81 : i32 to vector<16xi32>
          %parallel_loop3A_141 = vector.broadcast %parallel_loop3A_139 : i32 to vector<16xi32>
          %parallel_loop3A_142 = tpu.vector_load_idx %arg9[%parallel_loop3A_140, %parallel_loop3A_141] : memref<88x128xf32, #tpu.memory_space<vmem>>[vector<16xi32>, vector<16xi32>], vector<16xf32>,
          %parallel_loop3A_143 = arith.index_cast %parallel_loop3A_139 : i32 to index
          %parallel_loop3A_144 = arith.constant 0 : index
          %parallel_loop3A_145 = tpu.vector_load %arg10[%parallel_loop3A_143, %parallel_loop3A_144] {strides = array<i32>} : memref<128x32xf32, #tpu.memory_space<vmem>>, vector<16xf32>,
          %parallel_loop3A_146 = arith.mulf %parallel_loop3A_145, %parallel_loop3A_142 : vector<16xf32>
          %parallel_loop3A_147 = arith.index_cast %parallel_loop3A_139 : i32 to index
          %parallel_loop3A_148 = arith.constant 0 : index
          %parallel_loop3A_149 = tpu.vector_load %arg10[%parallel_loop3A_147, %parallel_loop3A_148] {strides = array<i32>} : memref<128x32xf32, #tpu.memory_space<vmem>>, vector<16xf32>,
          tpu.vector_store %arg10[%parallel_loop3A_147, %parallel_loop3A_148], %parallel_loop3A_146 {strides = array<i32>} : memref<128x32xf32, #tpu.memory_space<vmem>>, vector<16xf32>,
          %parallel_loop3A_150 = arith.index_cast %parallel_loop3A_139 : i32 to index
          %parallel_loop3A_151 = arith.constant 16 : index
          %parallel_loop3A_152 = tpu.vector_load %arg10[%parallel_loop3A_150, %parallel_loop3A_151] {strides = array<i32>} : memref<128x32xf32, #tpu.memory_space<vmem>>, vector<16xf32>,
          %parallel_loop3A_153 = arith.mulf %parallel_loop3A_152, %parallel_loop3A_142 : vector<16xf32>
          %parallel_loop3A_154 = arith.index_cast %parallel_loop3A_139 : i32 to index
          %parallel_loop3A_155 = arith.constant 16 : index
          %parallel_loop3A_156 = tpu.vector_load %arg10[%parallel_loop3A_154, %parallel_loop3A_155] {strides = array<i32>} : memref<128x32xf32, #tpu.memory_space<vmem>>, vector<16xf32>,
          tpu.vector_store %arg10[%parallel_loop3A_154, %parallel_loop3A_155], %parallel_loop3A_153 {strides = array<i32>} : memref<128x32xf32, #tpu.memory_space<vmem>>, vector<16xf32>,
        } {sc.loop_unroll_factor = 8 : i64, sc.parallel_access}
        %dma_start3A_101 = arith.constant 0 : i32
        %dma_start3A_102 = tpu.memref_slice %arg8[%add3A_81, %dma_start3A_101] : memref<88x128xi32, #tpu.memory_space<vmem>> -> memref<1x128xi32, #tpu.memory_space<vmem>>
        %dma_start3A_103 = tpu.memref_squeeze %dma_start3A_102 : memref<1x128xi32, #tpu.memory_space<vmem>> -> memref<128xi32, #tpu.memory_space<vmem>>
        %dma_start3A_104 = arith.constant 0 : i32
        %dma_start3A_105 = arith.constant 0 : i32
        %dma_start3A_106 = tpu.memref_slice %arg12[%dma_start3A_104, %dma_start3A_105] : memref<10000x32xf32, #tpu.memory_space<vmem_shared>> -> memref<10000x32xf32, #tpu.memory_space<vmem_shared>>
        tpu.enqueue_indirect_dma source(%arg10 : memref<128x32xf32, #tpu.memory_space<vmem>>) target(%dma_start3A_106 : memref<10000x32xf32, #tpu.memory_space<vmem_shared>>) offsets(%dma_start3A_103 : memref<128xi32, #tpu.memory_space<vmem>>) semaphore(%arg16 : memref<!tpu.dma_semaphore, #tpu.memory_space<semaphore_mem>>) {add = true}
        %mul3A_107 = arith.constant 2 : i32
        %mul3A_108 = arith.muli %scan3A_76, %mul3A_107 : i32
        %add3A_109 = arith.constant 1 : i32
        %add3A_110 = arith.addi %mul3A_108, %add3A_109 : i32
        %dma_wait3A_111 = arith.constant 0 : i32
        %dma_wait3A_112 = tpu.memref_slice %arg7[%add3A_110, %dma_wait3A_111] : memref<88x128xi32, #tpu.memory_space<vmem>> -> memref<1x128xi32, #tpu.memory_space<vmem>>
        %dma_wait3A_113 = tpu.memref_squeeze %dma_wait3A_112 : memref<1x128xi32, #tpu.memory_space<vmem>> -> memref<128xi32, #tpu.memory_space<vmem>>
        %dma_wait3A_114 = arith.constant 0 : i32
        %dma_wait3A_115 = arith.constant 0 : i32
        %dma_wait3A_116 = tpu.memref_slice %arg13[%dma_wait3A_114, %dma_wait3A_115] : memref<10000x32xf32, #tpu.memory_space<vmem_shared>> -> memref<10000x32xf32, #tpu.memory_space<vmem_shared>>
        tpu.wait_indirect_dma semaphore(%arg15 : memref<!tpu.dma_semaphore, #tpu.memory_space<semaphore_mem>>) src(%dma_wait3A_116 : memref<10000x32xf32, #tpu.memory_space<vmem_shared>>) dst(%arg11 : memref<128x32xf32, #tpu.memory_space<vmem>>)
        %ge3A_117 = arith.constant 1 : i32
        %ge3A_118 = arith.cmpi sge, %add3A_110, %ge3A_117 : i32
        %convert_element_type3A_119 = arith.extui %ge3A_118 : i1 to i32
        %cond3A_120 = arith.constant 0 : i32
        %cond3A_121 = arith.cmpi ne, %convert_element_type3A_119, %cond3A_120 : i32
        scf.if %cond3A_121 {
          %sub3A = arith.constant 1 : i32
          %sub3A_139 = arith.subi %add3A_110, %sub3A : i32
          %dma_wait3A_140 = arith.constant 0 : i32
          %dma_wait3A_141 = tpu.memref_slice %arg8[%sub3A_139, %dma_wait3A_140] : memref<88x128xi32, #tpu.memory_space<vmem>> -> memref<1x128xi32, #tpu.memory_space<vmem>>
          %dma_wait3A_142 = tpu.memref_squeeze %dma_wait3A_141 : memref<1x128xi32, #tpu.memory_space<vmem>> -> memref<128xi32, #tpu.memory_space<vmem>>
          %dma_wait3A_143 = arith.constant 0 : i32
          %dma_wait3A_144 = arith.constant 0 : i32
          %dma_wait3A_145 = tpu.memref_slice %arg12[%dma_wait3A_143, %dma_wait3A_144] : memref<10000x32xf32, #tpu.memory_space<vmem_shared>> -> memref<10000x32xf32, #tpu.memory_space<vmem_shared>>
          tpu.wait_indirect_dma semaphore(%arg16 : memref<!tpu.dma_semaphore, #tpu.memory_space<semaphore_mem>>) src(%arg10 : memref<128x32xf32, #tpu.memory_space<vmem>>) dst(%dma_wait3A_145 : memref<10000x32xf32, #tpu.memory_space<vmem_shared>>)
        } else {
        }
        %add3A_122 = arith.constant 1 : i32
        %add3A_123 = arith.addi %add3A_110, %add3A_122 : i32
        %lt3A_124 = arith.constant 72 : i32
        %lt3A_125 = arith.cmpi slt, %add3A_123, %lt3A_124 : i32
        %convert_element_type3A_126 = arith.extui %lt3A_125 : i1 to i32
        %cond3A_127 = arith.constant 0 : i32
        %cond3A_128 = arith.cmpi ne, %convert_element_type3A_126, %cond3A_127 : i32
        scf.if %cond3A_128 {
          %add3A_139 = arith.constant 1 : i32
          %add3A_140 = arith.addi %add3A_110, %add3A_139 : i32
          %dma_start3A_141 = arith.constant 0 : i32
          %dma_start3A_142 = tpu.memref_slice %arg7[%add3A_140, %dma_start3A_141] : memref<88x128xi32, #tpu.memory_space<vmem>> -> memref<1x128xi32, #tpu.memory_space<vmem>>
          %dma_start3A_143 = tpu.memref_squeeze %dma_start3A_142 : memref<1x128xi32, #tpu.memory_space<vmem>> -> memref<128xi32, #tpu.memory_space<vmem>>
          %dma_start3A_144 = arith.constant 0 : i32
          %dma_start3A_145 = arith.constant 0 : i32
          %dma_start3A_146 = tpu.memref_slice %arg13[%dma_start3A_144, %dma_start3A_145] : memref<10000x32xf32, #tpu.memory_space<vmem_shared>> -> memref<10000x32xf32, #tpu.memory_space<vmem_shared>>
          tpu.enqueue_indirect_dma source(%dma_start3A_146 : memref<10000x32xf32, #tpu.memory_space<vmem_shared>>) target(%arg10 : memref<128x32xf32, #tpu.memory_space<vmem>>) offsets(%dma_start3A_143 : memref<128xi32, #tpu.memory_space<vmem>>) semaphore(%arg14 : memref<!tpu.dma_semaphore, #tpu.memory_space<semaphore_mem>>)
        } else {
        }
        %parallel_loop3A_129 = arith.constant 0 : i32
        %parallel_loop3A_130 = arith.constant 128 : i32
        %parallel_loop3A_131 = arith.constant 1 : i32
        scf.for %parallel_loop3A_139 = %parallel_loop3A_129 to %parallel_loop3A_130 step %parallel_loop3A_131  : i32 {
          %parallel_loop3A_140 = vector.broadcast %add3A_110 : i32 to vector<16xi32>
          %parallel_loop3A_141 = vector.broadcast %parallel_loop3A_139 : i32 to vector<16xi32>
          %parallel_loop3A_142 = tpu.vector_load_idx %arg9[%parallel_loop3A_140, %parallel_loop3A_141] : memref<88x128xf32, #tpu.memory_space<vmem>>[vector<16xi32>, vector<16xi32>], vector<16xf32>,
          %parallel_loop3A_143 = arith.index_cast %parallel_loop3A_139 : i32 to index
          %parallel_loop3A_144 = arith.constant 0 : index
          %parallel_loop3A_145 = tpu.vector_load %arg11[%parallel_loop3A_143, %parallel_loop3A_144] {strides = array<i32>} : memref<128x32xf32, #tpu.memory_space<vmem>>, vector<16xf32>,
          %parallel_loop3A_146 = arith.mulf %parallel_loop3A_145, %parallel_loop3A_142 : vector<16xf32>
          %parallel_loop3A_147 = arith.index_cast %parallel_loop3A_139 : i32 to index
          %parallel_loop3A_148 = arith.constant 0 : index
          %parallel_loop3A_149 = tpu.vector_load %arg11[%parallel_loop3A_147, %parallel_loop3A_148] {strides = array<i32>} : memref<128x32xf32, #tpu.memory_space<vmem>>, vector<16xf32>,
          tpu.vector_store %arg11[%parallel_loop3A_147, %parallel_loop3A_148], %parallel_loop3A_146 {strides = array<i32>} : memref<128x32xf32, #tpu.memory_space<vmem>>, vector<16xf32>,
          %parallel_loop3A_150 = arith.index_cast %parallel_loop3A_139 : i32 to index
          %parallel_loop3A_151 = arith.constant 16 : index
          %parallel_loop3A_152 = tpu.vector_load %arg11[%parallel_loop3A_150, %parallel_loop3A_151] {strides = array<i32>} : memref<128x32xf32, #tpu.memory_space<vmem>>, vector<16xf32>,
          %parallel_loop3A_153 = arith.mulf %parallel_loop3A_152, %parallel_loop3A_142 : vector<16xf32>
          %parallel_loop3A_154 = arith.index_cast %parallel_loop3A_139 : i32 to index
          %parallel_loop3A_155 = arith.constant 16 : index
          %parallel_loop3A_156 = tpu.vector_load %arg11[%parallel_loop3A_154, %parallel_loop3A_155] {strides = array<i32>} : memref<128x32xf32, #tpu.memory_space<vmem>>, vector<16xf32>,
          tpu.vector_store %arg11[%parallel_loop3A_154, %parallel_loop3A_155], %parallel_loop3A_153 {strides = array<i32>} : memref<128x32xf32, #tpu.memory_space<vmem>>, vector<16xf32>,
        } {sc.loop_unroll_factor = 8 : i64, sc.parallel_access}
        %dma_start3A_132 = arith.constant 0 : i32
        %dma_start3A_133 = tpu.memref_slice %arg8[%add3A_110, %dma_start3A_132] : memref<88x128xi32, #tpu.memory_space<vmem>> -> memref<1x128xi32, #tpu.memory_space<vmem>>
        %dma_start3A_134 = tpu.memref_squeeze %dma_start3A_133 : memref<1x128xi32, #tpu.memory_space<vmem>> -> memref<128xi32, #tpu.memory_space<vmem>>
        %dma_start3A_135 = arith.constant 0 : i32
        %dma_start3A_136 = arith.constant 0 : i32
        %dma_start3A_137 = tpu.memref_slice %arg12[%dma_start3A_135, %dma_start3A_136] : memref<10000x32xf32, #tpu.memory_space<vmem_shared>> -> memref<10000x32xf32, #tpu.memory_space<vmem_shared>>
        tpu.enqueue_indirect_dma source(%arg11 : memref<128x32xf32, #tpu.memory_space<vmem>>) target(%dma_start3A_137 : memref<10000x32xf32, #tpu.memory_space<vmem_shared>>) offsets(%dma_start3A_134 : memref<128xi32, #tpu.memory_space<vmem>>) semaphore(%arg17 : memref<!tpu.dma_semaphore, #tpu.memory_space<semaphore_mem>>) {add = true}
        %scan3A_138 = arith.constant 0 : i32
        scf.yield %scan3A_138 : i32
      }
      %scan3A_69 = arith.constant 36 : i32
      %dma_wait3A = arith.constant 71 : i32
      %dma_wait3A_70 = arith.constant 0 : i32
      %dma_wait3A_71 = tpu.memref_slice %arg8[%dma_wait3A, %dma_wait3A_70] : memref<88x128xi32, #tpu.memory_space<vmem>> -> memref<1x128xi32, #tpu.memory_space<vmem>>
      %dma_wait3A_72 = tpu.memref_squeeze %dma_wait3A_71 : memref<1x128xi32, #tpu.memory_space<vmem>> -> memref<128xi32, #tpu.memory_space<vmem>>
      %dma_wait3A_73 = arith.constant 0 : i32
      %dma_wait3A_74 = arith.constant 0 : i32
      %dma_wait3A_75 = tpu.memref_slice %arg12[%dma_wait3A_73, %dma_wait3A_74] : memref<10000x32xf32, #tpu.memory_space<vmem_shared>> -> memref<10000x32xf32, #tpu.memory_space<vmem_shared>>
      tpu.wait_indirect_dma semaphore(%arg17 : memref<!tpu.dma_semaphore, #tpu.memory_space<semaphore_mem>>) src(%arg11 : memref<128x32xf32, #tpu.memory_space<vmem>>) dst(%dma_wait3A_75 : memref<10000x32xf32, #tpu.memory_space<vmem_shared>>)
    } else {
    }
    %barrier3A_38 = arith.constant 0 : index
    tpu.barrier barrier_id(%barrier3A_38)
    %mul3A_39 = arith.constant 624 : i32
    %mul3A_40 = arith.muli %arg1, %mul3A_39 : i32
    %multiple_of3A_41 = tpu.assume_multiple %mul3A_40, 8 : i32
    %lt3A_42 = arith.constant 15 : i32
    %lt3A_43 = arith.cmpi slt, %arg1, %lt3A_42 : i32
    %convert_element_type3A_44 = arith.extui %lt3A_43 : i1 to i32
    %cond3A_45 = arith.constant 0 : i32
    %cond3A_46 = arith.cmpi ne, %convert_element_type3A_44, %cond3A_45 : i32
    scf.if %cond3A_46 {
      "tpu.region"() ({
        %run_scoped3A = tpu.sem_alloc : memref<!tpu.dma_semaphore, #tpu.memory_space<semaphore_mem>>
        %dma_start3A = arith.constant 0 : i32
        %dma_start3A_52 = tpu.memref_slice %arg6[%arg0, %multiple_of3A_41, %dma_start3A] : memref<2x10000x32xf32, #tpu.memory_space<hbm>> -> memref<1x624x32xf32, #tpu.memory_space<hbm>>
        %dma_start3A_53 = tpu.memref_squeeze %dma_start3A_52 : memref<1x624x32xf32, #tpu.memory_space<hbm>> -> memref<624x32xf32, #tpu.memory_space<hbm>>
        %dma_start3A_54 = arith.constant 0 : i32
        %dma_start3A_55 = tpu.memref_slice %arg12[%multiple_of3A_41, %dma_start3A_54] : memref<10000x32xf32, #tpu.memory_space<vmem_shared>> -> memref<624x32xf32, #tpu.memory_space<vmem_shared>>
        tpu.enqueue_dma source(%dma_start3A_55 : memref<624x32xf32, #tpu.memory_space<vmem_shared>>) target(%dma_start3A_53 : memref<624x32xf32, #tpu.memory_space<hbm>>) target_semaphore(%run_scoped3A : memref<!tpu.dma_semaphore, #tpu.memory_space<semaphore_mem>>)
        %dma_wait3A = arith.constant 0 : i32
        %dma_wait3A_56 = tpu.memref_slice %arg6[%arg0, %multiple_of3A_41, %dma_wait3A] : memref<2x10000x32xf32, #tpu.memory_space<hbm>> -> memref<1x624x32xf32, #tpu.memory_space<hbm>>
        %dma_wait3A_57 = tpu.memref_squeeze %dma_wait3A_56 : memref<1x624x32xf32, #tpu.memory_space<hbm>> -> memref<624x32xf32, #tpu.memory_space<hbm>>
        %dma_wait3A_58 = arith.constant 0 : i32
        %dma_wait3A_59 = tpu.memref_slice %arg12[%multiple_of3A_41, %dma_wait3A_58] : memref<10000x32xf32, #tpu.memory_space<vmem_shared>> -> memref<624x32xf32, #tpu.memory_space<vmem_shared>>
        tpu.wait_dma2 semaphore(%run_scoped3A : memref<!tpu.dma_semaphore, #tpu.memory_space<semaphore_mem>>) src(%dma_wait3A_59 : memref<624x32xf32, #tpu.memory_space<vmem_shared>>) dst(%dma_wait3A_57 : memref<624x32xf32, #tpu.memory_space<hbm>>)
        tpu.yield
      }) : () -> ()
    } else {
    }
    %eq3A_47 = arith.constant 15 : i32
    %eq3A_48 = arith.cmpi eq, %arg1, %eq3A_47 : i32
    %convert_element_type3A_49 = arith.extui %eq3A_48 : i1 to i32
    %cond3A_50 = arith.constant 0 : i32
    %cond3A_51 = arith.cmpi ne, %convert_element_type3A_49, %cond3A_50 : i32
    scf.if %cond3A_51 {
      "tpu.region"() ({
        %run_scoped3A = tpu.sem_alloc : memref<!tpu.dma_semaphore, #tpu.memory_space<semaphore_mem>>
        %dma_start3A = arith.constant 0 : i32
        %dma_start3A_52 = tpu.memref_slice %arg6[%arg0, %multiple_of3A_41, %dma_start3A] : memref<2x10000x32xf32, #tpu.memory_space<hbm>> -> memref<1x640x32xf32, #tpu.memory_space<hbm>>
        %dma_start3A_53 = tpu.memref_squeeze %dma_start3A_52 : memref<1x640x32xf32, #tpu.memory_space<hbm>> -> memref<640x32xf32, #tpu.memory_space<hbm>>
        %dma_start3A_54 = arith.constant 0 : i32
        %dma_start3A_55 = tpu.memref_slice %arg12[%multiple_of3A_41, %dma_start3A_54] : memref<10000x32xf32, #tpu.memory_space<vmem_shared>> -> memref<640x32xf32, #tpu.memory_space<vmem_shared>>
        tpu.enqueue_dma source(%dma_start3A_55 : memref<640x32xf32, #tpu.memory_space<vmem_shared>>) target(%dma_start3A_53 : memref<640x32xf32, #tpu.memory_space<hbm>>) target_semaphore(%run_scoped3A : memref<!tpu.dma_semaphore, #tpu.memory_space<semaphore_mem>>)
        %dma_wait3A = arith.constant 0 : i32
        %dma_wait3A_56 = tpu.memref_slice %arg6[%arg0, %multiple_of3A_41, %dma_wait3A] : memref<2x10000x32xf32, #tpu.memory_space<hbm>> -> memref<1x640x32xf32, #tpu.memory_space<hbm>>
        %dma_wait3A_57 = tpu.memref_squeeze %dma_wait3A_56 : memref<1x640x32xf32, #tpu.memory_space<hbm>> -> memref<640x32xf32, #tpu.memory_space<hbm>>
        %dma_wait3A_58 = arith.constant 0 : i32
        %dma_wait3A_59 = tpu.memref_slice %arg12[%multiple_of3A_41, %dma_wait3A_58] : memref<10000x32xf32, #tpu.memory_space<vmem_shared>> -> memref<640x32xf32, #tpu.memory_space<vmem_shared>>
        tpu.wait_dma2 semaphore(%run_scoped3A : memref<!tpu.dma_semaphore, #tpu.memory_space<semaphore_mem>>) src(%dma_wait3A_59 : memref<640x32xf32, #tpu.memory_space<vmem_shared>>) dst(%dma_wait3A_57 : memref<640x32xf32, #tpu.memory_space<hbm>>)
        tpu.yield
      }) : () -> ()
    } else {
    }
    return
  }
}

#map = affine_map<(d0, d1) -> (0, 0)>
#map1 = affine_map<(d0, d1) -> (0, 0, 0)>
module attributes {stable_mosaic.version = 14 : i64} {
  func.func @k(%arg0: i32, %arg1: i32, %arg2: memref<2560x128xi32, #tpu.memory_space<hbm>>, %arg3: memref<2560x128xi32, #tpu.memory_space<hbm>>, %arg4: memref<2560x128xf32, #tpu.memory_space<hbm>>, %arg5: memref<10000x64xf32, #tpu.memory_space<hbm>>, %arg6: memref<2x10000x64xf32, #tpu.memory_space<hbm>>, %arg7: memref<88x128xi32, #tpu.memory_space<vmem>>, %arg8: memref<88x128xi32, #tpu.memory_space<vmem>>, %arg9: memref<88x128xf32, #tpu.memory_space<vmem>>, %arg10: memref<128x64xf32, #tpu.memory_space<vmem>>, %arg11: memref<128x64xf32, #tpu.memory_space<vmem>>, %arg12: memref<10000x64xf32, #tpu.memory_space<vmem_shared>>, %arg13: memref<10000x64xf32, #tpu.memory_space<vmem_shared>>, %arg14: memref<!tpu.dma_semaphore, #tpu.memory_space<semaphore_mem>>, %arg15: memref<!tpu.dma_semaphore, #tpu.memory_space<semaphore_mem>>, %arg16: memref<!tpu.dma_semaphore, #tpu.memory_space<semaphore_mem>>, %arg17: memref<!tpu.dma_semaphore, #tpu.memory_space<semaphore_mem>>) attributes {dimension_semantics = [#tpu.dimension_semantics<core_parallel>, #tpu.dimension_semantics<subcore_parallel>], iteration_bounds = array<i64: 2, 16>, scalar_prefetch = 0 : i64, scratch_operands = 11 : i64, tpu.core_type = #tpu.core_type<sc_vector_subcore>, window_params = [{transform_indices = #map}, {transform_indices = #map}, {transform_indices = #map}, {transform_indices = #map}, {transform_indices = #map1}]} {
    %mul3A = arith.constant 16 : i32
    %mul3A_0 = arith.muli %arg0, %mul3A : i32
    %add3A = arith.addi %mul3A_0, %arg1 : i32
    %mul3A_1 = arith.constant 624 : i32
    %mul3A_2 = arith.muli %arg1, %mul3A_1 : i32
    %multiple_of3A = tpu.assume_multiple %mul3A_2, 8 : i32
    %lt3A = arith.constant 15 : i32
    %lt3A_3 = arith.cmpi slt, %arg1, %lt3A : i32
    %convert_element_type3A = arith.extui %lt3A_3 : i1 to i32
    %cond3A = arith.constant 0 : i32
    %cond3A_4 = arith.cmpi ne, %convert_element_type3A, %cond3A : i32
    scf.if %cond3A_4 {
      "tpu.region"() ({
        %run_scoped3A = tpu.sem_alloc : memref<!tpu.dma_semaphore, #tpu.memory_space<semaphore_mem>>
        %dma_start3A = arith.constant 0 : i32
        %dma_start3A_52 = tpu.memref_slice %arg13[%multiple_of3A, %dma_start3A] : memref<10000x64xf32, #tpu.memory_space<vmem_shared>> -> memref<624x64xf32, #tpu.memory_space<vmem_shared>>
        %dma_start3A_53 = arith.constant 0 : i32
        %dma_start3A_54 = tpu.memref_slice %arg5[%multiple_of3A, %dma_start3A_53] : memref<10000x64xf32, #tpu.memory_space<hbm>> -> memref<624x64xf32, #tpu.memory_space<hbm>>
        tpu.enqueue_dma source(%dma_start3A_54 : memref<624x64xf32, #tpu.memory_space<hbm>>) target(%dma_start3A_52 : memref<624x64xf32, #tpu.memory_space<vmem_shared>>) target_semaphore(%run_scoped3A : memref<!tpu.dma_semaphore, #tpu.memory_space<semaphore_mem>>)
        %dma_wait3A = arith.constant 0 : i32
        %dma_wait3A_55 = tpu.memref_slice %arg13[%multiple_of3A, %dma_wait3A] : memref<10000x64xf32, #tpu.memory_space<vmem_shared>> -> memref<624x64xf32, #tpu.memory_space<vmem_shared>>
        %dma_wait3A_56 = arith.constant 0 : i32
        %dma_wait3A_57 = tpu.memref_slice %arg5[%multiple_of3A, %dma_wait3A_56] : memref<10000x64xf32, #tpu.memory_space<hbm>> -> memref<624x64xf32, #tpu.memory_space<hbm>>
        tpu.wait_dma2 semaphore(%run_scoped3A : memref<!tpu.dma_semaphore, #tpu.memory_space<semaphore_mem>>) src(%dma_wait3A_57 : memref<624x64xf32, #tpu.memory_space<hbm>>) dst(%dma_wait3A_55 : memref<624x64xf32, #tpu.memory_space<vmem_shared>>)
        tpu.yield
      }) : () -> ()
    } else {
    }
    %eq3A = arith.constant 15 : i32
    %eq3A_5 = arith.cmpi eq, %arg1, %eq3A : i32
    %convert_element_type3A_6 = arith.extui %eq3A_5 : i1 to i32
    %cond3A_7 = arith.constant 0 : i32
    %cond3A_8 = arith.cmpi ne, %convert_element_type3A_6, %cond3A_7 : i32
    scf.if %cond3A_8 {
      "tpu.region"() ({
        %run_scoped3A = tpu.sem_alloc : memref<!tpu.dma_semaphore, #tpu.memory_space<semaphore_mem>>
        %dma_start3A = arith.constant 0 : i32
        %dma_start3A_52 = tpu.memref_slice %arg13[%multiple_of3A, %dma_start3A] : memref<10000x64xf32, #tpu.memory_space<vmem_shared>> -> memref<640x64xf32, #tpu.memory_space<vmem_shared>>
        %dma_start3A_53 = arith.constant 0 : i32
        %dma_start3A_54 = tpu.memref_slice %arg5[%multiple_of3A, %dma_start3A_53] : memref<10000x64xf32, #tpu.memory_space<hbm>> -> memref<640x64xf32, #tpu.memory_space<hbm>>
        tpu.enqueue_dma source(%dma_start3A_54 : memref<640x64xf32, #tpu.memory_space<hbm>>) target(%dma_start3A_52 : memref<640x64xf32, #tpu.memory_space<vmem_shared>>) target_semaphore(%run_scoped3A : memref<!tpu.dma_semaphore, #tpu.memory_space<semaphore_mem>>)
        %dma_wait3A = arith.constant 0 : i32
        %dma_wait3A_55 = tpu.memref_slice %arg13[%multiple_of3A, %dma_wait3A] : memref<10000x64xf32, #tpu.memory_space<vmem_shared>> -> memref<640x64xf32, #tpu.memory_space<vmem_shared>>
        %dma_wait3A_56 = arith.constant 0 : i32
        %dma_wait3A_57 = tpu.memref_slice %arg5[%multiple_of3A, %dma_wait3A_56] : memref<10000x64xf32, #tpu.memory_space<hbm>> -> memref<640x64xf32, #tpu.memory_space<hbm>>
        tpu.wait_dma2 semaphore(%run_scoped3A : memref<!tpu.dma_semaphore, #tpu.memory_space<semaphore_mem>>) src(%dma_wait3A_57 : memref<640x64xf32, #tpu.memory_space<hbm>>) dst(%dma_wait3A_55 : memref<640x64xf32, #tpu.memory_space<vmem_shared>>)
        tpu.yield
      }) : () -> ()
    } else {
    }
    %scan3A = arith.constant 0 : i32
    %scan3A_9 = arith.constant 0 : i32
    %scan3A_10 = arith.constant 128 : i32
    %scan3A_11 = arith.addi %scan3A_9, %scan3A_10 : i32
    %scan3A_12 = arith.constant 1 : i32
    %scan3A_13 = scf.for %scan3A_52 = %scan3A_9 to %scan3A_11 step %scan3A_12 iter_args(%scan3A_53 = %scan3A) -> (i32)  : i32 {
      %broadcast_in_dim3A = arith.constant 0.000000e+00 : f32
      %broadcast_in_dim3A_54 = vector.broadcast %broadcast_in_dim3A : f32 to vector<16xf32>
      %swap3A = arith.index_cast %scan3A_52 : i32 to index
      %swap3A_55 = arith.constant 0 : index
      %swap3A_56 = tpu.vector_load %arg10[%swap3A, %swap3A_55] {strides = array<i32>} : memref<128x64xf32, #tpu.memory_space<vmem>>, vector<16xf32>,
      tpu.vector_store %arg10[%swap3A, %swap3A_55], %broadcast_in_dim3A_54 {strides = array<i32>} : memref<128x64xf32, #tpu.memory_space<vmem>>, vector<16xf32>,
      %broadcast_in_dim3A_57 = arith.constant 0.000000e+00 : f32
      %broadcast_in_dim3A_58 = vector.broadcast %broadcast_in_dim3A_57 : f32 to vector<16xf32>
      %swap3A_59 = arith.index_cast %scan3A_52 : i32 to index
      %swap3A_60 = arith.constant 16 : index
      %swap3A_61 = tpu.vector_load %arg10[%swap3A_59, %swap3A_60] {strides = array<i32>} : memref<128x64xf32, #tpu.memory_space<vmem>>, vector<16xf32>,
      tpu.vector_store %arg10[%swap3A_59, %swap3A_60], %broadcast_in_dim3A_58 {strides = array<i32>} : memref<128x64xf32, #tpu.memory_space<vmem>>, vector<16xf32>,
      %broadcast_in_dim3A_62 = arith.constant 0.000000e+00 : f32
      %broadcast_in_dim3A_63 = vector.broadcast %broadcast_in_dim3A_62 : f32 to vector<16xf32>
      %swap3A_64 = arith.index_cast %scan3A_52 : i32 to index
      %swap3A_65 = arith.constant 32 : index
      %swap3A_66 = tpu.vector_load %arg10[%swap3A_64, %swap3A_65] {strides = array<i32>} : memref<128x64xf32, #tpu.memory_space<vmem>>, vector<16xf32>,
      tpu.vector_store %arg10[%swap3A_64, %swap3A_65], %broadcast_in_dim3A_63 {strides = array<i32>} : memref<128x64xf32, #tpu.memory_space<vmem>>, vector<16xf32>,
      %broadcast_in_dim3A_67 = arith.constant 0.000000e+00 : f32
      %broadcast_in_dim3A_68 = vector.broadcast %broadcast_in_dim3A_67 : f32 to vector<16xf32>
      %swap3A_69 = arith.index_cast %scan3A_52 : i32 to index
      %swap3A_70 = arith.constant 48 : index
      %swap3A_71 = tpu.vector_load %arg10[%swap3A_69, %swap3A_70] {strides = array<i32>} : memref<128x64xf32, #tpu.memory_space<vmem>>, vector<16xf32>,
      tpu.vector_store %arg10[%swap3A_69, %swap3A_70], %broadcast_in_dim3A_68 {strides = array<i32>} : memref<128x64xf32, #tpu.memory_space<vmem>>, vector<16xf32>,
      %scan3A_72 = arith.constant 0 : i32
      scf.yield %scan3A_72 : i32
    }
    %scan3A_14 = arith.constant 128 : i32
    %mul3A_15 = arith.constant 624 : i32
    %mul3A_16 = arith.muli %arg1, %mul3A_15 : i32
    %multiple_of3A_17 = tpu.assume_multiple %mul3A_16, 8 : i32
    %lt3A_18 = arith.constant 15 : i32
    %lt3A_19 = arith.cmpi slt, %arg1, %lt3A_18 : i32
    %convert_element_type3A_20 = arith.extui %lt3A_19 : i1 to i32
    %cond3A_21 = arith.constant 0 : i32
    %cond3A_22 = arith.cmpi ne, %convert_element_type3A_20, %cond3A_21 : i32
    scf.if %cond3A_22 {
      %add3A_52 = arith.constant 0 : i32
      %add3A_53 = arith.addi %multiple_of3A_17, %add3A_52 : i32
      %multiple_of3A_54 = tpu.assume_multiple %add3A_53, 8 : i32
      "tpu.region"() ({
        %run_scoped3A = tpu.sem_alloc : memref<!tpu.dma_semaphore, #tpu.memory_space<semaphore_mem>>
        %dma_start3A = arith.constant 0 : i32
        %dma_start3A_67 = arith.constant 0 : i32
        %dma_start3A_68 = tpu.memref_slice %arg10[%dma_start3A, %dma_start3A_67] : memref<128x64xf32, #tpu.memory_space<vmem>> -> memref<128x64xf32, #tpu.memory_space<vmem>>
        %dma_start3A_69 = arith.constant 0 : i32
        %dma_start3A_70 = tpu.memref_slice %arg12[%multiple_of3A_54, %dma_start3A_69] : memref<10000x64xf32, #tpu.memory_space<vmem_shared>> -> memref<128x64xf32, #tpu.memory_space<vmem_shared>>
        %dma_start3A_71 = arith.constant 0 : i32
        %dma_start3A_72 = tpu.memref_slice %arg12[%multiple_of3A_54, %dma_start3A_71] : memref<10000x64xf32, #tpu.memory_space<vmem_shared>> -> memref<128x64xf32, #tpu.memory_space<vmem_shared>>
        %dma_start3A_73 = arith.constant 0 : i32
        %dma_start3A_74 = arith.constant 0 : i32
        %dma_start3A_75 = tpu.memref_slice %arg10[%dma_start3A_73, %dma_start3A_74] : memref<128x64xf32, #tpu.memory_space<vmem>> -> memref<128x64xf32, #tpu.memory_space<vmem>>
        tpu.enqueue_dma source(%dma_start3A_75 : memref<128x64xf32, #tpu.memory_space<vmem>>) target(%dma_start3A_72 : memref<128x64xf32, #tpu.memory_space<vmem_shared>>) target_semaphore(%run_scoped3A : memref<!tpu.dma_semaphore, #tpu.memory_space<semaphore_mem>>)
        %dma_wait3A = arith.constant 0 : i32
        %dma_wait3A_76 = arith.constant 0 : i32
        %dma_wait3A_77 = tpu.memref_slice %arg10[%dma_wait3A, %dma_wait3A_76] : memref<128x64xf32, #tpu.memory_space<vmem>> -> memref<128x64xf32, #tpu.memory_space<vmem>>
        %dma_wait3A_78 = arith.constant 0 : i32
        %dma_wait3A_79 = tpu.memref_slice %arg12[%multiple_of3A_54, %dma_wait3A_78] : memref<10000x64xf32, #tpu.memory_space<vmem_shared>> -> memref<128x64xf32, #tpu.memory_space<vmem_shared>>
        %dma_wait3A_80 = arith.constant 0 : i32
        %dma_wait3A_81 = tpu.memref_slice %arg12[%multiple_of3A_54, %dma_wait3A_80] : memref<10000x64xf32, #tpu.memory_space<vmem_shared>> -> memref<128x64xf32, #tpu.memory_space<vmem_shared>>
        %dma_wait3A_82 = arith.constant 0 : i32
        %dma_wait3A_83 = arith.constant 0 : i32
        %dma_wait3A_84 = tpu.memref_slice %arg10[%dma_wait3A_82, %dma_wait3A_83] : memref<128x64xf32, #tpu.memory_space<vmem>> -> memref<128x64xf32, #tpu.memory_space<vmem>>
        tpu.wait_dma2 semaphore(%run_scoped3A : memref<!tpu.dma_semaphore, #tpu.memory_space<semaphore_mem>>) src(%dma_wait3A_84 : memref<128x64xf32, #tpu.memory_space<vmem>>) dst(%dma_wait3A_81 : memref<128x64xf32, #tpu.memory_space<vmem_shared>>)
        tpu.yield
      }) : () -> ()
      %add3A_55 = arith.constant 128 : i32
      %add3A_56 = arith.addi %multiple_of3A_17, %add3A_55 : i32
      %multiple_of3A_57 = tpu.assume_multiple %add3A_56, 8 : i32
      "tpu.region"() ({
        %run_scoped3A = tpu.sem_alloc : memref<!tpu.dma_semaphore, #tpu.memory_space<semaphore_mem>>
        %dma_start3A = arith.constant 0 : i32
        %dma_start3A_67 = arith.constant 0 : i32
        %dma_start3A_68 = tpu.memref_slice %arg10[%dma_start3A, %dma_start3A_67] : memref<128x64xf32, #tpu.memory_space<vmem>> -> memref<128x64xf32, #tpu.memory_space<vmem>>
        %dma_start3A_69 = arith.constant 0 : i32
        %dma_start3A_70 = tpu.memref_slice %arg12[%multiple_of3A_57, %dma_start3A_69] : memref<10000x64xf32, #tpu.memory_space<vmem_shared>> -> memref<128x64xf32, #tpu.memory_space<vmem_shared>>
        %dma_start3A_71 = arith.constant 0 : i32
        %dma_start3A_72 = tpu.memref_slice %arg12[%multiple_of3A_57, %dma_start3A_71] : memref<10000x64xf32, #tpu.memory_space<vmem_shared>> -> memref<128x64xf32, #tpu.memory_space<vmem_shared>>
        %dma_start3A_73 = arith.constant 0 : i32
        %dma_start3A_74 = arith.constant 0 : i32
        %dma_start3A_75 = tpu.memref_slice %arg10[%dma_start3A_73, %dma_start3A_74] : memref<128x64xf32, #tpu.memory_space<vmem>> -> memref<128x64xf32, #tpu.memory_space<vmem>>
        tpu.enqueue_dma source(%dma_start3A_75 : memref<128x64xf32, #tpu.memory_space<vmem>>) target(%dma_start3A_72 : memref<128x64xf32, #tpu.memory_space<vmem_shared>>) target_semaphore(%run_scoped3A : memref<!tpu.dma_semaphore, #tpu.memory_space<semaphore_mem>>)
        %dma_wait3A = arith.constant 0 : i32
        %dma_wait3A_76 = arith.constant 0 : i32
        %dma_wait3A_77 = tpu.memref_slice %arg10[%dma_wait3A, %dma_wait3A_76] : memref<128x64xf32, #tpu.memory_space<vmem>> -> memref<128x64xf32, #tpu.memory_space<vmem>>
        %dma_wait3A_78 = arith.constant 0 : i32
        %dma_wait3A_79 = tpu.memref_slice %arg12[%multiple_of3A_57, %dma_wait3A_78] : memref<10000x64xf32, #tpu.memory_space<vmem_shared>> -> memref<128x64xf32, #tpu.memory_space<vmem_shared>>
        %dma_wait3A_80 = arith.constant 0 : i32
        %dma_wait3A_81 = tpu.memref_slice %arg12[%multiple_of3A_57, %dma_wait3A_80] : memref<10000x64xf32, #tpu.memory_space<vmem_shared>> -> memref<128x64xf32, #tpu.memory_space<vmem_shared>>
        %dma_wait3A_82 = arith.constant 0 : i32
        %dma_wait3A_83 = arith.constant 0 : i32
        %dma_wait3A_84 = tpu.memref_slice %arg10[%dma_wait3A_82, %dma_wait3A_83] : memref<128x64xf32, #tpu.memory_space<vmem>> -> memref<128x64xf32, #tpu.memory_space<vmem>>
        tpu.wait_dma2 semaphore(%run_scoped3A : memref<!tpu.dma_semaphore, #tpu.memory_space<semaphore_mem>>) src(%dma_wait3A_84 : memref<128x64xf32, #tpu.memory_space<vmem>>) dst(%dma_wait3A_81 : memref<128x64xf32, #tpu.memory_space<vmem_shared>>)
        tpu.yield
      }) : () -> ()
      %add3A_58 = arith.constant 256 : i32
      %add3A_59 = arith.addi %multiple_of3A_17, %add3A_58 : i32
      %multiple_of3A_60 = tpu.assume_multiple %add3A_59, 8 : i32
      "tpu.region"() ({
        %run_scoped3A = tpu.sem_alloc : memref<!tpu.dma_semaphore, #tpu.memory_space<semaphore_mem>>
        %dma_start3A = arith.constant 0 : i32
        %dma_start3A_67 = arith.constant 0 : i32
        %dma_start3A_68 = tpu.memref_slice %arg10[%dma_start3A, %dma_start3A_67] : memref<128x64xf32, #tpu.memory_space<vmem>> -> memref<128x64xf32, #tpu.memory_space<vmem>>
        %dma_start3A_69 = arith.constant 0 : i32
        %dma_start3A_70 = tpu.memref_slice %arg12[%multiple_of3A_60, %dma_start3A_69] : memref<10000x64xf32, #tpu.memory_space<vmem_shared>> -> memref<128x64xf32, #tpu.memory_space<vmem_shared>>
        %dma_start3A_71 = arith.constant 0 : i32
        %dma_start3A_72 = tpu.memref_slice %arg12[%multiple_of3A_60, %dma_start3A_71] : memref<10000x64xf32, #tpu.memory_space<vmem_shared>> -> memref<128x64xf32, #tpu.memory_space<vmem_shared>>
        %dma_start3A_73 = arith.constant 0 : i32
        %dma_start3A_74 = arith.constant 0 : i32
        %dma_start3A_75 = tpu.memref_slice %arg10[%dma_start3A_73, %dma_start3A_74] : memref<128x64xf32, #tpu.memory_space<vmem>> -> memref<128x64xf32, #tpu.memory_space<vmem>>
        tpu.enqueue_dma source(%dma_start3A_75 : memref<128x64xf32, #tpu.memory_space<vmem>>) target(%dma_start3A_72 : memref<128x64xf32, #tpu.memory_space<vmem_shared>>) target_semaphore(%run_scoped3A : memref<!tpu.dma_semaphore, #tpu.memory_space<semaphore_mem>>)
        %dma_wait3A = arith.constant 0 : i32
        %dma_wait3A_76 = arith.constant 0 : i32
        %dma_wait3A_77 = tpu.memref_slice %arg10[%dma_wait3A, %dma_wait3A_76] : memref<128x64xf32, #tpu.memory_space<vmem>> -> memref<128x64xf32, #tpu.memory_space<vmem>>
        %dma_wait3A_78 = arith.constant 0 : i32
        %dma_wait3A_79 = tpu.memref_slice %arg12[%multiple_of3A_60, %dma_wait3A_78] : memref<10000x64xf32, #tpu.memory_space<vmem_shared>> -> memref<128x64xf32, #tpu.memory_space<vmem_shared>>
        %dma_wait3A_80 = arith.constant 0 : i32
        %dma_wait3A_81 = tpu.memref_slice %arg12[%multiple_of3A_60, %dma_wait3A_80] : memref<10000x64xf32, #tpu.memory_space<vmem_shared>> -> memref<128x64xf32, #tpu.memory_space<vmem_shared>>
        %dma_wait3A_82 = arith.constant 0 : i32
        %dma_wait3A_83 = arith.constant 0 : i32
        %dma_wait3A_84 = tpu.memref_slice %arg10[%dma_wait3A_82, %dma_wait3A_83] : memref<128x64xf32, #tpu.memory_space<vmem>> -> memref<128x64xf32, #tpu.memory_space<vmem>>
        tpu.wait_dma2 semaphore(%run_scoped3A : memref<!tpu.dma_semaphore, #tpu.memory_space<semaphore_mem>>) src(%dma_wait3A_84 : memref<128x64xf32, #tpu.memory_space<vmem>>) dst(%dma_wait3A_81 : memref<128x64xf32, #tpu.memory_space<vmem_shared>>)
        tpu.yield
      }) : () -> ()
      %add3A_61 = arith.constant 384 : i32
      %add3A_62 = arith.addi %multiple_of3A_17, %add3A_61 : i32
      %multiple_of3A_63 = tpu.assume_multiple %add3A_62, 8 : i32
      "tpu.region"() ({
        %run_scoped3A = tpu.sem_alloc : memref<!tpu.dma_semaphore, #tpu.memory_space<semaphore_mem>>
        %dma_start3A = arith.constant 0 : i32
        %dma_start3A_67 = arith.constant 0 : i32
        %dma_start3A_68 = tpu.memref_slice %arg10[%dma_start3A, %dma_start3A_67] : memref<128x64xf32, #tpu.memory_space<vmem>> -> memref<128x64xf32, #tpu.memory_space<vmem>>
        %dma_start3A_69 = arith.constant 0 : i32
        %dma_start3A_70 = tpu.memref_slice %arg12[%multiple_of3A_63, %dma_start3A_69] : memref<10000x64xf32, #tpu.memory_space<vmem_shared>> -> memref<128x64xf32, #tpu.memory_space<vmem_shared>>
        %dma_start3A_71 = arith.constant 0 : i32
        %dma_start3A_72 = tpu.memref_slice %arg12[%multiple_of3A_63, %dma_start3A_71] : memref<10000x64xf32, #tpu.memory_space<vmem_shared>> -> memref<128x64xf32, #tpu.memory_space<vmem_shared>>
        %dma_start3A_73 = arith.constant 0 : i32
        %dma_start3A_74 = arith.constant 0 : i32
        %dma_start3A_75 = tpu.memref_slice %arg10[%dma_start3A_73, %dma_start3A_74] : memref<128x64xf32, #tpu.memory_space<vmem>> -> memref<128x64xf32, #tpu.memory_space<vmem>>
        tpu.enqueue_dma source(%dma_start3A_75 : memref<128x64xf32, #tpu.memory_space<vmem>>) target(%dma_start3A_72 : memref<128x64xf32, #tpu.memory_space<vmem_shared>>) target_semaphore(%run_scoped3A : memref<!tpu.dma_semaphore, #tpu.memory_space<semaphore_mem>>)
        %dma_wait3A = arith.constant 0 : i32
        %dma_wait3A_76 = arith.constant 0 : i32
        %dma_wait3A_77 = tpu.memref_slice %arg10[%dma_wait3A, %dma_wait3A_76] : memref<128x64xf32, #tpu.memory_space<vmem>> -> memref<128x64xf32, #tpu.memory_space<vmem>>
        %dma_wait3A_78 = arith.constant 0 : i32
        %dma_wait3A_79 = tpu.memref_slice %arg12[%multiple_of3A_63, %dma_wait3A_78] : memref<10000x64xf32, #tpu.memory_space<vmem_shared>> -> memref<128x64xf32, #tpu.memory_space<vmem_shared>>
        %dma_wait3A_80 = arith.constant 0 : i32
        %dma_wait3A_81 = tpu.memref_slice %arg12[%multiple_of3A_63, %dma_wait3A_80] : memref<10000x64xf32, #tpu.memory_space<vmem_shared>> -> memref<128x64xf32, #tpu.memory_space<vmem_shared>>
        %dma_wait3A_82 = arith.constant 0 : i32
        %dma_wait3A_83 = arith.constant 0 : i32
        %dma_wait3A_84 = tpu.memref_slice %arg10[%dma_wait3A_82, %dma_wait3A_83] : memref<128x64xf32, #tpu.memory_space<vmem>> -> memref<128x64xf32, #tpu.memory_space<vmem>>
        tpu.wait_dma2 semaphore(%run_scoped3A : memref<!tpu.dma_semaphore, #tpu.memory_space<semaphore_mem>>) src(%dma_wait3A_84 : memref<128x64xf32, #tpu.memory_space<vmem>>) dst(%dma_wait3A_81 : memref<128x64xf32, #tpu.memory_space<vmem_shared>>)
        tpu.yield
      }) : () -> ()
      %add3A_64 = arith.constant 512 : i32
      %add3A_65 = arith.addi %multiple_of3A_17, %add3A_64 : i32
      %multiple_of3A_66 = tpu.assume_multiple %add3A_65, 8 : i32
      "tpu.region"() ({
        %run_scoped3A = tpu.sem_alloc : memref<!tpu.dma_semaphore, #tpu.memory_space<semaphore_mem>>
        %dma_start3A = arith.constant 0 : i32
        %dma_start3A_67 = arith.constant 0 : i32
        %dma_start3A_68 = tpu.memref_slice %arg10[%dma_start3A, %dma_start3A_67] : memref<128x64xf32, #tpu.memory_space<vmem>> -> memref<112x64xf32, #tpu.memory_space<vmem>>
        %dma_start3A_69 = arith.constant 0 : i32
        %dma_start3A_70 = tpu.memref_slice %arg12[%multiple_of3A_66, %dma_start3A_69] : memref<10000x64xf32, #tpu.memory_space<vmem_shared>> -> memref<112x64xf32, #tpu.memory_space<vmem_shared>>
        %dma_start3A_71 = arith.constant 0 : i32
        %dma_start3A_72 = tpu.memref_slice %arg12[%multiple_of3A_66, %dma_start3A_71] : memref<10000x64xf32, #tpu.memory_space<vmem_shared>> -> memref<112x64xf32, #tpu.memory_space<vmem_shared>>
        %dma_start3A_73 = arith.constant 0 : i32
        %dma_start3A_74 = arith.constant 0 : i32
        %dma_start3A_75 = tpu.memref_slice %arg10[%dma_start3A_73, %dma_start3A_74] : memref<128x64xf32, #tpu.memory_space<vmem>> -> memref<112x64xf32, #tpu.memory_space<vmem>>
        tpu.enqueue_dma source(%dma_start3A_75 : memref<112x64xf32, #tpu.memory_space<vmem>>) target(%dma_start3A_72 : memref<112x64xf32, #tpu.memory_space<vmem_shared>>) target_semaphore(%run_scoped3A : memref<!tpu.dma_semaphore, #tpu.memory_space<semaphore_mem>>)
        %dma_wait3A = arith.constant 0 : i32
        %dma_wait3A_76 = arith.constant 0 : i32
        %dma_wait3A_77 = tpu.memref_slice %arg10[%dma_wait3A, %dma_wait3A_76] : memref<128x64xf32, #tpu.memory_space<vmem>> -> memref<112x64xf32, #tpu.memory_space<vmem>>
        %dma_wait3A_78 = arith.constant 0 : i32
        %dma_wait3A_79 = tpu.memref_slice %arg12[%multiple_of3A_66, %dma_wait3A_78] : memref<10000x64xf32, #tpu.memory_space<vmem_shared>> -> memref<112x64xf32, #tpu.memory_space<vmem_shared>>
        %dma_wait3A_80 = arith.constant 0 : i32
        %dma_wait3A_81 = tpu.memref_slice %arg12[%multiple_of3A_66, %dma_wait3A_80] : memref<10000x64xf32, #tpu.memory_space<vmem_shared>> -> memref<112x64xf32, #tpu.memory_space<vmem_shared>>
        %dma_wait3A_82 = arith.constant 0 : i32
        %dma_wait3A_83 = arith.constant 0 : i32
        %dma_wait3A_84 = tpu.memref_slice %arg10[%dma_wait3A_82, %dma_wait3A_83] : memref<128x64xf32, #tpu.memory_space<vmem>> -> memref<112x64xf32, #tpu.memory_space<vmem>>
        tpu.wait_dma2 semaphore(%run_scoped3A : memref<!tpu.dma_semaphore, #tpu.memory_space<semaphore_mem>>) src(%dma_wait3A_84 : memref<112x64xf32, #tpu.memory_space<vmem>>) dst(%dma_wait3A_81 : memref<112x64xf32, #tpu.memory_space<vmem_shared>>)
        tpu.yield
      }) : () -> ()
    } else {
    }
    %eq3A_23 = arith.constant 15 : i32
    %eq3A_24 = arith.cmpi eq, %arg1, %eq3A_23 : i32
    %convert_element_type3A_25 = arith.extui %eq3A_24 : i1 to i32
    %cond3A_26 = arith.constant 0 : i32
    %cond3A_27 = arith.cmpi ne, %convert_element_type3A_25, %cond3A_26 : i32
    scf.if %cond3A_27 {
      %add3A_52 = arith.constant 0 : i32
      %add3A_53 = arith.addi %multiple_of3A_17, %add3A_52 : i32
      %multiple_of3A_54 = tpu.assume_multiple %add3A_53, 8 : i32
      "tpu.region"() ({
        %run_scoped3A = tpu.sem_alloc : memref<!tpu.dma_semaphore, #tpu.memory_space<semaphore_mem>>
        %dma_start3A = arith.constant 0 : i32
        %dma_start3A_67 = tpu.memref_slice %arg12[%multiple_of3A_54, %dma_start3A] : memref<10000x64xf32, #tpu.memory_space<vmem_shared>> -> memref<128x64xf32, #tpu.memory_space<vmem_shared>>
        %dma_start3A_68 = arith.constant 0 : i32
        %dma_start3A_69 = tpu.memref_slice %arg12[%multiple_of3A_54, %dma_start3A_68] : memref<10000x64xf32, #tpu.memory_space<vmem_shared>> -> memref<128x64xf32, #tpu.memory_space<vmem_shared>>
        tpu.enqueue_dma source(%arg10 : memref<128x64xf32, #tpu.memory_space<vmem>>) target(%dma_start3A_69 : memref<128x64xf32, #tpu.memory_space<vmem_shared>>) target_semaphore(%run_scoped3A : memref<!tpu.dma_semaphore, #tpu.memory_space<semaphore_mem>>)
        %dma_wait3A = arith.constant 0 : i32
        %dma_wait3A_70 = tpu.memref_slice %arg12[%multiple_of3A_54, %dma_wait3A] : memref<10000x64xf32, #tpu.memory_space<vmem_shared>> -> memref<128x64xf32, #tpu.memory_space<vmem_shared>>
        %dma_wait3A_71 = arith.constant 0 : i32
        %dma_wait3A_72 = tpu.memref_slice %arg12[%multiple_of3A_54, %dma_wait3A_71] : memref<10000x64xf32, #tpu.memory_space<vmem_shared>> -> memref<128x64xf32, #tpu.memory_space<vmem_shared>>
        tpu.wait_dma2 semaphore(%run_scoped3A : memref<!tpu.dma_semaphore, #tpu.memory_space<semaphore_mem>>) src(%arg10 : memref<128x64xf32, #tpu.memory_space<vmem>>) dst(%dma_wait3A_72 : memref<128x64xf32, #tpu.memory_space<vmem_shared>>)
        tpu.yield
      }) : () -> ()
      %add3A_55 = arith.constant 128 : i32
      %add3A_56 = arith.addi %multiple_of3A_17, %add3A_55 : i32
      %multiple_of3A_57 = tpu.assume_multiple %add3A_56, 8 : i32
      "tpu.region"() ({
        %run_scoped3A = tpu.sem_alloc : memref<!tpu.dma_semaphore, #tpu.memory_space<semaphore_mem>>
        %dma_start3A = arith.constant 0 : i32
        %dma_start3A_67 = tpu.memref_slice %arg12[%multiple_of3A_57, %dma_start3A] : memref<10000x64xf32, #tpu.memory_space<vmem_shared>> -> memref<128x64xf32, #tpu.memory_space<vmem_shared>>
        %dma_start3A_68 = arith.constant 0 : i32
        %dma_start3A_69 = tpu.memref_slice %arg12[%multiple_of3A_57, %dma_start3A_68] : memref<10000x64xf32, #tpu.memory_space<vmem_shared>> -> memref<128x64xf32, #tpu.memory_space<vmem_shared>>
        tpu.enqueue_dma source(%arg10 : memref<128x64xf32, #tpu.memory_space<vmem>>) target(%dma_start3A_69 : memref<128x64xf32, #tpu.memory_space<vmem_shared>>) target_semaphore(%run_scoped3A : memref<!tpu.dma_semaphore, #tpu.memory_space<semaphore_mem>>)
        %dma_wait3A = arith.constant 0 : i32
        %dma_wait3A_70 = tpu.memref_slice %arg12[%multiple_of3A_57, %dma_wait3A] : memref<10000x64xf32, #tpu.memory_space<vmem_shared>> -> memref<128x64xf32, #tpu.memory_space<vmem_shared>>
        %dma_wait3A_71 = arith.constant 0 : i32
        %dma_wait3A_72 = tpu.memref_slice %arg12[%multiple_of3A_57, %dma_wait3A_71] : memref<10000x64xf32, #tpu.memory_space<vmem_shared>> -> memref<128x64xf32, #tpu.memory_space<vmem_shared>>
        tpu.wait_dma2 semaphore(%run_scoped3A : memref<!tpu.dma_semaphore, #tpu.memory_space<semaphore_mem>>) src(%arg10 : memref<128x64xf32, #tpu.memory_space<vmem>>) dst(%dma_wait3A_72 : memref<128x64xf32, #tpu.memory_space<vmem_shared>>)
        tpu.yield
      }) : () -> ()
      %add3A_58 = arith.constant 256 : i32
      %add3A_59 = arith.addi %multiple_of3A_17, %add3A_58 : i32
      %multiple_of3A_60 = tpu.assume_multiple %add3A_59, 8 : i32
      "tpu.region"() ({
        %run_scoped3A = tpu.sem_alloc : memref<!tpu.dma_semaphore, #tpu.memory_space<semaphore_mem>>
        %dma_start3A = arith.constant 0 : i32
        %dma_start3A_67 = tpu.memref_slice %arg12[%multiple_of3A_60, %dma_start3A] : memref<10000x64xf32, #tpu.memory_space<vmem_shared>> -> memref<128x64xf32, #tpu.memory_space<vmem_shared>>
        %dma_start3A_68 = arith.constant 0 : i32
        %dma_start3A_69 = tpu.memref_slice %arg12[%multiple_of3A_60, %dma_start3A_68] : memref<10000x64xf32, #tpu.memory_space<vmem_shared>> -> memref<128x64xf32, #tpu.memory_space<vmem_shared>>
        tpu.enqueue_dma source(%arg10 : memref<128x64xf32, #tpu.memory_space<vmem>>) target(%dma_start3A_69 : memref<128x64xf32, #tpu.memory_space<vmem_shared>>) target_semaphore(%run_scoped3A : memref<!tpu.dma_semaphore, #tpu.memory_space<semaphore_mem>>)
        %dma_wait3A = arith.constant 0 : i32
        %dma_wait3A_70 = tpu.memref_slice %arg12[%multiple_of3A_60, %dma_wait3A] : memref<10000x64xf32, #tpu.memory_space<vmem_shared>> -> memref<128x64xf32, #tpu.memory_space<vmem_shared>>
        %dma_wait3A_71 = arith.constant 0 : i32
        %dma_wait3A_72 = tpu.memref_slice %arg12[%multiple_of3A_60, %dma_wait3A_71] : memref<10000x64xf32, #tpu.memory_space<vmem_shared>> -> memref<128x64xf32, #tpu.memory_space<vmem_shared>>
        tpu.wait_dma2 semaphore(%run_scoped3A : memref<!tpu.dma_semaphore, #tpu.memory_space<semaphore_mem>>) src(%arg10 : memref<128x64xf32, #tpu.memory_space<vmem>>) dst(%dma_wait3A_72 : memref<128x64xf32, #tpu.memory_space<vmem_shared>>)
        tpu.yield
      }) : () -> ()
      %add3A_61 = arith.constant 384 : i32
      %add3A_62 = arith.addi %multiple_of3A_17, %add3A_61 : i32
      %multiple_of3A_63 = tpu.assume_multiple %add3A_62, 8 : i32
      "tpu.region"() ({
        %run_scoped3A = tpu.sem_alloc : memref<!tpu.dma_semaphore, #tpu.memory_space<semaphore_mem>>
        %dma_start3A = arith.constant 0 : i32
        %dma_start3A_67 = tpu.memref_slice %arg12[%multiple_of3A_63, %dma_start3A] : memref<10000x64xf32, #tpu.memory_space<vmem_shared>> -> memref<128x64xf32, #tpu.memory_space<vmem_shared>>
        %dma_start3A_68 = arith.constant 0 : i32
        %dma_start3A_69 = tpu.memref_slice %arg12[%multiple_of3A_63, %dma_start3A_68] : memref<10000x64xf32, #tpu.memory_space<vmem_shared>> -> memref<128x64xf32, #tpu.memory_space<vmem_shared>>
        tpu.enqueue_dma source(%arg10 : memref<128x64xf32, #tpu.memory_space<vmem>>) target(%dma_start3A_69 : memref<128x64xf32, #tpu.memory_space<vmem_shared>>) target_semaphore(%run_scoped3A : memref<!tpu.dma_semaphore, #tpu.memory_space<semaphore_mem>>)
        %dma_wait3A = arith.constant 0 : i32
        %dma_wait3A_70 = tpu.memref_slice %arg12[%multiple_of3A_63, %dma_wait3A] : memref<10000x64xf32, #tpu.memory_space<vmem_shared>> -> memref<128x64xf32, #tpu.memory_space<vmem_shared>>
        %dma_wait3A_71 = arith.constant 0 : i32
        %dma_wait3A_72 = tpu.memref_slice %arg12[%multiple_of3A_63, %dma_wait3A_71] : memref<10000x64xf32, #tpu.memory_space<vmem_shared>> -> memref<128x64xf32, #tpu.memory_space<vmem_shared>>
        tpu.wait_dma2 semaphore(%run_scoped3A : memref<!tpu.dma_semaphore, #tpu.memory_space<semaphore_mem>>) src(%arg10 : memref<128x64xf32, #tpu.memory_space<vmem>>) dst(%dma_wait3A_72 : memref<128x64xf32, #tpu.memory_space<vmem_shared>>)
        tpu.yield
      }) : () -> ()
      %add3A_64 = arith.constant 512 : i32
      %add3A_65 = arith.addi %multiple_of3A_17, %add3A_64 : i32
      %multiple_of3A_66 = tpu.assume_multiple %add3A_65, 8 : i32
      "tpu.region"() ({
        %run_scoped3A = tpu.sem_alloc : memref<!tpu.dma_semaphore, #tpu.memory_space<semaphore_mem>>
        %dma_start3A = arith.constant 0 : i32
        %dma_start3A_67 = tpu.memref_slice %arg12[%multiple_of3A_66, %dma_start3A] : memref<10000x64xf32, #tpu.memory_space<vmem_shared>> -> memref<128x64xf32, #tpu.memory_space<vmem_shared>>
        %dma_start3A_68 = arith.constant 0 : i32
        %dma_start3A_69 = tpu.memref_slice %arg12[%multiple_of3A_66, %dma_start3A_68] : memref<10000x64xf32, #tpu.memory_space<vmem_shared>> -> memref<128x64xf32, #tpu.memory_space<vmem_shared>>
        tpu.enqueue_dma source(%arg10 : memref<128x64xf32, #tpu.memory_space<vmem>>) target(%dma_start3A_69 : memref<128x64xf32, #tpu.memory_space<vmem_shared>>) target_semaphore(%run_scoped3A : memref<!tpu.dma_semaphore, #tpu.memory_space<semaphore_mem>>)
        %dma_wait3A = arith.constant 0 : i32
        %dma_wait3A_70 = tpu.memref_slice %arg12[%multiple_of3A_66, %dma_wait3A] : memref<10000x64xf32, #tpu.memory_space<vmem_shared>> -> memref<128x64xf32, #tpu.memory_space<vmem_shared>>
        %dma_wait3A_71 = arith.constant 0 : i32
        %dma_wait3A_72 = tpu.memref_slice %arg12[%multiple_of3A_66, %dma_wait3A_71] : memref<10000x64xf32, #tpu.memory_space<vmem_shared>> -> memref<128x64xf32, #tpu.memory_space<vmem_shared>>
        tpu.wait_dma2 semaphore(%run_scoped3A : memref<!tpu.dma_semaphore, #tpu.memory_space<semaphore_mem>>) src(%arg10 : memref<128x64xf32, #tpu.memory_space<vmem>>) dst(%dma_wait3A_72 : memref<128x64xf32, #tpu.memory_space<vmem_shared>>)
        tpu.yield
      }) : () -> ()
    } else {
    }
    %barrier3A = arith.constant 0 : index
    tpu.barrier barrier_id(%barrier3A)
    %eq3A_28 = arith.constant 0 : i32
    %eq3A_29 = arith.cmpi eq, %arg0, %eq3A_28 : i32
    %convert_element_type3A_30 = arith.extui %eq3A_29 : i1 to i32
    %cond3A_31 = arith.constant 0 : i32
    %cond3A_32 = arith.cmpi ne, %convert_element_type3A_30, %cond3A_31 : i32
    scf.if %cond3A_32 {
      %mul3A_52 = arith.constant 88 : i32
      %mul3A_53 = arith.muli %arg1, %mul3A_52 : i32
      %multiple_of3A_54 = tpu.assume_multiple %mul3A_53, 8 : i32
      "tpu.region"() ({
        %run_scoped3A = tpu.sem_alloc : memref<!tpu.dma_semaphore, #tpu.memory_space<semaphore_mem>>
        %dma_start3A_74 = arith.constant 0 : i32
        %dma_start3A_75 = arith.constant 0 : i32
        %dma_start3A_76 = tpu.memref_slice %arg7[%dma_start3A_74, %dma_start3A_75] : memref<88x128xi32, #tpu.memory_space<vmem>> -> memref<88x128xi32, #tpu.memory_space<vmem>>
        %dma_start3A_77 = arith.constant 0 : i32
        %dma_start3A_78 = tpu.memref_slice %arg2[%multiple_of3A_54, %dma_start3A_77] : memref<2560x128xi32, #tpu.memory_space<hbm>> -> memref<88x128xi32, #tpu.memory_space<hbm>>
        %dma_start3A_79 = arith.constant 0 : i32
        %dma_start3A_80 = arith.constant 0 : i32
        %dma_start3A_81 = tpu.memref_slice %arg7[%dma_start3A_79, %dma_start3A_80] : memref<88x128xi32, #tpu.memory_space<vmem>> -> memref<88x128xi32, #tpu.memory_space<vmem>>
        %dma_start3A_82 = arith.constant 0 : i32
        %dma_start3A_83 = tpu.memref_slice %arg2[%multiple_of3A_54, %dma_start3A_82] : memref<2560x128xi32, #tpu.memory_space<hbm>> -> memref<88x128xi32, #tpu.memory_space<hbm>>
        tpu.enqueue_dma source(%dma_start3A_83 : memref<88x128xi32, #tpu.memory_space<hbm>>) target(%dma_start3A_81 : memref<88x128xi32, #tpu.memory_space<vmem>>) target_semaphore(%run_scoped3A : memref<!tpu.dma_semaphore, #tpu.memory_space<semaphore_mem>>)
        %dma_wait3A_84 = arith.constant 0 : i32
        %dma_wait3A_85 = arith.constant 0 : i32
        %dma_wait3A_86 = tpu.memref_slice %arg7[%dma_wait3A_84, %dma_wait3A_85] : memref<88x128xi32, #tpu.memory_space<vmem>> -> memref<88x128xi32, #tpu.memory_space<vmem>>
        %dma_wait3A_87 = arith.constant 0 : i32
        %dma_wait3A_88 = tpu.memref_slice %arg2[%multiple_of3A_54, %dma_wait3A_87] : memref<2560x128xi32, #tpu.memory_space<hbm>> -> memref<88x128xi32, #tpu.memory_space<hbm>>
        %dma_wait3A_89 = arith.constant 0 : i32
        %dma_wait3A_90 = arith.constant 0 : i32
        %dma_wait3A_91 = tpu.memref_slice %arg7[%dma_wait3A_89, %dma_wait3A_90] : memref<88x128xi32, #tpu.memory_space<vmem>> -> memref<88x128xi32, #tpu.memory_space<vmem>>
        %dma_wait3A_92 = arith.constant 0 : i32
        %dma_wait3A_93 = tpu.memref_slice %arg2[%multiple_of3A_54, %dma_wait3A_92] : memref<2560x128xi32, #tpu.memory_space<hbm>> -> memref<88x128xi32, #tpu.memory_space<hbm>>
        tpu.wait_dma2 semaphore(%run_scoped3A : memref<!tpu.dma_semaphore, #tpu.memory_space<semaphore_mem>>) src(%dma_wait3A_93 : memref<88x128xi32, #tpu.memory_space<hbm>>) dst(%dma_wait3A_91 : memref<88x128xi32, #tpu.memory_space<vmem>>)
        tpu.yield
      }) : () -> ()
      "tpu.region"() ({
        %run_scoped3A = tpu.sem_alloc : memref<!tpu.dma_semaphore, #tpu.memory_space<semaphore_mem>>
        %dma_start3A_74 = arith.constant 0 : i32
        %dma_start3A_75 = arith.constant 0 : i32
        %dma_start3A_76 = tpu.memref_slice %arg8[%dma_start3A_74, %dma_start3A_75] : memref<88x128xi32, #tpu.memory_space<vmem>> -> memref<88x128xi32, #tpu.memory_space<vmem>>
        %dma_start3A_77 = arith.constant 0 : i32
        %dma_start3A_78 = tpu.memref_slice %arg3[%multiple_of3A_54, %dma_start3A_77] : memref<2560x128xi32, #tpu.memory_space<hbm>> -> memref<88x128xi32, #tpu.memory_space<hbm>>
        %dma_start3A_79 = arith.constant 0 : i32
        %dma_start3A_80 = arith.constant 0 : i32
        %dma_start3A_81 = tpu.memref_slice %arg8[%dma_start3A_79, %dma_start3A_80] : memref<88x128xi32, #tpu.memory_space<vmem>> -> memref<88x128xi32, #tpu.memory_space<vmem>>
        %dma_start3A_82 = arith.constant 0 : i32
        %dma_start3A_83 = tpu.memref_slice %arg3[%multiple_of3A_54, %dma_start3A_82] : memref<2560x128xi32, #tpu.memory_space<hbm>> -> memref<88x128xi32, #tpu.memory_space<hbm>>
        tpu.enqueue_dma source(%dma_start3A_83 : memref<88x128xi32, #tpu.memory_space<hbm>>) target(%dma_start3A_81 : memref<88x128xi32, #tpu.memory_space<vmem>>) target_semaphore(%run_scoped3A : memref<!tpu.dma_semaphore, #tpu.memory_space<semaphore_mem>>)
        %dma_wait3A_84 = arith.constant 0 : i32
        %dma_wait3A_85 = arith.constant 0 : i32
        %dma_wait3A_86 = tpu.memref_slice %arg8[%dma_wait3A_84, %dma_wait3A_85] : memref<88x128xi32, #tpu.memory_space<vmem>> -> memref<88x128xi32, #tpu.memory_space<vmem>>
        %dma_wait3A_87 = arith.constant 0 : i32
        %dma_wait3A_88 = tpu.memref_slice %arg3[%multiple_of3A_54, %dma_wait3A_87] : memref<2560x128xi32, #tpu.memory_space<hbm>> -> memref<88x128xi32, #tpu.memory_space<hbm>>
        %dma_wait3A_89 = arith.constant 0 : i32
        %dma_wait3A_90 = arith.constant 0 : i32
        %dma_wait3A_91 = tpu.memref_slice %arg8[%dma_wait3A_89, %dma_wait3A_90] : memref<88x128xi32, #tpu.memory_space<vmem>> -> memref<88x128xi32, #tpu.memory_space<vmem>>
        %dma_wait3A_92 = arith.constant 0 : i32
        %dma_wait3A_93 = tpu.memref_slice %arg3[%multiple_of3A_54, %dma_wait3A_92] : memref<2560x128xi32, #tpu.memory_space<hbm>> -> memref<88x128xi32, #tpu.memory_space<hbm>>
        tpu.wait_dma2 semaphore(%run_scoped3A : memref<!tpu.dma_semaphore, #tpu.memory_space<semaphore_mem>>) src(%dma_wait3A_93 : memref<88x128xi32, #tpu.memory_space<hbm>>) dst(%dma_wait3A_91 : memref<88x128xi32, #tpu.memory_space<vmem>>)
        tpu.yield
      }) : () -> ()
      "tpu.region"() ({
        %run_scoped3A = tpu.sem_alloc : memref<!tpu.dma_semaphore, #tpu.memory_space<semaphore_mem>>
        %dma_start3A_74 = arith.constant 0 : i32
        %dma_start3A_75 = arith.constant 0 : i32
        %dma_start3A_76 = tpu.memref_slice %arg9[%dma_start3A_74, %dma_start3A_75] : memref<88x128xf32, #tpu.memory_space<vmem>> -> memref<88x128xf32, #tpu.memory_space<vmem>>
        %dma_start3A_77 = arith.constant 0 : i32
        %dma_start3A_78 = tpu.memref_slice %arg4[%multiple_of3A_54, %dma_start3A_77] : memref<2560x128xf32, #tpu.memory_space<hbm>> -> memref<88x128xf32, #tpu.memory_space<hbm>>
        %dma_start3A_79 = arith.constant 0 : i32
        %dma_start3A_80 = arith.constant 0 : i32
        %dma_start3A_81 = tpu.memref_slice %arg9[%dma_start3A_79, %dma_start3A_80] : memref<88x128xf32, #tpu.memory_space<vmem>> -> memref<88x128xf32, #tpu.memory_space<vmem>>
        %dma_start3A_82 = arith.constant 0 : i32
        %dma_start3A_83 = tpu.memref_slice %arg4[%multiple_of3A_54, %dma_start3A_82] : memref<2560x128xf32, #tpu.memory_space<hbm>> -> memref<88x128xf32, #tpu.memory_space<hbm>>
        tpu.enqueue_dma source(%dma_start3A_83 : memref<88x128xf32, #tpu.memory_space<hbm>>) target(%dma_start3A_81 : memref<88x128xf32, #tpu.memory_space<vmem>>) target_semaphore(%run_scoped3A : memref<!tpu.dma_semaphore, #tpu.memory_space<semaphore_mem>>)
        %dma_wait3A_84 = arith.constant 0 : i32
        %dma_wait3A_85 = arith.constant 0 : i32
        %dma_wait3A_86 = tpu.memref_slice %arg9[%dma_wait3A_84, %dma_wait3A_85] : memref<88x128xf32, #tpu.memory_space<vmem>> -> memref<88x128xf32, #tpu.memory_space<vmem>>
        %dma_wait3A_87 = arith.constant 0 : i32
        %dma_wait3A_88 = tpu.memref_slice %arg4[%multiple_of3A_54, %dma_wait3A_87] : memref<2560x128xf32, #tpu.memory_space<hbm>> -> memref<88x128xf32, #tpu.memory_space<hbm>>
        %dma_wait3A_89 = arith.constant 0 : i32
        %dma_wait3A_90 = arith.constant 0 : i32
        %dma_wait3A_91 = tpu.memref_slice %arg9[%dma_wait3A_89, %dma_wait3A_90] : memref<88x128xf32, #tpu.memory_space<vmem>> -> memref<88x128xf32, #tpu.memory_space<vmem>>
        %dma_wait3A_92 = arith.constant 0 : i32
        %dma_wait3A_93 = tpu.memref_slice %arg4[%multiple_of3A_54, %dma_wait3A_92] : memref<2560x128xf32, #tpu.memory_space<hbm>> -> memref<88x128xf32, #tpu.memory_space<hbm>>
        tpu.wait_dma2 semaphore(%run_scoped3A : memref<!tpu.dma_semaphore, #tpu.memory_space<semaphore_mem>>) src(%dma_wait3A_93 : memref<88x128xf32, #tpu.memory_space<hbm>>) dst(%dma_wait3A_91 : memref<88x128xf32, #tpu.memory_space<vmem>>)
        tpu.yield
      }) : () -> ()
      %dma_start3A = arith.constant 0 : i32
      %dma_start3A_55 = arith.constant 0 : i32
      %dma_start3A_56 = tpu.memref_slice %arg7[%dma_start3A, %dma_start3A_55] : memref<88x128xi32, #tpu.memory_space<vmem>> -> memref<1x128xi32, #tpu.memory_space<vmem>>
      %dma_start3A_57 = tpu.memref_squeeze %dma_start3A_56 : memref<1x128xi32, #tpu.memory_space<vmem>> -> memref<128xi32, #tpu.memory_space<vmem>>
      %dma_start3A_58 = arith.constant 0 : i32
      %dma_start3A_59 = arith.constant 0 : i32
      %dma_start3A_60 = tpu.memref_slice %arg13[%dma_start3A_58, %dma_start3A_59] : memref<10000x64xf32, #tpu.memory_space<vmem_shared>> -> memref<10000x64xf32, #tpu.memory_space<vmem_shared>>
      tpu.enqueue_indirect_dma source(%dma_start3A_60 : memref<10000x64xf32, #tpu.memory_space<vmem_shared>>) target(%arg10 : memref<128x64xf32, #tpu.memory_space<vmem>>) offsets(%dma_start3A_57 : memref<128xi32, #tpu.memory_space<vmem>>) semaphore(%arg14 : memref<!tpu.dma_semaphore, #tpu.memory_space<semaphore_mem>>)
      %scan3A_61 = arith.constant 0 : i32
      %scan3A_62 = arith.constant 0 : i32
      %scan3A_63 = arith.constant 44 : i32
      %scan3A_64 = arith.addi %scan3A_62, %scan3A_63 : i32
      %scan3A_65 = arith.constant 1 : i32
      %scan3A_66 = scf.for %scan3A_74 = %scan3A_62 to %scan3A_64 step %scan3A_65 iter_args(%scan3A_75 = %scan3A_61) -> (i32)  : i32 {
        %mul3A_76 = arith.constant 2 : i32
        %mul3A_77 = arith.muli %scan3A_74, %mul3A_76 : i32
        %add3A_78 = arith.constant 0 : i32
        %add3A_79 = arith.addi %mul3A_77, %add3A_78 : i32
        %dma_wait3A_80 = arith.constant 0 : i32
        %dma_wait3A_81 = tpu.memref_slice %arg7[%add3A_79, %dma_wait3A_80] : memref<88x128xi32, #tpu.memory_space<vmem>> -> memref<1x128xi32, #tpu.memory_space<vmem>>
        %dma_wait3A_82 = tpu.memref_squeeze %dma_wait3A_81 : memref<1x128xi32, #tpu.memory_space<vmem>> -> memref<128xi32, #tpu.memory_space<vmem>>
        %dma_wait3A_83 = arith.constant 0 : i32
        %dma_wait3A_84 = arith.constant 0 : i32
        %dma_wait3A_85 = tpu.memref_slice %arg13[%dma_wait3A_83, %dma_wait3A_84] : memref<10000x64xf32, #tpu.memory_space<vmem_shared>> -> memref<10000x64xf32, #tpu.memory_space<vmem_shared>>
        tpu.wait_indirect_dma semaphore(%arg14 : memref<!tpu.dma_semaphore, #tpu.memory_space<semaphore_mem>>) src(%dma_wait3A_85 : memref<10000x64xf32, #tpu.memory_space<vmem_shared>>) dst(%arg10 : memref<128x64xf32, #tpu.memory_space<vmem>>)
        %ge3A = arith.constant 1 : i32
        %ge3A_86 = arith.cmpi sge, %add3A_79, %ge3A : i32
        %convert_element_type3A_87 = arith.extui %ge3A_86 : i1 to i32
        %cond3A_88 = arith.constant 0 : i32
        %cond3A_89 = arith.cmpi ne, %convert_element_type3A_87, %cond3A_88 : i32
        scf.if %cond3A_89 {
          %sub3A = arith.constant 1 : i32
          %sub3A_137 = arith.subi %add3A_79, %sub3A : i32
          %dma_wait3A_138 = arith.constant 0 : i32
          %dma_wait3A_139 = tpu.memref_slice %arg8[%sub3A_137, %dma_wait3A_138] : memref<88x128xi32, #tpu.memory_space<vmem>> -> memref<1x128xi32, #tpu.memory_space<vmem>>
          %dma_wait3A_140 = tpu.memref_squeeze %dma_wait3A_139 : memref<1x128xi32, #tpu.memory_space<vmem>> -> memref<128xi32, #tpu.memory_space<vmem>>
          %dma_wait3A_141 = arith.constant 0 : i32
          %dma_wait3A_142 = arith.constant 0 : i32
          %dma_wait3A_143 = tpu.memref_slice %arg12[%dma_wait3A_141, %dma_wait3A_142] : memref<10000x64xf32, #tpu.memory_space<vmem_shared>> -> memref<10000x64xf32, #tpu.memory_space<vmem_shared>>
          tpu.wait_indirect_dma semaphore(%arg17 : memref<!tpu.dma_semaphore, #tpu.memory_space<semaphore_mem>>) src(%arg11 : memref<128x64xf32, #tpu.memory_space<vmem>>) dst(%dma_wait3A_143 : memref<10000x64xf32, #tpu.memory_space<vmem_shared>>)
        } else {
        }
        %add3A_90 = arith.constant 1 : i32
        %add3A_91 = arith.addi %add3A_79, %add3A_90 : i32
        %lt3A_92 = arith.constant 88 : i32
        %lt3A_93 = arith.cmpi slt, %add3A_91, %lt3A_92 : i32
        %convert_element_type3A_94 = arith.extui %lt3A_93 : i1 to i32
        %cond3A_95 = arith.constant 0 : i32
        %cond3A_96 = arith.cmpi ne, %convert_element_type3A_94, %cond3A_95 : i32
        scf.if %cond3A_96 {
          %add3A_137 = arith.constant 1 : i32
          %add3A_138 = arith.addi %add3A_79, %add3A_137 : i32
          %dma_start3A_139 = arith.constant 0 : i32
          %dma_start3A_140 = tpu.memref_slice %arg7[%add3A_138, %dma_start3A_139] : memref<88x128xi32, #tpu.memory_space<vmem>> -> memref<1x128xi32, #tpu.memory_space<vmem>>
          %dma_start3A_141 = tpu.memref_squeeze %dma_start3A_140 : memref<1x128xi32, #tpu.memory_space<vmem>> -> memref<128xi32, #tpu.memory_space<vmem>>
          %dma_start3A_142 = arith.constant 0 : i32
          %dma_start3A_143 = arith.constant 0 : i32
          %dma_start3A_144 = tpu.memref_slice %arg13[%dma_start3A_142, %dma_start3A_143] : memref<10000x64xf32, #tpu.memory_space<vmem_shared>> -> memref<10000x64xf32, #tpu.memory_space<vmem_shared>>
          tpu.enqueue_indirect_dma source(%dma_start3A_144 : memref<10000x64xf32, #tpu.memory_space<vmem_shared>>) target(%arg11 : memref<128x64xf32, #tpu.memory_space<vmem>>) offsets(%dma_start3A_141 : memref<128xi32, #tpu.memory_space<vmem>>) semaphore(%arg15 : memref<!tpu.dma_semaphore, #tpu.memory_space<semaphore_mem>>)
        } else {
        }
        %parallel_loop3A = arith.constant 0 : i32
        %parallel_loop3A_97 = arith.constant 128 : i32
        %parallel_loop3A_98 = arith.constant 1 : i32
        scf.for %parallel_loop3A_137 = %parallel_loop3A to %parallel_loop3A_97 step %parallel_loop3A_98  : i32 {
          %parallel_loop3A_138 = vector.broadcast %add3A_79 : i32 to vector<16xi32>
          %parallel_loop3A_139 = vector.broadcast %parallel_loop3A_137 : i32 to vector<16xi32>
          %parallel_loop3A_140 = tpu.vector_load_idx %arg9[%parallel_loop3A_138, %parallel_loop3A_139] : memref<88x128xf32, #tpu.memory_space<vmem>>[vector<16xi32>, vector<16xi32>], vector<16xf32>,
          %parallel_loop3A_141 = arith.index_cast %parallel_loop3A_137 : i32 to index
          %parallel_loop3A_142 = arith.constant 0 : index
          %parallel_loop3A_143 = tpu.vector_load %arg10[%parallel_loop3A_141, %parallel_loop3A_142] {strides = array<i32>} : memref<128x64xf32, #tpu.memory_space<vmem>>, vector<16xf32>,
          %parallel_loop3A_144 = arith.mulf %parallel_loop3A_143, %parallel_loop3A_140 : vector<16xf32>
          %parallel_loop3A_145 = arith.index_cast %parallel_loop3A_137 : i32 to index
          %parallel_loop3A_146 = arith.constant 0 : index
          %parallel_loop3A_147 = tpu.vector_load %arg10[%parallel_loop3A_145, %parallel_loop3A_146] {strides = array<i32>} : memref<128x64xf32, #tpu.memory_space<vmem>>, vector<16xf32>,
          tpu.vector_store %arg10[%parallel_loop3A_145, %parallel_loop3A_146], %parallel_loop3A_144 {strides = array<i32>} : memref<128x64xf32, #tpu.memory_space<vmem>>, vector<16xf32>,
          %parallel_loop3A_148 = arith.index_cast %parallel_loop3A_137 : i32 to index
          %parallel_loop3A_149 = arith.constant 16 : index
          %parallel_loop3A_150 = tpu.vector_load %arg10[%parallel_loop3A_148, %parallel_loop3A_149] {strides = array<i32>} : memref<128x64xf32, #tpu.memory_space<vmem>>, vector<16xf32>,
          %parallel_loop3A_151 = arith.mulf %parallel_loop3A_150, %parallel_loop3A_140 : vector<16xf32>
          %parallel_loop3A_152 = arith.index_cast %parallel_loop3A_137 : i32 to index
          %parallel_loop3A_153 = arith.constant 16 : index
          %parallel_loop3A_154 = tpu.vector_load %arg10[%parallel_loop3A_152, %parallel_loop3A_153] {strides = array<i32>} : memref<128x64xf32, #tpu.memory_space<vmem>>, vector<16xf32>,
          tpu.vector_store %arg10[%parallel_loop3A_152, %parallel_loop3A_153], %parallel_loop3A_151 {strides = array<i32>} : memref<128x64xf32, #tpu.memory_space<vmem>>, vector<16xf32>,
          %parallel_loop3A_155 = arith.index_cast %parallel_loop3A_137 : i32 to index
          %parallel_loop3A_156 = arith.constant 32 : index
          %parallel_loop3A_157 = tpu.vector_load %arg10[%parallel_loop3A_155, %parallel_loop3A_156] {strides = array<i32>} : memref<128x64xf32, #tpu.memory_space<vmem>>, vector<16xf32>,
          %parallel_loop3A_158 = arith.mulf %parallel_loop3A_157, %parallel_loop3A_140 : vector<16xf32>
          %parallel_loop3A_159 = arith.index_cast %parallel_loop3A_137 : i32 to index
          %parallel_loop3A_160 = arith.constant 32 : index
          %parallel_loop3A_161 = tpu.vector_load %arg10[%parallel_loop3A_159, %parallel_loop3A_160] {strides = array<i32>} : memref<128x64xf32, #tpu.memory_space<vmem>>, vector<16xf32>,
          tpu.vector_store %arg10[%parallel_loop3A_159, %parallel_loop3A_160], %parallel_loop3A_158 {strides = array<i32>} : memref<128x64xf32, #tpu.memory_space<vmem>>, vector<16xf32>,
          %parallel_loop3A_162 = arith.index_cast %parallel_loop3A_137 : i32 to index
          %parallel_loop3A_163 = arith.constant 48 : index
          %parallel_loop3A_164 = tpu.vector_load %arg10[%parallel_loop3A_162, %parallel_loop3A_163] {strides = array<i32>} : memref<128x64xf32, #tpu.memory_space<vmem>>, vector<16xf32>,
          %parallel_loop3A_165 = arith.mulf %parallel_loop3A_164, %parallel_loop3A_140 : vector<16xf32>
          %parallel_loop3A_166 = arith.index_cast %parallel_loop3A_137 : i32 to index
          %parallel_loop3A_167 = arith.constant 48 : index
          %parallel_loop3A_168 = tpu.vector_load %arg10[%parallel_loop3A_166, %parallel_loop3A_167] {strides = array<i32>} : memref<128x64xf32, #tpu.memory_space<vmem>>, vector<16xf32>,
          tpu.vector_store %arg10[%parallel_loop3A_166, %parallel_loop3A_167], %parallel_loop3A_165 {strides = array<i32>} : memref<128x64xf32, #tpu.memory_space<vmem>>, vector<16xf32>,
        } {sc.loop_unroll_factor = 8 : i64, sc.parallel_access}
        %dma_start3A_99 = arith.constant 0 : i32
        %dma_start3A_100 = tpu.memref_slice %arg8[%add3A_79, %dma_start3A_99] : memref<88x128xi32, #tpu.memory_space<vmem>> -> memref<1x128xi32, #tpu.memory_space<vmem>>
        %dma_start3A_101 = tpu.memref_squeeze %dma_start3A_100 : memref<1x128xi32, #tpu.memory_space<vmem>> -> memref<128xi32, #tpu.memory_space<vmem>>
        %dma_start3A_102 = arith.constant 0 : i32
        %dma_start3A_103 = arith.constant 0 : i32
        %dma_start3A_104 = tpu.memref_slice %arg12[%dma_start3A_102, %dma_start3A_103] : memref<10000x64xf32, #tpu.memory_space<vmem_shared>> -> memref<10000x64xf32, #tpu.memory_space<vmem_shared>>
        tpu.enqueue_indirect_dma source(%arg10 : memref<128x64xf32, #tpu.memory_space<vmem>>) target(%dma_start3A_104 : memref<10000x64xf32, #tpu.memory_space<vmem_shared>>) offsets(%dma_start3A_101 : memref<128xi32, #tpu.memory_space<vmem>>) semaphore(%arg16 : memref<!tpu.dma_semaphore, #tpu.memory_space<semaphore_mem>>) {add = true}
        %mul3A_105 = arith.constant 2 : i32
        %mul3A_106 = arith.muli %scan3A_74, %mul3A_105 : i32
        %add3A_107 = arith.constant 1 : i32
        %add3A_108 = arith.addi %mul3A_106, %add3A_107 : i32
        %dma_wait3A_109 = arith.constant 0 : i32
        %dma_wait3A_110 = tpu.memref_slice %arg7[%add3A_108, %dma_wait3A_109] : memref<88x128xi32, #tpu.memory_space<vmem>> -> memref<1x128xi32, #tpu.memory_space<vmem>>
        %dma_wait3A_111 = tpu.memref_squeeze %dma_wait3A_110 : memref<1x128xi32, #tpu.memory_space<vmem>> -> memref<128xi32, #tpu.memory_space<vmem>>
        %dma_wait3A_112 = arith.constant 0 : i32
        %dma_wait3A_113 = arith.constant 0 : i32
        %dma_wait3A_114 = tpu.memref_slice %arg13[%dma_wait3A_112, %dma_wait3A_113] : memref<10000x64xf32, #tpu.memory_space<vmem_shared>> -> memref<10000x64xf32, #tpu.memory_space<vmem_shared>>
        tpu.wait_indirect_dma semaphore(%arg15 : memref<!tpu.dma_semaphore, #tpu.memory_space<semaphore_mem>>) src(%dma_wait3A_114 : memref<10000x64xf32, #tpu.memory_space<vmem_shared>>) dst(%arg11 : memref<128x64xf32, #tpu.memory_space<vmem>>)
        %ge3A_115 = arith.constant 1 : i32
        %ge3A_116 = arith.cmpi sge, %add3A_108, %ge3A_115 : i32
        %convert_element_type3A_117 = arith.extui %ge3A_116 : i1 to i32
        %cond3A_118 = arith.constant 0 : i32
        %cond3A_119 = arith.cmpi ne, %convert_element_type3A_117, %cond3A_118 : i32
        scf.if %cond3A_119 {
          %sub3A = arith.constant 1 : i32
          %sub3A_137 = arith.subi %add3A_108, %sub3A : i32
          %dma_wait3A_138 = arith.constant 0 : i32
          %dma_wait3A_139 = tpu.memref_slice %arg8[%sub3A_137, %dma_wait3A_138] : memref<88x128xi32, #tpu.memory_space<vmem>> -> memref<1x128xi32, #tpu.memory_space<vmem>>
          %dma_wait3A_140 = tpu.memref_squeeze %dma_wait3A_139 : memref<1x128xi32, #tpu.memory_space<vmem>> -> memref<128xi32, #tpu.memory_space<vmem>>
          %dma_wait3A_141 = arith.constant 0 : i32
          %dma_wait3A_142 = arith.constant 0 : i32
          %dma_wait3A_143 = tpu.memref_slice %arg12[%dma_wait3A_141, %dma_wait3A_142] : memref<10000x64xf32, #tpu.memory_space<vmem_shared>> -> memref<10000x64xf32, #tpu.memory_space<vmem_shared>>
          tpu.wait_indirect_dma semaphore(%arg16 : memref<!tpu.dma_semaphore, #tpu.memory_space<semaphore_mem>>) src(%arg10 : memref<128x64xf32, #tpu.memory_space<vmem>>) dst(%dma_wait3A_143 : memref<10000x64xf32, #tpu.memory_space<vmem_shared>>)
        } else {
        }
        %add3A_120 = arith.constant 1 : i32
        %add3A_121 = arith.addi %add3A_108, %add3A_120 : i32
        %lt3A_122 = arith.constant 88 : i32
        %lt3A_123 = arith.cmpi slt, %add3A_121, %lt3A_122 : i32
        %convert_element_type3A_124 = arith.extui %lt3A_123 : i1 to i32
        %cond3A_125 = arith.constant 0 : i32
        %cond3A_126 = arith.cmpi ne, %convert_element_type3A_124, %cond3A_125 : i32
        scf.if %cond3A_126 {
          %add3A_137 = arith.constant 1 : i32
          %add3A_138 = arith.addi %add3A_108, %add3A_137 : i32
          %dma_start3A_139 = arith.constant 0 : i32
          %dma_start3A_140 = tpu.memref_slice %arg7[%add3A_138, %dma_start3A_139] : memref<88x128xi32, #tpu.memory_space<vmem>> -> memref<1x128xi32, #tpu.memory_space<vmem>>
          %dma_start3A_141 = tpu.memref_squeeze %dma_start3A_140 : memref<1x128xi32, #tpu.memory_space<vmem>> -> memref<128xi32, #tpu.memory_space<vmem>>
          %dma_start3A_142 = arith.constant 0 : i32
          %dma_start3A_143 = arith.constant 0 : i32
          %dma_start3A_144 = tpu.memref_slice %arg13[%dma_start3A_142, %dma_start3A_143] : memref<10000x64xf32, #tpu.memory_space<vmem_shared>> -> memref<10000x64xf32, #tpu.memory_space<vmem_shared>>
          tpu.enqueue_indirect_dma source(%dma_start3A_144 : memref<10000x64xf32, #tpu.memory_space<vmem_shared>>) target(%arg10 : memref<128x64xf32, #tpu.memory_space<vmem>>) offsets(%dma_start3A_141 : memref<128xi32, #tpu.memory_space<vmem>>) semaphore(%arg14 : memref<!tpu.dma_semaphore, #tpu.memory_space<semaphore_mem>>)
        } else {
        }
        %parallel_loop3A_127 = arith.constant 0 : i32
        %parallel_loop3A_128 = arith.constant 128 : i32
        %parallel_loop3A_129 = arith.constant 1 : i32
        scf.for %parallel_loop3A_137 = %parallel_loop3A_127 to %parallel_loop3A_128 step %parallel_loop3A_129  : i32 {
          %parallel_loop3A_138 = vector.broadcast %add3A_108 : i32 to vector<16xi32>
          %parallel_loop3A_139 = vector.broadcast %parallel_loop3A_137 : i32 to vector<16xi32>
          %parallel_loop3A_140 = tpu.vector_load_idx %arg9[%parallel_loop3A_138, %parallel_loop3A_139] : memref<88x128xf32, #tpu.memory_space<vmem>>[vector<16xi32>, vector<16xi32>], vector<16xf32>,
          %parallel_loop3A_141 = arith.index_cast %parallel_loop3A_137 : i32 to index
          %parallel_loop3A_142 = arith.constant 0 : index
          %parallel_loop3A_143 = tpu.vector_load %arg11[%parallel_loop3A_141, %parallel_loop3A_142] {strides = array<i32>} : memref<128x64xf32, #tpu.memory_space<vmem>>, vector<16xf32>,
          %parallel_loop3A_144 = arith.mulf %parallel_loop3A_143, %parallel_loop3A_140 : vector<16xf32>
          %parallel_loop3A_145 = arith.index_cast %parallel_loop3A_137 : i32 to index
          %parallel_loop3A_146 = arith.constant 0 : index
          %parallel_loop3A_147 = tpu.vector_load %arg11[%parallel_loop3A_145, %parallel_loop3A_146] {strides = array<i32>} : memref<128x64xf32, #tpu.memory_space<vmem>>, vector<16xf32>,
          tpu.vector_store %arg11[%parallel_loop3A_145, %parallel_loop3A_146], %parallel_loop3A_144 {strides = array<i32>} : memref<128x64xf32, #tpu.memory_space<vmem>>, vector<16xf32>,
          %parallel_loop3A_148 = arith.index_cast %parallel_loop3A_137 : i32 to index
          %parallel_loop3A_149 = arith.constant 16 : index
          %parallel_loop3A_150 = tpu.vector_load %arg11[%parallel_loop3A_148, %parallel_loop3A_149] {strides = array<i32>} : memref<128x64xf32, #tpu.memory_space<vmem>>, vector<16xf32>,
          %parallel_loop3A_151 = arith.mulf %parallel_loop3A_150, %parallel_loop3A_140 : vector<16xf32>
          %parallel_loop3A_152 = arith.index_cast %parallel_loop3A_137 : i32 to index
          %parallel_loop3A_153 = arith.constant 16 : index
          %parallel_loop3A_154 = tpu.vector_load %arg11[%parallel_loop3A_152, %parallel_loop3A_153] {strides = array<i32>} : memref<128x64xf32, #tpu.memory_space<vmem>>, vector<16xf32>,
          tpu.vector_store %arg11[%parallel_loop3A_152, %parallel_loop3A_153], %parallel_loop3A_151 {strides = array<i32>} : memref<128x64xf32, #tpu.memory_space<vmem>>, vector<16xf32>,
          %parallel_loop3A_155 = arith.index_cast %parallel_loop3A_137 : i32 to index
          %parallel_loop3A_156 = arith.constant 32 : index
          %parallel_loop3A_157 = tpu.vector_load %arg11[%parallel_loop3A_155, %parallel_loop3A_156] {strides = array<i32>} : memref<128x64xf32, #tpu.memory_space<vmem>>, vector<16xf32>,
          %parallel_loop3A_158 = arith.mulf %parallel_loop3A_157, %parallel_loop3A_140 : vector<16xf32>
          %parallel_loop3A_159 = arith.index_cast %parallel_loop3A_137 : i32 to index
          %parallel_loop3A_160 = arith.constant 32 : index
          %parallel_loop3A_161 = tpu.vector_load %arg11[%parallel_loop3A_159, %parallel_loop3A_160] {strides = array<i32>} : memref<128x64xf32, #tpu.memory_space<vmem>>, vector<16xf32>,
          tpu.vector_store %arg11[%parallel_loop3A_159, %parallel_loop3A_160], %parallel_loop3A_158 {strides = array<i32>} : memref<128x64xf32, #tpu.memory_space<vmem>>, vector<16xf32>,
          %parallel_loop3A_162 = arith.index_cast %parallel_loop3A_137 : i32 to index
          %parallel_loop3A_163 = arith.constant 48 : index
          %parallel_loop3A_164 = tpu.vector_load %arg11[%parallel_loop3A_162, %parallel_loop3A_163] {strides = array<i32>} : memref<128x64xf32, #tpu.memory_space<vmem>>, vector<16xf32>,
          %parallel_loop3A_165 = arith.mulf %parallel_loop3A_164, %parallel_loop3A_140 : vector<16xf32>
          %parallel_loop3A_166 = arith.index_cast %parallel_loop3A_137 : i32 to index
          %parallel_loop3A_167 = arith.constant 48 : index
          %parallel_loop3A_168 = tpu.vector_load %arg11[%parallel_loop3A_166, %parallel_loop3A_167] {strides = array<i32>} : memref<128x64xf32, #tpu.memory_space<vmem>>, vector<16xf32>,
          tpu.vector_store %arg11[%parallel_loop3A_166, %parallel_loop3A_167], %parallel_loop3A_165 {strides = array<i32>} : memref<128x64xf32, #tpu.memory_space<vmem>>, vector<16xf32>,
        } {sc.loop_unroll_factor = 8 : i64, sc.parallel_access}
        %dma_start3A_130 = arith.constant 0 : i32
        %dma_start3A_131 = tpu.memref_slice %arg8[%add3A_108, %dma_start3A_130] : memref<88x128xi32, #tpu.memory_space<vmem>> -> memref<1x128xi32, #tpu.memory_space<vmem>>
        %dma_start3A_132 = tpu.memref_squeeze %dma_start3A_131 : memref<1x128xi32, #tpu.memory_space<vmem>> -> memref<128xi32, #tpu.memory_space<vmem>>
        %dma_start3A_133 = arith.constant 0 : i32
        %dma_start3A_134 = arith.constant 0 : i32
        %dma_start3A_135 = tpu.memref_slice %arg12[%dma_start3A_133, %dma_start3A_134] : memref<10000x64xf32, #tpu.memory_space<vmem_shared>> -> memref<10000x64xf32, #tpu.memory_space<vmem_shared>>
        tpu.enqueue_indirect_dma source(%arg11 : memref<128x64xf32, #tpu.memory_space<vmem>>) target(%dma_start3A_135 : memref<10000x64xf32, #tpu.memory_space<vmem_shared>>) offsets(%dma_start3A_132 : memref<128xi32, #tpu.memory_space<vmem>>) semaphore(%arg17 : memref<!tpu.dma_semaphore, #tpu.memory_space<semaphore_mem>>) {add = true}
        %scan3A_136 = arith.constant 0 : i32
        scf.yield %scan3A_136 : i32
      }
      %scan3A_67 = arith.constant 44 : i32
      %dma_wait3A = arith.constant 87 : i32
      %dma_wait3A_68 = arith.constant 0 : i32
      %dma_wait3A_69 = tpu.memref_slice %arg8[%dma_wait3A, %dma_wait3A_68] : memref<88x128xi32, #tpu.memory_space<vmem>> -> memref<1x128xi32, #tpu.memory_space<vmem>>
      %dma_wait3A_70 = tpu.memref_squeeze %dma_wait3A_69 : memref<1x128xi32, #tpu.memory_space<vmem>> -> memref<128xi32, #tpu.memory_space<vmem>>
      %dma_wait3A_71 = arith.constant 0 : i32
      %dma_wait3A_72 = arith.constant 0 : i32
      %dma_wait3A_73 = tpu.memref_slice %arg12[%dma_wait3A_71, %dma_wait3A_72] : memref<10000x64xf32, #tpu.memory_space<vmem_shared>> -> memref<10000x64xf32, #tpu.memory_space<vmem_shared>>
      tpu.wait_indirect_dma semaphore(%arg17 : memref<!tpu.dma_semaphore, #tpu.memory_space<semaphore_mem>>) src(%arg11 : memref<128x64xf32, #tpu.memory_space<vmem>>) dst(%dma_wait3A_73 : memref<10000x64xf32, #tpu.memory_space<vmem_shared>>)
    } else {
    }
    %eq3A_33 = arith.constant 1 : i32
    %eq3A_34 = arith.cmpi eq, %arg0, %eq3A_33 : i32
    %convert_element_type3A_35 = arith.extui %eq3A_34 : i1 to i32
    %cond3A_36 = arith.constant 0 : i32
    %cond3A_37 = arith.cmpi ne, %convert_element_type3A_35, %cond3A_36 : i32
    scf.if %cond3A_37 {
      %mul3A_52 = arith.constant 72 : i32
      %mul3A_53 = arith.muli %arg1, %mul3A_52 : i32
      %add3A_54 = arith.constant 1408 : i32
      %add3A_55 = arith.addi %add3A_54, %mul3A_53 : i32
      %multiple_of3A_56 = tpu.assume_multiple %add3A_55, 8 : i32
      "tpu.region"() ({
        %run_scoped3A = tpu.sem_alloc : memref<!tpu.dma_semaphore, #tpu.memory_space<semaphore_mem>>
        %dma_start3A_76 = arith.constant 0 : i32
        %dma_start3A_77 = arith.constant 0 : i32
        %dma_start3A_78 = tpu.memref_slice %arg7[%dma_start3A_76, %dma_start3A_77] : memref<88x128xi32, #tpu.memory_space<vmem>> -> memref<72x128xi32, #tpu.memory_space<vmem>>
        %dma_start3A_79 = arith.constant 0 : i32
        %dma_start3A_80 = tpu.memref_slice %arg2[%multiple_of3A_56, %dma_start3A_79] : memref<2560x128xi32, #tpu.memory_space<hbm>> -> memref<72x128xi32, #tpu.memory_space<hbm>>
        %dma_start3A_81 = arith.constant 0 : i32
        %dma_start3A_82 = arith.constant 0 : i32
        %dma_start3A_83 = tpu.memref_slice %arg7[%dma_start3A_81, %dma_start3A_82] : memref<88x128xi32, #tpu.memory_space<vmem>> -> memref<72x128xi32, #tpu.memory_space<vmem>>
        %dma_start3A_84 = arith.constant 0 : i32
        %dma_start3A_85 = tpu.memref_slice %arg2[%multiple_of3A_56, %dma_start3A_84] : memref<2560x128xi32, #tpu.memory_space<hbm>> -> memref<72x128xi32, #tpu.memory_space<hbm>>
        tpu.enqueue_dma source(%dma_start3A_85 : memref<72x128xi32, #tpu.memory_space<hbm>>) target(%dma_start3A_83 : memref<72x128xi32, #tpu.memory_space<vmem>>) target_semaphore(%run_scoped3A : memref<!tpu.dma_semaphore, #tpu.memory_space<semaphore_mem>>)
        %dma_wait3A_86 = arith.constant 0 : i32
        %dma_wait3A_87 = arith.constant 0 : i32
        %dma_wait3A_88 = tpu.memref_slice %arg7[%dma_wait3A_86, %dma_wait3A_87] : memref<88x128xi32, #tpu.memory_space<vmem>> -> memref<72x128xi32, #tpu.memory_space<vmem>>
        %dma_wait3A_89 = arith.constant 0 : i32
        %dma_wait3A_90 = tpu.memref_slice %arg2[%multiple_of3A_56, %dma_wait3A_89] : memref<2560x128xi32, #tpu.memory_space<hbm>> -> memref<72x128xi32, #tpu.memory_space<hbm>>
        %dma_wait3A_91 = arith.constant 0 : i32
        %dma_wait3A_92 = arith.constant 0 : i32
        %dma_wait3A_93 = tpu.memref_slice %arg7[%dma_wait3A_91, %dma_wait3A_92] : memref<88x128xi32, #tpu.memory_space<vmem>> -> memref<72x128xi32, #tpu.memory_space<vmem>>
        %dma_wait3A_94 = arith.constant 0 : i32
        %dma_wait3A_95 = tpu.memref_slice %arg2[%multiple_of3A_56, %dma_wait3A_94] : memref<2560x128xi32, #tpu.memory_space<hbm>> -> memref<72x128xi32, #tpu.memory_space<hbm>>
        tpu.wait_dma2 semaphore(%run_scoped3A : memref<!tpu.dma_semaphore, #tpu.memory_space<semaphore_mem>>) src(%dma_wait3A_95 : memref<72x128xi32, #tpu.memory_space<hbm>>) dst(%dma_wait3A_93 : memref<72x128xi32, #tpu.memory_space<vmem>>)
        tpu.yield
      }) : () -> ()
      "tpu.region"() ({
        %run_scoped3A = tpu.sem_alloc : memref<!tpu.dma_semaphore, #tpu.memory_space<semaphore_mem>>
        %dma_start3A_76 = arith.constant 0 : i32
        %dma_start3A_77 = arith.constant 0 : i32
        %dma_start3A_78 = tpu.memref_slice %arg8[%dma_start3A_76, %dma_start3A_77] : memref<88x128xi32, #tpu.memory_space<vmem>> -> memref<72x128xi32, #tpu.memory_space<vmem>>
        %dma_start3A_79 = arith.constant 0 : i32
        %dma_start3A_80 = tpu.memref_slice %arg3[%multiple_of3A_56, %dma_start3A_79] : memref<2560x128xi32, #tpu.memory_space<hbm>> -> memref<72x128xi32, #tpu.memory_space<hbm>>
        %dma_start3A_81 = arith.constant 0 : i32
        %dma_start3A_82 = arith.constant 0 : i32
        %dma_start3A_83 = tpu.memref_slice %arg8[%dma_start3A_81, %dma_start3A_82] : memref<88x128xi32, #tpu.memory_space<vmem>> -> memref<72x128xi32, #tpu.memory_space<vmem>>
        %dma_start3A_84 = arith.constant 0 : i32
        %dma_start3A_85 = tpu.memref_slice %arg3[%multiple_of3A_56, %dma_start3A_84] : memref<2560x128xi32, #tpu.memory_space<hbm>> -> memref<72x128xi32, #tpu.memory_space<hbm>>
        tpu.enqueue_dma source(%dma_start3A_85 : memref<72x128xi32, #tpu.memory_space<hbm>>) target(%dma_start3A_83 : memref<72x128xi32, #tpu.memory_space<vmem>>) target_semaphore(%run_scoped3A : memref<!tpu.dma_semaphore, #tpu.memory_space<semaphore_mem>>)
        %dma_wait3A_86 = arith.constant 0 : i32
        %dma_wait3A_87 = arith.constant 0 : i32
        %dma_wait3A_88 = tpu.memref_slice %arg8[%dma_wait3A_86, %dma_wait3A_87] : memref<88x128xi32, #tpu.memory_space<vmem>> -> memref<72x128xi32, #tpu.memory_space<vmem>>
        %dma_wait3A_89 = arith.constant 0 : i32
        %dma_wait3A_90 = tpu.memref_slice %arg3[%multiple_of3A_56, %dma_wait3A_89] : memref<2560x128xi32, #tpu.memory_space<hbm>> -> memref<72x128xi32, #tpu.memory_space<hbm>>
        %dma_wait3A_91 = arith.constant 0 : i32
        %dma_wait3A_92 = arith.constant 0 : i32
        %dma_wait3A_93 = tpu.memref_slice %arg8[%dma_wait3A_91, %dma_wait3A_92] : memref<88x128xi32, #tpu.memory_space<vmem>> -> memref<72x128xi32, #tpu.memory_space<vmem>>
        %dma_wait3A_94 = arith.constant 0 : i32
        %dma_wait3A_95 = tpu.memref_slice %arg3[%multiple_of3A_56, %dma_wait3A_94] : memref<2560x128xi32, #tpu.memory_space<hbm>> -> memref<72x128xi32, #tpu.memory_space<hbm>>
        tpu.wait_dma2 semaphore(%run_scoped3A : memref<!tpu.dma_semaphore, #tpu.memory_space<semaphore_mem>>) src(%dma_wait3A_95 : memref<72x128xi32, #tpu.memory_space<hbm>>) dst(%dma_wait3A_93 : memref<72x128xi32, #tpu.memory_space<vmem>>)
        tpu.yield
      }) : () -> ()
      "tpu.region"() ({
        %run_scoped3A = tpu.sem_alloc : memref<!tpu.dma_semaphore, #tpu.memory_space<semaphore_mem>>
        %dma_start3A_76 = arith.constant 0 : i32
        %dma_start3A_77 = arith.constant 0 : i32
        %dma_start3A_78 = tpu.memref_slice %arg9[%dma_start3A_76, %dma_start3A_77] : memref<88x128xf32, #tpu.memory_space<vmem>> -> memref<72x128xf32, #tpu.memory_space<vmem>>
        %dma_start3A_79 = arith.constant 0 : i32
        %dma_start3A_80 = tpu.memref_slice %arg4[%multiple_of3A_56, %dma_start3A_79] : memref<2560x128xf32, #tpu.memory_space<hbm>> -> memref<72x128xf32, #tpu.memory_space<hbm>>
        %dma_start3A_81 = arith.constant 0 : i32
        %dma_start3A_82 = arith.constant 0 : i32
        %dma_start3A_83 = tpu.memref_slice %arg9[%dma_start3A_81, %dma_start3A_82] : memref<88x128xf32, #tpu.memory_space<vmem>> -> memref<72x128xf32, #tpu.memory_space<vmem>>
        %dma_start3A_84 = arith.constant 0 : i32
        %dma_start3A_85 = tpu.memref_slice %arg4[%multiple_of3A_56, %dma_start3A_84] : memref<2560x128xf32, #tpu.memory_space<hbm>> -> memref<72x128xf32, #tpu.memory_space<hbm>>
        tpu.enqueue_dma source(%dma_start3A_85 : memref<72x128xf32, #tpu.memory_space<hbm>>) target(%dma_start3A_83 : memref<72x128xf32, #tpu.memory_space<vmem>>) target_semaphore(%run_scoped3A : memref<!tpu.dma_semaphore, #tpu.memory_space<semaphore_mem>>)
        %dma_wait3A_86 = arith.constant 0 : i32
        %dma_wait3A_87 = arith.constant 0 : i32
        %dma_wait3A_88 = tpu.memref_slice %arg9[%dma_wait3A_86, %dma_wait3A_87] : memref<88x128xf32, #tpu.memory_space<vmem>> -> memref<72x128xf32, #tpu.memory_space<vmem>>
        %dma_wait3A_89 = arith.constant 0 : i32
        %dma_wait3A_90 = tpu.memref_slice %arg4[%multiple_of3A_56, %dma_wait3A_89] : memref<2560x128xf32, #tpu.memory_space<hbm>> -> memref<72x128xf32, #tpu.memory_space<hbm>>
        %dma_wait3A_91 = arith.constant 0 : i32
        %dma_wait3A_92 = arith.constant 0 : i32
        %dma_wait3A_93 = tpu.memref_slice %arg9[%dma_wait3A_91, %dma_wait3A_92] : memref<88x128xf32, #tpu.memory_space<vmem>> -> memref<72x128xf32, #tpu.memory_space<vmem>>
        %dma_wait3A_94 = arith.constant 0 : i32
        %dma_wait3A_95 = tpu.memref_slice %arg4[%multiple_of3A_56, %dma_wait3A_94] : memref<2560x128xf32, #tpu.memory_space<hbm>> -> memref<72x128xf32, #tpu.memory_space<hbm>>
        tpu.wait_dma2 semaphore(%run_scoped3A : memref<!tpu.dma_semaphore, #tpu.memory_space<semaphore_mem>>) src(%dma_wait3A_95 : memref<72x128xf32, #tpu.memory_space<hbm>>) dst(%dma_wait3A_93 : memref<72x128xf32, #tpu.memory_space<vmem>>)
        tpu.yield
      }) : () -> ()
      %dma_start3A = arith.constant 0 : i32
      %dma_start3A_57 = arith.constant 0 : i32
      %dma_start3A_58 = tpu.memref_slice %arg7[%dma_start3A, %dma_start3A_57] : memref<88x128xi32, #tpu.memory_space<vmem>> -> memref<1x128xi32, #tpu.memory_space<vmem>>
      %dma_start3A_59 = tpu.memref_squeeze %dma_start3A_58 : memref<1x128xi32, #tpu.memory_space<vmem>> -> memref<128xi32, #tpu.memory_space<vmem>>
      %dma_start3A_60 = arith.constant 0 : i32
      %dma_start3A_61 = arith.constant 0 : i32
      %dma_start3A_62 = tpu.memref_slice %arg13[%dma_start3A_60, %dma_start3A_61] : memref<10000x64xf32, #tpu.memory_space<vmem_shared>> -> memref<10000x64xf32, #tpu.memory_space<vmem_shared>>
      tpu.enqueue_indirect_dma source(%dma_start3A_62 : memref<10000x64xf32, #tpu.memory_space<vmem_shared>>) target(%arg10 : memref<128x64xf32, #tpu.memory_space<vmem>>) offsets(%dma_start3A_59 : memref<128xi32, #tpu.memory_space<vmem>>) semaphore(%arg14 : memref<!tpu.dma_semaphore, #tpu.memory_space<semaphore_mem>>)
      %scan3A_63 = arith.constant 0 : i32
      %scan3A_64 = arith.constant 0 : i32
      %scan3A_65 = arith.constant 36 : i32
      %scan3A_66 = arith.addi %scan3A_64, %scan3A_65 : i32
      %scan3A_67 = arith.constant 1 : i32
      %scan3A_68 = scf.for %scan3A_76 = %scan3A_64 to %scan3A_66 step %scan3A_67 iter_args(%scan3A_77 = %scan3A_63) -> (i32)  : i32 {
        %mul3A_78 = arith.constant 2 : i32
        %mul3A_79 = arith.muli %scan3A_76, %mul3A_78 : i32
        %add3A_80 = arith.constant 0 : i32
        %add3A_81 = arith.addi %mul3A_79, %add3A_80 : i32
        %dma_wait3A_82 = arith.constant 0 : i32
        %dma_wait3A_83 = tpu.memref_slice %arg7[%add3A_81, %dma_wait3A_82] : memref<88x128xi32, #tpu.memory_space<vmem>> -> memref<1x128xi32, #tpu.memory_space<vmem>>
        %dma_wait3A_84 = tpu.memref_squeeze %dma_wait3A_83 : memref<1x128xi32, #tpu.memory_space<vmem>> -> memref<128xi32, #tpu.memory_space<vmem>>
        %dma_wait3A_85 = arith.constant 0 : i32
        %dma_wait3A_86 = arith.constant 0 : i32
        %dma_wait3A_87 = tpu.memref_slice %arg13[%dma_wait3A_85, %dma_wait3A_86] : memref<10000x64xf32, #tpu.memory_space<vmem_shared>> -> memref<10000x64xf32, #tpu.memory_space<vmem_shared>>
        tpu.wait_indirect_dma semaphore(%arg14 : memref<!tpu.dma_semaphore, #tpu.memory_space<semaphore_mem>>) src(%dma_wait3A_87 : memref<10000x64xf32, #tpu.memory_space<vmem_shared>>) dst(%arg10 : memref<128x64xf32, #tpu.memory_space<vmem>>)
        %ge3A = arith.constant 1 : i32
        %ge3A_88 = arith.cmpi sge, %add3A_81, %ge3A : i32
        %convert_element_type3A_89 = arith.extui %ge3A_88 : i1 to i32
        %cond3A_90 = arith.constant 0 : i32
        %cond3A_91 = arith.cmpi ne, %convert_element_type3A_89, %cond3A_90 : i32
        scf.if %cond3A_91 {
          %sub3A = arith.constant 1 : i32
          %sub3A_139 = arith.subi %add3A_81, %sub3A : i32
          %dma_wait3A_140 = arith.constant 0 : i32
          %dma_wait3A_141 = tpu.memref_slice %arg8[%sub3A_139, %dma_wait3A_140] : memref<88x128xi32, #tpu.memory_space<vmem>> -> memref<1x128xi32, #tpu.memory_space<vmem>>
          %dma_wait3A_142 = tpu.memref_squeeze %dma_wait3A_141 : memref<1x128xi32, #tpu.memory_space<vmem>> -> memref<128xi32, #tpu.memory_space<vmem>>
          %dma_wait3A_143 = arith.constant 0 : i32
          %dma_wait3A_144 = arith.constant 0 : i32
          %dma_wait3A_145 = tpu.memref_slice %arg12[%dma_wait3A_143, %dma_wait3A_144] : memref<10000x64xf32, #tpu.memory_space<vmem_shared>> -> memref<10000x64xf32, #tpu.memory_space<vmem_shared>>
          tpu.wait_indirect_dma semaphore(%arg17 : memref<!tpu.dma_semaphore, #tpu.memory_space<semaphore_mem>>) src(%arg11 : memref<128x64xf32, #tpu.memory_space<vmem>>) dst(%dma_wait3A_145 : memref<10000x64xf32, #tpu.memory_space<vmem_shared>>)
        } else {
        }
        %add3A_92 = arith.constant 1 : i32
        %add3A_93 = arith.addi %add3A_81, %add3A_92 : i32
        %lt3A_94 = arith.constant 72 : i32
        %lt3A_95 = arith.cmpi slt, %add3A_93, %lt3A_94 : i32
        %convert_element_type3A_96 = arith.extui %lt3A_95 : i1 to i32
        %cond3A_97 = arith.constant 0 : i32
        %cond3A_98 = arith.cmpi ne, %convert_element_type3A_96, %cond3A_97 : i32
        scf.if %cond3A_98 {
          %add3A_139 = arith.constant 1 : i32
          %add3A_140 = arith.addi %add3A_81, %add3A_139 : i32
          %dma_start3A_141 = arith.constant 0 : i32
          %dma_start3A_142 = tpu.memref_slice %arg7[%add3A_140, %dma_start3A_141] : memref<88x128xi32, #tpu.memory_space<vmem>> -> memref<1x128xi32, #tpu.memory_space<vmem>>
          %dma_start3A_143 = tpu.memref_squeeze %dma_start3A_142 : memref<1x128xi32, #tpu.memory_space<vmem>> -> memref<128xi32, #tpu.memory_space<vmem>>
          %dma_start3A_144 = arith.constant 0 : i32
          %dma_start3A_145 = arith.constant 0 : i32
          %dma_start3A_146 = tpu.memref_slice %arg13[%dma_start3A_144, %dma_start3A_145] : memref<10000x64xf32, #tpu.memory_space<vmem_shared>> -> memref<10000x64xf32, #tpu.memory_space<vmem_shared>>
          tpu.enqueue_indirect_dma source(%dma_start3A_146 : memref<10000x64xf32, #tpu.memory_space<vmem_shared>>) target(%arg11 : memref<128x64xf32, #tpu.memory_space<vmem>>) offsets(%dma_start3A_143 : memref<128xi32, #tpu.memory_space<vmem>>) semaphore(%arg15 : memref<!tpu.dma_semaphore, #tpu.memory_space<semaphore_mem>>)
        } else {
        }
        %parallel_loop3A = arith.constant 0 : i32
        %parallel_loop3A_99 = arith.constant 128 : i32
        %parallel_loop3A_100 = arith.constant 1 : i32
        scf.for %parallel_loop3A_139 = %parallel_loop3A to %parallel_loop3A_99 step %parallel_loop3A_100  : i32 {
          %parallel_loop3A_140 = vector.broadcast %add3A_81 : i32 to vector<16xi32>
          %parallel_loop3A_141 = vector.broadcast %parallel_loop3A_139 : i32 to vector<16xi32>
          %parallel_loop3A_142 = tpu.vector_load_idx %arg9[%parallel_loop3A_140, %parallel_loop3A_141] : memref<88x128xf32, #tpu.memory_space<vmem>>[vector<16xi32>, vector<16xi32>], vector<16xf32>,
          %parallel_loop3A_143 = arith.index_cast %parallel_loop3A_139 : i32 to index
          %parallel_loop3A_144 = arith.constant 0 : index
          %parallel_loop3A_145 = tpu.vector_load %arg10[%parallel_loop3A_143, %parallel_loop3A_144] {strides = array<i32>} : memref<128x64xf32, #tpu.memory_space<vmem>>, vector<16xf32>,
          %parallel_loop3A_146 = arith.mulf %parallel_loop3A_145, %parallel_loop3A_142 : vector<16xf32>
          %parallel_loop3A_147 = arith.index_cast %parallel_loop3A_139 : i32 to index
          %parallel_loop3A_148 = arith.constant 0 : index
          %parallel_loop3A_149 = tpu.vector_load %arg10[%parallel_loop3A_147, %parallel_loop3A_148] {strides = array<i32>} : memref<128x64xf32, #tpu.memory_space<vmem>>, vector<16xf32>,
          tpu.vector_store %arg10[%parallel_loop3A_147, %parallel_loop3A_148], %parallel_loop3A_146 {strides = array<i32>} : memref<128x64xf32, #tpu.memory_space<vmem>>, vector<16xf32>,
          %parallel_loop3A_150 = arith.index_cast %parallel_loop3A_139 : i32 to index
          %parallel_loop3A_151 = arith.constant 16 : index
          %parallel_loop3A_152 = tpu.vector_load %arg10[%parallel_loop3A_150, %parallel_loop3A_151] {strides = array<i32>} : memref<128x64xf32, #tpu.memory_space<vmem>>, vector<16xf32>,
          %parallel_loop3A_153 = arith.mulf %parallel_loop3A_152, %parallel_loop3A_142 : vector<16xf32>
          %parallel_loop3A_154 = arith.index_cast %parallel_loop3A_139 : i32 to index
          %parallel_loop3A_155 = arith.constant 16 : index
          %parallel_loop3A_156 = tpu.vector_load %arg10[%parallel_loop3A_154, %parallel_loop3A_155] {strides = array<i32>} : memref<128x64xf32, #tpu.memory_space<vmem>>, vector<16xf32>,
          tpu.vector_store %arg10[%parallel_loop3A_154, %parallel_loop3A_155], %parallel_loop3A_153 {strides = array<i32>} : memref<128x64xf32, #tpu.memory_space<vmem>>, vector<16xf32>,
          %parallel_loop3A_157 = arith.index_cast %parallel_loop3A_139 : i32 to index
          %parallel_loop3A_158 = arith.constant 32 : index
          %parallel_loop3A_159 = tpu.vector_load %arg10[%parallel_loop3A_157, %parallel_loop3A_158] {strides = array<i32>} : memref<128x64xf32, #tpu.memory_space<vmem>>, vector<16xf32>,
          %parallel_loop3A_160 = arith.mulf %parallel_loop3A_159, %parallel_loop3A_142 : vector<16xf32>
          %parallel_loop3A_161 = arith.index_cast %parallel_loop3A_139 : i32 to index
          %parallel_loop3A_162 = arith.constant 32 : index
          %parallel_loop3A_163 = tpu.vector_load %arg10[%parallel_loop3A_161, %parallel_loop3A_162] {strides = array<i32>} : memref<128x64xf32, #tpu.memory_space<vmem>>, vector<16xf32>,
          tpu.vector_store %arg10[%parallel_loop3A_161, %parallel_loop3A_162], %parallel_loop3A_160 {strides = array<i32>} : memref<128x64xf32, #tpu.memory_space<vmem>>, vector<16xf32>,
          %parallel_loop3A_164 = arith.index_cast %parallel_loop3A_139 : i32 to index
          %parallel_loop3A_165 = arith.constant 48 : index
          %parallel_loop3A_166 = tpu.vector_load %arg10[%parallel_loop3A_164, %parallel_loop3A_165] {strides = array<i32>} : memref<128x64xf32, #tpu.memory_space<vmem>>, vector<16xf32>,
          %parallel_loop3A_167 = arith.mulf %parallel_loop3A_166, %parallel_loop3A_142 : vector<16xf32>
          %parallel_loop3A_168 = arith.index_cast %parallel_loop3A_139 : i32 to index
          %parallel_loop3A_169 = arith.constant 48 : index
          %parallel_loop3A_170 = tpu.vector_load %arg10[%parallel_loop3A_168, %parallel_loop3A_169] {strides = array<i32>} : memref<128x64xf32, #tpu.memory_space<vmem>>, vector<16xf32>,
          tpu.vector_store %arg10[%parallel_loop3A_168, %parallel_loop3A_169], %parallel_loop3A_167 {strides = array<i32>} : memref<128x64xf32, #tpu.memory_space<vmem>>, vector<16xf32>,
        } {sc.loop_unroll_factor = 8 : i64, sc.parallel_access}
        %dma_start3A_101 = arith.constant 0 : i32
        %dma_start3A_102 = tpu.memref_slice %arg8[%add3A_81, %dma_start3A_101] : memref<88x128xi32, #tpu.memory_space<vmem>> -> memref<1x128xi32, #tpu.memory_space<vmem>>
        %dma_start3A_103 = tpu.memref_squeeze %dma_start3A_102 : memref<1x128xi32, #tpu.memory_space<vmem>> -> memref<128xi32, #tpu.memory_space<vmem>>
        %dma_start3A_104 = arith.constant 0 : i32
        %dma_start3A_105 = arith.constant 0 : i32
        %dma_start3A_106 = tpu.memref_slice %arg12[%dma_start3A_104, %dma_start3A_105] : memref<10000x64xf32, #tpu.memory_space<vmem_shared>> -> memref<10000x64xf32, #tpu.memory_space<vmem_shared>>
        tpu.enqueue_indirect_dma source(%arg10 : memref<128x64xf32, #tpu.memory_space<vmem>>) target(%dma_start3A_106 : memref<10000x64xf32, #tpu.memory_space<vmem_shared>>) offsets(%dma_start3A_103 : memref<128xi32, #tpu.memory_space<vmem>>) semaphore(%arg16 : memref<!tpu.dma_semaphore, #tpu.memory_space<semaphore_mem>>) {add = true}
        %mul3A_107 = arith.constant 2 : i32
        %mul3A_108 = arith.muli %scan3A_76, %mul3A_107 : i32
        %add3A_109 = arith.constant 1 : i32
        %add3A_110 = arith.addi %mul3A_108, %add3A_109 : i32
        %dma_wait3A_111 = arith.constant 0 : i32
        %dma_wait3A_112 = tpu.memref_slice %arg7[%add3A_110, %dma_wait3A_111] : memref<88x128xi32, #tpu.memory_space<vmem>> -> memref<1x128xi32, #tpu.memory_space<vmem>>
        %dma_wait3A_113 = tpu.memref_squeeze %dma_wait3A_112 : memref<1x128xi32, #tpu.memory_space<vmem>> -> memref<128xi32, #tpu.memory_space<vmem>>
        %dma_wait3A_114 = arith.constant 0 : i32
        %dma_wait3A_115 = arith.constant 0 : i32
        %dma_wait3A_116 = tpu.memref_slice %arg13[%dma_wait3A_114, %dma_wait3A_115] : memref<10000x64xf32, #tpu.memory_space<vmem_shared>> -> memref<10000x64xf32, #tpu.memory_space<vmem_shared>>
        tpu.wait_indirect_dma semaphore(%arg15 : memref<!tpu.dma_semaphore, #tpu.memory_space<semaphore_mem>>) src(%dma_wait3A_116 : memref<10000x64xf32, #tpu.memory_space<vmem_shared>>) dst(%arg11 : memref<128x64xf32, #tpu.memory_space<vmem>>)
        %ge3A_117 = arith.constant 1 : i32
        %ge3A_118 = arith.cmpi sge, %add3A_110, %ge3A_117 : i32
        %convert_element_type3A_119 = arith.extui %ge3A_118 : i1 to i32
        %cond3A_120 = arith.constant 0 : i32
        %cond3A_121 = arith.cmpi ne, %convert_element_type3A_119, %cond3A_120 : i32
        scf.if %cond3A_121 {
          %sub3A = arith.constant 1 : i32
          %sub3A_139 = arith.subi %add3A_110, %sub3A : i32
          %dma_wait3A_140 = arith.constant 0 : i32
          %dma_wait3A_141 = tpu.memref_slice %arg8[%sub3A_139, %dma_wait3A_140] : memref<88x128xi32, #tpu.memory_space<vmem>> -> memref<1x128xi32, #tpu.memory_space<vmem>>
          %dma_wait3A_142 = tpu.memref_squeeze %dma_wait3A_141 : memref<1x128xi32, #tpu.memory_space<vmem>> -> memref<128xi32, #tpu.memory_space<vmem>>
          %dma_wait3A_143 = arith.constant 0 : i32
          %dma_wait3A_144 = arith.constant 0 : i32
          %dma_wait3A_145 = tpu.memref_slice %arg12[%dma_wait3A_143, %dma_wait3A_144] : memref<10000x64xf32, #tpu.memory_space<vmem_shared>> -> memref<10000x64xf32, #tpu.memory_space<vmem_shared>>
          tpu.wait_indirect_dma semaphore(%arg16 : memref<!tpu.dma_semaphore, #tpu.memory_space<semaphore_mem>>) src(%arg10 : memref<128x64xf32, #tpu.memory_space<vmem>>) dst(%dma_wait3A_145 : memref<10000x64xf32, #tpu.memory_space<vmem_shared>>)
        } else {
        }
        %add3A_122 = arith.constant 1 : i32
        %add3A_123 = arith.addi %add3A_110, %add3A_122 : i32
        %lt3A_124 = arith.constant 72 : i32
        %lt3A_125 = arith.cmpi slt, %add3A_123, %lt3A_124 : i32
        %convert_element_type3A_126 = arith.extui %lt3A_125 : i1 to i32
        %cond3A_127 = arith.constant 0 : i32
        %cond3A_128 = arith.cmpi ne, %convert_element_type3A_126, %cond3A_127 : i32
        scf.if %cond3A_128 {
          %add3A_139 = arith.constant 1 : i32
          %add3A_140 = arith.addi %add3A_110, %add3A_139 : i32
          %dma_start3A_141 = arith.constant 0 : i32
          %dma_start3A_142 = tpu.memref_slice %arg7[%add3A_140, %dma_start3A_141] : memref<88x128xi32, #tpu.memory_space<vmem>> -> memref<1x128xi32, #tpu.memory_space<vmem>>
          %dma_start3A_143 = tpu.memref_squeeze %dma_start3A_142 : memref<1x128xi32, #tpu.memory_space<vmem>> -> memref<128xi32, #tpu.memory_space<vmem>>
          %dma_start3A_144 = arith.constant 0 : i32
          %dma_start3A_145 = arith.constant 0 : i32
          %dma_start3A_146 = tpu.memref_slice %arg13[%dma_start3A_144, %dma_start3A_145] : memref<10000x64xf32, #tpu.memory_space<vmem_shared>> -> memref<10000x64xf32, #tpu.memory_space<vmem_shared>>
          tpu.enqueue_indirect_dma source(%dma_start3A_146 : memref<10000x64xf32, #tpu.memory_space<vmem_shared>>) target(%arg10 : memref<128x64xf32, #tpu.memory_space<vmem>>) offsets(%dma_start3A_143 : memref<128xi32, #tpu.memory_space<vmem>>) semaphore(%arg14 : memref<!tpu.dma_semaphore, #tpu.memory_space<semaphore_mem>>)
        } else {
        }
        %parallel_loop3A_129 = arith.constant 0 : i32
        %parallel_loop3A_130 = arith.constant 128 : i32
        %parallel_loop3A_131 = arith.constant 1 : i32
        scf.for %parallel_loop3A_139 = %parallel_loop3A_129 to %parallel_loop3A_130 step %parallel_loop3A_131  : i32 {
          %parallel_loop3A_140 = vector.broadcast %add3A_110 : i32 to vector<16xi32>
          %parallel_loop3A_141 = vector.broadcast %parallel_loop3A_139 : i32 to vector<16xi32>
          %parallel_loop3A_142 = tpu.vector_load_idx %arg9[%parallel_loop3A_140, %parallel_loop3A_141] : memref<88x128xf32, #tpu.memory_space<vmem>>[vector<16xi32>, vector<16xi32>], vector<16xf32>,
          %parallel_loop3A_143 = arith.index_cast %parallel_loop3A_139 : i32 to index
          %parallel_loop3A_144 = arith.constant 0 : index
          %parallel_loop3A_145 = tpu.vector_load %arg11[%parallel_loop3A_143, %parallel_loop3A_144] {strides = array<i32>} : memref<128x64xf32, #tpu.memory_space<vmem>>, vector<16xf32>,
          %parallel_loop3A_146 = arith.mulf %parallel_loop3A_145, %parallel_loop3A_142 : vector<16xf32>
          %parallel_loop3A_147 = arith.index_cast %parallel_loop3A_139 : i32 to index
          %parallel_loop3A_148 = arith.constant 0 : index
          %parallel_loop3A_149 = tpu.vector_load %arg11[%parallel_loop3A_147, %parallel_loop3A_148] {strides = array<i32>} : memref<128x64xf32, #tpu.memory_space<vmem>>, vector<16xf32>,
          tpu.vector_store %arg11[%parallel_loop3A_147, %parallel_loop3A_148], %parallel_loop3A_146 {strides = array<i32>} : memref<128x64xf32, #tpu.memory_space<vmem>>, vector<16xf32>,
          %parallel_loop3A_150 = arith.index_cast %parallel_loop3A_139 : i32 to index
          %parallel_loop3A_151 = arith.constant 16 : index
          %parallel_loop3A_152 = tpu.vector_load %arg11[%parallel_loop3A_150, %parallel_loop3A_151] {strides = array<i32>} : memref<128x64xf32, #tpu.memory_space<vmem>>, vector<16xf32>,
          %parallel_loop3A_153 = arith.mulf %parallel_loop3A_152, %parallel_loop3A_142 : vector<16xf32>
          %parallel_loop3A_154 = arith.index_cast %parallel_loop3A_139 : i32 to index
          %parallel_loop3A_155 = arith.constant 16 : index
          %parallel_loop3A_156 = tpu.vector_load %arg11[%parallel_loop3A_154, %parallel_loop3A_155] {strides = array<i32>} : memref<128x64xf32, #tpu.memory_space<vmem>>, vector<16xf32>,
          tpu.vector_store %arg11[%parallel_loop3A_154, %parallel_loop3A_155], %parallel_loop3A_153 {strides = array<i32>} : memref<128x64xf32, #tpu.memory_space<vmem>>, vector<16xf32>,
          %parallel_loop3A_157 = arith.index_cast %parallel_loop3A_139 : i32 to index
          %parallel_loop3A_158 = arith.constant 32 : index
          %parallel_loop3A_159 = tpu.vector_load %arg11[%parallel_loop3A_157, %parallel_loop3A_158] {strides = array<i32>} : memref<128x64xf32, #tpu.memory_space<vmem>>, vector<16xf32>,
          %parallel_loop3A_160 = arith.mulf %parallel_loop3A_159, %parallel_loop3A_142 : vector<16xf32>
          %parallel_loop3A_161 = arith.index_cast %parallel_loop3A_139 : i32 to index
          %parallel_loop3A_162 = arith.constant 32 : index
          %parallel_loop3A_163 = tpu.vector_load %arg11[%parallel_loop3A_161, %parallel_loop3A_162] {strides = array<i32>} : memref<128x64xf32, #tpu.memory_space<vmem>>, vector<16xf32>,
          tpu.vector_store %arg11[%parallel_loop3A_161, %parallel_loop3A_162], %parallel_loop3A_160 {strides = array<i32>} : memref<128x64xf32, #tpu.memory_space<vmem>>, vector<16xf32>,
          %parallel_loop3A_164 = arith.index_cast %parallel_loop3A_139 : i32 to index
          %parallel_loop3A_165 = arith.constant 48 : index
          %parallel_loop3A_166 = tpu.vector_load %arg11[%parallel_loop3A_164, %parallel_loop3A_165] {strides = array<i32>} : memref<128x64xf32, #tpu.memory_space<vmem>>, vector<16xf32>,
          %parallel_loop3A_167 = arith.mulf %parallel_loop3A_166, %parallel_loop3A_142 : vector<16xf32>
          %parallel_loop3A_168 = arith.index_cast %parallel_loop3A_139 : i32 to index
          %parallel_loop3A_169 = arith.constant 48 : index
          %parallel_loop3A_170 = tpu.vector_load %arg11[%parallel_loop3A_168, %parallel_loop3A_169] {strides = array<i32>} : memref<128x64xf32, #tpu.memory_space<vmem>>, vector<16xf32>,
          tpu.vector_store %arg11[%parallel_loop3A_168, %parallel_loop3A_169], %parallel_loop3A_167 {strides = array<i32>} : memref<128x64xf32, #tpu.memory_space<vmem>>, vector<16xf32>,
        } {sc.loop_unroll_factor = 8 : i64, sc.parallel_access}
        %dma_start3A_132 = arith.constant 0 : i32
        %dma_start3A_133 = tpu.memref_slice %arg8[%add3A_110, %dma_start3A_132] : memref<88x128xi32, #tpu.memory_space<vmem>> -> memref<1x128xi32, #tpu.memory_space<vmem>>
        %dma_start3A_134 = tpu.memref_squeeze %dma_start3A_133 : memref<1x128xi32, #tpu.memory_space<vmem>> -> memref<128xi32, #tpu.memory_space<vmem>>
        %dma_start3A_135 = arith.constant 0 : i32
        %dma_start3A_136 = arith.constant 0 : i32
        %dma_start3A_137 = tpu.memref_slice %arg12[%dma_start3A_135, %dma_start3A_136] : memref<10000x64xf32, #tpu.memory_space<vmem_shared>> -> memref<10000x64xf32, #tpu.memory_space<vmem_shared>>
        tpu.enqueue_indirect_dma source(%arg11 : memref<128x64xf32, #tpu.memory_space<vmem>>) target(%dma_start3A_137 : memref<10000x64xf32, #tpu.memory_space<vmem_shared>>) offsets(%dma_start3A_134 : memref<128xi32, #tpu.memory_space<vmem>>) semaphore(%arg17 : memref<!tpu.dma_semaphore, #tpu.memory_space<semaphore_mem>>) {add = true}
        %scan3A_138 = arith.constant 0 : i32
        scf.yield %scan3A_138 : i32
      }
      %scan3A_69 = arith.constant 36 : i32
      %dma_wait3A = arith.constant 71 : i32
      %dma_wait3A_70 = arith.constant 0 : i32
      %dma_wait3A_71 = tpu.memref_slice %arg8[%dma_wait3A, %dma_wait3A_70] : memref<88x128xi32, #tpu.memory_space<vmem>> -> memref<1x128xi32, #tpu.memory_space<vmem>>
      %dma_wait3A_72 = tpu.memref_squeeze %dma_wait3A_71 : memref<1x128xi32, #tpu.memory_space<vmem>> -> memref<128xi32, #tpu.memory_space<vmem>>
      %dma_wait3A_73 = arith.constant 0 : i32
      %dma_wait3A_74 = arith.constant 0 : i32
      %dma_wait3A_75 = tpu.memref_slice %arg12[%dma_wait3A_73, %dma_wait3A_74] : memref<10000x64xf32, #tpu.memory_space<vmem_shared>> -> memref<10000x64xf32, #tpu.memory_space<vmem_shared>>
      tpu.wait_indirect_dma semaphore(%arg17 : memref<!tpu.dma_semaphore, #tpu.memory_space<semaphore_mem>>) src(%arg11 : memref<128x64xf32, #tpu.memory_space<vmem>>) dst(%dma_wait3A_75 : memref<10000x64xf32, #tpu.memory_space<vmem_shared>>)
    } else {
    }
    %barrier3A_38 = arith.constant 0 : index
    tpu.barrier barrier_id(%barrier3A_38)
    %mul3A_39 = arith.constant 624 : i32
    %mul3A_40 = arith.muli %arg1, %mul3A_39 : i32
    %multiple_of3A_41 = tpu.assume_multiple %mul3A_40, 8 : i32
    %lt3A_42 = arith.constant 15 : i32
    %lt3A_43 = arith.cmpi slt, %arg1, %lt3A_42 : i32
    %convert_element_type3A_44 = arith.extui %lt3A_43 : i1 to i32
    %cond3A_45 = arith.constant 0 : i32
    %cond3A_46 = arith.cmpi ne, %convert_element_type3A_44, %cond3A_45 : i32
    scf.if %cond3A_46 {
      "tpu.region"() ({
        %run_scoped3A = tpu.sem_alloc : memref<!tpu.dma_semaphore, #tpu.memory_space<semaphore_mem>>
        %dma_start3A = arith.constant 0 : i32
        %dma_start3A_52 = tpu.memref_slice %arg6[%arg0, %multiple_of3A_41, %dma_start3A] : memref<2x10000x64xf32, #tpu.memory_space<hbm>> -> memref<1x624x64xf32, #tpu.memory_space<hbm>>
        %dma_start3A_53 = tpu.memref_squeeze %dma_start3A_52 : memref<1x624x64xf32, #tpu.memory_space<hbm>> -> memref<624x64xf32, #tpu.memory_space<hbm>>
        %dma_start3A_54 = arith.constant 0 : i32
        %dma_start3A_55 = tpu.memref_slice %arg12[%multiple_of3A_41, %dma_start3A_54] : memref<10000x64xf32, #tpu.memory_space<vmem_shared>> -> memref<624x64xf32, #tpu.memory_space<vmem_shared>>
        tpu.enqueue_dma source(%dma_start3A_55 : memref<624x64xf32, #tpu.memory_space<vmem_shared>>) target(%dma_start3A_53 : memref<624x64xf32, #tpu.memory_space<hbm>>) target_semaphore(%run_scoped3A : memref<!tpu.dma_semaphore, #tpu.memory_space<semaphore_mem>>)
        %dma_wait3A = arith.constant 0 : i32
        %dma_wait3A_56 = tpu.memref_slice %arg6[%arg0, %multiple_of3A_41, %dma_wait3A] : memref<2x10000x64xf32, #tpu.memory_space<hbm>> -> memref<1x624x64xf32, #tpu.memory_space<hbm>>
        %dma_wait3A_57 = tpu.memref_squeeze %dma_wait3A_56 : memref<1x624x64xf32, #tpu.memory_space<hbm>> -> memref<624x64xf32, #tpu.memory_space<hbm>>
        %dma_wait3A_58 = arith.constant 0 : i32
        %dma_wait3A_59 = tpu.memref_slice %arg12[%multiple_of3A_41, %dma_wait3A_58] : memref<10000x64xf32, #tpu.memory_space<vmem_shared>> -> memref<624x64xf32, #tpu.memory_space<vmem_shared>>
        tpu.wait_dma2 semaphore(%run_scoped3A : memref<!tpu.dma_semaphore, #tpu.memory_space<semaphore_mem>>) src(%dma_wait3A_59 : memref<624x64xf32, #tpu.memory_space<vmem_shared>>) dst(%dma_wait3A_57 : memref<624x64xf32, #tpu.memory_space<hbm>>)
        tpu.yield
      }) : () -> ()
    } else {
    }
    %eq3A_47 = arith.constant 15 : i32
    %eq3A_48 = arith.cmpi eq, %arg1, %eq3A_47 : i32
    %convert_element_type3A_49 = arith.extui %eq3A_48 : i1 to i32
    %cond3A_50 = arith.constant 0 : i32
    %cond3A_51 = arith.cmpi ne, %convert_element_type3A_49, %cond3A_50 : i32
    scf.if %cond3A_51 {
      "tpu.region"() ({
        %run_scoped3A = tpu.sem_alloc : memref<!tpu.dma_semaphore, #tpu.memory_space<semaphore_mem>>
        %dma_start3A = arith.constant 0 : i32
        %dma_start3A_52 = tpu.memref_slice %arg6[%arg0, %multiple_of3A_41, %dma_start3A] : memref<2x10000x64xf32, #tpu.memory_space<hbm>> -> memref<1x640x64xf32, #tpu.memory_space<hbm>>
        %dma_start3A_53 = tpu.memref_squeeze %dma_start3A_52 : memref<1x640x64xf32, #tpu.memory_space<hbm>> -> memref<640x64xf32, #tpu.memory_space<hbm>>
        %dma_start3A_54 = arith.constant 0 : i32
        %dma_start3A_55 = tpu.memref_slice %arg12[%multiple_of3A_41, %dma_start3A_54] : memref<10000x64xf32, #tpu.memory_space<vmem_shared>> -> memref<640x64xf32, #tpu.memory_space<vmem_shared>>
        tpu.enqueue_dma source(%dma_start3A_55 : memref<640x64xf32, #tpu.memory_space<vmem_shared>>) target(%dma_start3A_53 : memref<640x64xf32, #tpu.memory_space<hbm>>) target_semaphore(%run_scoped3A : memref<!tpu.dma_semaphore, #tpu.memory_space<semaphore_mem>>)
        %dma_wait3A = arith.constant 0 : i32
        %dma_wait3A_56 = tpu.memref_slice %arg6[%arg0, %multiple_of3A_41, %dma_wait3A] : memref<2x10000x64xf32, #tpu.memory_space<hbm>> -> memref<1x640x64xf32, #tpu.memory_space<hbm>>
        %dma_wait3A_57 = tpu.memref_squeeze %dma_wait3A_56 : memref<1x640x64xf32, #tpu.memory_space<hbm>> -> memref<640x64xf32, #tpu.memory_space<hbm>>
        %dma_wait3A_58 = arith.constant 0 : i32
        %dma_wait3A_59 = tpu.memref_slice %arg12[%multiple_of3A_41, %dma_wait3A_58] : memref<10000x64xf32, #tpu.memory_space<vmem_shared>> -> memref<640x64xf32, #tpu.memory_space<vmem_shared>>
        tpu.wait_dma2 semaphore(%run_scoped3A : memref<!tpu.dma_semaphore, #tpu.memory_space<semaphore_mem>>) src(%dma_wait3A_59 : memref<640x64xf32, #tpu.memory_space<vmem_shared>>) dst(%dma_wait3A_57 : memref<640x64xf32, #tpu.memory_space<hbm>>)
        tpu.yield
      }) : () -> ()
    } else {
    }
    return
  }
}

module attributes {stable_mosaic.version = 14 : i64} {
  func.func @_tc1_body(%arg0: memref<2x10000x1xf32, #tpu.memory_space<vmem>>, %arg1: memref<10000x128xf32, #tpu.memory_space<vmem>>, %arg2: memref<128x64xf32, #tpu.memory_space<vmem>>, %arg3: memref<10000x1xf32, #tpu.memory_space<vmem>>, %arg4: memref<10000x64xf32, #tpu.memory_space<vmem>>) attributes {dimension_semantics = [], scalar_prefetch = 0 : i64, scratch_operands = 0 : i64, tpu.core_type = #tpu.core_type<tc>} {
    %get3A = arith.constant 0 : index
    %get3A_0 = arith.constant 0 : index
    %get3A_1 = arith.constant 0 : index
    %get3A_2 = vector.load %arg0[%get3A, %get3A_0, %get3A_1] : memref<2x10000x1xf32, #tpu.memory_space<vmem>>, vector<1x10000x1xf32>
    %get3A_3 = vector.shape_cast %get3A_2 : vector<1x10000x1xf32> to vector<10000x1xf32>
    %add3A = arith.constant 1.000000e+00 : f32
    %add3A_4 = vector.broadcast %add3A : f32 to vector<10000x1xf32>
    %add3A_5 = arith.addf %add3A_4, %get3A_3 : vector<10000x1xf32>
    %get3A_6 = arith.constant 1 : index
    %get3A_7 = arith.constant 0 : index
    %get3A_8 = arith.constant 0 : index
    %get3A_9 = vector.load %arg0[%get3A_6, %get3A_7, %get3A_8] : memref<2x10000x1xf32, #tpu.memory_space<vmem>>, vector<1x10000x1xf32>
    %get3A_10 = vector.shape_cast %get3A_9 : vector<1x10000x1xf32> to vector<10000x1xf32>
    %add3A_11 = arith.addf %add3A_5, %get3A_10 : vector<10000x1xf32>
    %rsqrt3A = math.rsqrt %add3A_11 : vector<10000x1xf32>
    %swap3A = arith.constant 0 : index
    %swap3A_12 = arith.constant 0 : index
    %swap3A_13 = vector.load %arg3[%swap3A, %swap3A_12] : memref<10000x1xf32, #tpu.memory_space<vmem>>, vector<10000x1xf32>
    tpu.vector_store %arg3[%swap3A, %swap3A_12], %rsqrt3A {strides = array<i32>} : memref<10000x1xf32, #tpu.memory_space<vmem>>, vector<10000x1xf32>,
    %get3A_14 = arith.constant 0 : index
    %get3A_15 = arith.constant 0 : index
    %get3A_16 = vector.load %arg1[%get3A_14, %get3A_15] : memref<10000x128xf32, #tpu.memory_space<vmem>>, vector<10000x128xf32>
    %get3A_17 = arith.constant 0 : index
    %get3A_18 = arith.constant 0 : index
    %get3A_19 = vector.load %arg2[%get3A_17, %get3A_18] : memref<128x64xf32, #tpu.memory_space<vmem>>, vector<128x64xf32>
    %dot_general3A = arith.constant dense<0.000000e+00> : vector<10000x64xf32>
    %dot_general3A_20 = tpu.matmul %get3A_16, %get3A_19, %dot_general3A {dimension_numbers = #tpu.dot_dimension_numbers<[1], [0], [0], [1], [0, 0, 1, 1], [], []>, transpose_lhs_hint = false} : vector<10000x128xf32>, vector<128x64xf32>, vector<10000x64xf32> -> vector<10000x64xf32>
    %mul3A = vector.broadcast %rsqrt3A : vector<10000x1xf32> to vector<10000x64xf32>
    %mul3A_21 = arith.mulf %dot_general3A_20, %mul3A : vector<10000x64xf32>
    %swap3A_22 = arith.constant 0 : index
    %swap3A_23 = arith.constant 0 : index
    %swap3A_24 = vector.load %arg4[%swap3A_22, %swap3A_23] : memref<10000x64xf32, #tpu.memory_space<vmem>>, vector<10000x64xf32>
    tpu.vector_store %arg4[%swap3A_22, %swap3A_23], %mul3A_21 {strides = array<i32>} : memref<10000x64xf32, #tpu.memory_space<vmem>>, vector<10000x64xf32>,
    return
  }
}

module attributes {stable_mosaic.version = 14 : i64} {
  func.func @_tc2_body(%arg0: memref<2x10000x64xf32, #tpu.memory_space<vmem>>, %arg1: memref<10000x64xf32, #tpu.memory_space<vmem>>, %arg2: memref<10000x1xf32, #tpu.memory_space<vmem>>, %arg3: memref<1x64xf32, #tpu.memory_space<vmem>>, %arg4: memref<64x32xf32, #tpu.memory_space<vmem>>, %arg5: memref<10000x32xf32, #tpu.memory_space<vmem>>) attributes {dimension_semantics = [], scalar_prefetch = 0 : i64, scratch_operands = 0 : i64, tpu.core_type = #tpu.core_type<tc>} {
    %get3A = arith.constant 0 : index
    %get3A_0 = arith.constant 0 : index
    %get3A_1 = vector.load %arg2[%get3A, %get3A_0] : memref<10000x1xf32, #tpu.memory_space<vmem>>, vector<10000x1xf32>
    %get3A_2 = arith.constant 0 : index
    %get3A_3 = arith.constant 0 : index
    %get3A_4 = arith.constant 0 : index
    %get3A_5 = vector.load %arg0[%get3A_2, %get3A_3, %get3A_4] : memref<2x10000x64xf32, #tpu.memory_space<vmem>>, vector<1x10000x64xf32>
    %get3A_6 = vector.shape_cast %get3A_5 : vector<1x10000x64xf32> to vector<10000x64xf32>
    %get3A_7 = arith.constant 1 : index
    %get3A_8 = arith.constant 0 : index
    %get3A_9 = arith.constant 0 : index
    %get3A_10 = vector.load %arg0[%get3A_7, %get3A_8, %get3A_9] : memref<2x10000x64xf32, #tpu.memory_space<vmem>>, vector<1x10000x64xf32>
    %get3A_11 = vector.shape_cast %get3A_10 : vector<1x10000x64xf32> to vector<10000x64xf32>
    %add3A = arith.addf %get3A_6, %get3A_11 : vector<10000x64xf32>
    %get3A_12 = arith.constant 0 : index
    %get3A_13 = arith.constant 0 : index
    %get3A_14 = vector.load %arg1[%get3A_12, %get3A_13] : memref<10000x64xf32, #tpu.memory_space<vmem>>, vector<10000x64xf32>
    %add3A_15 = arith.addf %add3A, %get3A_14 : vector<10000x64xf32>
    %mul3A = vector.broadcast %get3A_1 : vector<10000x1xf32> to vector<10000x64xf32>
    %mul3A_16 = arith.mulf %mul3A, %add3A_15 : vector<10000x64xf32>
    %get3A_17 = arith.constant 0 : index
    %get3A_18 = arith.constant 0 : index
    %get3A_19 = vector.load %arg3[%get3A_17, %get3A_18] : memref<1x64xf32, #tpu.memory_space<vmem>>, vector<1x64xf32>
    %add3A_20 = vector.broadcast %get3A_19 : vector<1x64xf32> to vector<10000x64xf32>
    %add3A_21 = arith.addf %mul3A_16, %add3A_20 : vector<10000x64xf32>
    %max3A = arith.constant 0.000000e+00 : f32
    %max3A_22 = vector.broadcast %max3A : f32 to vector<10000x64xf32>
    %max3A_23 = arith.maximumf %add3A_21, %max3A_22 : vector<10000x64xf32>
    %get3A_24 = arith.constant 0 : index
    %get3A_25 = arith.constant 0 : index
    %get3A_26 = vector.load %arg4[%get3A_24, %get3A_25] : memref<64x32xf32, #tpu.memory_space<vmem>>, vector<64x32xf32>
    %dot_general3A = arith.constant dense<0.000000e+00> : vector<10000x32xf32>
    %dot_general3A_27 = tpu.matmul %max3A_23, %get3A_26, %dot_general3A {dimension_numbers = #tpu.dot_dimension_numbers<[1], [0], [0], [1], [0, 0, 1, 1], [], []>, transpose_lhs_hint = false} : vector<10000x64xf32>, vector<64x32xf32>, vector<10000x32xf32> -> vector<10000x32xf32>
    %mul3A_28 = vector.broadcast %get3A_1 : vector<10000x1xf32> to vector<10000x32xf32>
    %mul3A_29 = arith.mulf %dot_general3A_27, %mul3A_28 : vector<10000x32xf32>
    %swap3A = arith.constant 0 : index
    %swap3A_30 = arith.constant 0 : index
    %swap3A_31 = vector.load %arg5[%swap3A, %swap3A_30] : memref<10000x32xf32, #tpu.memory_space<vmem>>, vector<10000x32xf32>
    tpu.vector_store %arg5[%swap3A, %swap3A_30], %mul3A_29 {strides = array<i32>} : memref<10000x32xf32, #tpu.memory_space<vmem>>, vector<10000x32xf32>,
    return
  }
}

module attributes {stable_mosaic.version = 14 : i64} {
  func.func @_tc3_body(%arg0: memref<2x10000x32xf32, #tpu.memory_space<vmem>>, %arg1: memref<10000x32xf32, #tpu.memory_space<vmem>>, %arg2: memref<10000x1xf32, #tpu.memory_space<vmem>>, %arg3: memref<1x32xf32, #tpu.memory_space<vmem>>, %arg4: memref<10000x1xi32, #tpu.memory_space<vmem>>, %arg5: memref<20xi32, #tpu.memory_space<smem>>, %arg6: memref<32x4xf32, #tpu.memory_space<vmem>>, %arg7: memref<1x4xf32, #tpu.memory_space<vmem>>, %arg8: memref<64x4xf32, #tpu.memory_space<vmem>>, %arg9: memref<64x32xf32, #tpu.memory_space<vmem>>) attributes {dimension_semantics = [], scalar_prefetch = 0 : i64, scratch_operands = 1 : i64, tpu.core_type = #tpu.core_type<tc>} {
    %get3A = arith.constant 0 : index
    %get3A_0 = arith.constant 0 : index
    %get3A_1 = vector.load %arg2[%get3A, %get3A_0] : memref<10000x1xf32, #tpu.memory_space<vmem>>, vector<10000x1xf32>
    %get3A_2 = arith.constant 0 : index
    %get3A_3 = arith.constant 0 : index
    %get3A_4 = arith.constant 0 : index
    %get3A_5 = vector.load %arg0[%get3A_2, %get3A_3, %get3A_4] : memref<2x10000x32xf32, #tpu.memory_space<vmem>>, vector<1x10000x32xf32>
    %get3A_6 = vector.shape_cast %get3A_5 : vector<1x10000x32xf32> to vector<10000x32xf32>
    %get3A_7 = arith.constant 1 : index
    %get3A_8 = arith.constant 0 : index
    %get3A_9 = arith.constant 0 : index
    %get3A_10 = vector.load %arg0[%get3A_7, %get3A_8, %get3A_9] : memref<2x10000x32xf32, #tpu.memory_space<vmem>>, vector<1x10000x32xf32>
    %get3A_11 = vector.shape_cast %get3A_10 : vector<1x10000x32xf32> to vector<10000x32xf32>
    %add3A = arith.addf %get3A_6, %get3A_11 : vector<10000x32xf32>
    %get3A_12 = arith.constant 0 : index
    %get3A_13 = arith.constant 0 : index
    %get3A_14 = vector.load %arg1[%get3A_12, %get3A_13] : memref<10000x32xf32, #tpu.memory_space<vmem>>, vector<10000x32xf32>
    %add3A_15 = arith.addf %add3A, %get3A_14 : vector<10000x32xf32>
    %mul3A = vector.broadcast %get3A_1 : vector<10000x1xf32> to vector<10000x32xf32>
    %mul3A_16 = arith.mulf %mul3A, %add3A_15 : vector<10000x32xf32>
    %get3A_17 = arith.constant 0 : index
    %get3A_18 = arith.constant 0 : index
    %get3A_19 = vector.load %arg3[%get3A_17, %get3A_18] : memref<1x32xf32, #tpu.memory_space<vmem>>, vector<1x32xf32>
    %add3A_20 = vector.broadcast %get3A_19 : vector<1x32xf32> to vector<10000x32xf32>
    %add3A_21 = arith.addf %mul3A_16, %add3A_20 : vector<10000x32xf32>
    %max3A = arith.constant 0.000000e+00 : f32
    %max3A_22 = vector.broadcast %max3A : f32 to vector<10000x32xf32>
    %max3A_23 = arith.maximumf %add3A_21, %max3A_22 : vector<10000x32xf32>
    %get3A_24 = arith.constant 0 : index
    %get3A_25 = arith.constant 0 : index
    %get3A_26 = vector.load %arg4[%get3A_24, %get3A_25] : memref<10000x1xi32, #tpu.memory_space<vmem>>, vector<10000x1xi32>
    %broadcast_in_dim3A = arith.constant 0xFF800000 : f32
    %broadcast_in_dim3A_27 = vector.broadcast %broadcast_in_dim3A : f32 to vector<64x32xf32>
    %swap3A = arith.constant 0 : index
    %swap3A_28 = arith.constant 0 : index
    %swap3A_29 = vector.load %arg9[%swap3A, %swap3A_28] : memref<64x32xf32, #tpu.memory_space<vmem>>, vector<64x32xf32>
    tpu.vector_store %arg9[%swap3A, %swap3A_28], %broadcast_in_dim3A_27 {strides = array<i32>} : memref<64x32xf32, #tpu.memory_space<vmem>>, vector<64x32xf32>,
    %slice3A = vector.extract_strided_slice %max3A_23 {offsets = [0, 0], sizes = [1000, 32], strides = [1, 1]} : vector<10000x32xf32> to vector<1000x32xf32>
    %slice3A_30 = vector.extract_strided_slice %get3A_26 {offsets = [0, 0], sizes = [1000, 1], strides = [1, 1]} : vector<10000x1xi32> to vector<1000x1xi32>
    %get3A_31 = arith.constant 0 : index
    %get3A_32 = memref.load %arg5[%get3A_31] : memref<20xi32, #tpu.memory_space<smem>>
    %get3A_33 = arith.constant 10 : index
    %get3A_34 = memref.load %arg5[%get3A_33] : memref<20xi32, #tpu.memory_space<smem>>
    %add3A_35 = arith.constant 1 : i32
    %add3A_36 = arith.addi %get3A_34, %add3A_35 : i32
    %while3A = arith.constant 0 : i32
    %while3A_37 = arith.subi %add3A_36, %get3A_32 : i32
    %while3A_38 = arith.addi %get3A_32, %while3A_37 : i32
    %while3A_39 = arith.constant 1 : i32
    %while3A_40 = arith.divsi %while3A_37, %while3A_39 : i32
    %while3A_41 = arith.muli %while3A_40, %while3A_39 : i32
    %while3A_42 = arith.addi %get3A_32, %while3A_41 : i32
    %while3A_43 = arith.constant 1 : i32
    %while3A_44 = scf.for %while3A_233 = %get3A_32 to %while3A_42 step %while3A_43 iter_args(%while3A_234 = %while3A) -> (i32)  : i32 {
      %eq3A = vector.broadcast %while3A_233 : i32 to vector<1000x1xi32>
      %eq3A_235 = arith.cmpi eq, %slice3A_30, %eq3A : vector<1000x1xi32>
      %jit3A = arith.constant 0xFF800000 : f32
      %broadcast_in_dim3A_236 = vector.shape_cast %eq3A_235 : vector<1000x1xi1> to vector<1000x1xi1>
      %broadcast_in_dim3A_237 = vector.broadcast %broadcast_in_dim3A_236 : vector<1000x1xi1> to vector<1000x32xi1>
      %broadcast_in_dim3A_238 = vector.broadcast %jit3A : f32 to vector<1000x32xf32>
      %select_n3A = arith.select %broadcast_in_dim3A_237, %slice3A, %broadcast_in_dim3A_238 : vector<1000x32xi1>, vector<1000x32xf32>
      %get3A_239 = arith.index_cast %while3A_233 : i32 to index
      %get3A_240 = arith.constant 0 : index
      %get3A_241 = vector.load %arg9[%get3A_239, %get3A_240] : memref<64x32xf32, #tpu.memory_space<vmem>>, vector<1x32xf32>
      %reduce_max3A = arith.constant dense<0xFF800000> : vector<32xf32>
      %reduce_max3A_242 = vector.multi_reduction <maximumf>, %select_n3A, %reduce_max3A [0] : vector<1000x32xf32> to vector<32xf32>
      %broadcast_in_dim3A_243 = vector.shape_cast %reduce_max3A_242 : vector<32xf32> to vector<1x32xf32>
      %max3A_244 = arith.maximumf %get3A_241, %broadcast_in_dim3A_243 : vector<1x32xf32>
      %swap3A_245 = arith.index_cast %while3A_233 : i32 to index
      %swap3A_246 = arith.constant 0 : index
      %swap3A_247 = vector.load %arg9[%swap3A_245, %swap3A_246] : memref<64x32xf32, #tpu.memory_space<vmem>>, vector<1x32xf32>
      tpu.vector_store %arg9[%swap3A_245, %swap3A_246], %max3A_244 {strides = array<i32>} : memref<64x32xf32, #tpu.memory_space<vmem>>, vector<1x32xf32>,
      %while3A_248 = arith.constant 0 : i32
      scf.yield %while3A_248 : i32
    }
    %while3A_45 = arith.constant 1 : i32
    %while3A_46 = scf.for %while3A_233 = %while3A_42 to %while3A_38 step %while3A_45 iter_args(%while3A_234 = %while3A_44) -> (i32)  : i32 {
      %eq3A = vector.broadcast %while3A_233 : i32 to vector<1000x1xi32>
      %eq3A_235 = arith.cmpi eq, %slice3A_30, %eq3A : vector<1000x1xi32>
      %jit3A = arith.constant 0xFF800000 : f32
      %broadcast_in_dim3A_236 = vector.shape_cast %eq3A_235 : vector<1000x1xi1> to vector<1000x1xi1>
      %broadcast_in_dim3A_237 = vector.broadcast %broadcast_in_dim3A_236 : vector<1000x1xi1> to vector<1000x32xi1>
      %broadcast_in_dim3A_238 = vector.broadcast %jit3A : f32 to vector<1000x32xf32>
      %select_n3A = arith.select %broadcast_in_dim3A_237, %slice3A, %broadcast_in_dim3A_238 : vector<1000x32xi1>, vector<1000x32xf32>
      %get3A_239 = arith.index_cast %while3A_233 : i32 to index
      %get3A_240 = arith.constant 0 : index
      %get3A_241 = vector.load %arg9[%get3A_239, %get3A_240] : memref<64x32xf32, #tpu.memory_space<vmem>>, vector<1x32xf32>
      %reduce_max3A = arith.constant dense<0xFF800000> : vector<32xf32>
      %reduce_max3A_242 = vector.multi_reduction <maximumf>, %select_n3A, %reduce_max3A [0] : vector<1000x32xf32> to vector<32xf32>
      %broadcast_in_dim3A_243 = vector.shape_cast %reduce_max3A_242 : vector<32xf32> to vector<1x32xf32>
      %max3A_244 = arith.maximumf %get3A_241, %broadcast_in_dim3A_243 : vector<1x32xf32>
      %swap3A_245 = arith.index_cast %while3A_233 : i32 to index
      %swap3A_246 = arith.constant 0 : index
      %swap3A_247 = vector.load %arg9[%swap3A_245, %swap3A_246] : memref<64x32xf32, #tpu.memory_space<vmem>>, vector<1x32xf32>
      tpu.vector_store %arg9[%swap3A_245, %swap3A_246], %max3A_244 {strides = array<i32>} : memref<64x32xf32, #tpu.memory_space<vmem>>, vector<1x32xf32>,
      %while3A_248 = arith.constant 0 : i32
      scf.yield %while3A_248 : i32
    }
    %slice3A_47 = vector.extract_strided_slice %max3A_23 {offsets = [1000, 0], sizes = [1000, 32], strides = [1, 1]} : vector<10000x32xf32> to vector<1000x32xf32>
    %slice3A_48 = vector.extract_strided_slice %get3A_26 {offsets = [1000, 0], sizes = [1000, 1], strides = [1, 1]} : vector<10000x1xi32> to vector<1000x1xi32>
    %get3A_49 = arith.constant 1 : index
    %get3A_50 = memref.load %arg5[%get3A_49] : memref<20xi32, #tpu.memory_space<smem>>
    %get3A_51 = arith.constant 11 : index
    %get3A_52 = memref.load %arg5[%get3A_51] : memref<20xi32, #tpu.memory_space<smem>>
    %add3A_53 = arith.constant 1 : i32
    %add3A_54 = arith.addi %get3A_52, %add3A_53 : i32
    %while3A_55 = arith.constant 0 : i32
    %while3A_56 = arith.subi %add3A_54, %get3A_50 : i32
    %while3A_57 = arith.addi %get3A_50, %while3A_56 : i32
    %while3A_58 = arith.constant 1 : i32
    %while3A_59 = arith.divsi %while3A_56, %while3A_58 : i32
    %while3A_60 = arith.muli %while3A_59, %while3A_58 : i32
    %while3A_61 = arith.addi %get3A_50, %while3A_60 : i32
    %while3A_62 = arith.constant 1 : i32
    %while3A_63 = scf.for %while3A_233 = %get3A_50 to %while3A_61 step %while3A_62 iter_args(%while3A_234 = %while3A_55) -> (i32)  : i32 {
      %eq3A = vector.broadcast %while3A_233 : i32 to vector<1000x1xi32>
      %eq3A_235 = arith.cmpi eq, %slice3A_48, %eq3A : vector<1000x1xi32>
      %jit3A = arith.constant 0xFF800000 : f32
      %broadcast_in_dim3A_236 = vector.shape_cast %eq3A_235 : vector<1000x1xi1> to vector<1000x1xi1>
      %broadcast_in_dim3A_237 = vector.broadcast %broadcast_in_dim3A_236 : vector<1000x1xi1> to vector<1000x32xi1>
      %broadcast_in_dim3A_238 = vector.broadcast %jit3A : f32 to vector<1000x32xf32>
      %select_n3A = arith.select %broadcast_in_dim3A_237, %slice3A_47, %broadcast_in_dim3A_238 : vector<1000x32xi1>, vector<1000x32xf32>
      %get3A_239 = arith.index_cast %while3A_233 : i32 to index
      %get3A_240 = arith.constant 0 : index
      %get3A_241 = vector.load %arg9[%get3A_239, %get3A_240] : memref<64x32xf32, #tpu.memory_space<vmem>>, vector<1x32xf32>
      %reduce_max3A = arith.constant dense<0xFF800000> : vector<32xf32>
      %reduce_max3A_242 = vector.multi_reduction <maximumf>, %select_n3A, %reduce_max3A [0] : vector<1000x32xf32> to vector<32xf32>
      %broadcast_in_dim3A_243 = vector.shape_cast %reduce_max3A_242 : vector<32xf32> to vector<1x32xf32>
      %max3A_244 = arith.maximumf %get3A_241, %broadcast_in_dim3A_243 : vector<1x32xf32>
      %swap3A_245 = arith.index_cast %while3A_233 : i32 to index
      %swap3A_246 = arith.constant 0 : index
      %swap3A_247 = vector.load %arg9[%swap3A_245, %swap3A_246] : memref<64x32xf32, #tpu.memory_space<vmem>>, vector<1x32xf32>
      tpu.vector_store %arg9[%swap3A_245, %swap3A_246], %max3A_244 {strides = array<i32>} : memref<64x32xf32, #tpu.memory_space<vmem>>, vector<1x32xf32>,
      %while3A_248 = arith.constant 0 : i32
      scf.yield %while3A_248 : i32
    }
    %while3A_64 = arith.constant 1 : i32
    %while3A_65 = scf.for %while3A_233 = %while3A_61 to %while3A_57 step %while3A_64 iter_args(%while3A_234 = %while3A_63) -> (i32)  : i32 {
      %eq3A = vector.broadcast %while3A_233 : i32 to vector<1000x1xi32>
      %eq3A_235 = arith.cmpi eq, %slice3A_48, %eq3A : vector<1000x1xi32>
      %jit3A = arith.constant 0xFF800000 : f32
      %broadcast_in_dim3A_236 = vector.shape_cast %eq3A_235 : vector<1000x1xi1> to vector<1000x1xi1>
      %broadcast_in_dim3A_237 = vector.broadcast %broadcast_in_dim3A_236 : vector<1000x1xi1> to vector<1000x32xi1>
      %broadcast_in_dim3A_238 = vector.broadcast %jit3A : f32 to vector<1000x32xf32>
      %select_n3A = arith.select %broadcast_in_dim3A_237, %slice3A_47, %broadcast_in_dim3A_238 : vector<1000x32xi1>, vector<1000x32xf32>
      %get3A_239 = arith.index_cast %while3A_233 : i32 to index
      %get3A_240 = arith.constant 0 : index
      %get3A_241 = vector.load %arg9[%get3A_239, %get3A_240] : memref<64x32xf32, #tpu.memory_space<vmem>>, vector<1x32xf32>
      %reduce_max3A = arith.constant dense<0xFF800000> : vector<32xf32>
      %reduce_max3A_242 = vector.multi_reduction <maximumf>, %select_n3A, %reduce_max3A [0] : vector<1000x32xf32> to vector<32xf32>
      %broadcast_in_dim3A_243 = vector.shape_cast %reduce_max3A_242 : vector<32xf32> to vector<1x32xf32>
      %max3A_244 = arith.maximumf %get3A_241, %broadcast_in_dim3A_243 : vector<1x32xf32>
      %swap3A_245 = arith.index_cast %while3A_233 : i32 to index
      %swap3A_246 = arith.constant 0 : index
      %swap3A_247 = vector.load %arg9[%swap3A_245, %swap3A_246] : memref<64x32xf32, #tpu.memory_space<vmem>>, vector<1x32xf32>
      tpu.vector_store %arg9[%swap3A_245, %swap3A_246], %max3A_244 {strides = array<i32>} : memref<64x32xf32, #tpu.memory_space<vmem>>, vector<1x32xf32>,
      %while3A_248 = arith.constant 0 : i32
      scf.yield %while3A_248 : i32
    }
    %slice3A_66 = vector.extract_strided_slice %max3A_23 {offsets = [2000, 0], sizes = [1000, 32], strides = [1, 1]} : vector<10000x32xf32> to vector<1000x32xf32>
    %slice3A_67 = vector.extract_strided_slice %get3A_26 {offsets = [2000, 0], sizes = [1000, 1], strides = [1, 1]} : vector<10000x1xi32> to vector<1000x1xi32>
    %get3A_68 = arith.constant 2 : index
    %get3A_69 = memref.load %arg5[%get3A_68] : memref<20xi32, #tpu.memory_space<smem>>
    %get3A_70 = arith.constant 12 : index
    %get3A_71 = memref.load %arg5[%get3A_70] : memref<20xi32, #tpu.memory_space<smem>>
    %add3A_72 = arith.constant 1 : i32
    %add3A_73 = arith.addi %get3A_71, %add3A_72 : i32
    %while3A_74 = arith.constant 0 : i32
    %while3A_75 = arith.subi %add3A_73, %get3A_69 : i32
    %while3A_76 = arith.addi %get3A_69, %while3A_75 : i32
    %while3A_77 = arith.constant 1 : i32
    %while3A_78 = arith.divsi %while3A_75, %while3A_77 : i32
    %while3A_79 = arith.muli %while3A_78, %while3A_77 : i32
    %while3A_80 = arith.addi %get3A_69, %while3A_79 : i32
    %while3A_81 = arith.constant 1 : i32
    %while3A_82 = scf.for %while3A_233 = %get3A_69 to %while3A_80 step %while3A_81 iter_args(%while3A_234 = %while3A_74) -> (i32)  : i32 {
      %eq3A = vector.broadcast %while3A_233 : i32 to vector<1000x1xi32>
      %eq3A_235 = arith.cmpi eq, %slice3A_67, %eq3A : vector<1000x1xi32>
      %jit3A = arith.constant 0xFF800000 : f32
      %broadcast_in_dim3A_236 = vector.shape_cast %eq3A_235 : vector<1000x1xi1> to vector<1000x1xi1>
      %broadcast_in_dim3A_237 = vector.broadcast %broadcast_in_dim3A_236 : vector<1000x1xi1> to vector<1000x32xi1>
      %broadcast_in_dim3A_238 = vector.broadcast %jit3A : f32 to vector<1000x32xf32>
      %select_n3A = arith.select %broadcast_in_dim3A_237, %slice3A_66, %broadcast_in_dim3A_238 : vector<1000x32xi1>, vector<1000x32xf32>
      %get3A_239 = arith.index_cast %while3A_233 : i32 to index
      %get3A_240 = arith.constant 0 : index
      %get3A_241 = vector.load %arg9[%get3A_239, %get3A_240] : memref<64x32xf32, #tpu.memory_space<vmem>>, vector<1x32xf32>
      %reduce_max3A = arith.constant dense<0xFF800000> : vector<32xf32>
      %reduce_max3A_242 = vector.multi_reduction <maximumf>, %select_n3A, %reduce_max3A [0] : vector<1000x32xf32> to vector<32xf32>
      %broadcast_in_dim3A_243 = vector.shape_cast %reduce_max3A_242 : vector<32xf32> to vector<1x32xf32>
      %max3A_244 = arith.maximumf %get3A_241, %broadcast_in_dim3A_243 : vector<1x32xf32>
      %swap3A_245 = arith.index_cast %while3A_233 : i32 to index
      %swap3A_246 = arith.constant 0 : index
      %swap3A_247 = vector.load %arg9[%swap3A_245, %swap3A_246] : memref<64x32xf32, #tpu.memory_space<vmem>>, vector<1x32xf32>
      tpu.vector_store %arg9[%swap3A_245, %swap3A_246], %max3A_244 {strides = array<i32>} : memref<64x32xf32, #tpu.memory_space<vmem>>, vector<1x32xf32>,
      %while3A_248 = arith.constant 0 : i32
      scf.yield %while3A_248 : i32
    }
    %while3A_83 = arith.constant 1 : i32
    %while3A_84 = scf.for %while3A_233 = %while3A_80 to %while3A_76 step %while3A_83 iter_args(%while3A_234 = %while3A_82) -> (i32)  : i32 {
      %eq3A = vector.broadcast %while3A_233 : i32 to vector<1000x1xi32>
      %eq3A_235 = arith.cmpi eq, %slice3A_67, %eq3A : vector<1000x1xi32>
      %jit3A = arith.constant 0xFF800000 : f32
      %broadcast_in_dim3A_236 = vector.shape_cast %eq3A_235 : vector<1000x1xi1> to vector<1000x1xi1>
      %broadcast_in_dim3A_237 = vector.broadcast %broadcast_in_dim3A_236 : vector<1000x1xi1> to vector<1000x32xi1>
      %broadcast_in_dim3A_238 = vector.broadcast %jit3A : f32 to vector<1000x32xf32>
      %select_n3A = arith.select %broadcast_in_dim3A_237, %slice3A_66, %broadcast_in_dim3A_238 : vector<1000x32xi1>, vector<1000x32xf32>
      %get3A_239 = arith.index_cast %while3A_233 : i32 to index
      %get3A_240 = arith.constant 0 : index
      %get3A_241 = vector.load %arg9[%get3A_239, %get3A_240] : memref<64x32xf32, #tpu.memory_space<vmem>>, vector<1x32xf32>
      %reduce_max3A = arith.constant dense<0xFF800000> : vector<32xf32>
      %reduce_max3A_242 = vector.multi_reduction <maximumf>, %select_n3A, %reduce_max3A [0] : vector<1000x32xf32> to vector<32xf32>
      %broadcast_in_dim3A_243 = vector.shape_cast %reduce_max3A_242 : vector<32xf32> to vector<1x32xf32>
      %max3A_244 = arith.maximumf %get3A_241, %broadcast_in_dim3A_243 : vector<1x32xf32>
      %swap3A_245 = arith.index_cast %while3A_233 : i32 to index
      %swap3A_246 = arith.constant 0 : index
      %swap3A_247 = vector.load %arg9[%swap3A_245, %swap3A_246] : memref<64x32xf32, #tpu.memory_space<vmem>>, vector<1x32xf32>
      tpu.vector_store %arg9[%swap3A_245, %swap3A_246], %max3A_244 {strides = array<i32>} : memref<64x32xf32, #tpu.memory_space<vmem>>, vector<1x32xf32>,
      %while3A_248 = arith.constant 0 : i32
      scf.yield %while3A_248 : i32
    }
    %slice3A_85 = vector.extract_strided_slice %max3A_23 {offsets = [3000, 0], sizes = [1000, 32], strides = [1, 1]} : vector<10000x32xf32> to vector<1000x32xf32>
    %slice3A_86 = vector.extract_strided_slice %get3A_26 {offsets = [3000, 0], sizes = [1000, 1], strides = [1, 1]} : vector<10000x1xi32> to vector<1000x1xi32>
    %get3A_87 = arith.constant 3 : index
    %get3A_88 = memref.load %arg5[%get3A_87] : memref<20xi32, #tpu.memory_space<smem>>
    %get3A_89 = arith.constant 13 : index
    %get3A_90 = memref.load %arg5[%get3A_89] : memref<20xi32, #tpu.memory_space<smem>>
    %add3A_91 = arith.constant 1 : i32
    %add3A_92 = arith.addi %get3A_90, %add3A_91 : i32
    %while3A_93 = arith.constant 0 : i32
    %while3A_94 = arith.subi %add3A_92, %get3A_88 : i32
    %while3A_95 = arith.addi %get3A_88, %while3A_94 : i32
    %while3A_96 = arith.constant 1 : i32
    %while3A_97 = arith.divsi %while3A_94, %while3A_96 : i32
    %while3A_98 = arith.muli %while3A_97, %while3A_96 : i32
    %while3A_99 = arith.addi %get3A_88, %while3A_98 : i32
    %while3A_100 = arith.constant 1 : i32
    %while3A_101 = scf.for %while3A_233 = %get3A_88 to %while3A_99 step %while3A_100 iter_args(%while3A_234 = %while3A_93) -> (i32)  : i32 {
      %eq3A = vector.broadcast %while3A_233 : i32 to vector<1000x1xi32>
      %eq3A_235 = arith.cmpi eq, %slice3A_86, %eq3A : vector<1000x1xi32>
      %jit3A = arith.constant 0xFF800000 : f32
      %broadcast_in_dim3A_236 = vector.shape_cast %eq3A_235 : vector<1000x1xi1> to vector<1000x1xi1>
      %broadcast_in_dim3A_237 = vector.broadcast %broadcast_in_dim3A_236 : vector<1000x1xi1> to vector<1000x32xi1>
      %broadcast_in_dim3A_238 = vector.broadcast %jit3A : f32 to vector<1000x32xf32>
      %select_n3A = arith.select %broadcast_in_dim3A_237, %slice3A_85, %broadcast_in_dim3A_238 : vector<1000x32xi1>, vector<1000x32xf32>
      %get3A_239 = arith.index_cast %while3A_233 : i32 to index
      %get3A_240 = arith.constant 0 : index
      %get3A_241 = vector.load %arg9[%get3A_239, %get3A_240] : memref<64x32xf32, #tpu.memory_space<vmem>>, vector<1x32xf32>
      %reduce_max3A = arith.constant dense<0xFF800000> : vector<32xf32>
      %reduce_max3A_242 = vector.multi_reduction <maximumf>, %select_n3A, %reduce_max3A [0] : vector<1000x32xf32> to vector<32xf32>
      %broadcast_in_dim3A_243 = vector.shape_cast %reduce_max3A_242 : vector<32xf32> to vector<1x32xf32>
      %max3A_244 = arith.maximumf %get3A_241, %broadcast_in_dim3A_243 : vector<1x32xf32>
      %swap3A_245 = arith.index_cast %while3A_233 : i32 to index
      %swap3A_246 = arith.constant 0 : index
      %swap3A_247 = vector.load %arg9[%swap3A_245, %swap3A_246] : memref<64x32xf32, #tpu.memory_space<vmem>>, vector<1x32xf32>
      tpu.vector_store %arg9[%swap3A_245, %swap3A_246], %max3A_244 {strides = array<i32>} : memref<64x32xf32, #tpu.memory_space<vmem>>, vector<1x32xf32>,
      %while3A_248 = arith.constant 0 : i32
      scf.yield %while3A_248 : i32
    }
    %while3A_102 = arith.constant 1 : i32
    %while3A_103 = scf.for %while3A_233 = %while3A_99 to %while3A_95 step %while3A_102 iter_args(%while3A_234 = %while3A_101) -> (i32)  : i32 {
      %eq3A = vector.broadcast %while3A_233 : i32 to vector<1000x1xi32>
      %eq3A_235 = arith.cmpi eq, %slice3A_86, %eq3A : vector<1000x1xi32>
      %jit3A = arith.constant 0xFF800000 : f32
      %broadcast_in_dim3A_236 = vector.shape_cast %eq3A_235 : vector<1000x1xi1> to vector<1000x1xi1>
      %broadcast_in_dim3A_237 = vector.broadcast %broadcast_in_dim3A_236 : vector<1000x1xi1> to vector<1000x32xi1>
      %broadcast_in_dim3A_238 = vector.broadcast %jit3A : f32 to vector<1000x32xf32>
      %select_n3A = arith.select %broadcast_in_dim3A_237, %slice3A_85, %broadcast_in_dim3A_238 : vector<1000x32xi1>, vector<1000x32xf32>
      %get3A_239 = arith.index_cast %while3A_233 : i32 to index
      %get3A_240 = arith.constant 0 : index
      %get3A_241 = vector.load %arg9[%get3A_239, %get3A_240] : memref<64x32xf32, #tpu.memory_space<vmem>>, vector<1x32xf32>
      %reduce_max3A = arith.constant dense<0xFF800000> : vector<32xf32>
      %reduce_max3A_242 = vector.multi_reduction <maximumf>, %select_n3A, %reduce_max3A [0] : vector<1000x32xf32> to vector<32xf32>
      %broadcast_in_dim3A_243 = vector.shape_cast %reduce_max3A_242 : vector<32xf32> to vector<1x32xf32>
      %max3A_244 = arith.maximumf %get3A_241, %broadcast_in_dim3A_243 : vector<1x32xf32>
      %swap3A_245 = arith.index_cast %while3A_233 : i32 to index
      %swap3A_246 = arith.constant 0 : index
      %swap3A_247 = vector.load %arg9[%swap3A_245, %swap3A_246] : memref<64x32xf32, #tpu.memory_space<vmem>>, vector<1x32xf32>
      tpu.vector_store %arg9[%swap3A_245, %swap3A_246], %max3A_244 {strides = array<i32>} : memref<64x32xf32, #tpu.memory_space<vmem>>, vector<1x32xf32>,
      %while3A_248 = arith.constant 0 : i32
      scf.yield %while3A_248 : i32
    }
    %slice3A_104 = vector.extract_strided_slice %max3A_23 {offsets = [4000, 0], sizes = [1000, 32], strides = [1, 1]} : vector<10000x32xf32> to vector<1000x32xf32>
    %slice3A_105 = vector.extract_strided_slice %get3A_26 {offsets = [4000, 0], sizes = [1000, 1], strides = [1, 1]} : vector<10000x1xi32> to vector<1000x1xi32>
    %get3A_106 = arith.constant 4 : index
    %get3A_107 = memref.load %arg5[%get3A_106] : memref<20xi32, #tpu.memory_space<smem>>
    %get3A_108 = arith.constant 14 : index
    %get3A_109 = memref.load %arg5[%get3A_108] : memref<20xi32, #tpu.memory_space<smem>>
    %add3A_110 = arith.constant 1 : i32
    %add3A_111 = arith.addi %get3A_109, %add3A_110 : i32
    %while3A_112 = arith.constant 0 : i32
    %while3A_113 = arith.subi %add3A_111, %get3A_107 : i32
    %while3A_114 = arith.addi %get3A_107, %while3A_113 : i32
    %while3A_115 = arith.constant 1 : i32
    %while3A_116 = arith.divsi %while3A_113, %while3A_115 : i32
    %while3A_117 = arith.muli %while3A_116, %while3A_115 : i32
    %while3A_118 = arith.addi %get3A_107, %while3A_117 : i32
    %while3A_119 = arith.constant 1 : i32
    %while3A_120 = scf.for %while3A_233 = %get3A_107 to %while3A_118 step %while3A_119 iter_args(%while3A_234 = %while3A_112) -> (i32)  : i32 {
      %eq3A = vector.broadcast %while3A_233 : i32 to vector<1000x1xi32>
      %eq3A_235 = arith.cmpi eq, %slice3A_105, %eq3A : vector<1000x1xi32>
      %jit3A = arith.constant 0xFF800000 : f32
      %broadcast_in_dim3A_236 = vector.shape_cast %eq3A_235 : vector<1000x1xi1> to vector<1000x1xi1>
      %broadcast_in_dim3A_237 = vector.broadcast %broadcast_in_dim3A_236 : vector<1000x1xi1> to vector<1000x32xi1>
      %broadcast_in_dim3A_238 = vector.broadcast %jit3A : f32 to vector<1000x32xf32>
      %select_n3A = arith.select %broadcast_in_dim3A_237, %slice3A_104, %broadcast_in_dim3A_238 : vector<1000x32xi1>, vector<1000x32xf32>
      %get3A_239 = arith.index_cast %while3A_233 : i32 to index
      %get3A_240 = arith.constant 0 : index
      %get3A_241 = vector.load %arg9[%get3A_239, %get3A_240] : memref<64x32xf32, #tpu.memory_space<vmem>>, vector<1x32xf32>
      %reduce_max3A = arith.constant dense<0xFF800000> : vector<32xf32>
      %reduce_max3A_242 = vector.multi_reduction <maximumf>, %select_n3A, %reduce_max3A [0] : vector<1000x32xf32> to vector<32xf32>
      %broadcast_in_dim3A_243 = vector.shape_cast %reduce_max3A_242 : vector<32xf32> to vector<1x32xf32>
      %max3A_244 = arith.maximumf %get3A_241, %broadcast_in_dim3A_243 : vector<1x32xf32>
      %swap3A_245 = arith.index_cast %while3A_233 : i32 to index
      %swap3A_246 = arith.constant 0 : index
      %swap3A_247 = vector.load %arg9[%swap3A_245, %swap3A_246] : memref<64x32xf32, #tpu.memory_space<vmem>>, vector<1x32xf32>
      tpu.vector_store %arg9[%swap3A_245, %swap3A_246], %max3A_244 {strides = array<i32>} : memref<64x32xf32, #tpu.memory_space<vmem>>, vector<1x32xf32>,
      %while3A_248 = arith.constant 0 : i32
      scf.yield %while3A_248 : i32
    }
    %while3A_121 = arith.constant 1 : i32
    %while3A_122 = scf.for %while3A_233 = %while3A_118 to %while3A_114 step %while3A_121 iter_args(%while3A_234 = %while3A_120) -> (i32)  : i32 {
      %eq3A = vector.broadcast %while3A_233 : i32 to vector<1000x1xi32>
      %eq3A_235 = arith.cmpi eq, %slice3A_105, %eq3A : vector<1000x1xi32>
      %jit3A = arith.constant 0xFF800000 : f32
      %broadcast_in_dim3A_236 = vector.shape_cast %eq3A_235 : vector<1000x1xi1> to vector<1000x1xi1>
      %broadcast_in_dim3A_237 = vector.broadcast %broadcast_in_dim3A_236 : vector<1000x1xi1> to vector<1000x32xi1>
      %broadcast_in_dim3A_238 = vector.broadcast %jit3A : f32 to vector<1000x32xf32>
      %select_n3A = arith.select %broadcast_in_dim3A_237, %slice3A_104, %broadcast_in_dim3A_238 : vector<1000x32xi1>, vector<1000x32xf32>
      %get3A_239 = arith.index_cast %while3A_233 : i32 to index
      %get3A_240 = arith.constant 0 : index
      %get3A_241 = vector.load %arg9[%get3A_239, %get3A_240] : memref<64x32xf32, #tpu.memory_space<vmem>>, vector<1x32xf32>
      %reduce_max3A = arith.constant dense<0xFF800000> : vector<32xf32>
      %reduce_max3A_242 = vector.multi_reduction <maximumf>, %select_n3A, %reduce_max3A [0] : vector<1000x32xf32> to vector<32xf32>
      %broadcast_in_dim3A_243 = vector.shape_cast %reduce_max3A_242 : vector<32xf32> to vector<1x32xf32>
      %max3A_244 = arith.maximumf %get3A_241, %broadcast_in_dim3A_243 : vector<1x32xf32>
      %swap3A_245 = arith.index_cast %while3A_233 : i32 to index
      %swap3A_246 = arith.constant 0 : index
      %swap3A_247 = vector.load %arg9[%swap3A_245, %swap3A_246] : memref<64x32xf32, #tpu.memory_space<vmem>>, vector<1x32xf32>
      tpu.vector_store %arg9[%swap3A_245, %swap3A_246], %max3A_244 {strides = array<i32>} : memref<64x32xf32, #tpu.memory_space<vmem>>, vector<1x32xf32>,
      %while3A_248 = arith.constant 0 : i32
      scf.yield %while3A_248 : i32
    }
    %slice3A_123 = vector.extract_strided_slice %max3A_23 {offsets = [5000, 0], sizes = [1000, 32], strides = [1, 1]} : vector<10000x32xf32> to vector<1000x32xf32>
    %slice3A_124 = vector.extract_strided_slice %get3A_26 {offsets = [5000, 0], sizes = [1000, 1], strides = [1, 1]} : vector<10000x1xi32> to vector<1000x1xi32>
    %get3A_125 = arith.constant 5 : index
    %get3A_126 = memref.load %arg5[%get3A_125] : memref<20xi32, #tpu.memory_space<smem>>
    %get3A_127 = arith.constant 15 : index
    %get3A_128 = memref.load %arg5[%get3A_127] : memref<20xi32, #tpu.memory_space<smem>>
    %add3A_129 = arith.constant 1 : i32
    %add3A_130 = arith.addi %get3A_128, %add3A_129 : i32
    %while3A_131 = arith.constant 0 : i32
    %while3A_132 = arith.subi %add3A_130, %get3A_126 : i32
    %while3A_133 = arith.addi %get3A_126, %while3A_132 : i32
    %while3A_134 = arith.constant 1 : i32
    %while3A_135 = arith.divsi %while3A_132, %while3A_134 : i32
    %while3A_136 = arith.muli %while3A_135, %while3A_134 : i32
    %while3A_137 = arith.addi %get3A_126, %while3A_136 : i32
    %while3A_138 = arith.constant 1 : i32
    %while3A_139 = scf.for %while3A_233 = %get3A_126 to %while3A_137 step %while3A_138 iter_args(%while3A_234 = %while3A_131) -> (i32)  : i32 {
      %eq3A = vector.broadcast %while3A_233 : i32 to vector<1000x1xi32>
      %eq3A_235 = arith.cmpi eq, %slice3A_124, %eq3A : vector<1000x1xi32>
      %jit3A = arith.constant 0xFF800000 : f32
      %broadcast_in_dim3A_236 = vector.shape_cast %eq3A_235 : vector<1000x1xi1> to vector<1000x1xi1>
      %broadcast_in_dim3A_237 = vector.broadcast %broadcast_in_dim3A_236 : vector<1000x1xi1> to vector<1000x32xi1>
      %broadcast_in_dim3A_238 = vector.broadcast %jit3A : f32 to vector<1000x32xf32>
      %select_n3A = arith.select %broadcast_in_dim3A_237, %slice3A_123, %broadcast_in_dim3A_238 : vector<1000x32xi1>, vector<1000x32xf32>
      %get3A_239 = arith.index_cast %while3A_233 : i32 to index
      %get3A_240 = arith.constant 0 : index
      %get3A_241 = vector.load %arg9[%get3A_239, %get3A_240] : memref<64x32xf32, #tpu.memory_space<vmem>>, vector<1x32xf32>
      %reduce_max3A = arith.constant dense<0xFF800000> : vector<32xf32>
      %reduce_max3A_242 = vector.multi_reduction <maximumf>, %select_n3A, %reduce_max3A [0] : vector<1000x32xf32> to vector<32xf32>
      %broadcast_in_dim3A_243 = vector.shape_cast %reduce_max3A_242 : vector<32xf32> to vector<1x32xf32>
      %max3A_244 = arith.maximumf %get3A_241, %broadcast_in_dim3A_243 : vector<1x32xf32>
      %swap3A_245 = arith.index_cast %while3A_233 : i32 to index
      %swap3A_246 = arith.constant 0 : index
      %swap3A_247 = vector.load %arg9[%swap3A_245, %swap3A_246] : memref<64x32xf32, #tpu.memory_space<vmem>>, vector<1x32xf32>
      tpu.vector_store %arg9[%swap3A_245, %swap3A_246], %max3A_244 {strides = array<i32>} : memref<64x32xf32, #tpu.memory_space<vmem>>, vector<1x32xf32>,
      %while3A_248 = arith.constant 0 : i32
      scf.yield %while3A_248 : i32
    }
    %while3A_140 = arith.constant 1 : i32
    %while3A_141 = scf.for %while3A_233 = %while3A_137 to %while3A_133 step %while3A_140 iter_args(%while3A_234 = %while3A_139) -> (i32)  : i32 {
      %eq3A = vector.broadcast %while3A_233 : i32 to vector<1000x1xi32>
      %eq3A_235 = arith.cmpi eq, %slice3A_124, %eq3A : vector<1000x1xi32>
      %jit3A = arith.constant 0xFF800000 : f32
      %broadcast_in_dim3A_236 = vector.shape_cast %eq3A_235 : vector<1000x1xi1> to vector<1000x1xi1>
      %broadcast_in_dim3A_237 = vector.broadcast %broadcast_in_dim3A_236 : vector<1000x1xi1> to vector<1000x32xi1>
      %broadcast_in_dim3A_238 = vector.broadcast %jit3A : f32 to vector<1000x32xf32>
      %select_n3A = arith.select %broadcast_in_dim3A_237, %slice3A_123, %broadcast_in_dim3A_238 : vector<1000x32xi1>, vector<1000x32xf32>
      %get3A_239 = arith.index_cast %while3A_233 : i32 to index
      %get3A_240 = arith.constant 0 : index
      %get3A_241 = vector.load %arg9[%get3A_239, %get3A_240] : memref<64x32xf32, #tpu.memory_space<vmem>>, vector<1x32xf32>
      %reduce_max3A = arith.constant dense<0xFF800000> : vector<32xf32>
      %reduce_max3A_242 = vector.multi_reduction <maximumf>, %select_n3A, %reduce_max3A [0] : vector<1000x32xf32> to vector<32xf32>
      %broadcast_in_dim3A_243 = vector.shape_cast %reduce_max3A_242 : vector<32xf32> to vector<1x32xf32>
      %max3A_244 = arith.maximumf %get3A_241, %broadcast_in_dim3A_243 : vector<1x32xf32>
      %swap3A_245 = arith.index_cast %while3A_233 : i32 to index
      %swap3A_246 = arith.constant 0 : index
      %swap3A_247 = vector.load %arg9[%swap3A_245, %swap3A_246] : memref<64x32xf32, #tpu.memory_space<vmem>>, vector<1x32xf32>
      tpu.vector_store %arg9[%swap3A_245, %swap3A_246], %max3A_244 {strides = array<i32>} : memref<64x32xf32, #tpu.memory_space<vmem>>, vector<1x32xf32>,
      %while3A_248 = arith.constant 0 : i32
      scf.yield %while3A_248 : i32
    }
    %slice3A_142 = vector.extract_strided_slice %max3A_23 {offsets = [6000, 0], sizes = [1000, 32], strides = [1, 1]} : vector<10000x32xf32> to vector<1000x32xf32>
    %slice3A_143 = vector.extract_strided_slice %get3A_26 {offsets = [6000, 0], sizes = [1000, 1], strides = [1, 1]} : vector<10000x1xi32> to vector<1000x1xi32>
    %get3A_144 = arith.constant 6 : index
    %get3A_145 = memref.load %arg5[%get3A_144] : memref<20xi32, #tpu.memory_space<smem>>
    %get3A_146 = arith.constant 16 : index
    %get3A_147 = memref.load %arg5[%get3A_146] : memref<20xi32, #tpu.memory_space<smem>>
    %add3A_148 = arith.constant 1 : i32
    %add3A_149 = arith.addi %get3A_147, %add3A_148 : i32
    %while3A_150 = arith.constant 0 : i32
    %while3A_151 = arith.subi %add3A_149, %get3A_145 : i32
    %while3A_152 = arith.addi %get3A_145, %while3A_151 : i32
    %while3A_153 = arith.constant 1 : i32
    %while3A_154 = arith.divsi %while3A_151, %while3A_153 : i32
    %while3A_155 = arith.muli %while3A_154, %while3A_153 : i32
    %while3A_156 = arith.addi %get3A_145, %while3A_155 : i32
    %while3A_157 = arith.constant 1 : i32
    %while3A_158 = scf.for %while3A_233 = %get3A_145 to %while3A_156 step %while3A_157 iter_args(%while3A_234 = %while3A_150) -> (i32)  : i32 {
      %eq3A = vector.broadcast %while3A_233 : i32 to vector<1000x1xi32>
      %eq3A_235 = arith.cmpi eq, %slice3A_143, %eq3A : vector<1000x1xi32>
      %jit3A = arith.constant 0xFF800000 : f32
      %broadcast_in_dim3A_236 = vector.shape_cast %eq3A_235 : vector<1000x1xi1> to vector<1000x1xi1>
      %broadcast_in_dim3A_237 = vector.broadcast %broadcast_in_dim3A_236 : vector<1000x1xi1> to vector<1000x32xi1>
      %broadcast_in_dim3A_238 = vector.broadcast %jit3A : f32 to vector<1000x32xf32>
      %select_n3A = arith.select %broadcast_in_dim3A_237, %slice3A_142, %broadcast_in_dim3A_238 : vector<1000x32xi1>, vector<1000x32xf32>
      %get3A_239 = arith.index_cast %while3A_233 : i32 to index
      %get3A_240 = arith.constant 0 : index
      %get3A_241 = vector.load %arg9[%get3A_239, %get3A_240] : memref<64x32xf32, #tpu.memory_space<vmem>>, vector<1x32xf32>
      %reduce_max3A = arith.constant dense<0xFF800000> : vector<32xf32>
      %reduce_max3A_242 = vector.multi_reduction <maximumf>, %select_n3A, %reduce_max3A [0] : vector<1000x32xf32> to vector<32xf32>
      %broadcast_in_dim3A_243 = vector.shape_cast %reduce_max3A_242 : vector<32xf32> to vector<1x32xf32>
      %max3A_244 = arith.maximumf %get3A_241, %broadcast_in_dim3A_243 : vector<1x32xf32>
      %swap3A_245 = arith.index_cast %while3A_233 : i32 to index
      %swap3A_246 = arith.constant 0 : index
      %swap3A_247 = vector.load %arg9[%swap3A_245, %swap3A_246] : memref<64x32xf32, #tpu.memory_space<vmem>>, vector<1x32xf32>
      tpu.vector_store %arg9[%swap3A_245, %swap3A_246], %max3A_244 {strides = array<i32>} : memref<64x32xf32, #tpu.memory_space<vmem>>, vector<1x32xf32>,
      %while3A_248 = arith.constant 0 : i32
      scf.yield %while3A_248 : i32
    }
    %while3A_159 = arith.constant 1 : i32
    %while3A_160 = scf.for %while3A_233 = %while3A_156 to %while3A_152 step %while3A_159 iter_args(%while3A_234 = %while3A_158) -> (i32)  : i32 {
      %eq3A = vector.broadcast %while3A_233 : i32 to vector<1000x1xi32>
      %eq3A_235 = arith.cmpi eq, %slice3A_143, %eq3A : vector<1000x1xi32>
      %jit3A = arith.constant 0xFF800000 : f32
      %broadcast_in_dim3A_236 = vector.shape_cast %eq3A_235 : vector<1000x1xi1> to vector<1000x1xi1>
      %broadcast_in_dim3A_237 = vector.broadcast %broadcast_in_dim3A_236 : vector<1000x1xi1> to vector<1000x32xi1>
      %broadcast_in_dim3A_238 = vector.broadcast %jit3A : f32 to vector<1000x32xf32>
      %select_n3A = arith.select %broadcast_in_dim3A_237, %slice3A_142, %broadcast_in_dim3A_238 : vector<1000x32xi1>, vector<1000x32xf32>
      %get3A_239 = arith.index_cast %while3A_233 : i32 to index
      %get3A_240 = arith.constant 0 : index
      %get3A_241 = vector.load %arg9[%get3A_239, %get3A_240] : memref<64x32xf32, #tpu.memory_space<vmem>>, vector<1x32xf32>
      %reduce_max3A = arith.constant dense<0xFF800000> : vector<32xf32>
      %reduce_max3A_242 = vector.multi_reduction <maximumf>, %select_n3A, %reduce_max3A [0] : vector<1000x32xf32> to vector<32xf32>
      %broadcast_in_dim3A_243 = vector.shape_cast %reduce_max3A_242 : vector<32xf32> to vector<1x32xf32>
      %max3A_244 = arith.maximumf %get3A_241, %broadcast_in_dim3A_243 : vector<1x32xf32>
      %swap3A_245 = arith.index_cast %while3A_233 : i32 to index
      %swap3A_246 = arith.constant 0 : index
      %swap3A_247 = vector.load %arg9[%swap3A_245, %swap3A_246] : memref<64x32xf32, #tpu.memory_space<vmem>>, vector<1x32xf32>
      tpu.vector_store %arg9[%swap3A_245, %swap3A_246], %max3A_244 {strides = array<i32>} : memref<64x32xf32, #tpu.memory_space<vmem>>, vector<1x32xf32>,
      %while3A_248 = arith.constant 0 : i32
      scf.yield %while3A_248 : i32
    }
    %slice3A_161 = vector.extract_strided_slice %max3A_23 {offsets = [7000, 0], sizes = [1000, 32], strides = [1, 1]} : vector<10000x32xf32> to vector<1000x32xf32>
    %slice3A_162 = vector.extract_strided_slice %get3A_26 {offsets = [7000, 0], sizes = [1000, 1], strides = [1, 1]} : vector<10000x1xi32> to vector<1000x1xi32>
    %get3A_163 = arith.constant 7 : index
    %get3A_164 = memref.load %arg5[%get3A_163] : memref<20xi32, #tpu.memory_space<smem>>
    %get3A_165 = arith.constant 17 : index
    %get3A_166 = memref.load %arg5[%get3A_165] : memref<20xi32, #tpu.memory_space<smem>>
    %add3A_167 = arith.constant 1 : i32
    %add3A_168 = arith.addi %get3A_166, %add3A_167 : i32
    %while3A_169 = arith.constant 0 : i32
    %while3A_170 = arith.subi %add3A_168, %get3A_164 : i32
    %while3A_171 = arith.addi %get3A_164, %while3A_170 : i32
    %while3A_172 = arith.constant 1 : i32
    %while3A_173 = arith.divsi %while3A_170, %while3A_172 : i32
    %while3A_174 = arith.muli %while3A_173, %while3A_172 : i32
    %while3A_175 = arith.addi %get3A_164, %while3A_174 : i32
    %while3A_176 = arith.constant 1 : i32
    %while3A_177 = scf.for %while3A_233 = %get3A_164 to %while3A_175 step %while3A_176 iter_args(%while3A_234 = %while3A_169) -> (i32)  : i32 {
      %eq3A = vector.broadcast %while3A_233 : i32 to vector<1000x1xi32>
      %eq3A_235 = arith.cmpi eq, %slice3A_162, %eq3A : vector<1000x1xi32>
      %jit3A = arith.constant 0xFF800000 : f32
      %broadcast_in_dim3A_236 = vector.shape_cast %eq3A_235 : vector<1000x1xi1> to vector<1000x1xi1>
      %broadcast_in_dim3A_237 = vector.broadcast %broadcast_in_dim3A_236 : vector<1000x1xi1> to vector<1000x32xi1>
      %broadcast_in_dim3A_238 = vector.broadcast %jit3A : f32 to vector<1000x32xf32>
      %select_n3A = arith.select %broadcast_in_dim3A_237, %slice3A_161, %broadcast_in_dim3A_238 : vector<1000x32xi1>, vector<1000x32xf32>
      %get3A_239 = arith.index_cast %while3A_233 : i32 to index
      %get3A_240 = arith.constant 0 : index
      %get3A_241 = vector.load %arg9[%get3A_239, %get3A_240] : memref<64x32xf32, #tpu.memory_space<vmem>>, vector<1x32xf32>
      %reduce_max3A = arith.constant dense<0xFF800000> : vector<32xf32>
      %reduce_max3A_242 = vector.multi_reduction <maximumf>, %select_n3A, %reduce_max3A [0] : vector<1000x32xf32> to vector<32xf32>
      %broadcast_in_dim3A_243 = vector.shape_cast %reduce_max3A_242 : vector<32xf32> to vector<1x32xf32>
      %max3A_244 = arith.maximumf %get3A_241, %broadcast_in_dim3A_243 : vector<1x32xf32>
      %swap3A_245 = arith.index_cast %while3A_233 : i32 to index
      %swap3A_246 = arith.constant 0 : index
      %swap3A_247 = vector.load %arg9[%swap3A_245, %swap3A_246] : memref<64x32xf32, #tpu.memory_space<vmem>>, vector<1x32xf32>
      tpu.vector_store %arg9[%swap3A_245, %swap3A_246], %max3A_244 {strides = array<i32>} : memref<64x32xf32, #tpu.memory_space<vmem>>, vector<1x32xf32>,
      %while3A_248 = arith.constant 0 : i32
      scf.yield %while3A_248 : i32
    }
    %while3A_178 = arith.constant 1 : i32
    %while3A_179 = scf.for %while3A_233 = %while3A_175 to %while3A_171 step %while3A_178 iter_args(%while3A_234 = %while3A_177) -> (i32)  : i32 {
      %eq3A = vector.broadcast %while3A_233 : i32 to vector<1000x1xi32>
      %eq3A_235 = arith.cmpi eq, %slice3A_162, %eq3A : vector<1000x1xi32>
      %jit3A = arith.constant 0xFF800000 : f32
      %broadcast_in_dim3A_236 = vector.shape_cast %eq3A_235 : vector<1000x1xi1> to vector<1000x1xi1>
      %broadcast_in_dim3A_237 = vector.broadcast %broadcast_in_dim3A_236 : vector<1000x1xi1> to vector<1000x32xi1>
      %broadcast_in_dim3A_238 = vector.broadcast %jit3A : f32 to vector<1000x32xf32>
      %select_n3A = arith.select %broadcast_in_dim3A_237, %slice3A_161, %broadcast_in_dim3A_238 : vector<1000x32xi1>, vector<1000x32xf32>
      %get3A_239 = arith.index_cast %while3A_233 : i32 to index
      %get3A_240 = arith.constant 0 : index
      %get3A_241 = vector.load %arg9[%get3A_239, %get3A_240] : memref<64x32xf32, #tpu.memory_space<vmem>>, vector<1x32xf32>
      %reduce_max3A = arith.constant dense<0xFF800000> : vector<32xf32>
      %reduce_max3A_242 = vector.multi_reduction <maximumf>, %select_n3A, %reduce_max3A [0] : vector<1000x32xf32> to vector<32xf32>
      %broadcast_in_dim3A_243 = vector.shape_cast %reduce_max3A_242 : vector<32xf32> to vector<1x32xf32>
      %max3A_244 = arith.maximumf %get3A_241, %broadcast_in_dim3A_243 : vector<1x32xf32>
      %swap3A_245 = arith.index_cast %while3A_233 : i32 to index
      %swap3A_246 = arith.constant 0 : index
      %swap3A_247 = vector.load %arg9[%swap3A_245, %swap3A_246] : memref<64x32xf32, #tpu.memory_space<vmem>>, vector<1x32xf32>
      tpu.vector_store %arg9[%swap3A_245, %swap3A_246], %max3A_244 {strides = array<i32>} : memref<64x32xf32, #tpu.memory_space<vmem>>, vector<1x32xf32>,
      %while3A_248 = arith.constant 0 : i32
      scf.yield %while3A_248 : i32
    }
    %slice3A_180 = vector.extract_strided_slice %max3A_23 {offsets = [8000, 0], sizes = [1000, 32], strides = [1, 1]} : vector<10000x32xf32> to vector<1000x32xf32>
    %slice3A_181 = vector.extract_strided_slice %get3A_26 {offsets = [8000, 0], sizes = [1000, 1], strides = [1, 1]} : vector<10000x1xi32> to vector<1000x1xi32>
    %get3A_182 = arith.constant 8 : index
    %get3A_183 = memref.load %arg5[%get3A_182] : memref<20xi32, #tpu.memory_space<smem>>
    %get3A_184 = arith.constant 18 : index
    %get3A_185 = memref.load %arg5[%get3A_184] : memref<20xi32, #tpu.memory_space<smem>>
    %add3A_186 = arith.constant 1 : i32
    %add3A_187 = arith.addi %get3A_185, %add3A_186 : i32
    %while3A_188 = arith.constant 0 : i32
    %while3A_189 = arith.subi %add3A_187, %get3A_183 : i32
    %while3A_190 = arith.addi %get3A_183, %while3A_189 : i32
    %while3A_191 = arith.constant 1 : i32
    %while3A_192 = arith.divsi %while3A_189, %while3A_191 : i32
    %while3A_193 = arith.muli %while3A_192, %while3A_191 : i32
    %while3A_194 = arith.addi %get3A_183, %while3A_193 : i32
    %while3A_195 = arith.constant 1 : i32
    %while3A_196 = scf.for %while3A_233 = %get3A_183 to %while3A_194 step %while3A_195 iter_args(%while3A_234 = %while3A_188) -> (i32)  : i32 {
      %eq3A = vector.broadcast %while3A_233 : i32 to vector<1000x1xi32>
      %eq3A_235 = arith.cmpi eq, %slice3A_181, %eq3A : vector<1000x1xi32>
      %jit3A = arith.constant 0xFF800000 : f32
      %broadcast_in_dim3A_236 = vector.shape_cast %eq3A_235 : vector<1000x1xi1> to vector<1000x1xi1>
      %broadcast_in_dim3A_237 = vector.broadcast %broadcast_in_dim3A_236 : vector<1000x1xi1> to vector<1000x32xi1>
      %broadcast_in_dim3A_238 = vector.broadcast %jit3A : f32 to vector<1000x32xf32>
      %select_n3A = arith.select %broadcast_in_dim3A_237, %slice3A_180, %broadcast_in_dim3A_238 : vector<1000x32xi1>, vector<1000x32xf32>
      %get3A_239 = arith.index_cast %while3A_233 : i32 to index
      %get3A_240 = arith.constant 0 : index
      %get3A_241 = vector.load %arg9[%get3A_239, %get3A_240] : memref<64x32xf32, #tpu.memory_space<vmem>>, vector<1x32xf32>
      %reduce_max3A = arith.constant dense<0xFF800000> : vector<32xf32>
      %reduce_max3A_242 = vector.multi_reduction <maximumf>, %select_n3A, %reduce_max3A [0] : vector<1000x32xf32> to vector<32xf32>
      %broadcast_in_dim3A_243 = vector.shape_cast %reduce_max3A_242 : vector<32xf32> to vector<1x32xf32>
      %max3A_244 = arith.maximumf %get3A_241, %broadcast_in_dim3A_243 : vector<1x32xf32>
      %swap3A_245 = arith.index_cast %while3A_233 : i32 to index
      %swap3A_246 = arith.constant 0 : index
      %swap3A_247 = vector.load %arg9[%swap3A_245, %swap3A_246] : memref<64x32xf32, #tpu.memory_space<vmem>>, vector<1x32xf32>
      tpu.vector_store %arg9[%swap3A_245, %swap3A_246], %max3A_244 {strides = array<i32>} : memref<64x32xf32, #tpu.memory_space<vmem>>, vector<1x32xf32>,
      %while3A_248 = arith.constant 0 : i32
      scf.yield %while3A_248 : i32
    }
    %while3A_197 = arith.constant 1 : i32
    %while3A_198 = scf.for %while3A_233 = %while3A_194 to %while3A_190 step %while3A_197 iter_args(%while3A_234 = %while3A_196) -> (i32)  : i32 {
      %eq3A = vector.broadcast %while3A_233 : i32 to vector<1000x1xi32>
      %eq3A_235 = arith.cmpi eq, %slice3A_181, %eq3A : vector<1000x1xi32>
      %jit3A = arith.constant 0xFF800000 : f32
      %broadcast_in_dim3A_236 = vector.shape_cast %eq3A_235 : vector<1000x1xi1> to vector<1000x1xi1>
      %broadcast_in_dim3A_237 = vector.broadcast %broadcast_in_dim3A_236 : vector<1000x1xi1> to vector<1000x32xi1>
      %broadcast_in_dim3A_238 = vector.broadcast %jit3A : f32 to vector<1000x32xf32>
      %select_n3A = arith.select %broadcast_in_dim3A_237, %slice3A_180, %broadcast_in_dim3A_238 : vector<1000x32xi1>, vector<1000x32xf32>
      %get3A_239 = arith.index_cast %while3A_233 : i32 to index
      %get3A_240 = arith.constant 0 : index
      %get3A_241 = vector.load %arg9[%get3A_239, %get3A_240] : memref<64x32xf32, #tpu.memory_space<vmem>>, vector<1x32xf32>
      %reduce_max3A = arith.constant dense<0xFF800000> : vector<32xf32>
      %reduce_max3A_242 = vector.multi_reduction <maximumf>, %select_n3A, %reduce_max3A [0] : vector<1000x32xf32> to vector<32xf32>
      %broadcast_in_dim3A_243 = vector.shape_cast %reduce_max3A_242 : vector<32xf32> to vector<1x32xf32>
      %max3A_244 = arith.maximumf %get3A_241, %broadcast_in_dim3A_243 : vector<1x32xf32>
      %swap3A_245 = arith.index_cast %while3A_233 : i32 to index
      %swap3A_246 = arith.constant 0 : index
      %swap3A_247 = vector.load %arg9[%swap3A_245, %swap3A_246] : memref<64x32xf32, #tpu.memory_space<vmem>>, vector<1x32xf32>
      tpu.vector_store %arg9[%swap3A_245, %swap3A_246], %max3A_244 {strides = array<i32>} : memref<64x32xf32, #tpu.memory_space<vmem>>, vector<1x32xf32>,
      %while3A_248 = arith.constant 0 : i32
      scf.yield %while3A_248 : i32
    }
    %slice3A_199 = vector.extract_strided_slice %max3A_23 {offsets = [9000, 0], sizes = [1000, 32], strides = [1, 1]} : vector<10000x32xf32> to vector<1000x32xf32>
    %slice3A_200 = vector.extract_strided_slice %get3A_26 {offsets = [9000, 0], sizes = [1000, 1], strides = [1, 1]} : vector<10000x1xi32> to vector<1000x1xi32>
    %get3A_201 = arith.constant 9 : index
    %get3A_202 = memref.load %arg5[%get3A_201] : memref<20xi32, #tpu.memory_space<smem>>
    %get3A_203 = arith.constant 19 : index
    %get3A_204 = memref.load %arg5[%get3A_203] : memref<20xi32, #tpu.memory_space<smem>>
    %add3A_205 = arith.constant 1 : i32
    %add3A_206 = arith.addi %get3A_204, %add3A_205 : i32
    %while3A_207 = arith.constant 0 : i32
    %while3A_208 = arith.subi %add3A_206, %get3A_202 : i32
    %while3A_209 = arith.addi %get3A_202, %while3A_208 : i32
    %while3A_210 = arith.constant 1 : i32
    %while3A_211 = arith.divsi %while3A_208, %while3A_210 : i32
    %while3A_212 = arith.muli %while3A_211, %while3A_210 : i32
    %while3A_213 = arith.addi %get3A_202, %while3A_212 : i32
    %while3A_214 = arith.constant 1 : i32
    %while3A_215 = scf.for %while3A_233 = %get3A_202 to %while3A_213 step %while3A_214 iter_args(%while3A_234 = %while3A_207) -> (i32)  : i32 {
      %eq3A = vector.broadcast %while3A_233 : i32 to vector<1000x1xi32>
      %eq3A_235 = arith.cmpi eq, %slice3A_200, %eq3A : vector<1000x1xi32>
      %jit3A = arith.constant 0xFF800000 : f32
      %broadcast_in_dim3A_236 = vector.shape_cast %eq3A_235 : vector<1000x1xi1> to vector<1000x1xi1>
      %broadcast_in_dim3A_237 = vector.broadcast %broadcast_in_dim3A_236 : vector<1000x1xi1> to vector<1000x32xi1>
      %broadcast_in_dim3A_238 = vector.broadcast %jit3A : f32 to vector<1000x32xf32>
      %select_n3A = arith.select %broadcast_in_dim3A_237, %slice3A_199, %broadcast_in_dim3A_238 : vector<1000x32xi1>, vector<1000x32xf32>
      %get3A_239 = arith.index_cast %while3A_233 : i32 to index
      %get3A_240 = arith.constant 0 : index
      %get3A_241 = vector.load %arg9[%get3A_239, %get3A_240] : memref<64x32xf32, #tpu.memory_space<vmem>>, vector<1x32xf32>
      %reduce_max3A = arith.constant dense<0xFF800000> : vector<32xf32>
      %reduce_max3A_242 = vector.multi_reduction <maximumf>, %select_n3A, %reduce_max3A [0] : vector<1000x32xf32> to vector<32xf32>
      %broadcast_in_dim3A_243 = vector.shape_cast %reduce_max3A_242 : vector<32xf32> to vector<1x32xf32>
      %max3A_244 = arith.maximumf %get3A_241, %broadcast_in_dim3A_243 : vector<1x32xf32>
      %swap3A_245 = arith.index_cast %while3A_233 : i32 to index
      %swap3A_246 = arith.constant 0 : index
      %swap3A_247 = vector.load %arg9[%swap3A_245, %swap3A_246] : memref<64x32xf32, #tpu.memory_space<vmem>>, vector<1x32xf32>
      tpu.vector_store %arg9[%swap3A_245, %swap3A_246], %max3A_244 {strides = array<i32>} : memref<64x32xf32, #tpu.memory_space<vmem>>, vector<1x32xf32>,
      %while3A_248 = arith.constant 0 : i32
      scf.yield %while3A_248 : i32
    }
    %while3A_216 = arith.constant 1 : i32
    %while3A_217 = scf.for %while3A_233 = %while3A_213 to %while3A_209 step %while3A_216 iter_args(%while3A_234 = %while3A_215) -> (i32)  : i32 {
      %eq3A = vector.broadcast %while3A_233 : i32 to vector<1000x1xi32>
      %eq3A_235 = arith.cmpi eq, %slice3A_200, %eq3A : vector<1000x1xi32>
      %jit3A = arith.constant 0xFF800000 : f32
      %broadcast_in_dim3A_236 = vector.shape_cast %eq3A_235 : vector<1000x1xi1> to vector<1000x1xi1>
      %broadcast_in_dim3A_237 = vector.broadcast %broadcast_in_dim3A_236 : vector<1000x1xi1> to vector<1000x32xi1>
      %broadcast_in_dim3A_238 = vector.broadcast %jit3A : f32 to vector<1000x32xf32>
      %select_n3A = arith.select %broadcast_in_dim3A_237, %slice3A_199, %broadcast_in_dim3A_238 : vector<1000x32xi1>, vector<1000x32xf32>
      %get3A_239 = arith.index_cast %while3A_233 : i32 to index
      %get3A_240 = arith.constant 0 : index
      %get3A_241 = vector.load %arg9[%get3A_239, %get3A_240] : memref<64x32xf32, #tpu.memory_space<vmem>>, vector<1x32xf32>
      %reduce_max3A = arith.constant dense<0xFF800000> : vector<32xf32>
      %reduce_max3A_242 = vector.multi_reduction <maximumf>, %select_n3A, %reduce_max3A [0] : vector<1000x32xf32> to vector<32xf32>
      %broadcast_in_dim3A_243 = vector.shape_cast %reduce_max3A_242 : vector<32xf32> to vector<1x32xf32>
      %max3A_244 = arith.maximumf %get3A_241, %broadcast_in_dim3A_243 : vector<1x32xf32>
      %swap3A_245 = arith.index_cast %while3A_233 : i32 to index
      %swap3A_246 = arith.constant 0 : index
      %swap3A_247 = vector.load %arg9[%swap3A_245, %swap3A_246] : memref<64x32xf32, #tpu.memory_space<vmem>>, vector<1x32xf32>
      tpu.vector_store %arg9[%swap3A_245, %swap3A_246], %max3A_244 {strides = array<i32>} : memref<64x32xf32, #tpu.memory_space<vmem>>, vector<1x32xf32>,
      %while3A_248 = arith.constant 0 : i32
      scf.yield %while3A_248 : i32
    }
    %get3A_218 = arith.constant 0 : index
    %get3A_219 = arith.constant 0 : index
    %get3A_220 = vector.load %arg9[%get3A_218, %get3A_219] : memref<64x32xf32, #tpu.memory_space<vmem>>, vector<64x32xf32>
    %get3A_221 = arith.constant 0 : index
    %get3A_222 = arith.constant 0 : index
    %get3A_223 = vector.load %arg6[%get3A_221, %get3A_222] : memref<32x4xf32, #tpu.memory_space<vmem>>, vector<32x4xf32>
    %dot_general3A = arith.constant dense<0.000000e+00> : vector<64x4xf32>
    %dot_general3A_224 = tpu.matmul %get3A_220, %get3A_223, %dot_general3A {dimension_numbers = #tpu.dot_dimension_numbers<[1], [0], [0], [1], [0, 0, 1, 1], [], []>, transpose_lhs_hint = false} : vector<64x32xf32>, vector<32x4xf32>, vector<64x4xf32> -> vector<64x4xf32>
    %get3A_225 = arith.constant 0 : index
    %get3A_226 = arith.constant 0 : index
    %get3A_227 = vector.load %arg7[%get3A_225, %get3A_226] : memref<1x4xf32, #tpu.memory_space<vmem>>, vector<1x4xf32>
    %add3A_228 = vector.broadcast %get3A_227 : vector<1x4xf32> to vector<64x4xf32>
    %add3A_229 = arith.addf %dot_general3A_224, %add3A_228 : vector<64x4xf32>
    %swap3A_230 = arith.constant 0 : index
    %swap3A_231 = arith.constant 0 : index
    %swap3A_232 = vector.load %arg8[%swap3A_230, %swap3A_231] : memref<64x4xf32, #tpu.memory_space<vmem>>, vector<64x4xf32>
    tpu.vector_store %arg8[%swap3A_230, %swap3A_231], %add3A_229 {strides = array<i32>} : memref<64x4xf32, #tpu.memory_space<vmem>>, vector<64x4xf32>,
    return
  }
}

</mosaic_0001>

<sc_bundles>
// kernel: kernel.11.cloned.1.call-start
scs
__scs_entry_jumppad:
0x0: {  	(pc) =	sbr.rel $0x88, $3  }
0x1: {  	(tag) =	ssettag $0x0;
	lr =	simm.s32 $0x1  }
0x2: {  	[smem:$0x3F97] =	sst lr;
	_ =	strace $0xD0000000  }
0x3: {  	_ = 	snop  }
0x4: {  	_ = 	snop  }
0x5: {  	_ = 	snop  }
0x6: {  	_ = 	snop  }
0x7: {  	_ = 	snop  }
__scs_overlays_trampoline_lowered:
0x8: {  	[smem:$0x3FA6] =	sst s0  }
0x9: {  	[smem:$0x3FA7] =	sst s1  }
0xa: {  	[smem:$0x3FA8] =	sst s2  }
0xb: {  	[smem:$0x3FA9] =	sst s3  }
0xc: {  	[smem:$0x3FAA] =	sst s4  }
0xd: {  	[smem:$0x3FAB] =	sst s5  }
0xe: {  	[smem:$0x3FAC] =	sst s6  }
0xf: {  	[smem:$0x3FAD] =	sst s7  }
0x10: {  	[smem:$0x3FAE] =	sst s8  }
0x11: {  	[smem:$0x3FAF] =	sst s9;
	s0 =	simm.s32 @!p0 $0x0  }
0x12: {  	s1 =	sld [smem:$0x3F95];
	s0 =	simm.s32 @p0 $0x1  }
0x13: {  	[smem:$0x3FB0] =	sst s0;
	s0 =	simm.s32 @!p1 $0x0  }
0x14: {  	s2 =	sld [smem:$0x3F94];
	s0 =	simm.s32 @p1 $0x1  }
0x15: {  	[smem:$0x3FB1] =	sst s0;
	s0 =	simm.s32 @!p2 $0x0  }
0x16: {  	s3 =	sld [smem:$0x3FDB];
	s0 =	simm.s32 @p2 $0x1  }
0x17: {  	s4 =	simm.s32 $0x1BF5;
	[smem:$0x3FB3] =	sst s0  }
0x18: {  	s0 =	sld [smem:$0x3F96];
	_ =	swait.ge [sflag:s4], $0x0  }
0x19: {  	s7 =	sld [smem:$0x3F97]  }
0x1a: {  	s8 =	sadd.s32 $0xFFFFE003, lr  }
0x1b: {  	s9 =	sadd.s32 $0xFFFFFEF7, lr;
	s5 =	simm.s32 $0xFFFFFFFF;
	p2 =	slt.u32 s8, $0xFFFFF086  }
0x1c: {  	p1 =	slt.u32 s9, $0xF7A;
	s5 =	simm.s32 @!p2 $0x0  }
0x1d: {  	s5 =	simm.s32 @p1 $0x1;
	p0 =	seq.s32 s7, s2  }
0x1e: {  	s7 =	smul.u32 @!p0 $0xF7A, s2;
	p2 =	seq.s32 @!p0 s5, $0x0  }
0x1f: {  	s9 =	smul.u32 $0xF7A, s1;
	s8 =	simm.s32 @!p0 $0x1BF5;
	p2 =	por !p2, p0  }
0x20: {  	[sflag:s8] =	ssyncset.s32 @!p0 $0xFFFFF086;
	s6 =	sadd.s32 @!p0 s3, s7;
	s7 =	simm.s32 @!p0 $0x108  }
0x21: {  	s3 =	sadd.s32 s3, s9;
	s6 =	sadd.s32 @!p0 $0x88, s6;
	s7 =	simm.s32 @p2 $0x1082  }
0x22: {  	[simem:s7], [sflag:s8] =	dma.local @!p0 [hbm:s6], $0xF7A  }
0x23: {  	s9 =	sor.u32 $0xD0000000, s2;
	s6 =	simm.s32 $0x108;
	_ =	swait.ge @!p0 [sflag:s8], $0x0  }
0x24: {  	s3 =	sadd.s32 $0x88, s3;
	s6 =	simm.s32 @!p1 $0x1082;
	[sflag:s4] =	ssyncset.s32 $0xFFFFF086  }
0x25: {  	[simem:s6], [sflag:s4] =	dma.local [hbm:s3], $0xF7A  }
0x26: {  	[smem:$0x3F97] =	sst s1;
	(tag) =	ssettag s2;
	_ =	strace s9  }
0x27: {  	s1 =	sld [smem:$0x3FA7]  }
0x28: {  	s2 =	sld [smem:$0x3FA8]  }
0x29: {  	s4 =	sld [smem:$0x3FAA]  }
0x2a: {  	p0 =	seq.s32 s5, $0x0;
	s5 =	sld [smem:$0x3FAB]  }
0x2b: {  	s6 =	sld [smem:$0x3FAC]  }
0x2c: {  	s7 =	sld [smem:$0x3FAD]  }
0x2d: {  	s3 =	simm.s32 $0x108;
	s8 =	sld [smem:$0x3FAE]  }
0x2e: {  	s3 =	simm.s32 @!p0 $0x1082;
	s9 =	sld [smem:$0x3FAF]  }
0x2f: {  	lr =	sadd.s32 s0, s3;
	s0 =	sld [smem:$0x3FA6]  }
0x30: {  	s3 =	sld [smem:$0x3FA9]  }
0x31: {  	[smem:$0x3FB2] =	sst s10  }
0x32: {  	s10 =	sld [smem:$0x3FB0];
	_ =	sdelay $0x3  }
0x33: {  	p0 =	seq.s32 s10, $0x1;
	s10 =	sld [smem:$0x3FB2];
	_ =	sdelay $0x3  }
0x34: {  	[smem:$0x3FB2] =	sst s10  }
0x35: {  	s10 =	sld [smem:$0x3FB1];
	_ =	sdelay $0x3  }
0x36: {  	p1 =	seq.s32 s10, $0x1;
	s10 =	sld [smem:$0x3FB2];
	_ =	sdelay $0x3  }
0x37: {  	[smem:$0x3FB2] =	sst s10  }
0x38: {  	s10 =	sld [smem:$0x3FB3]  }
0x39: {  	_ = 	snop;
	(pc) =	sbr.ind lr, $3  }
0x3a: {  	_ = 	snop  }
0x3b: {  	_ = 	snop  }
0x3c: {  	p2 =	seq.s32 s10, $0x1;
	s10 =	sld [smem:$0x3FB2]  }
0x3d: {  	_ =	shalt  }
0x3e: {  	_ =	shalt  }
0x3f: {  	_ =	shalt  }
0x40: {  	_ =	shalt  }
0x41: {  	_ =	shalt  }
0x42: {  	_ =	shalt  }
0x43: {  	_ =	shalt  }
0x44: {  	_ =	shalt  }
0x45: {  	_ =	shalt  }
0x46: {  	_ =	shalt  }
0x47: {  	_ =	shalt  }
0x48: {  	_ =	shalt  }
0x49: {  	_ =	shalt  }
0x4a: {  	_ =	shalt  }
0x4b: {  	_ =	shalt  }
0x4c: {  	_ =	shalt  }
0x4d: {  	_ =	shalt  }
0x4e: {  	_ =	shalt  }
0x4f: {  	_ =	shalt  }
0x50: {  	_ =	shalt  }
0x51: {  	_ =	shalt  }
0x52: {  	_ =	shalt  }
0x53: {  	_ =	shalt  }
0x54: {  	_ =	shalt  }
0x55: {  	_ =	shalt  }
0x56: {  	_ =	shalt  }
0x57: {  	_ =	shalt  }
0x58: {  	_ =	shalt  }
0x59: {  	_ =	shalt  }
0x5a: {  	_ =	shalt  }
0x5b: {  	_ =	shalt  }
0x5c: {  	_ =	shalt  }
0x5d: {  	_ =	shalt  }
0x5e: {  	_ =	shalt  }
0x5f: {  	_ =	shalt  }
0x60: {  	_ =	shalt  }
0x61: {  	_ =	shalt  }
0x62: {  	_ =	shalt  }
0x63: {  	_ =	shalt  }
0x64: {  	_ =	shalt  }
0x65: {  	_ =	shalt  }
0x66: {  	_ =	shalt  }
0x67: {  	_ =	shalt  }
0x68: {  	_ =	shalt  }
0x69: {  	_ =	shalt  }
0x6a: {  	_ =	shalt  }
0x6b: {  	_ =	shalt  }
0x6c: {  	_ =	shalt  }
0x6d: {  	_ =	shalt  }
0x6e: {  	_ =	shalt  }
0x6f: {  	_ =	shalt  }
0x70: {  	_ =	shalt  }
0x71: {  	_ =	shalt  }
0x72: {  	_ =	shalt  }
0x73: {  	_ =	shalt  }
0x74: {  	_ =	shalt  }
0x75: {  	_ =	shalt  }
0x76: {  	_ =	shalt  }
0x77: {  	_ =	shalt  }
0x78: {  	_ =	shalt  }
0x79: {  	_ =	shalt  }
0x7a: {  	_ =	shalt  }
0x7b: {  	_ =	shalt  }
0x7c: {  	_ =	shalt  }
0x7d: {  	_ =	shalt  }
0x7e: {  	_ =	shalt  }
0x7f: {  	_ =	shalt  }
0x80: {  	_ =	shalt  }
0x81: {  	_ =	shalt  }
0x82: {  	_ =	shalt  }
0x83: {  	_ =	shalt  }
0x84: {  	_ =	shalt  }
0x85: {  	_ =	shalt  }
0x86: {  	_ =	shalt  }
0x87: {  	_ =	shalt  }
.Lfunc_end0:
.L_simem_size_0:
called_computation.1_lowered:
.L_overlay_start_0:
0x88: {  	s2 =	sld [smem:$0x3FD9]  }
0x89: {  	s3 =	sld [smem:$0x3FFE];
	_ =	sdelay $0x1  }
0x8a: {  	s1 =	srdreg.scid  }
0x8b: {  	s0 =	sand.u32 $0x1, s1  }
0x8c: {  	s16 =	sshll.u32 s0, $0xA;
	s2 =	sadd.s32 s3, s2  }
0x8d: {  	s2 =	sadd.s32 s2, s16  }
0x8e: {  	[smem:$0x3FBE] =	sst s2  }
0x8f: {  	_ = 	snop  }
0x90: {  	(tm) =	ssettm $0x1  }
0x91: {  	s17 =	sld [smem:$0x3FFB];
	_ =	sdelay $0x3  }
0x92: {  	_ =	strace s17  }
0x93: {  	s2 =	sld [smem:$0x3FFC];
	_ =	sdelay $0x3  }
0x94: {  	_ =	strace s2  }
0x95: {  	s2 =	sld [smem:$0x3FFD];
	_ =	sdelay $0x3  }
0x96: {  	_ =	strace s2  }
0x97: {  	_ =	strace $0x8FFFFFFF  }
0x98: {  	s18 =	sld [smem:$0x3FDB];
	_ =	sdelay $0x1  }
0x99: {  	s19 =	simm.s32 $_scs_section_size  }
0x9a: {  	s4 =	simm.s32 $_size__tile_overlayer_lowered;
	s5 =	simm.s32 $_tile_overlayer_lowered  }
0x9b: {  	s22 =	simm.s32 $0x1BFF;
	s21 =	sshll.u32 s5, $0x1;
	s2 =	sadd.s32 s19, s18  }
0x9c: {  	s6 =	simm.s32 $0x0;
	s20 =	sshll.u32 s4, $0x1;
	s4 =	sadd.s32 s21, s2  }
0x9d: {  	[timem:s6], [sflag:s22] =	dma.local [hbm:s4], s20  }
0x9e: {  	_ =	swait.ge [sflag:s22], s20  }
0x9f: {  	s3 =	ssub.s32 $0x0, s20;
	[sflag:s22] =	ssyncset.done $0x0  }
0xa0: {  	[sflag:s22] =	ssyncadd.s32 s3;
	_ =	sdelay $0x1  }
0xa1: {  	s23 =	simm.s32 $0x1B8B  }
0xa2: {  	_ =	swait.ge [sflag:s23], $0x1  }
0xa3: {  	[sflag:s23] =	ssyncset.done $0x0  }
0xa4: {  	s25 =	simm.s32 $0x1B8E;
	s24 =	sld [smem:$0x3FFE];
	[sflag:s23] =	ssyncadd.s32 $0xFFFFFFFF  }
0xa5: {  	s26 =	simm.s32 $execute0_lowered;
	[smem:$0x3FD2] =	sst s25  }
0xa6: {  	s4 =	sshll.u32 s26, $0x1;
	_ =	strace $0x80000049;
	[dreg:$0x1] =	wrdreg $0xFFFFFFFF  }
0xa7: {  	s28 =	simm.s32 $_size_execute0_lowered;
	s2 =	sadd.s32 s2, s4;
	[dreg:$0x0] =	wrdreg $0x0  }
0xa8: {  	s4 =	sshll.u32 s28, $0x1;
	[dreg:$0x2] =	wrdreg s2  }
0xa9: {  	[dreg:$0x3] =	wrdreg s4  }
0xaa: {  	[dreg:$0x4] =	wrdreg $0xC0  }
0xab: {  	_ =	task [dreg:s6], $0x5FFFF  }
0xac: {  	[dreg:$0x1] =	wrdreg $0xFFFFFFFF  }
0xad: {  	[dreg:$0x0] =	wrdreg $0x60  }
0xae: {  	[dreg:$0x2] =	wrdreg s24  }
0xaf: {  	[dreg:$0x3] =	wrdreg $0x160400  }
0xb0: {  	[dreg:$0x4] =	wrdreg $0xC4000  }
0xb1: {  	[dreg:$0x5] =	wrdreg $0x9  }
0xb2: {  	_ =	task.clear_ibuf [dreg:s6], $0x6FFFF;
	_ =	strace $0x90000049  }
0xb3: {  	s29 =	simm.s32 $0x9;
	_ =	strace $0x8000004B  }
0xb4: {  	_ =	swait.ge [sflag:s29], $0x1  }
0xb5: {  	[sflag:s29] =	ssyncadd.s32 $0xFFFFFFFF  }
0xb6: {  	_ =	strace $0x9000004B  }
0xb7: {  	_ =	sfence  }
0xb8: {  	s30 =	sld [smem:$0x0];
	_ =	sdelay $0x2  }
0xb9: {  	s31 =	sshll.u32 s1, $0xD;
	s1 =	sshrl.u32 s1, $0x2  }
0xba: {  	s3 =	sand.u32 $0x4000, s31;
	s1 =	sadd.s32 s1, s30  }
0xbb: {  	s0 =	sor.u32 s3, s0;
	s1 =	sshll.u32 s1, $0x11  }
0xbc: {  	s0 =	sor.u32 s1, s0  }
0xbd: {  	s0 =	sadd.s32 $0x8F2B, s0  }
0xbe: {  	[sflag:s0] =	ssyncadd.remote.s32 $0x1  }
0xbf: {  	_ =	sfence.sel $0xFFFF  }
0xc0: {  	[dreg:$0x0] =	wrdreg $0xFFFFFFFF;
	(pc) =	sbr.abs _section_cstart, $3  }
0xc1: {  	[dreg:$0x1] =	wrdreg $0xFFFFFFFF  }
0xc2: {  	_ =	task.clear_ibuf [dreg:s6], $0x2FFFF;
	_ =	strace $0x9FFFFFFF  }
0xc3: {  	(tm) =	ssettm $0x7FFFFFFF  }
tec
execute0_lowered:
.L_overlay_start_1:
0x0: {  	(tag) =	ssettag $0x1  }
0x1: {  	s0 =	rddreg [dreg:$0x0]  }
0x2: {  	s1 =	rddreg [dreg:$0x1]  }
0x3: {  	s3 =	rddreg [dreg:$0x2];
	s4 =	simm.s32 $0x0;
	s15 =	stileid.u32  }
0x4: {  	s5 =	srdreg.scid;
	s30 =	simm.s32 $0x5;
	s31 =	simm.s32 $0x80  }
0x5: {  	[smem:$0x7FF] =	sst s4;
	s2 =	smul.u32 $0x9C00, s15;
	s6 =	sadd.s32 $0x16800, s0  }
0x6: {  	s8 =	sadd.s32 $0x1E00, s0;
	s5 =	sand.u32 $0x1, s5;
	s12 =	smul.u32 $0x27000, s15  }
0x7: {  	s9 =	sadd.s32 $0xBE00, s0;
	s13 =	sadd.s32 $0x34200, s0;
	s25 =	smul.u32 $0x580, s15  }
0x8: {  	s14 =	sadd.s32 $0x92400, s1;
	s17 =	smul.u32 $0x2400, s15;
	p1 =	seq.s32 s15, $0xF  }
0x9: {  	s28 =	sadd.s32 $0x98400, s3;
	s29 =	sadd.s32 $0x9A400, s3;
	s15 =	simm.s32 $0x2  }
0xa: {  	_ =	strace $0x8000004A;
	s10 =	ssub.s32 $0x2, s5;
	p0 =	seq.s32 s5, $0x1  }
0xb: {  	s5 =	smul.u32 $0x9C400, s5;
	s7 =	sshrl.u32 s2, $0x3;
	s11 =	sshrl.u32 s10, $0x1  }
0xc: {  	s24 =	sshrl.u32 s12, $0x2;
	s19 =	sadd.s32 s6, s25;
	s12 =	sshrl.u32 s17, $0x3  }
0xd: {  	s20 =	sadd.s32 s8, s25;
	s17 =	simm.s32 $0x4;
	s7 =	sadd.s32 s7, s0  }
0xe: {  	s10 =	ssub.s32 s10, s11;
	s11 =	sadd.s32 s2, s1;
	[dreg:$0xa] =	wrdreg s19  }
0xf: {  	s0 =	sadd.s32 $0x32C80, s0;
	[dreg:$0xb] =	wrdreg s20;
	s21 =	sadd.s32 $0x5800, s12  }
0x10: {  	s23 =	sadd.s32 s2, s5;
	s7 =	sadd.s32 $0x20800, s7;
	[dreg:$0x5] =	wrdreg s0  }
0x11: {  	s5 =	sshrl.u32 s5, $0x3;
	s0 =	sadd.s32 s9, s25;
	[dreg:$0x4] =	wrdreg s7  }
0x12: {  	s2 =	sadd.s32 s2, s3;
	s6 =	sadd.s32 s6, s21;
	[dreg:$0xc] =	wrdreg s0  }
0x13: {  	s12 =	simm.s32 $0x8400;
	s22 =	sadd.s32 s8, s21;
	[dreg:$0xd] =	wrdreg s6  }
0x14: {  	s25 =	sadd.s32 s13, s5;
	s7 =	sadd.s32 s24, s3;
	[dreg:$0xe] =	wrdreg s22  }
0x15: {  	s0 =	sadd.s32 s9, s21;
	s24 =	sshrl.u32 s23, $0x3;
	s21 =	sadd.s32 $0x12480, s25  }
0x16: {  	s22 =	smax.u32 s10, $0x1;
	s23 =	sshrl.u32 @p1 s14, $0x3;
	s25 =	sshrl.u32 @!p1 s2, $0x3  }
0x17: {  	s14 =	simm.s32 $0xA400;
	s26 =	sadd.s32 $0x2000, s7;
	[dreg:$0xf] =	wrdreg s0  }
0x18: {  	s16 =	sadd.s32 $0x4000, s7;
	s18 =	sadd.s32 $0x8000, s7;
	[dreg:$0x6] =	wrdreg s26  }
.Ltmp0:
0x19: {  	s0 =	sadd.s32 s13, s24;
	[dreg:$0x7] =	wrdreg s16;
	(pc) =	sbr.rel .LBB2_1-.Ltmp0, $4  }
0x1a: {  	s24 =	sshrl.u32 @!p1 s11, $0x3;
	s13 =	simm.s32 $0x1;
	[dreg:$0x9] =	wrdreg s18  }
0x1b: {  	s16 =	sadd.s32 $0x6000, s7;
	s18 =	sadd.s32 $0x92400, s3;
	[dreg:$0x10] =	wrdreg s0  }
0x1c: {  	v1 =	vimm.s32 $0x0;
	vm0 =	vcmask $0x300;
	s26 =	sadd.s32 $0x94400, s3;
	s0 =	simm.s32 $0x5800;
	[dreg:$0x8] =	wrdreg s16  }
0x1d: {  	v0 =	vimm.f32 $0.0e+00;
	v1 =	vsel vm0, $0x3, v1;
	[dreg:$0x11] =	wrdreg s26;
	s26 =	sadd.s32 $0x96400, s3;
	s16 =	simm.s32 $0x3  }
.LBB2_16:
0x1e: {  	_ =	swait.ge [sflag:s17], $0x2000  }
0x1f: {  	[sflag:s17] =	ssyncset.done $0x0  }
0x20: {  	[sflag:s17] =	ssyncadd.s32 $0xFFFFE000  }
0x21: {  	s5 =	sshrl.u32 @p1 s18, $0x3;
	s6 =	simm.s32 @p1 $0x1FC5;
	[bflag:$0x0] =	sbarrier.arrive $0xFFFF  }
0x22: {  	[hbm:s21], [sflag:s6] =	dma.local @p1 [spmem:s5], $0x1400  }
0x23: {  	s5 =	simm.s32 @p1 $0x5  }
0x24: {  	_ =	swait.ge @p1 [sflag:s5], $0x1400  }
0x25: {  	s4 =	sadd.s32 $0x1, s4;
	[sflag:s5] =	ssyncset.done @p1 $0x0  }
0x26: {  	p2 =	sne.s32 s4, s22;
	[sflag:s5] =	ssyncadd.s32 @p1 $0xFFFFEC00;
	s5 =	rddreg [dreg:$0x10]  }
0x27: {  	[hbm:s5], [sflag:s2] =	dma.local @!p1 [spmem:s25], $0x1380  }
.Ltmp1:
0x28: {  	_ = 	snop;
	(pc) =	sbr.rel @!p2 .LBB2_17-.Ltmp1, $4  }
0x29: {  	s2 =	simm.s32 @!p1 $0x5  }
0x2a: {  	_ =	swait.ge @!p1 [sflag:s2], $0x1380  }
0x2b: {  	[sflag:s2] =	ssyncset.done @!p1 $0x0  }
0x2c: {  	[sflag:s2] =	ssyncadd.s32 @!p1 $0xFFFFEC80  }
.LBB2_1:
0x2d: {  	s2 =	simm.s32 @p1 $0x1FC5;
	s5 =	rddreg [dreg:$0x5]  }
0x2e: {  	[spmem:s23], [sflag:s2] =	dma.local @p1 [hbm:s5], $0x1400  }
0x2f: {  	s2 =	simm.s32 @p1 $0x5  }
0x30: {  	s5 =	stileid.u32;
	_ =	swait.ge @p1 [sflag:s2], $0x1400  }
0x31: {  	s5 =	sshll.u32 @!p1 s5, $0x6;
	[sflag:s2] =	ssyncset.done @p1 $0x0  }
0x32: {  	[sflag:s2] =	ssyncadd.s32 @p1 $0xFFFFEC00;
	s2 =	sor.u32 @!p1 $0x1C05, s5;
	s5 =	rddreg [dreg:$0x4]  }
0x33: {  	[spmem:s24], [sflag:s2] =	dma.local @!p1 [hbm:s5], $0x1380  }
0x34: {  	s5 =	simm.s32 @!p1 $0x5  }
0x35: {  	_ =	swait.ge @!p1 [sflag:s5], $0x1380  }
0x36: {  	[sflag:s5] =	ssyncset.done @!p1 $0x0  }
0x37: {  	s6 =	simm.s32 $0x100;
	[sflag:s5] =	ssyncadd.s32 @!p1 $0xFFFFEC80;
	s5 =	simm.s32 $0x0  }
.LBB2_2:
0x38: {  	p2 =	sne.s32 s6, $0x7F00;
	[tilespmem:s5+$0x8430] =	vst v0;
	s8 =	smov.u32 s6;
	s6 =	sadd.s32 $0x100, s6  }
.Ltmp2:
0x39: {  	[tilespmem:s5+$0x8420] =	vst v0;
	(pc) =	sbr.rel @p2 .LBB2_2-.Ltmp2, $3  }
0x3a: {  	[tilespmem:s5+$0x8400] =	vst v0  }
0x3b: {  	[tilespmem:s5+$0x8410] =	vst v0;
	_ =	sdelay $0x1  }
0x3c: {  	s5 =	sshra.s32 s8, $0x2  }
0x3d: {  	[tilespmem:s5+$0x8430] =	vst v0  }
0x3e: {  	[tilespmem:s5+$0x8420] =	vst v0  }
0x3f: {  	[tilespmem:s5+$0x8400] =	vst v0  }
0x40: {  	[tilespmem:s5+$0x8410] =	vst v0;
	s5 =	simm.s32 @p1 $0x8400;
	s6 =	simm.s32 @p1 $0x5  }
0x41: {  	[spmem:s18] =	stream.linear.scatter @p1 [tilespmem:s5], [sflag:$0x5], $0x2000, $0x38;
	[tilespmem:$0x1FC80] =	vst v63  }
0x42: {  	_ =	swait.ge @p1 [sflag:s6], $0x2000  }
0x43: {  	[sflag:s6] =	ssyncset.done @p1 $0x0  }
0x44: {  	s8 =	rddreg [dreg:$0x11];
	[sflag:s6] =	ssyncadd.s32 @p1 $0xFFFFE000  }
0x45: {  	[spmem:s8] =	stream.linear.scatter @p1 [tilespmem:s5], [sflag:$0x5], $0x2000, $0x38;
	[tilespmem:$0x1FC80] =	vst v63  }
0x46: {  	_ =	swait.ge @p1 [sflag:s6], $0x2000  }
0x47: {  	[sflag:s6] =	ssyncset.done @p1 $0x0  }
0x48: {  	[sflag:s6] =	ssyncadd.s32 @p1 $0xFFFFE000  }
0x49: {  	[spmem:s26] =	stream.linear.scatter @p1 [tilespmem:s5], [sflag:$0x5], $0x2000, $0x38;
	[tilespmem:$0x1FC80] =	vst v63  }
0x4a: {  	_ =	swait.ge @p1 [sflag:s6], $0x2000  }
0x4b: {  	[sflag:s6] =	ssyncset.done @p1 $0x0  }
0x4c: {  	[sflag:s6] =	ssyncadd.s32 @p1 $0xFFFFE000  }
0x4d: {  	[spmem:s28] =	stream.linear.scatter @p1 [tilespmem:s5], [sflag:$0x5], $0x2000, $0x38;
	[tilespmem:$0x1FC80] =	vst v63  }
0x4e: {  	_ =	swait.ge @p1 [sflag:s6], $0x2000  }
0x4f: {  	[sflag:s6] =	ssyncset.done @p1 $0x0  }
0x50: {  	[sflag:s6] =	ssyncadd.s32 @p1 $0xFFFFE000  }
0x51: {  	[spmem:s29] =	stream.linear.scatter @p1 [tilespmem:s5], [sflag:$0x5], $0x2000, $0x38;
	[tilespmem:$0x1FC80] =	vst v63  }
0x52: {  	_ =	swait.ge @p1 [sflag:s6], $0x2000  }
0x53: {  	[sflag:s6] =	ssyncset.done @p1 $0x0  }
0x54: {  	s5 =	simm.s32 @!p1 $0x8400;
	[sflag:s6] =	ssyncadd.s32 @p1 $0xFFFFE000;
	s6 =	simm.s32 @!p1 $0x5  }
0x55: {  	[spmem:s7] =	stream.linear.scatter @!p1 [tilespmem:s5], [sflag:$0x5], $0x2000, $0x38;
	[tilespmem:$0x1FC80] =	vst v63  }
0x56: {  	_ =	swait.ge @!p1 [sflag:s6], $0x2000  }
0x57: {  	[sflag:s6] =	ssyncset.done @!p1 $0x0  }
0x58: {  	s8 =	rddreg [dreg:$0x6];
	[sflag:s6] =	ssyncadd.s32 @!p1 $0xFFFFE000  }
0x59: {  	[spmem:s8] =	stream.linear.scatter @!p1 [tilespmem:s5], [sflag:$0x5], $0x2000, $0x38;
	[tilespmem:$0x1FC80] =	vst v63  }
0x5a: {  	_ =	swait.ge @!p1 [sflag:s6], $0x2000  }
0x5b: {  	[sflag:s6] =	ssyncset.done @!p1 $0x0  }
0x5c: {  	s8 =	rddreg [dreg:$0x7];
	[sflag:s6] =	ssyncadd.s32 @!p1 $0xFFFFE000  }
0x5d: {  	[spmem:s8] =	stream.linear.scatter @!p1 [tilespmem:s5], [sflag:$0x5], $0x2000, $0x38;
	[tilespmem:$0x1FC80] =	vst v63  }
0x5e: {  	_ =	swait.ge @!p1 [sflag:s6], $0x2000  }
0x5f: {  	[sflag:s6] =	ssyncset.done @!p1 $0x0  }
0x60: {  	s8 =	rddreg [dreg:$0x8];
	[sflag:s6] =	ssyncadd.s32 @!p1 $0xFFFFE000  }
0x61: {  	[spmem:s8] =	stream.linear.scatter @!p1 [tilespmem:s5], [sflag:$0x5], $0x2000, $0x38;
	[tilespmem:$0x1FC80] =	vst v63  }
0x62: {  	_ =	swait.ge @!p1 [sflag:s6], $0x2000  }
0x63: {  	[sflag:s6] =	ssyncset.done @!p1 $0x0  }
0x64: {  	s8 =	rddreg [dreg:$0x9];
	[sflag:s6] =	ssyncadd.s32 @!p1 $0xFFFFE000  }
0x65: {  	[spmem:s8] =	stream.linear.scatter @!p1 [tilespmem:s5], [sflag:$0x5], $0x1C00, $0x38;
	[tilespmem:$0x1FC80] =	vst v63  }
.Ltmp3:
0x66: {  	_ =	swait.ge @!p1 [sflag:s6], $0x1C00;
	(pc) =	sbr.rel @!p0 .LBB2_4-.Ltmp3, $4  }
0x67: {  	[sflag:s6] =	ssyncset.done @!p1 $0x0  }
0x68: {  	[sflag:s6] =	ssyncadd.s32 @!p1 $0xFFFFE400  }
0x69: {  	[bflag:$0x0] =	sbarrier.arrive $0xFFFF  }
0x6a: {  	s5 =	simm.s32 $0x0  }
0x6b: {  	s6 =	rddreg [dreg:$0xd]  }
0x6c: {  	[tilespmem:s5], [sflag:$0x5] =	stream.linear.gather [hbm4b:s6+s5], $0x2400, $0x38;
	[tilespmem:$0x1FC80] =	vst v63  }
0x6d: {  	_ =	swait.ge [sflag:s30], $0x2400  }
0x6e: {  	[sflag:s30] =	ssyncset.done $0x0  }
0x6f: {  	s8 =	simm.s32 $0x2C00;
	s19 =	rddreg [dreg:$0xe];
	[sflag:s30] =	ssyncadd.s32 $0xFFFFDC00  }
0x70: {  	[tilespmem:s8], [sflag:$0x5] =	stream.linear.gather [hbm4b:s19+s5], $0x2400, $0x38;
	[tilespmem:$0x1FC80] =	vst v63  }
0x71: {  	_ =	swait.ge [sflag:s30], $0x2400  }
0x72: {  	[sflag:s30] =	ssyncset.done $0x0  }
0x73: {  	s20 =	rddreg [dreg:$0xf];
	[sflag:s30] =	ssyncadd.s32 $0xFFFFDC00  }
0x74: {  	[tilespmem:s0], [sflag:$0x5] =	stream.linear.gather [hbm4b:s20+s5], $0x2400, $0x38;
	[tilespmem:$0x1FC80] =	vst v63  }
0x75: {  	_ =	swait.ge [sflag:s30], $0x2400  }
0x76: {  	[sflag:s30] =	ssyncset.done $0x0  }
0x77: {  	s6 =	simm.s32 $0x0;
	[sflag:s30] =	ssyncadd.s32 $0xFFFFDC00  }
0x78: {  	[tilespmem:s12], [sflag:$0x1] =	stream.indirect.gather [spmem:s1], $0x40, s5, s31, $0xb8;
	[tilespmem:$0x1FC80] =	vst v63  }
.LBB2_11:
0x79: {  	s8 =	sshll.u32 s6, $0x1;
	v10 =	vmov s5;
	s11 =	simm.s32 $0x1;
	s10 =	simm.s32 $0x2  }
0x7a: {  	s19 =	simm.s32 $0x3;
	s20 =	simm.s32 $0x4;
	s9 =	sshll.u32 s8, $0x7;
	v10 =	vshrl.u32 v10, $0x3;
	v11 =	vmov s11;
	v12 =	vmov s10  }
0x7b: {  	s11 =	simm.s32 $0x5;
	v13 =	vmov s19;
	v14 =	vmov s20;
	s10 =	simm.s32 $0x6;
	v3 =	vmov s9  }
0x7c: {  	v15 =	vmov s11;
	v10 =	vshll.u32 v10, v1;
	v16 =	vmov s10  }
0x7d: {  	v11 =	vshrl.u32 v11, $0x3;
	v12 =	vshrl.u32 v12, $0x3;
	v14 =	vshrl.u32 v14, $0x3  }
0x7e: {  	_ =	swait.ge [sflag:s13], $0x2000;
	v4 =	vor.u32 $0x1, v3;
	v5 =	vor.u32 $0x2, v3;
	v7 =	vor.u32 $0x4, v3  }
0x7f: {  	p2 =	seq.s32 s6, $0x0;
	[sflag:s13] =	ssyncset.done $0x0;
	v8 =	vor.u32 $0x5, v3;
	v10 =	vadd.s32 v3, v10;
	v11 =	vshll.u32 v11, v1  }
0x80: {  	[sflag:s13] =	ssyncadd.s32 $0xFFFFE000;
	s10 =	simm.s32 @!p2 $0x4;
	v12 =	vshll.u32 v12, v1;
	v10 =	vbroadcast v10, $0x0;
	v11 =	vadd.s32 v11, v4  }
0x81: {  	s9 =	sor.u32 $0x1, s8;
	v14 =	vshll.u32 v14, v1;
	_ =	swait.ge @!p2 [sflag:s10], $0x2000;
	v12 =	vadd.s32 v12, v5;
	v11 =	vbroadcast v11, $0x0  }
0x82: {  	s11 =	simm.s32 $0x7;
	v15 =	vshrl.u32 v15, $0x3;
	s19 =	sshll.u32 s9, $0x9;
	[sflag:s10] =	ssyncset.done @!p2 $0x0;
	v14 =	vadd.s32 v14, v7;
	v12 =	vbroadcast v12, $0x0  }
0x83: {  	v9 =	vor.u32 $0x6, v3;
	v15 =	vshll.u32 v15, v1;
	s8 =	sshrl.u32 s19, $0x2;
	[sflag:s10] =	ssyncadd.s32 @!p2 $0xFFFFE000;
	v14 =	vbroadcast v14, $0x0;
	s10 =	simm.s32 $0x8500  }
0x84: {  	v16 =	vshrl.u32 v16, $0x3;
	v17 =	vmov s11;
	v15 =	vadd.s32 v15, v8;
	[tilespmem:s14], [sflag:$0x2] =	stream.indirect.gather [spmem:s1], $0x40, s8, s31, $0xb8;
	[tilespmem:$0x1FC80] =	vst v63  }
0x85: {  	v16 =	vshll.u32 v16, v1;
	v17 =	vshrl.u32 v17, $0x3;
	v15 =	vbroadcast v15, $0x0;
	v21 =	vld [tilespmem:s10+$0xFFFFFF20]  }
0x86: {  	v2 =	vor.u32 $0x7, v3;
	v16 =	vadd.s32 v16, v9;
	v17 =	vshll.u32 v17, v1;
	v18 =	vld.idx.msk [tilespmem:v10+s0+$0x0], $0xffff  }
0x87: {  	v10 =	vbroadcast v16, $0x0;
	v16 =	vadd.s32 v17, v2;
	v17 =	vld.idx.msk [tilespmem:v11+s0+$0x0], $0xffff  }
0x88: {  	v16 =	vbroadcast v16, $0x0;
	v19 =	vld.idx.msk [tilespmem:v12+s0+$0x0], $0xffff  }
0x89: {  	v20 =	vld.idx.msk [tilespmem:v14+s0+$0x0], $0xffff  }
0x8a: {  	v14 =	vld [tilespmem:s10+$0xF0]  }
0x8b: {  	v13 =	vshrl.u32 v13, $0x3;
	v12 =	vld.idx.msk [tilespmem:v15+s0+$0x0], $0xffff  }
0x8c: {  	v6 =	vor.u32 $0x3, v3;
	v13 =	vshll.u32 v13, v1;
	v15 =	vld [tilespmem:s10+$0xFFFFFF00]  }
0x8d: {  	v13 =	vadd.s32 v13, v6;
	v11 =	vld.idx.msk [tilespmem:v10+s0+$0x0], $0xffff  }
0x8e: {  	v13 =	vbroadcast v13, $0x0;
	v10 =	vld.idx.msk [tilespmem:v16+s0+$0x0], $0xffff  }
0x8f: {  	v16 =	vld [tilespmem:s10+$0xFFFFFF10]  }
0x90: {  	v22 =	vld [tilespmem:s10+$0xFFFFFF30]  }
0x91: {  	v23 =	vld [tilespmem:s10+$0xFFFFFF40]  }
0x92: {  	v24 =	vld [tilespmem:s10+$0xFFFFFF50];
	v15 =	vmul.f32 v15, v18  }
0x93: {  	v25 =	vld [tilespmem:s10+$0xFFFFFF60];
	v14 =	vmul.f32 v14, v10  }
0x94: {  	v13 =	vld.idx.msk [tilespmem:v13+s0+$0x0], $0xffff;
	[tilespmem:s10+$0xFFFFFF00] =	vst v15;
	v16 =	vmul.f32 v16, v18  }
0x95: {  	v15 =	vld [tilespmem:s10+$0xFFFFFF70];
	[tilespmem:s10+$0xF0] =	vst v14;
	v14 =	vmul.f32 v21, v18  }
0x96: {  	[tilespmem:s10+$0xFFFFFF10] =	vst v16;
	v16 =	vmul.f32 v22, v18;
	v18 =	vld [tilespmem:s10+$0xFFFFFF80]  }
0x97: {  	v21 =	vld [tilespmem:s10+$0xFFFFFF90];
	[tilespmem:s10+$0xFFFFFF20] =	vst v14;
	v14 =	vmul.f32 v23, v17  }
0x98: {  	v22 =	vld [tilespmem:s10+$0xFFFFFFA0];
	[tilespmem:s10+$0xFFFFFF30] =	vst v16;
	v16 =	vmul.f32 v24, v17  }
0x99: {  	s20 =	simm.s32 $0x8;
	v23 =	vld [tilespmem:s10+$0xFFFFFFB0];
	[tilespmem:s10+$0xFFFFFF40] =	vst v14;
	v14 =	vmul.f32 v25, v17  }
0x9a: {  	s19 =	simm.s32 $0x9;
	v15 =	vmul.f32 v15, v17;
	v24 =	vmov s20;
	[tilespmem:s10+$0xFFFFFF50] =	vst v16;
	v16 =	vld [tilespmem:s10+$0xFFFFFFC0]  }
0x9b: {  	s20 =	simm.s32 $0xA;
	v17 =	vshrl.u32 v24, $0x3;
	v24 =	vmov s19;
	s19 =	simm.s32 $0xB;
	[tilespmem:s10+$0xFFFFFF60] =	vst v14;
	v14 =	vmul.f32 v18, v19;
	v18 =	vld [tilespmem:s10+$0xFFFFFFD0]  }
0x9c: {  	[tilespmem:s10+$0xFFFFFF70] =	vst v15;
	v25 =	vmov s20;
	s20 =	simm.s32 $0xD;
	v26 =	vmov s19;
	v15 =	vmul.f32 v21, v19;
	v21 =	vld [tilespmem:s10+$0xFFFFFFE0]  }
0x9d: {  	s19 =	simm.s32 $0xC;
	v28 =	vmov s20;
	s20 =	simm.s32 $0xE;
	v17 =	vshll.u32 v17, v1;
	[tilespmem:s10+$0xFFFFFF80] =	vst v14;
	v14 =	vmul.f32 v22, v19;
	v22 =	vld [tilespmem:s10+$0xFFFFFFF0]  }
0x9e: {  	v27 =	vmov s19;
	v29 =	vmov s20;
	[tilespmem:s10+$0xFFFFFF90] =	vst v15;
	v15 =	vmul.f32 v23, v19;
	v19 =	vld [tilespmem:s10+$0x0]  }
0x9f: {  	v17 =	vadd.s32 v3, v17;
	v23 =	vshrl.u32 v24, $0x3;
	[tilespmem:s10+$0xFFFFFFA0] =	vst v14;
	v14 =	vmul.f32 v16, v13;
	v16 =	vld [tilespmem:s10+$0x10]  }
0xa0: {  	v24 =	vshrl.u32 v25, $0x3;
	v25 =	vshrl.u32 v26, $0x3;
	[tilespmem:s10+$0xFFFFFFB0] =	vst v15;
	v15 =	vmul.f32 v18, v13;
	v18 =	vld [tilespmem:s10+$0x20]  }
0xa1: {  	v26 =	vshrl.u32 v27, $0x3;
	v27 =	vshrl.u32 v28, $0x3;
	[tilespmem:s10+$0xFFFFFFC0] =	vst v14;
	v14 =	vmul.f32 v21, v13;
	v21 =	vld [tilespmem:s10+$0x30]  }
0xa2: {  	v62 =	vshrl.u32 v29, $0x3;
	v23 =	vshll.u32 v23, v1;
	[tilespmem:s10+$0xFFFFFFD0] =	vst v15;
	v13 =	vmul.f32 v22, v13;
	v22 =	vld [tilespmem:s10+$0x40]  }
0xa3: {  	v63 =	vld [tilespmem:s10+$0x50];
	v24 =	vshll.u32 v24, v1;
	v25 =	vshll.u32 v25, v1;
	v15 =	vmul.f32 v19, v20;
	[tilespmem:s10+$0xFFFFFFE0] =	vst v14  }
0xa4: {  	v19 =	vshll.u32 v26, v1;
	v26 =	vshll.u32 v27, v1;
	v27 =	vld [tilespmem:s10+$0x60];
	[tilespmem:s10+$0xFFFFFFF0] =	vst v13;
	v13 =	vmul.f32 v16, v20  }
0xa5: {  	v28 =	vshll.u32 v62, v1;
	v25 =	vadd.s32 v25, v6;
	[tilespmem:s10+$0x0] =	vst v15;
	v15 =	vld [tilespmem:s10+$0x70];
	v16 =	vmul.f32 v18, v20  }
0xa6: {  	v14 =	vbroadcast v17, $0x0;
	v17 =	vadd.s32 v23, v4;
	[tilespmem:s10+$0x10] =	vst v13;
	v20 =	vmul.f32 v21, v20;
	v13 =	vld [tilespmem:s10+$0x80]  }
0xa7: {  	v23 =	vadd.s32 v26, v8;
	v18 =	vadd.s32 v24, v5;
	[tilespmem:s10+$0x20] =	vst v16;
	v30 =	vmul.f32 v22, v12;
	v16 =	vld [tilespmem:s10+$0x90]  }
0xa8: {  	v21 =	vadd.s32 v19, v7;
	v19 =	vbroadcast v17, $0x0;
	v17 =	vld [tilespmem:s10+$0xA0];
	v22 =	vmul.f32 v63, v12;
	[tilespmem:s10+$0x30] =	vst v20  }
0xa9: {  	s11 =	simm.s32 $0x10;
	s19 =	simm.s32 $0xF;
	v24 =	vadd.s32 v28, v9;
	v26 =	vmul.f32 v27, v12;
	v20 =	vbroadcast v18, $0x0;
	v18 =	vld [tilespmem:s10+$0xB0];
	[tilespmem:s10+$0x40] =	vst v30  }
.LBB2_12:
0xaa: {  	p2 =	slt.u32 s11, $0x78;
	v25 =	vbroadcast v25, $0x0;
	v27 =	vmov s19;
	[tilespmem:s10+$0x50] =	vst v22;
	v12 =	vmul.f32 v15, v12;
	v15 =	vld [tilespmem:s10+$0xC0]  }
0xab: {  	v21 =	vbroadcast v21, $0x0;
	v22 =	vshrl.u32 v27, $0x3;
	[tilespmem:s10+$0x60] =	vst v26;
	v13 =	vmul.f32 v13, v11;
	v26 =	vld [tilespmem:s10+$0xD0]  }
0xac: {  	v23 =	vbroadcast v23, $0x0;
	v22 =	vshll.u32 v22, v1;
	[tilespmem:s10+$0x70] =	vst v12;
	v12 =	vmul.f32 v16, v11;
	v16 =	vld [tilespmem:s10+$0xE0]  }
0xad: {  	v24 =	vbroadcast v24, $0x0;
	v14 =	vld.idx.msk [tilespmem:v14+s0+$0x0], $0xffff;
	v22 =	vadd.s32 v22, v2;
	[tilespmem:s10+$0x80] =	vst v13;
	v13 =	vmul.f32 v17, v11  }
0xae: {  	v17 =	vld.idx.msk [tilespmem:v19+s0+$0x0], $0xffff;
	v19 =	vbroadcast v22, $0x0;
	[tilespmem:s10+$0x90] =	vst v12;
	v11 =	vmul.f32 v18, v11  }
0xaf: {  	v18 =	vld.idx.msk [tilespmem:v20+s0+$0x0], $0xffff;
	[tilespmem:s10+$0xA0] =	vst v13;
	v12 =	vmul.f32 v15, v10  }
0xb0: {  	v15 =	vld.idx.msk [tilespmem:v25+s0+$0x0], $0xffff;
	[tilespmem:s10+$0xB0] =	vst v11;
	v11 =	vmul.f32 v26, v10  }
0xb1: {  	v13 =	vld.idx.msk [tilespmem:v21+s0+$0x0], $0xffff;
	[tilespmem:s10+$0xC0] =	vst v12;
	v10 =	vmul.f32 v16, v10  }
0xb2: {  	v12 =	vld.idx.msk [tilespmem:v23+s0+$0x0], $0xffff;
	[tilespmem:s10+$0xD0] =	vst v11  }
0xb3: {  	v11 =	vld.idx.msk [tilespmem:v24+s0+$0x0], $0xffff;
	[tilespmem:s10+$0xE0] =	vst v10  }
0xb4: {  	s10 =	sadd.s32 $0x200, s10;
	v10 =	vld.idx.msk [tilespmem:v19+s0+$0x0], $0xffff  }
0xb5: {  	v16 =	vld [tilespmem:s10+$0xF0]  }
0xb6: {  	v19 =	vld [tilespmem:s10+$0xFFFFFF00]  }
0xb7: {  	v20 =	vld [tilespmem:s10+$0xFFFFFF10]  }
0xb8: {  	v21 =	vld [tilespmem:s10+$0xFFFFFF20]  }
0xb9: {  	v22 =	vld [tilespmem:s10+$0xFFFFFF30]  }
0xba: {  	v23 =	vld [tilespmem:s10+$0xFFFFFF40];
	v16 =	vmul.f32 v16, v10  }
0xbb: {  	v19 =	vmul.f32 v19, v14;
	v24 =	vld [tilespmem:s10+$0xFFFFFF50]  }
0xbc: {  	v20 =	vmul.f32 v20, v14;
	v25 =	vld [tilespmem:s10+$0xFFFFFF60];
	[tilespmem:s10+$0xF0] =	vst v16  }
0xbd: {  	[tilespmem:s10+$0xFFFFFF00] =	vst v19;
	v16 =	vmul.f32 v21, v14;
	v19 =	vld [tilespmem:s10+$0xFFFFFF70]  }
0xbe: {  	[tilespmem:s10+$0xFFFFFF10] =	vst v20;
	v14 =	vmul.f32 v22, v14;
	v20 =	vld [tilespmem:s10+$0xFFFFFF80]  }
0xbf: {  	[tilespmem:s10+$0xFFFFFF20] =	vst v16;
	v16 =	vmul.f32 v23, v17;
	v21 =	vld [tilespmem:s10+$0xFFFFFF90]  }
0xc0: {  	[tilespmem:s10+$0xFFFFFF30] =	vst v14;
	v14 =	vmul.f32 v24, v17;
	v22 =	vld [tilespmem:s10+$0xFFFFFFA0]  }
0xc1: {  	[tilespmem:s10+$0xFFFFFF40] =	vst v16;
	v16 =	vmul.f32 v25, v17;
	v23 =	vld [tilespmem:s10+$0xFFFFFFB0]  }
0xc2: {  	s19 =	sadd.s32 $0x1, s11;
	v24 =	vmov s11;
	[tilespmem:s10+$0xFFFFFF50] =	vst v14;
	v14 =	vmul.f32 v19, v17;
	v17 =	vld [tilespmem:s10+$0xFFFFFFC0]  }
0xc3: {  	s20 =	sadd.s32 $0x3, s11;
	v19 =	vshrl.u32 v24, $0x3;
	v24 =	vmov s19;
	s19 =	sadd.s32 $0x2, s11;
	[tilespmem:s10+$0xFFFFFF60] =	vst v16;
	v16 =	vmul.f32 v20, v18;
	v20 =	vld [tilespmem:s10+$0xFFFFFFD0]  }
0xc4: {  	v26 =	vmov s20;
	s20 =	sadd.s32 $0x5, s11;
	v25 =	vmov s19;
	s19 =	sadd.s32 $0x4, s11;
	[tilespmem:s10+$0xFFFFFF70] =	vst v14;
	v14 =	vmul.f32 v21, v18;
	v21 =	vld [tilespmem:s10+$0xFFFFFFE0]  }
0xc5: {  	v28 =	vmov s20;
	v27 =	vmov s19;
	s19 =	sadd.s32 $0x6, s11;
	[tilespmem:s10+$0xFFFFFF80] =	vst v16;
	v16 =	vmul.f32 v22, v18;
	v22 =	vld [tilespmem:s10+$0xFFFFFFF0]  }
0xc6: {  	v19 =	vshll.u32 v19, v1;
	v29 =	vmov s19;
	[tilespmem:s10+$0xFFFFFF90] =	vst v14;
	v14 =	vmul.f32 v23, v18;
	v18 =	vld [tilespmem:s10+$0x0]  }
0xc7: {  	v23 =	vshrl.u32 v24, $0x3;
	v24 =	vshrl.u32 v25, $0x3;
	[tilespmem:s10+$0xFFFFFFA0] =	vst v16;
	v16 =	vmul.f32 v17, v15;
	v17 =	vld [tilespmem:s10+$0x10]  }
0xc8: {  	v25 =	vshrl.u32 v26, $0x3;
	v26 =	vshrl.u32 v27, $0x3;
	[tilespmem:s10+$0xFFFFFFB0] =	vst v14;
	v14 =	vmul.f32 v20, v15;
	v20 =	vld [tilespmem:s10+$0x20]  }
0xc9: {  	v27 =	vshrl.u32 v28, $0x3;
	v28 =	vshrl.u32 v29, $0x3;
	[tilespmem:s10+$0xFFFFFFC0] =	vst v16;
	v16 =	vmul.f32 v21, v15;
	v21 =	vld [tilespmem:s10+$0x30]  }
0xca: {  	v19 =	vadd.s32 v3, v19;
	v23 =	vshll.u32 v23, v1;
	[tilespmem:s10+$0xFFFFFFD0] =	vst v14;
	v14 =	vmul.f32 v22, v15;
	v22 =	vld [tilespmem:s10+$0x40]  }
0xcb: {  	v24 =	vshll.u32 v24, v1;
	v25 =	vshll.u32 v25, v1;
	[tilespmem:s10+$0xFFFFFFE0] =	vst v16;
	v15 =	vmul.f32 v18, v13;
	v18 =	vld [tilespmem:s10+$0x50]  }
0xcc: {  	v16 =	vshll.u32 v26, v1;
	v26 =	vshll.u32 v27, v1;
	[tilespmem:s10+$0xFFFFFFF0] =	vst v14;
	v17 =	vmul.f32 v17, v13;
	v27 =	vld [tilespmem:s10+$0x60]  }
.Ltmp4:
0xcd: {  	v28 =	vshll.u32 v28, v1;
	v14 =	vbroadcast v19, $0x0;
	[tilespmem:s10+$0x0] =	vst v15;
	v19 =	vmul.f32 v20, v13;
	v15 =	vld [tilespmem:s10+$0x70];
	(pc) =	sbr.rel @p2 .LBB2_12-.Ltmp4, $4  }
0xce: {  	v24 =	vadd.s32 v24, v5;
	v20 =	vadd.s32 v23, v4;
	[tilespmem:s10+$0x10] =	vst v17;
	v17 =	vmul.f32 v21, v13;
	v13 =	vld [tilespmem:s10+$0x80]  }
0xcf: {  	v25 =	vadd.s32 v25, v6;
	v21 =	vadd.s32 v16, v7;
	[tilespmem:s10+$0x20] =	vst v19;
	v29 =	vmul.f32 v22, v12;
	v16 =	vld [tilespmem:s10+$0x90]  }
0xd0: {  	v23 =	vadd.s32 v26, v8;
	v19 =	vbroadcast v20, $0x0;
	[tilespmem:s10+$0x30] =	vst v17;
	v22 =	vmul.f32 v18, v12;
	v17 =	vld [tilespmem:s10+$0xA0]  }
0xd1: {  	s19 =	sadd.s32 $0x7, s11;
	s11 =	sadd.s32 $0x8, s11;
	v20 =	vbroadcast v24, $0x0;
	v24 =	vadd.s32 v28, v9;
	[tilespmem:s10+$0x40] =	vst v29;
	v26 =	vmul.f32 v27, v12;
	v18 =	vld [tilespmem:s10+$0xB0]  }
0xd2: {  	v4 =	vmov s19  }
0xd3: {  	v5 =	vld [tilespmem:s10+$0xC0];
	v4 =	vshrl.u32 v4, $0x3  }
0xd4: {  	v7 =	vld [tilespmem:s10+$0xD0];
	v4 =	vshll.u32 v4, v1  }
0xd5: {  	v6 =	vbroadcast v21, $0x0;
	v9 =	vld [tilespmem:s10+$0xE0];
	v21 =	vbroadcast v24, $0x0;
	v2 =	vadd.s32 v4, v2  }
0xd6: {  	v14 =	vld.idx.msk [tilespmem:v14+s0+$0x0], $0xffff;
	v13 =	vmul.f32 v13, v11;
	v2 =	vbroadcast v2, $0x0  }
0xd7: {  	v4 =	vld.idx.msk [tilespmem:v19+s0+$0x0], $0xffff  }
0xd8: {  	v3 =	vbroadcast v25, $0x0;
	s11 =	sadd.s32 $0x200, s10;
	v19 =	vld.idx.msk [tilespmem:v20+s0+$0x0], $0xffff;
	[tilespmem:s10+$0x80] =	vst v13;
	v13 =	vmul.f32 v17, v11  }
0xd9: {  	v17 =	vld [tilespmem:s11+$0xFFFFFF20]  }
0xda: {  	[tilespmem:s10+$0xA0] =	vst v13;
	v13 =	vld [tilespmem:s11+$0xFFFFFF40]  }
0xdb: {  	v20 =	vld.idx.msk [tilespmem:v21+s0+$0x0], $0xffff  }
0xdc: {  	v21 =	vld.idx.msk [tilespmem:v2+s0+$0x0], $0xffff  }
0xdd: {  	v8 =	vbroadcast v23, $0x0;
	[tilespmem:s10+$0x50] =	vst v22;
	v2 =	vmul.f32 v15, v12;
	v15 =	vld [tilespmem:s11+$0xFFFFFF00]  }
0xde: {  	[tilespmem:s10+$0x60] =	vst v26;
	v5 =	vmul.f32 v5, v10;
	v3 =	vld.idx.msk [tilespmem:v3+s0+$0x0], $0xffff  }
0xdf: {  	[tilespmem:s10+$0x70] =	vst v2;
	v2 =	vmul.f32 v16, v11;
	v16 =	vld [tilespmem:s11+$0xFFFFFF10]  }
0xe0: {  	v6 =	vld.idx.msk [tilespmem:v6+s0+$0x0], $0xffff;
	[tilespmem:s10+$0xC0] =	vst v5;
	v5 =	vmul.f32 v9, v10  }
0xe1: {  	v12 =	vld [tilespmem:s11+$0xF0];
	[tilespmem:s10+$0x90] =	vst v2;
	v2 =	vmul.f32 v18, v11  }
0xe2: {  	[tilespmem:s10+$0xE0] =	vst v5;
	v11 =	vld [tilespmem:s11+$0xFFFFFF30];
	v5 =	vmul.f32 v15, v14  }
0xe3: {  	v8 =	vld.idx.msk [tilespmem:v8+s0+$0x0], $0xffff;
	[tilespmem:s10+$0xB0] =	vst v2;
	v2 =	vmul.f32 v7, v10  }
0xe4: {  	v7 =	vld [tilespmem:s11+$0xFFFFFF50];
	v15 =	vmul.f32 v16, v14;
	[tilespmem:s11+$0xFFFFFF00] =	vst v5  }
0xe5: {  	v9 =	vld [tilespmem:s11+$0xFFFFFF60];
	v5 =	vmul.f32 v17, v14;
	[tilespmem:s10+$0xD0] =	vst v2  }
0xe6: {  	v10 =	vld [tilespmem:s11+$0xFFFFFF70];
	v2 =	vmul.f32 v12, v21;
	[tilespmem:s11+$0xFFFFFF10] =	vst v15  }
0xe7: {  	v12 =	vld [tilespmem:s11+$0xFFFFFF80];
	v11 =	vmul.f32 v11, v14;
	[tilespmem:s11+$0xFFFFFF20] =	vst v5  }
0xe8: {  	v5 =	vmul.f32 v13, v4;
	[tilespmem:s11+$0xF0] =	vst v2;
	v2 =	vld [tilespmem:s11+$0xFFFFFF90]  }
0xe9: {  	v16 =	vld [tilespmem:s11+$0xFFFFFFA0];
	[tilespmem:s11+$0xFFFFFF30] =	vst v11;
	v7 =	vmul.f32 v7, v4  }
0xea: {  	v14 =	vld [tilespmem:s11+$0xFFFFFFB0];
	[tilespmem:s11+$0xFFFFFF40] =	vst v5;
	v5 =	vmul.f32 v9, v4  }
0xeb: {  	v13 =	vld [tilespmem:s11+$0xFFFFFFC0];
	v4 =	vmul.f32 v10, v4;
	[tilespmem:s11+$0xFFFFFF50] =	vst v7  }
0xec: {  	v11 =	vld [tilespmem:s11+$0xFFFFFFD0];
	[tilespmem:s11+$0xFFFFFF60] =	vst v5;
	v5 =	vmul.f32 v12, v19  }
0xed: {  	v9 =	vld [tilespmem:s11+$0xFFFFFFE0];
	[tilespmem:s11+$0xFFFFFF70] =	vst v4;
	v2 =	vmul.f32 v2, v19  }
0xee: {  	v7 =	vld [tilespmem:s11+$0xFFFFFFF0];
	[tilespmem:s11+$0xFFFFFF80] =	vst v5;
	v5 =	vmul.f32 v16, v19  }
0xef: {  	v10 =	vld [tilespmem:s11+$0x0];
	[tilespmem:s11+$0xFFFFFF90] =	vst v2;
	v2 =	vmul.f32 v14, v19  }
0xf0: {  	v4 =	vld [tilespmem:s11+$0x10];
	[tilespmem:s11+$0xFFFFFFA0] =	vst v5;
	v5 =	vmul.f32 v13, v3  }
0xf1: {  	v12 =	vld [tilespmem:s11+$0x20];
	[tilespmem:s11+$0xFFFFFFB0] =	vst v2;
	v2 =	vmul.f32 v11, v3  }
0xf2: {  	v14 =	vld [tilespmem:s11+$0x30];
	[tilespmem:s11+$0xFFFFFFC0] =	vst v5;
	v5 =	vmul.f32 v9, v3  }
0xf3: {  	v13 =	vld [tilespmem:s11+$0x40];
	[tilespmem:s11+$0xFFFFFFD0] =	vst v2;
	v2 =	vmul.f32 v7, v3  }
0xf4: {  	v11 =	vld [tilespmem:s11+$0x50];
	[tilespmem:s11+$0xFFFFFFE0] =	vst v5;
	v5 =	vmul.f32 v10, v6  }
0xf5: {  	v9 =	vld [tilespmem:s11+$0x60];
	[tilespmem:s11+$0xFFFFFFF0] =	vst v2;
	v2 =	vmul.f32 v4, v6  }
0xf6: {  	v4 =	vld [tilespmem:s11+$0x90];
	[tilespmem:s11+$0x0] =	vst v5;
	v5 =	vmul.f32 v12, v6  }
0xf7: {  	v3 =	vld [tilespmem:s11+$0x70];
	[tilespmem:s11+$0x10] =	vst v2;
	v2 =	vmul.f32 v14, v6  }
0xf8: {  	v7 =	vld [tilespmem:s11+$0x80];
	[tilespmem:s11+$0x20] =	vst v5;
	v5 =	vmul.f32 v13, v8  }
0xf9: {  	v10 =	vld [tilespmem:s11+$0xA0];
	[tilespmem:s11+$0x30] =	vst v2;
	v2 =	vmul.f32 v11, v8  }
0xfa: {  	v12 =	vld [tilespmem:s11+$0xC0];
	[tilespmem:s11+$0x40] =	vst v5;
	v5 =	vmul.f32 v9, v8  }
0xfb: {  	v6 =	vld [tilespmem:s11+$0xB0];
	v4 =	vmul.f32 v4, v20;
	[tilespmem:s11+$0x50] =	vst v2  }
0xfc: {  	s19 =	simm.s32 $0x2;
	v11 =	vld [tilespmem:s11+$0xD0];
	v2 =	vmul.f32 v3, v8;
	[tilespmem:s11+$0x60] =	vst v5  }
0xfd: {  	v15 =	vmov s19;
	v9 =	vld [tilespmem:s11+$0xE0];
	v3 =	vmul.f32 v7, v20;
	[tilespmem:s11+$0x90] =	vst v4  }
0xfe: {  	v15 =	vshrl.u32 v15, $0x3;
	v5 =	vmul.f32 v10, v20;
	[tilespmem:s11+$0x70] =	vst v2  }
0xff: {  	s20 =	simm.s32 $0x1;
	s10 =	simm.s32 $0x0;
	v15 =	vshll.u32 v15, v1;
	v10 =	vmul.f32 v12, v21;
	[tilespmem:s11+$0x80] =	vst v3  }
0x100: {  	v13 =	vmov s10;
	v14 =	vmov s20;
	s10 =	simm.s32 $0x4;
	v8 =	vmul.f32 v6, v20;
	[tilespmem:s11+$0xA0] =	vst v5  }
0x101: {  	v16 =	vmov s10;
	v14 =	vshrl.u32 v14, $0x3;
	[tilespmem:s11+$0xC0] =	vst v10;
	v11 =	vmul.f32 v11, v21  }
0x102: {  	s9 =	sshll.u32 s9, $0x7;
	s19 =	sshll.u32 s6, $0xA;
	s20 =	simm.s32 $0x3;
	v16 =	vshrl.u32 v16, $0x3;
	v14 =	vshll.u32 v14, v1;
	v12 =	vmul.f32 v9, v21;
	[tilespmem:s11+$0xB0] =	vst v8  }
0x103: {  	s10 =	sshrl.u32 s19, $0x2;
	v16 =	vshll.u32 v16, v1;
	v2 =	vmov s9;
	v10 =	vmov s20;
	[tilespmem:s11+$0xD0] =	vst v11  }
0x104: {  	s10 =	sadd.s32 $0x2C00, s10;
	v3 =	vor.u32 $0x1, v2;
	v4 =	vor.u32 $0x2, v2;
	v11 =	vshrl.u32 v13, $0x3;
	[tilespmem:s11+$0xE0] =	vst v12  }
0x105: {  	v5 =	vor.u32 $0x3, v2;
	v6 =	vor.u32 $0x4, v2;
	v11 =	vshll.u32 v11, v1;
	[spmem:s3] =	stream.indirect.scatter.add.f32 [tilespmem:s12], [sflag:$0x3], $0x40, s10, s31, $0xb8;
	[tilespmem:$0x1FC80] =	vst v63  }
0x106: {  	v7 =	vor.u32 $0x5, v2;
	v9 =	vor.u32 $0x6, v2;
	_ =	swait.ge [sflag:s15], $0x2000;
	v11 =	vadd.s32 v2, v11  }
0x107: {  	v10 =	vshrl.u32 v10, $0x3;
	v14 =	vadd.s32 v14, v3;
	[sflag:s15] =	ssyncset.done $0x0;
	v11 =	vbroadcast v11, $0x0  }
0x108: {  	p2 =	seq.s32 s6, $0x23;
	s20 =	simm.s32 $0x5;
	v10 =	vshll.u32 v10, v1;
	v15 =	vadd.s32 v15, v4;
	v14 =	vbroadcast v14, $0x0;
	[sflag:s15] =	ssyncadd.s32 $0xFFFFE000  }
0x109: {  	v13 =	vmov s20;
	s20 =	simm.s32 $0x6;
	v10 =	vadd.s32 v10, v5;
	v15 =	vbroadcast v15, $0x0;
	s11 =	simm.s32 $0x7;
	_ =	swait.ge [sflag:s16], $0x2000  }
0x10a: {  	v16 =	vadd.s32 v16, v6;
	s10 =	sshrl.u32 @!p2 s19, $0x2;
	v10 =	vbroadcast v10, $0x0;
	v17 =	vmov s11;
	s11 =	simm.s32 @!p2 $0x8400;
	[sflag:s16] =	ssyncset.done $0x0  }
0x10b: {  	v16 =	vbroadcast v16, $0x0;
	v12 =	vmov s20;
	v13 =	vshrl.u32 v13, $0x3;
	s9 =	sadd.s32 @!p2 $0x100, s10;
	s10 =	simm.s32 @!p2 $0x80;
	[sflag:s16] =	ssyncadd.s32 $0xFFFFE000  }
0x10c: {  	v8 =	vor.u32 $0x7, v2;
	v12 =	vshrl.u32 v12, $0x3;
	v13 =	vshll.u32 v13, v1;
	[tilespmem:s11], [sflag:$0x1] =	stream.indirect.gather @!p2 [spmem:s1], $0x40, s9, s10, $0xb8;
	[tilespmem:$0x1FC80] =	vst v63  }
0x10d: {  	v17 =	vshrl.u32 v17, $0x3;
	v12 =	vshll.u32 v12, v1;
	v13 =	vadd.s32 v13, v7;
	v18 =	vld.idx.msk [tilespmem:v11+s0+$0x0], $0xffff  }
0x10e: {  	v17 =	vshll.u32 v17, v1;
	v12 =	vadd.s32 v12, v9;
	v13 =	vbroadcast v13, $0x0;
	v14 =	vld.idx.msk [tilespmem:v14+s0+$0x0], $0xffff  }
0x10f: {  	v11 =	vbroadcast v12, $0x0;
	v12 =	vadd.s32 v17, v8;
	v15 =	vld.idx.msk [tilespmem:v15+s0+$0x0], $0xffff  }
0x110: {  	v19 =	vld.idx.msk [tilespmem:v10+s0+$0x0], $0xffff;
	v17 =	vbroadcast v12, $0x0  }
0x111: {  	s9 =	simm.s32 $0xA500;
	v16 =	vld.idx.msk [tilespmem:v16+s0+$0x0], $0xffff  }
0x112: {  	v20 =	vld [tilespmem:s9+$0xFFFFFF10]  }
0x113: {  	v21 =	vld [tilespmem:s9+$0xFFFFFF20]  }
0x114: {  	v12 =	vld.idx.msk [tilespmem:v13+s0+$0x0], $0xffff  }
0x115: {  	v13 =	vld [tilespmem:s9+$0xF0]  }
0x116: {  	v10 =	vld.idx.msk [tilespmem:v17+s0+$0x0], $0xffff  }
0x117: {  	v17 =	vld [tilespmem:s9+$0xFFFFFF00]  }
0x118: {  	v22 =	vld [tilespmem:s9+$0xFFFFFF30]  }
0x119: {  	v23 =	vld [tilespmem:s9+$0xFFFFFF40]  }
0x11a: {  	v24 =	vld [tilespmem:s9+$0xFFFFFF50]  }
0x11b: {  	v25 =	vld [tilespmem:s9+$0xFFFFFF60];
	v13 =	vmul.f32 v13, v10  }
0x11c: {  	v63 =	vld [tilespmem:s9+$0x50];
	v17 =	vmul.f32 v17, v18  }
0x11d: {  	v20 =	vmul.f32 v20, v18;
	v11 =	vld.idx.msk [tilespmem:v11+s0+$0x0], $0xffff;
	[tilespmem:s9+$0xF0] =	vst v13  }
0x11e: {  	[tilespmem:s9+$0xFFFFFF00] =	vst v17;
	v13 =	vmul.f32 v21, v18;
	v17 =	vld [tilespmem:s9+$0xFFFFFF70]  }
0x11f: {  	[tilespmem:s9+$0xFFFFFF10] =	vst v20;
	v20 =	vld [tilespmem:s9+$0xFFFFFF80];
	v18 =	vmul.f32 v22, v18  }
0x120: {  	v21 =	vld [tilespmem:s9+$0xFFFFFF90];
	[tilespmem:s9+$0xFFFFFF20] =	vst v13;
	v13 =	vmul.f32 v23, v14  }
0x121: {  	v22 =	vld [tilespmem:s9+$0xFFFFFFA0];
	[tilespmem:s9+$0xFFFFFF30] =	vst v18;
	v18 =	vmul.f32 v24, v14  }
0x122: {  	s20 =	simm.s32 $0x8;
	v23 =	vld [tilespmem:s9+$0xFFFFFFB0];
	[tilespmem:s9+$0xFFFFFF40] =	vst v13;
	v13 =	vmul.f32 v25, v14  }
0x123: {  	v24 =	vmov s20;
	s20 =	simm.s32 $0xB;
	[tilespmem:s9+$0xFFFFFF50] =	vst v18;
	v14 =	vmul.f32 v17, v14;
	v17 =	vld [tilespmem:s9+$0xFFFFFFC0]  }
0x124: {  	s19 =	simm.s32 $0xA;
	s11 =	simm.s32 $0x9;
	v26 =	vmov s20;
	v18 =	vshrl.u32 v24, $0x3;
	[tilespmem:s9+$0xFFFFFF60] =	vst v13;
	v13 =	vmul.f32 v20, v15;
	v20 =	vld [tilespmem:s9+$0xFFFFFFD0]  }
0x125: {  	s20 =	simm.s32 $0xE;
	v24 =	vmov s11;
	v25 =	vmov s19;
	s11 =	simm.s32 $0xC;
	[tilespmem:s9+$0xFFFFFF70] =	vst v14;
	v14 =	vmul.f32 v21, v15;
	v21 =	vld [tilespmem:s9+$0xFFFFFFE0]  }
0x126: {  	s19 =	simm.s32 $0xD;
	v29 =	vmov s20;
	v27 =	vmov s11;
	[tilespmem:s9+$0xFFFFFF80] =	vst v13;
	v13 =	vmul.f32 v22, v15;
	v22 =	vld [tilespmem:s9+$0xFFFFFFF0]  }
0x127: {  	v28 =	vmov s19;
	v18 =	vshll.u32 v18, v1;
	[tilespmem:s9+$0xFFFFFF90] =	vst v14;
	v14 =	vmul.f32 v23, v15;
	v15 =	vld [tilespmem:s9+$0x0]  }
0x128: {  	v62 =	vshrl.u32 v29, $0x3;
	v18 =	vadd.s32 v2, v18;
	[tilespmem:s9+$0xFFFFFFA0] =	vst v13;
	v13 =	vmul.f32 v17, v19;
	v17 =	vld [tilespmem:s9+$0x10]  }
0x129: {  	v23 =	vshrl.u32 v24, $0x3;
	v24 =	vshrl.u32 v25, $0x3;
	[tilespmem:s9+$0xFFFFFFB0] =	vst v14;
	v14 =	vmul.f32 v20, v19;
	v20 =	vld [tilespmem:s9+$0x20]  }
0x12a: {  	v25 =	vshrl.u32 v26, $0x3;
	v26 =	vshrl.u32 v27, $0x3;
	[tilespmem:s9+$0xFFFFFFC0] =	vst v13;
	v13 =	vmul.f32 v21, v19;
	v21 =	vld [tilespmem:s9+$0x30]  }
0x12b: {  	v27 =	vshrl.u32 v28, $0x3;
	v28 =	vshll.u32 v62, v1;
	[tilespmem:s9+$0xFFFFFFD0] =	vst v14;
	v14 =	vmul.f32 v22, v19;
	v19 =	vld [tilespmem:s9+$0x40]  }
0x12c: {  	v23 =	vshll.u32 v23, v1;
	v26 =	vshll.u32 v26, v1;
	[tilespmem:s9+$0xFFFFFFE0] =	vst v13;
	v13 =	vmul.f32 v15, v16  }
0x12d: {  	v30 =	vld [tilespmem:s9+$0x60];
	v27 =	vshll.u32 v27, v1;
	v22 =	vshll.u32 v24, v1;
	[tilespmem:s9+$0xFFFFFFF0] =	vst v14;
	v17 =	vmul.f32 v17, v16  }
0x12e: {  	v24 =	vshll.u32 v25, v1;
	v15 =	vld [tilespmem:s9+$0x70];
	v14 =	vbroadcast v18, $0x0;
	[tilespmem:s9+$0x0] =	vst v13;
	v18 =	vmul.f32 v20, v16  }
0x12f: {  	v22 =	vadd.s32 v22, v4;
	v25 =	vadd.s32 v24, v5;
	v13 =	vld [tilespmem:s9+$0x80];
	[tilespmem:s9+$0x10] =	vst v17;
	v17 =	vmul.f32 v21, v16  }
0x130: {  	v24 =	vmul.f32 v63, v12;
	v20 =	vadd.s32 v23, v3;
	v16 =	vld [tilespmem:s9+$0x90];
	[tilespmem:s9+$0x20] =	vst v18;
	v19 =	vmul.f32 v19, v12  }
0x131: {  	v23 =	vadd.s32 v27, v7;
	v21 =	vadd.s32 v26, v6;
	v18 =	vbroadcast v20, $0x0;
	[tilespmem:s9+$0x30] =	vst v17;
	v17 =	vld [tilespmem:s9+$0xA0]  }
0x132: {  	s10 =	simm.s32 $0x10;
	s11 =	simm.s32 $0xF;
	v26 =	vmul.f32 v30, v12;
	v20 =	vbroadcast v22, $0x0;
	v22 =	vadd.s32 v28, v9;
	[tilespmem:s9+$0x40] =	vst v19;
	v19 =	vld [tilespmem:s9+$0xB0]  }
.LBB2_14:
0x133: {  	p2 =	slt.u32 s10, $0x78;
	v25 =	vbroadcast v25, $0x0;
	v27 =	vmov s11;
	[tilespmem:s9+$0x50] =	vst v24;
	v12 =	vmul.f32 v15, v12;
	v15 =	vld [tilespmem:s9+$0xC0]  }
0x134: {  	v21 =	vbroadcast v21, $0x0;
	v24 =	vshrl.u32 v27, $0x3;
	[tilespmem:s9+$0x60] =	vst v26;
	v13 =	vmul.f32 v13, v11;
	v26 =	vld [tilespmem:s9+$0xD0]  }
0x135: {  	v23 =	vbroadcast v23, $0x0;
	v24 =	vshll.u32 v24, v1;
	[tilespmem:s9+$0x70] =	vst v12;
	v12 =	vmul.f32 v16, v11;
	v16 =	vld [tilespmem:s9+$0xE0]  }
0x136: {  	v22 =	vbroadcast v22, $0x0;
	v14 =	vld.idx.msk [tilespmem:v14+s0+$0x0], $0xffff;
	v24 =	vadd.s32 v24, v8;
	[tilespmem:s9+$0x80] =	vst v13;
	v13 =	vmul.f32 v17, v11  }
0x137: {  	v17 =	vld.idx.msk [tilespmem:v18+s0+$0x0], $0xffff;
	v18 =	vbroadcast v24, $0x0;
	[tilespmem:s9+$0x90] =	vst v12;
	v11 =	vmul.f32 v19, v11  }
0x138: {  	v19 =	vld.idx.msk [tilespmem:v20+s0+$0x0], $0xffff;
	[tilespmem:s9+$0xA0] =	vst v13;
	v12 =	vmul.f32 v15, v10  }
0x139: {  	v15 =	vld.idx.msk [tilespmem:v25+s0+$0x0], $0xffff;
	[tilespmem:s9+$0xB0] =	vst v11;
	v11 =	vmul.f32 v26, v10  }
0x13a: {  	v13 =	vld.idx.msk [tilespmem:v21+s0+$0x0], $0xffff;
	[tilespmem:s9+$0xC0] =	vst v12;
	v10 =	vmul.f32 v16, v10  }
0x13b: {  	v12 =	vld.idx.msk [tilespmem:v23+s0+$0x0], $0xffff;
	[tilespmem:s9+$0xD0] =	vst v11  }
0x13c: {  	v11 =	vld.idx.msk [tilespmem:v22+s0+$0x0], $0xffff;
	[tilespmem:s9+$0xE0] =	vst v10  }
0x13d: {  	s9 =	sadd.s32 $0x200, s9;
	v10 =	vld.idx.msk [tilespmem:v18+s0+$0x0], $0xffff  }
0x13e: {  	v16 =	vld [tilespmem:s9+$0xF0]  }
0x13f: {  	v18 =	vld [tilespmem:s9+$0xFFFFFF00]  }
0x140: {  	v20 =	vld [tilespmem:s9+$0xFFFFFF10]  }
0x141: {  	v21 =	vld [tilespmem:s9+$0xFFFFFF20]  }
0x142: {  	v22 =	vld [tilespmem:s9+$0xFFFFFF30]  }
0x143: {  	v23 =	vld [tilespmem:s9+$0xFFFFFF40];
	v16 =	vmul.f32 v16, v10  }
0x144: {  	v18 =	vmul.f32 v18, v14;
	v24 =	vld [tilespmem:s9+$0xFFFFFF50]  }
0x145: {  	v20 =	vmul.f32 v20, v14;
	v25 =	vld [tilespmem:s9+$0xFFFFFF60];
	[tilespmem:s9+$0xF0] =	vst v16  }
0x146: {  	[tilespmem:s9+$0xFFFFFF00] =	vst v18;
	v16 =	vmul.f32 v21, v14;
	v18 =	vld [tilespmem:s9+$0xFFFFFF70]  }
0x147: {  	[tilespmem:s9+$0xFFFFFF10] =	vst v20;
	v14 =	vmul.f32 v22, v14;
	v20 =	vld [tilespmem:s9+$0xFFFFFF80]  }
0x148: {  	[tilespmem:s9+$0xFFFFFF20] =	vst v16;
	v16 =	vmul.f32 v23, v17;
	v21 =	vld [tilespmem:s9+$0xFFFFFF90]  }
0x149: {  	[tilespmem:s9+$0xFFFFFF30] =	vst v14;
	v14 =	vmul.f32 v24, v17;
	v22 =	vld [tilespmem:s9+$0xFFFFFFA0]  }
0x14a: {  	[tilespmem:s9+$0xFFFFFF40] =	vst v16;
	v16 =	vmul.f32 v25, v17;
	v23 =	vld [tilespmem:s9+$0xFFFFFFB0]  }
0x14b: {  	s11 =	sadd.s32 $0x1, s10;
	v24 =	vmov s10;
	[tilespmem:s9+$0xFFFFFF50] =	vst v14;
	v14 =	vmul.f32 v18, v17;
	v17 =	vld [tilespmem:s9+$0xFFFFFFC0]  }
0x14c: {  	s19 =	sadd.s32 $0x3, s10;
	v18 =	vshrl.u32 v24, $0x3;
	v24 =	vmov s11;
	s11 =	sadd.s32 $0x2, s10;
	[tilespmem:s9+$0xFFFFFF60] =	vst v16;
	v16 =	vmul.f32 v20, v19;
	v20 =	vld [tilespmem:s9+$0xFFFFFFD0]  }
0x14d: {  	v26 =	vmov s19;
	s19 =	sadd.s32 $0x5, s10;
	v25 =	vmov s11;
	s11 =	sadd.s32 $0x4, s10;
	[tilespmem:s9+$0xFFFFFF70] =	vst v14;
	v14 =	vmul.f32 v21, v19;
	v21 =	vld [tilespmem:s9+$0xFFFFFFE0]  }
0x14e: {  	v28 =	vmov s19;
	v27 =	vmov s11;
	s11 =	sadd.s32 $0x6, s10;
	[tilespmem:s9+$0xFFFFFF80] =	vst v16;
	v16 =	vmul.f32 v22, v19;
	v22 =	vld [tilespmem:s9+$0xFFFFFFF0]  }
0x14f: {  	v18 =	vshll.u32 v18, v1;
	v29 =	vmov s11;
	[tilespmem:s9+$0xFFFFFF90] =	vst v14;
	v14 =	vmul.f32 v23, v19;
	v19 =	vld [tilespmem:s9+$0x0]  }
0x150: {  	v23 =	vshrl.u32 v24, $0x3;
	v24 =	vshrl.u32 v25, $0x3;
	[tilespmem:s9+$0xFFFFFFA0] =	vst v16;
	v16 =	vmul.f32 v17, v15;
	v17 =	vld [tilespmem:s9+$0x10]  }
0x151: {  	v25 =	vshrl.u32 v26, $0x3;
	v26 =	vshrl.u32 v27, $0x3;
	[tilespmem:s9+$0xFFFFFFB0] =	vst v14;
	v14 =	vmul.f32 v20, v15;
	v20 =	vld [tilespmem:s9+$0x20]  }
0x152: {  	v27 =	vshrl.u32 v28, $0x3;
	v28 =	vshrl.u32 v29, $0x3;
	[tilespmem:s9+$0xFFFFFFC0] =	vst v16;
	v16 =	vmul.f32 v21, v15;
	v21 =	vld [tilespmem:s9+$0x30]  }
0x153: {  	v18 =	vadd.s32 v2, v18;
	v23 =	vshll.u32 v23, v1;
	[tilespmem:s9+$0xFFFFFFD0] =	vst v14;
	v14 =	vmul.f32 v22, v15;
	v22 =	vld [tilespmem:s9+$0x40]  }
0x154: {  	v24 =	vshll.u32 v24, v1;
	v25 =	vshll.u32 v25, v1;
	[tilespmem:s9+$0xFFFFFFE0] =	vst v16;
	v15 =	vmul.f32 v19, v13;
	v19 =	vld [tilespmem:s9+$0x50]  }
0x155: {  	v16 =	vshll.u32 v26, v1;
	v26 =	vshll.u32 v27, v1;
	[tilespmem:s9+$0xFFFFFFF0] =	vst v14;
	v17 =	vmul.f32 v17, v13;
	v27 =	vld [tilespmem:s9+$0x60]  }
.Ltmp5:
0x156: {  	v28 =	vshll.u32 v28, v1;
	v14 =	vbroadcast v18, $0x0;
	[tilespmem:s9+$0x0] =	vst v15;
	v18 =	vmul.f32 v20, v13;
	v15 =	vld [tilespmem:s9+$0x70];
	(pc) =	sbr.rel @p2 .LBB2_14-.Ltmp5, $4  }
0x157: {  	v29 =	vadd.s32 v24, v4;
	v20 =	vadd.s32 v23, v3;
	[tilespmem:s9+$0x10] =	vst v17;
	v17 =	vmul.f32 v21, v13;
	v13 =	vld [tilespmem:s9+$0x80]  }
0x158: {  	v25 =	vadd.s32 v25, v5;
	v21 =	vadd.s32 v16, v6;
	[tilespmem:s9+$0x20] =	vst v18;
	v30 =	vmul.f32 v22, v12;
	v16 =	vld [tilespmem:s9+$0x90]  }
0x159: {  	v23 =	vadd.s32 v26, v7;
	v18 =	vbroadcast v20, $0x0;
	[tilespmem:s9+$0x30] =	vst v17;
	v24 =	vmul.f32 v19, v12;
	v17 =	vld [tilespmem:s9+$0xA0]  }
0x15a: {  	s11 =	sadd.s32 $0x7, s10;
	s10 =	sadd.s32 $0x8, s10;
	v20 =	vbroadcast v29, $0x0;
	v22 =	vadd.s32 v28, v9;
	[tilespmem:s9+$0x40] =	vst v30;
	v26 =	vmul.f32 v27, v12;
	v19 =	vld [tilespmem:s9+$0xB0]  }
0x15b: {  	_ = 	snop  }
0x15c: {  	v4 =	vld [tilespmem:s9+$0xC0]  }
0x15d: {  	v6 =	vld [tilespmem:s9+$0xD0]  }
0x15e: {  	v9 =	vld [tilespmem:s9+$0xE0]  }
0x15f: {  	v50 =	vld.idx.msk [tilespmem:v14+s0+$0x0], $0xffff  }
0x160: {  	v18 =	vld.idx.msk [tilespmem:v18+s0+$0x0], $0xffff  }
0x161: {  	s10 =	sadd.s32 $0x200, s9;
	v20 =	vld.idx.msk [tilespmem:v20+s0+$0x0], $0xffff  }
0x162: {  	v54 =	vld [tilespmem:s10+$0xF0]  }
0x163: {  	v56 =	vld [tilespmem:s10+$0xFFFFFF00]  }
0x164: {  	v57 =	vld [tilespmem:s10+$0xFFFFFF10]  }
0x165: {  	[tilespmem:s9+$0x50] =	vst v24;
	v12 =	vmul.f32 v15, v12;
	v58 =	vld [tilespmem:s10+$0xFFFFFF20]  }
0x166: {  	[tilespmem:s9+$0x60] =	vst v26;
	v13 =	vmul.f32 v13, v11;
	v60 =	vld [tilespmem:s10+$0xFFFFFF30]  }
0x167: {  	v61 =	vld [tilespmem:s10+$0xFFFFFF40];
	[tilespmem:s9+$0x70] =	vst v12;
	v52 =	vmul.f32 v16, v11  }
0x168: {  	v5 =	vbroadcast v21, $0x0;
	v21 =	vld [tilespmem:s10+$0xFFFFFF60];
	[tilespmem:s9+$0x80] =	vst v13;
	v53 =	vmul.f32 v17, v11  }
0x169: {  	v7 =	vbroadcast v23, $0x0;
	v23 =	vld [tilespmem:s10+$0xFFFFFF70];
	[tilespmem:s9+$0x90] =	vst v52;
	v55 =	vmul.f32 v19, v11  }
0x16a: {  	v24 =	vld [tilespmem:s10+$0xFFFFFF80];
	[tilespmem:s9+$0xA0] =	vst v53;
	v4 =	vmul.f32 v4, v10  }
0x16b: {  	v26 =	vld [tilespmem:s10+$0xFFFFFF90];
	v6 =	vmul.f32 v6, v10;
	[tilespmem:s9+$0xB0] =	vst v55  }
0x16c: {  	v28 =	vld [tilespmem:s10+$0xFFFFFFA0];
	v59 =	vmul.f32 v9, v10;
	[tilespmem:s9+$0xC0] =	vst v4  }
0x16d: {  	v3 =	vmov s11;
	v30 =	vld [tilespmem:s10+$0xFFFFFFB0];
	v63 =	vmul.f32 v56, v50;
	[tilespmem:s9+$0xD0] =	vst v6  }
0x16e: {  	v2 =	vbroadcast v25, $0x0;
	v3 =	vshrl.u32 v3, $0x3;
	v32 =	vld [tilespmem:s10+$0xFFFFFFC0];
	v13 =	vmul.f32 v57, v50;
	[tilespmem:s9+$0xE0] =	vst v59  }
0x16f: {  	v51 =	vbroadcast v22, $0x0;
	v34 =	vld [tilespmem:s10+$0xFFFFFFD0];
	v3 =	vshll.u32 v3, v1;
	v22 =	vmul.f32 v58, v50;
	[tilespmem:s10+$0xFFFFFF00] =	vst v63  }
0x170: {  	v35 =	vld [tilespmem:s10+$0xFFFFFFE0];
	v3 =	vadd.s32 v3, v8;
	v8 =	vmul.f32 v60, v50;
	[tilespmem:s10+$0xFFFFFF10] =	vst v13  }
0x171: {  	v37 =	vld [tilespmem:s10+$0xFFFFFFF0];
	v25 =	vmul.f32 v61, v18;
	[tilespmem:s10+$0xFFFFFF20] =	vst v22  }
0x172: {  	v39 =	vld [tilespmem:s10+$0x0];
	v29 =	vmul.f32 v21, v18;
	[tilespmem:s10+$0xFFFFFF30] =	vst v8  }
0x173: {  	v19 =	vld [tilespmem:s10+$0xFFFFFF50];
	v31 =	vmul.f32 v23, v18;
	[tilespmem:s10+$0xFFFFFF40] =	vst v25  }
0x174: {  	v2 =	vld.idx.msk [tilespmem:v2+s0+$0x0], $0xffff;
	v33 =	vmul.f32 v24, v20;
	[tilespmem:s10+$0xFFFFFF60] =	vst v29  }
0x175: {  	v41 =	vld [tilespmem:s10+$0x10];
	v36 =	vmul.f32 v28, v20;
	[tilespmem:s10+$0xFFFFFF70] =	vst v31  }
0x176: {  	v43 =	vld [tilespmem:s10+$0x20];
	v38 =	vmul.f32 v30, v20;
	[tilespmem:s10+$0xFFFFFF80] =	vst v33  }
0x177: {  	v45 =	vld [tilespmem:s10+$0x30];
	v3 =	vbroadcast v3, $0x0;
	v6 =	vmul.f32 v26, v20;
	[tilespmem:s10+$0xFFFFFFA0] =	vst v36  }
0x178: {  	v5 =	vld.idx.msk [tilespmem:v5+s0+$0x0], $0xffff;
	[tilespmem:s10+$0xFFFFFFB0] =	vst v38;
	v27 =	vmul.f32 v19, v18  }
0x179: {  	v46 =	vld [tilespmem:s10+$0x40];
	[tilespmem:s10+$0xFFFFFF90] =	vst v6;
	v40 =	vmul.f32 v32, v2  }
0x17a: {  	v48 =	vld [tilespmem:s10+$0x50];
	[tilespmem:s10+$0xFFFFFF50] =	vst v27;
	v42 =	vmul.f32 v34, v2  }
0x17b: {  	v7 =	vld.idx.msk [tilespmem:v7+s0+$0x0], $0xffff;
	v44 =	vmul.f32 v35, v2;
	[tilespmem:s10+$0xFFFFFFC0] =	vst v40  }
0x17c: {  	v49 =	vld [tilespmem:s10+$0x60];
	v2 =	vmul.f32 v37, v2;
	[tilespmem:s10+$0xFFFFFFD0] =	vst v42  }
0x17d: {  	v3 =	vld.idx.msk [tilespmem:v3+s0+$0x0], $0xffff;
	v47 =	vmul.f32 v39, v5;
	[tilespmem:s10+$0xFFFFFFE0] =	vst v44  }
0x17e: {  	v52 =	vld [tilespmem:s10+$0x80];
	v50 =	vmul.f32 v43, v5;
	[tilespmem:s10+$0xFFFFFFF0] =	vst v2  }
0x17f: {  	v14 =	vld.idx.msk [tilespmem:v51+s0+$0x0], $0xffff;
	v2 =	vmul.f32 v41, v5;
	[tilespmem:s10+$0x0] =	vst v47  }
0x180: {  	v51 =	vld [tilespmem:s10+$0x70];
	v53 =	vmul.f32 v46, v7;
	[tilespmem:s10+$0x20] =	vst v50  }
0x181: {  	[tilespmem:s10+$0x10] =	vst v2;
	v2 =	vmul.f32 v45, v5  }
0x182: {  	v56 =	vmul.f32 v49, v7;
	[tilespmem:s10+$0x40] =	vst v53;
	v62 =	vmul.f32 v54, v3;
	v54 =	vld [tilespmem:s10+$0x90]  }
0x183: {  	v58 =	vld [tilespmem:s10+$0xC0];
	[tilespmem:s10+$0x30] =	vst v2;
	v2 =	vmul.f32 v48, v7  }
0x184: {  	v57 =	vld [tilespmem:s10+$0xB0];
	v59 =	vmul.f32 v52, v14;
	[tilespmem:s10+$0x60] =	vst v56  }
0x185: {  	v55 =	vld [tilespmem:s10+$0xA0];
	[tilespmem:s10+$0x50] =	vst v2;
	v2 =	vmul.f32 v51, v7  }
0x186: {  	v60 =	vld [tilespmem:s10+$0xD0];
	[tilespmem:s10+$0x80] =	vst v59  }
0x187: {  	v61 =	vld [tilespmem:s10+$0xE0];
	[tilespmem:s10+$0x70] =	vst v2;
	v2 =	vmul.f32 v54, v14  }
0x188: {  	v63 =	vmul.f32 v58, v3;
	[tilespmem:s10+$0xF0] =	vst v62  }
0x189: {  	s6 =	sadd.s32 $0x1, s6;
	[tilespmem:s10+$0x90] =	vst v2;
	v2 =	vmul.f32 v57, v14  }
0x18a: {  	p2 =	sne.s32 s6, $0x24;
	v62 =	vmul.f32 v55, v14;
	[tilespmem:s10+$0xC0] =	vst v63  }
.Ltmp6:
0x18b: {  	[tilespmem:s10+$0xB0] =	vst v2;
	v2 =	vmul.f32 v60, v3;
	(pc) =	sbr.rel @p2 .LBB2_11-.Ltmp6, $4  }
.Ltmp7:
0x18c: {  	[tilespmem:s10+$0xA0] =	vst v62;
	v3 =	vmul.f32 v61, v3;
	(pc) =	sbr.rel @!p2 .LBB2_16-.Ltmp7, $4  }
0x18d: {  	[tilespmem:s10+$0xD0] =	vst v2  }
0x18e: {  	s8 =	sadd.s32 $0x2C00, s8;
	[tilespmem:s10+$0xE0] =	vst v3  }
0x18f: {  	[spmem:s3] =	stream.indirect.scatter.add.f32 [tilespmem:s14], [sflag:$0x4], $0x40, s8, s31, $0xb8;
	[tilespmem:$0x1FC80] =	vst v63  }
0x190: {  	_ = 	snop  }
.LBB2_4:
0x191: {  	s6 =	rddreg [dreg:$0xa]  }
0x192: {  	[tilespmem:s5], [sflag:$0x5] =	stream.linear.gather [hbm4b:s6+s5], $0x2C00, $0x38;
	[tilespmem:$0x1FC80] =	vst v63  }
0x193: {  	_ =	swait.ge [sflag:s30], $0x2C00  }
0x194: {  	[sflag:s30] =	ssyncset.done $0x0  }
0x195: {  	s8 =	simm.s32 $0x2C00;
	s19 =	rddreg [dreg:$0xb];
	[sflag:s30] =	ssyncadd.s32 $0xFFFFD400  }
0x196: {  	[tilespmem:s8], [sflag:$0x5] =	stream.linear.gather [hbm4b:s19+s5], $0x2C00, $0x38;
	[tilespmem:$0x1FC80] =	vst v63  }
0x197: {  	_ =	swait.ge [sflag:s30], $0x2C00  }
0x198: {  	[sflag:s30] =	ssyncset.done $0x0  }
0x199: {  	s20 =	rddreg [dreg:$0xc];
	[sflag:s30] =	ssyncadd.s32 $0xFFFFD400  }
0x19a: {  	[tilespmem:s0], [sflag:$0x5] =	stream.linear.gather [hbm4b:s20+s5], $0x2C00, $0x38;
	[tilespmem:$0x1FC80] =	vst v63  }
0x19b: {  	_ =	swait.ge [sflag:s30], $0x2C00  }
0x19c: {  	[sflag:s30] =	ssyncset.done $0x0  }
0x19d: {  	s6 =	simm.s32 $0x0;
	[sflag:s30] =	ssyncadd.s32 $0xFFFFD400  }
0x19e: {  	[tilespmem:s12], [sflag:$0x1] =	stream.indirect.gather [spmem:s1], $0x40, s5, s31, $0xb8;
	[tilespmem:$0x1FC80] =	vst v63  }
.LBB2_5:
0x19f: {  	s8 =	sshll.u32 s6, $0x1;
	v10 =	vmov s5;
	s11 =	simm.s32 $0x1;
	s10 =	simm.s32 $0x2  }
0x1a0: {  	s19 =	simm.s32 $0x3;
	s20 =	simm.s32 $0x4;
	s9 =	sshll.u32 s8, $0x7;
	v10 =	vshrl.u32 v10, $0x3;
	v11 =	vmov s11;
	v12 =	vmov s10  }
0x1a1: {  	s11 =	simm.s32 $0x5;
	v13 =	vmov s19;
	v14 =	vmov s20;
	s10 =	simm.s32 $0x6;
	v3 =	vmov s9  }
0x1a2: {  	v15 =	vmov s11;
	v10 =	vshll.u32 v10, v1;
	v16 =	vmov s10  }
0x1a3: {  	v11 =	vshrl.u32 v11, $0x3;
	v12 =	vshrl.u32 v12, $0x3;
	v14 =	vshrl.u32 v14, $0x3  }
0x1a4: {  	_ =	swait.ge [sflag:s13], $0x2000;
	v4 =	vor.u32 $0x1, v3;
	v5 =	vor.u32 $0x2, v3;
	v7 =	vor.u32 $0x4, v3  }
0x1a5: {  	p2 =	seq.s32 s6, $0x0;
	[sflag:s13] =	ssyncset.done $0x0;
	v8 =	vor.u32 $0x5, v3;
	v10 =	vadd.s32 v3, v10;
	v11 =	vshll.u32 v11, v1  }
0x1a6: {  	[sflag:s13] =	ssyncadd.s32 $0xFFFFE000;
	s10 =	simm.s32 @!p2 $0x4;
	v12 =	vshll.u32 v12, v1;
	v10 =	vbroadcast v10, $0x0;
	v11 =	vadd.s32 v11, v4  }
0x1a7: {  	s9 =	sor.u32 $0x1, s8;
	v14 =	vshll.u32 v14, v1;
	_ =	swait.ge @!p2 [sflag:s10], $0x2000;
	v12 =	vadd.s32 v12, v5;
	v11 =	vbroadcast v11, $0x0  }
0x1a8: {  	s11 =	simm.s32 $0x7;
	v15 =	vshrl.u32 v15, $0x3;
	s19 =	sshll.u32 s9, $0x9;
	[sflag:s10] =	ssyncset.done @!p2 $0x0;
	v14 =	vadd.s32 v14, v7;
	v12 =	vbroadcast v12, $0x0  }
0x1a9: {  	v9 =	vor.u32 $0x6, v3;
	v15 =	vshll.u32 v15, v1;
	s8 =	sshrl.u32 s19, $0x2;
	[sflag:s10] =	ssyncadd.s32 @!p2 $0xFFFFE000;
	v14 =	vbroadcast v14, $0x0;
	s10 =	simm.s32 $0x8500  }
0x1aa: {  	v16 =	vshrl.u32 v16, $0x3;
	v17 =	vmov s11;
	v15 =	vadd.s32 v15, v8;
	[tilespmem:s14], [sflag:$0x2] =	stream.indirect.gather [spmem:s1], $0x40, s8, s31, $0xb8;
	[tilespmem:$0x1FC80] =	vst v63  }
0x1ab: {  	v16 =	vshll.u32 v16, v1;
	v17 =	vshrl.u32 v17, $0x3;
	v15 =	vbroadcast v15, $0x0;
	v21 =	vld [tilespmem:s10+$0xFFFFFF20]  }
0x1ac: {  	v2 =	vor.u32 $0x7, v3;
	v16 =	vadd.s32 v16, v9;
	v17 =	vshll.u32 v17, v1;
	v18 =	vld.idx.msk [tilespmem:v10+s0+$0x0], $0xffff  }
0x1ad: {  	v10 =	vbroadcast v16, $0x0;
	v16 =	vadd.s32 v17, v2;
	v17 =	vld.idx.msk [tilespmem:v11+s0+$0x0], $0xffff  }
0x1ae: {  	v16 =	vbroadcast v16, $0x0;
	v19 =	vld.idx.msk [tilespmem:v12+s0+$0x0], $0xffff  }
0x1af: {  	v20 =	vld.idx.msk [tilespmem:v14+s0+$0x0], $0xffff  }
0x1b0: {  	v14 =	vld [tilespmem:s10+$0xF0]  }
0x1b1: {  	v13 =	vshrl.u32 v13, $0x3;
	v12 =	vld.idx.msk [tilespmem:v15+s0+$0x0], $0xffff  }
0x1b2: {  	v6 =	vor.u32 $0x3, v3;
	v13 =	vshll.u32 v13, v1;
	v15 =	vld [tilespmem:s10+$0xFFFFFF00]  }
0x1b3: {  	v13 =	vadd.s32 v13, v6;
	v11 =	vld.idx.msk [tilespmem:v10+s0+$0x0], $0xffff  }
0x1b4: {  	v13 =	vbroadcast v13, $0x0;
	v10 =	vld.idx.msk [tilespmem:v16+s0+$0x0], $0xffff  }
0x1b5: {  	v16 =	vld [tilespmem:s10+$0xFFFFFF10]  }
0x1b6: {  	v22 =	vld [tilespmem:s10+$0xFFFFFF30]  }
0x1b7: {  	v23 =	vld [tilespmem:s10+$0xFFFFFF40]  }
0x1b8: {  	v24 =	vld [tilespmem:s10+$0xFFFFFF50];
	v15 =	vmul.f32 v15, v18  }
0x1b9: {  	v25 =	vld [tilespmem:s10+$0xFFFFFF60];
	v14 =	vmul.f32 v14, v10  }
0x1ba: {  	v13 =	vld.idx.msk [tilespmem:v13+s0+$0x0], $0xffff;
	[tilespmem:s10+$0xFFFFFF00] =	vst v15;
	v16 =	vmul.f32 v16, v18  }
0x1bb: {  	v15 =	vld [tilespmem:s10+$0xFFFFFF70];
	[tilespmem:s10+$0xF0] =	vst v14;
	v14 =	vmul.f32 v21, v18  }
0x1bc: {  	[tilespmem:s10+$0xFFFFFF10] =	vst v16;
	v16 =	vmul.f32 v22, v18;
	v18 =	vld [tilespmem:s10+$0xFFFFFF80]  }
0x1bd: {  	v21 =	vld [tilespmem:s10+$0xFFFFFF90];
	[tilespmem:s10+$0xFFFFFF20] =	vst v14;
	v14 =	vmul.f32 v23, v17  }
0x1be: {  	v22 =	vld [tilespmem:s10+$0xFFFFFFA0];
	[tilespmem:s10+$0xFFFFFF30] =	vst v16;
	v16 =	vmul.f32 v24, v17  }
0x1bf: {  	s20 =	simm.s32 $0x8;
	v23 =	vld [tilespmem:s10+$0xFFFFFFB0];
	[tilespmem:s10+$0xFFFFFF40] =	vst v14;
	v14 =	vmul.f32 v25, v17  }
0x1c0: {  	s19 =	simm.s32 $0x9;
	v15 =	vmul.f32 v15, v17;
	v24 =	vmov s20;
	[tilespmem:s10+$0xFFFFFF50] =	vst v16;
	v16 =	vld [tilespmem:s10+$0xFFFFFFC0]  }
0x1c1: {  	s20 =	simm.s32 $0xA;
	v17 =	vshrl.u32 v24, $0x3;
	v24 =	vmov s19;
	s19 =	simm.s32 $0xB;
	[tilespmem:s10+$0xFFFFFF60] =	vst v14;
	v14 =	vmul.f32 v18, v19;
	v18 =	vld [tilespmem:s10+$0xFFFFFFD0]  }
0x1c2: {  	[tilespmem:s10+$0xFFFFFF70] =	vst v15;
	v25 =	vmov s20;
	s20 =	simm.s32 $0xD;
	v26 =	vmov s19;
	v15 =	vmul.f32 v21, v19;
	v21 =	vld [tilespmem:s10+$0xFFFFFFE0]  }
0x1c3: {  	s19 =	simm.s32 $0xC;
	v28 =	vmov s20;
	s20 =	simm.s32 $0xE;
	v17 =	vshll.u32 v17, v1;
	[tilespmem:s10+$0xFFFFFF80] =	vst v14;
	v14 =	vmul.f32 v22, v19;
	v22 =	vld [tilespmem:s10+$0xFFFFFFF0]  }
0x1c4: {  	v27 =	vmov s19;
	v29 =	vmov s20;
	[tilespmem:s10+$0xFFFFFF90] =	vst v15;
	v15 =	vmul.f32 v23, v19;
	v19 =	vld [tilespmem:s10+$0x0]  }
0x1c5: {  	v17 =	vadd.s32 v3, v17;
	v23 =	vshrl.u32 v24, $0x3;
	[tilespmem:s10+$0xFFFFFFA0] =	vst v14;
	v14 =	vmul.f32 v16, v13;
	v16 =	vld [tilespmem:s10+$0x10]  }
0x1c6: {  	v24 =	vshrl.u32 v25, $0x3;
	v25 =	vshrl.u32 v26, $0x3;
	[tilespmem:s10+$0xFFFFFFB0] =	vst v15;
	v15 =	vmul.f32 v18, v13;
	v18 =	vld [tilespmem:s10+$0x20]  }
0x1c7: {  	v26 =	vshrl.u32 v27, $0x3;
	v27 =	vshrl.u32 v28, $0x3;
	[tilespmem:s10+$0xFFFFFFC0] =	vst v14;
	v14 =	vmul.f32 v21, v13;
	v21 =	vld [tilespmem:s10+$0x30]  }
0x1c8: {  	v62 =	vshrl.u32 v29, $0x3;
	v23 =	vshll.u32 v23, v1;
	[tilespmem:s10+$0xFFFFFFD0] =	vst v15;
	v13 =	vmul.f32 v22, v13;
	v22 =	vld [tilespmem:s10+$0x40]  }
0x1c9: {  	v63 =	vld [tilespmem:s10+$0x50];
	v24 =	vshll.u32 v24, v1;
	v25 =	vshll.u32 v25, v1;
	v15 =	vmul.f32 v19, v20;
	[tilespmem:s10+$0xFFFFFFE0] =	vst v14  }
0x1ca: {  	v19 =	vshll.u32 v26, v1;
	v26 =	vshll.u32 v27, v1;
	v27 =	vld [tilespmem:s10+$0x60];
	[tilespmem:s10+$0xFFFFFFF0] =	vst v13;
	v13 =	vmul.f32 v16, v20  }
0x1cb: {  	v28 =	vshll.u32 v62, v1;
	v25 =	vadd.s32 v25, v6;
	[tilespmem:s10+$0x0] =	vst v15;
	v15 =	vld [tilespmem:s10+$0x70];
	v16 =	vmul.f32 v18, v20  }
0x1cc: {  	v14 =	vbroadcast v17, $0x0;
	v17 =	vadd.s32 v23, v4;
	[tilespmem:s10+$0x10] =	vst v13;
	v20 =	vmul.f32 v21, v20;
	v13 =	vld [tilespmem:s10+$0x80]  }
0x1cd: {  	v23 =	vadd.s32 v26, v8;
	v18 =	vadd.s32 v24, v5;
	[tilespmem:s10+$0x20] =	vst v16;
	v30 =	vmul.f32 v22, v12;
	v16 =	vld [tilespmem:s10+$0x90]  }
0x1ce: {  	v21 =	vadd.s32 v19, v7;
	v19 =	vbroadcast v17, $0x0;
	v17 =	vld [tilespmem:s10+$0xA0];
	v22 =	vmul.f32 v63, v12;
	[tilespmem:s10+$0x30] =	vst v20  }
0x1cf: {  	s11 =	simm.s32 $0x10;
	s19 =	simm.s32 $0xF;
	v24 =	vadd.s32 v28, v9;
	v26 =	vmul.f32 v27, v12;
	v20 =	vbroadcast v18, $0x0;
	v18 =	vld [tilespmem:s10+$0xB0];
	[tilespmem:s10+$0x40] =	vst v30  }
.LBB2_6:
0x1d0: {  	p2 =	slt.u32 s11, $0x78;
	v25 =	vbroadcast v25, $0x0;
	v27 =	vmov s19;
	[tilespmem:s10+$0x50] =	vst v22;
	v12 =	vmul.f32 v15, v12;
	v15 =	vld [tilespmem:s10+$0xC0]  }
0x1d1: {  	v21 =	vbroadcast v21, $0x0;
	v22 =	vshrl.u32 v27, $0x3;
	[tilespmem:s10+$0x60] =	vst v26;
	v13 =	vmul.f32 v13, v11;
	v26 =	vld [tilespmem:s10+$0xD0]  }
0x1d2: {  	v23 =	vbroadcast v23, $0x0;
	v22 =	vshll.u32 v22, v1;
	[tilespmem:s10+$0x70] =	vst v12;
	v12 =	vmul.f32 v16, v11;
	v16 =	vld [tilespmem:s10+$0xE0]  }
0x1d3: {  	v24 =	vbroadcast v24, $0x0;
	v14 =	vld.idx.msk [tilespmem:v14+s0+$0x0], $0xffff;
	v22 =	vadd.s32 v22, v2;
	[tilespmem:s10+$0x80] =	vst v13;
	v13 =	vmul.f32 v17, v11  }
0x1d4: {  	v17 =	vld.idx.msk [tilespmem:v19+s0+$0x0], $0xffff;
	v19 =	vbroadcast v22, $0x0;
	[tilespmem:s10+$0x90] =	vst v12;
	v11 =	vmul.f32 v18, v11  }
0x1d5: {  	v18 =	vld.idx.msk [tilespmem:v20+s0+$0x0], $0xffff;
	[tilespmem:s10+$0xA0] =	vst v13;
	v12 =	vmul.f32 v15, v10  }
0x1d6: {  	v15 =	vld.idx.msk [tilespmem:v25+s0+$0x0], $0xffff;
	[tilespmem:s10+$0xB0] =	vst v11;
	v11 =	vmul.f32 v26, v10  }
0x1d7: {  	v13 =	vld.idx.msk [tilespmem:v21+s0+$0x0], $0xffff;
	[tilespmem:s10+$0xC0] =	vst v12;
	v10 =	vmul.f32 v16, v10  }
0x1d8: {  	v12 =	vld.idx.msk [tilespmem:v23+s0+$0x0], $0xffff;
	[tilespmem:s10+$0xD0] =	vst v11  }
0x1d9: {  	v11 =	vld.idx.msk [tilespmem:v24+s0+$0x0], $0xffff;
	[tilespmem:s10+$0xE0] =	vst v10  }
0x1da: {  	s10 =	sadd.s32 $0x200, s10;
	v10 =	vld.idx.msk [tilespmem:v19+s0+$0x0], $0xffff  }
0x1db: {  	v16 =	vld [tilespmem:s10+$0xF0]  }
0x1dc: {  	v19 =	vld [tilespmem:s10+$0xFFFFFF00]  }
0x1dd: {  	v20 =	vld [tilespmem:s10+$0xFFFFFF10]  }
0x1de: {  	v21 =	vld [tilespmem:s10+$0xFFFFFF20]  }
0x1df: {  	v22 =	vld [tilespmem:s10+$0xFFFFFF30]  }
0x1e0: {  	v23 =	vld [tilespmem:s10+$0xFFFFFF40];
	v16 =	vmul.f32 v16, v10  }
0x1e1: {  	v19 =	vmul.f32 v19, v14;
	v24 =	vld [tilespmem:s10+$0xFFFFFF50]  }
0x1e2: {  	v20 =	vmul.f32 v20, v14;
	v25 =	vld [tilespmem:s10+$0xFFFFFF60];
	[tilespmem:s10+$0xF0] =	vst v16  }
0x1e3: {  	[tilespmem:s10+$0xFFFFFF00] =	vst v19;
	v16 =	vmul.f32 v21, v14;
	v19 =	vld [tilespmem:s10+$0xFFFFFF70]  }
0x1e4: {  	[tilespmem:s10+$0xFFFFFF10] =	vst v20;
	v14 =	vmul.f32 v22, v14;
	v20 =	vld [tilespmem:s10+$0xFFFFFF80]  }
0x1e5: {  	[tilespmem:s10+$0xFFFFFF20] =	vst v16;
	v16 =	vmul.f32 v23, v17;
	v21 =	vld [tilespmem:s10+$0xFFFFFF90]  }
0x1e6: {  	[tilespmem:s10+$0xFFFFFF30] =	vst v14;
	v14 =	vmul.f32 v24, v17;
	v22 =	vld [tilespmem:s10+$0xFFFFFFA0]  }
0x1e7: {  	[tilespmem:s10+$0xFFFFFF40] =	vst v16;
	v16 =	vmul.f32 v25, v17;
	v23 =	vld [tilespmem:s10+$0xFFFFFFB0]  }
0x1e8: {  	s19 =	sadd.s32 $0x1, s11;
	v24 =	vmov s11;
	[tilespmem:s10+$0xFFFFFF50] =	vst v14;
	v14 =	vmul.f32 v19, v17;
	v17 =	vld [tilespmem:s10+$0xFFFFFFC0]  }
0x1e9: {  	s20 =	sadd.s32 $0x3, s11;
	v19 =	vshrl.u32 v24, $0x3;
	v24 =	vmov s19;
	s19 =	sadd.s32 $0x2, s11;
	[tilespmem:s10+$0xFFFFFF60] =	vst v16;
	v16 =	vmul.f32 v20, v18;
	v20 =	vld [tilespmem:s10+$0xFFFFFFD0]  }
0x1ea: {  	v26 =	vmov s20;
	s20 =	sadd.s32 $0x5, s11;
	v25 =	vmov s19;
	s19 =	sadd.s32 $0x4, s11;
	[tilespmem:s10+$0xFFFFFF70] =	vst v14;
	v14 =	vmul.f32 v21, v18;
	v21 =	vld [tilespmem:s10+$0xFFFFFFE0]  }
0x1eb: {  	v28 =	vmov s20;
	v27 =	vmov s19;
	s19 =	sadd.s32 $0x6, s11;
	[tilespmem:s10+$0xFFFFFF80] =	vst v16;
	v16 =	vmul.f32 v22, v18;
	v22 =	vld [tilespmem:s10+$0xFFFFFFF0]  }
0x1ec: {  	v19 =	vshll.u32 v19, v1;
	v29 =	vmov s19;
	[tilespmem:s10+$0xFFFFFF90] =	vst v14;
	v14 =	vmul.f32 v23, v18;
	v18 =	vld [tilespmem:s10+$0x0]  }
0x1ed: {  	v23 =	vshrl.u32 v24, $0x3;
	v24 =	vshrl.u32 v25, $0x3;
	[tilespmem:s10+$0xFFFFFFA0] =	vst v16;
	v16 =	vmul.f32 v17, v15;
	v17 =	vld [tilespmem:s10+$0x10]  }
0x1ee: {  	v25 =	vshrl.u32 v26, $0x3;
	v26 =	vshrl.u32 v27, $0x3;
	[tilespmem:s10+$0xFFFFFFB0] =	vst v14;
	v14 =	vmul.f32 v20, v15;
	v20 =	vld [tilespmem:s10+$0x20]  }
0x1ef: {  	v27 =	vshrl.u32 v28, $0x3;
	v28 =	vshrl.u32 v29, $0x3;
	[tilespmem:s10+$0xFFFFFFC0] =	vst v16;
	v16 =	vmul.f32 v21, v15;
	v21 =	vld [tilespmem:s10+$0x30]  }
0x1f0: {  	v19 =	vadd.s32 v3, v19;
	v23 =	vshll.u32 v23, v1;
	[tilespmem:s10+$0xFFFFFFD0] =	vst v14;
	v14 =	vmul.f32 v22, v15;
	v22 =	vld [tilespmem:s10+$0x40]  }
0x1f1: {  	v24 =	vshll.u32 v24, v1;
	v25 =	vshll.u32 v25, v1;
	[tilespmem:s10+$0xFFFFFFE0] =	vst v16;
	v15 =	vmul.f32 v18, v13;
	v18 =	vld [tilespmem:s10+$0x50]  }
0x1f2: {  	v16 =	vshll.u32 v26, v1;
	v26 =	vshll.u32 v27, v1;
	[tilespmem:s10+$0xFFFFFFF0] =	vst v14;
	v17 =	vmul.f32 v17, v13;
	v27 =	vld [tilespmem:s10+$0x60]  }
.Ltmp8:
0x1f3: {  	v28 =	vshll.u32 v28, v1;
	v14 =	vbroadcast v19, $0x0;
	[tilespmem:s10+$0x0] =	vst v15;
	v19 =	vmul.f32 v20, v13;
	v15 =	vld [tilespmem:s10+$0x70];
	(pc) =	sbr.rel @p2 .LBB2_6-.Ltmp8, $4  }
0x1f4: {  	v24 =	vadd.s32 v24, v5;
	v20 =	vadd.s32 v23, v4;
	[tilespmem:s10+$0x10] =	vst v17;
	v17 =	vmul.f32 v21, v13;
	v13 =	vld [tilespmem:s10+$0x80]  }
0x1f5: {  	v25 =	vadd.s32 v25, v6;
	v21 =	vadd.s32 v16, v7;
	[tilespmem:s10+$0x20] =	vst v19;
	v29 =	vmul.f32 v22, v12;
	v16 =	vld [tilespmem:s10+$0x90]  }
0x1f6: {  	v23 =	vadd.s32 v26, v8;
	v19 =	vbroadcast v20, $0x0;
	[tilespmem:s10+$0x30] =	vst v17;
	v22 =	vmul.f32 v18, v12;
	v17 =	vld [tilespmem:s10+$0xA0]  }
0x1f7: {  	s19 =	sadd.s32 $0x7, s11;
	s11 =	sadd.s32 $0x8, s11;
	v20 =	vbroadcast v24, $0x0;
	v24 =	vadd.s32 v28, v9;
	[tilespmem:s10+$0x40] =	vst v29;
	v26 =	vmul.f32 v27, v12;
	v18 =	vld [tilespmem:s10+$0xB0]  }
0x1f8: {  	v4 =	vmov s19  }
0x1f9: {  	v5 =	vld [tilespmem:s10+$0xC0];
	v4 =	vshrl.u32 v4, $0x3  }
0x1fa: {  	v7 =	vld [tilespmem:s10+$0xD0];
	v4 =	vshll.u32 v4, v1  }
0x1fb: {  	v6 =	vbroadcast v21, $0x0;
	v9 =	vld [tilespmem:s10+$0xE0];
	v21 =	vbroadcast v24, $0x0;
	v2 =	vadd.s32 v4, v2  }
0x1fc: {  	v14 =	vld.idx.msk [tilespmem:v14+s0+$0x0], $0xffff;
	v13 =	vmul.f32 v13, v11;
	v2 =	vbroadcast v2, $0x0  }
0x1fd: {  	v4 =	vld.idx.msk [tilespmem:v19+s0+$0x0], $0xffff  }
0x1fe: {  	v3 =	vbroadcast v25, $0x0;
	s11 =	sadd.s32 $0x200, s10;
	v19 =	vld.idx.msk [tilespmem:v20+s0+$0x0], $0xffff;
	[tilespmem:s10+$0x80] =	vst v13;
	v13 =	vmul.f32 v17, v11  }
0x1ff: {  	v17 =	vld [tilespmem:s11+$0xFFFFFF20]  }
0x200: {  	[tilespmem:s10+$0xA0] =	vst v13;
	v13 =	vld [tilespmem:s11+$0xFFFFFF40]  }
0x201: {  	v20 =	vld.idx.msk [tilespmem:v21+s0+$0x0], $0xffff  }
0x202: {  	v21 =	vld.idx.msk [tilespmem:v2+s0+$0x0], $0xffff  }
0x203: {  	v8 =	vbroadcast v23, $0x0;
	[tilespmem:s10+$0x50] =	vst v22;
	v2 =	vmul.f32 v15, v12;
	v15 =	vld [tilespmem:s11+$0xFFFFFF00]  }
0x204: {  	[tilespmem:s10+$0x60] =	vst v26;
	v5 =	vmul.f32 v5, v10;
	v3 =	vld.idx.msk [tilespmem:v3+s0+$0x0], $0xffff  }
0x205: {  	[tilespmem:s10+$0x70] =	vst v2;
	v2 =	vmul.f32 v16, v11;
	v16 =	vld [tilespmem:s11+$0xFFFFFF10]  }
0x206: {  	v6 =	vld.idx.msk [tilespmem:v6+s0+$0x0], $0xffff;
	[tilespmem:s10+$0xC0] =	vst v5;
	v5 =	vmul.f32 v9, v10  }
0x207: {  	v12 =	vld [tilespmem:s11+$0xF0];
	[tilespmem:s10+$0x90] =	vst v2;
	v2 =	vmul.f32 v18, v11  }
0x208: {  	[tilespmem:s10+$0xE0] =	vst v5;
	v11 =	vld [tilespmem:s11+$0xFFFFFF30];
	v5 =	vmul.f32 v15, v14  }
0x209: {  	v8 =	vld.idx.msk [tilespmem:v8+s0+$0x0], $0xffff;
	[tilespmem:s10+$0xB0] =	vst v2;
	v2 =	vmul.f32 v7, v10  }
0x20a: {  	v7 =	vld [tilespmem:s11+$0xFFFFFF50];
	v15 =	vmul.f32 v16, v14;
	[tilespmem:s11+$0xFFFFFF00] =	vst v5  }
0x20b: {  	v9 =	vld [tilespmem:s11+$0xFFFFFF60];
	v5 =	vmul.f32 v17, v14;
	[tilespmem:s10+$0xD0] =	vst v2  }
0x20c: {  	v10 =	vld [tilespmem:s11+$0xFFFFFF70];
	v2 =	vmul.f32 v12, v21;
	[tilespmem:s11+$0xFFFFFF10] =	vst v15  }
0x20d: {  	v12 =	vld [tilespmem:s11+$0xFFFFFF80];
	v11 =	vmul.f32 v11, v14;
	[tilespmem:s11+$0xFFFFFF20] =	vst v5  }
0x20e: {  	v5 =	vmul.f32 v13, v4;
	[tilespmem:s11+$0xF0] =	vst v2;
	v2 =	vld [tilespmem:s11+$0xFFFFFF90]  }
0x20f: {  	v16 =	vld [tilespmem:s11+$0xFFFFFFA0];
	[tilespmem:s11+$0xFFFFFF30] =	vst v11;
	v7 =	vmul.f32 v7, v4  }
0x210: {  	v14 =	vld [tilespmem:s11+$0xFFFFFFB0];
	[tilespmem:s11+$0xFFFFFF40] =	vst v5;
	v5 =	vmul.f32 v9, v4  }
0x211: {  	v13 =	vld [tilespmem:s11+$0xFFFFFFC0];
	v4 =	vmul.f32 v10, v4;
	[tilespmem:s11+$0xFFFFFF50] =	vst v7  }
0x212: {  	v11 =	vld [tilespmem:s11+$0xFFFFFFD0];
	[tilespmem:s11+$0xFFFFFF60] =	vst v5;
	v5 =	vmul.f32 v12, v19  }
0x213: {  	v9 =	vld [tilespmem:s11+$0xFFFFFFE0];
	[tilespmem:s11+$0xFFFFFF70] =	vst v4;
	v2 =	vmul.f32 v2, v19  }
0x214: {  	v7 =	vld [tilespmem:s11+$0xFFFFFFF0];
	[tilespmem:s11+$0xFFFFFF80] =	vst v5;
	v5 =	vmul.f32 v16, v19  }
0x215: {  	v10 =	vld [tilespmem:s11+$0x0];
	[tilespmem:s11+$0xFFFFFF90] =	vst v2;
	v2 =	vmul.f32 v14, v19  }
0x216: {  	v4 =	vld [tilespmem:s11+$0x10];
	[tilespmem:s11+$0xFFFFFFA0] =	vst v5;
	v5 =	vmul.f32 v13, v3  }
0x217: {  	v12 =	vld [tilespmem:s11+$0x20];
	[tilespmem:s11+$0xFFFFFFB0] =	vst v2;
	v2 =	vmul.f32 v11, v3  }
0x218: {  	v14 =	vld [tilespmem:s11+$0x30];
	[tilespmem:s11+$0xFFFFFFC0] =	vst v5;
	v5 =	vmul.f32 v9, v3  }
0x219: {  	v13 =	vld [tilespmem:s11+$0x40];
	[tilespmem:s11+$0xFFFFFFD0] =	vst v2;
	v2 =	vmul.f32 v7, v3  }
0x21a: {  	v11 =	vld [tilespmem:s11+$0x50];
	[tilespmem:s11+$0xFFFFFFE0] =	vst v5;
	v5 =	vmul.f32 v10, v6  }
0x21b: {  	v9 =	vld [tilespmem:s11+$0x60];
	[tilespmem:s11+$0xFFFFFFF0] =	vst v2;
	v2 =	vmul.f32 v4, v6  }
0x21c: {  	v4 =	vld [tilespmem:s11+$0x90];
	[tilespmem:s11+$0x0] =	vst v5;
	v5 =	vmul.f32 v12, v6  }
0x21d: {  	v3 =	vld [tilespmem:s11+$0x70];
	[tilespmem:s11+$0x10] =	vst v2;
	v2 =	vmul.f32 v14, v6  }
0x21e: {  	v7 =	vld [tilespmem:s11+$0x80];
	[tilespmem:s11+$0x20] =	vst v5;
	v5 =	vmul.f32 v13, v8  }
0x21f: {  	v10 =	vld [tilespmem:s11+$0xA0];
	[tilespmem:s11+$0x30] =	vst v2;
	v2 =	vmul.f32 v11, v8  }
0x220: {  	v12 =	vld [tilespmem:s11+$0xC0];
	[tilespmem:s11+$0x40] =	vst v5;
	v5 =	vmul.f32 v9, v8  }
0x221: {  	v6 =	vld [tilespmem:s11+$0xB0];
	v4 =	vmul.f32 v4, v20;
	[tilespmem:s11+$0x50] =	vst v2  }
0x222: {  	s19 =	simm.s32 $0x2;
	v11 =	vld [tilespmem:s11+$0xD0];
	v2 =	vmul.f32 v3, v8;
	[tilespmem:s11+$0x60] =	vst v5  }
0x223: {  	v15 =	vmov s19;
	v9 =	vld [tilespmem:s11+$0xE0];
	v3 =	vmul.f32 v7, v20;
	[tilespmem:s11+$0x90] =	vst v4  }
0x224: {  	v15 =	vshrl.u32 v15, $0x3;
	v5 =	vmul.f32 v10, v20;
	[tilespmem:s11+$0x70] =	vst v2  }
0x225: {  	s20 =	simm.s32 $0x1;
	s10 =	simm.s32 $0x0;
	v15 =	vshll.u32 v15, v1;
	v10 =	vmul.f32 v12, v21;
	[tilespmem:s11+$0x80] =	vst v3  }
0x226: {  	v13 =	vmov s10;
	v14 =	vmov s20;
	s10 =	simm.s32 $0x4;
	v8 =	vmul.f32 v6, v20;
	[tilespmem:s11+$0xA0] =	vst v5  }
0x227: {  	v16 =	vmov s10;
	v14 =	vshrl.u32 v14, $0x3;
	[tilespmem:s11+$0xC0] =	vst v10;
	v11 =	vmul.f32 v11, v21  }
0x228: {  	s9 =	sshll.u32 s9, $0x7;
	s19 =	sshll.u32 s6, $0xA;
	s20 =	simm.s32 $0x3;
	v16 =	vshrl.u32 v16, $0x3;
	v14 =	vshll.u32 v14, v1;
	v12 =	vmul.f32 v9, v21;
	[tilespmem:s11+$0xB0] =	vst v8  }
0x229: {  	s10 =	sshrl.u32 s19, $0x2;
	v16 =	vshll.u32 v16, v1;
	v2 =	vmov s9;
	v10 =	vmov s20;
	[tilespmem:s11+$0xD0] =	vst v11  }
0x22a: {  	s10 =	sadd.s32 $0x2C00, s10;
	v3 =	vor.u32 $0x1, v2;
	v4 =	vor.u32 $0x2, v2;
	v11 =	vshrl.u32 v13, $0x3;
	[tilespmem:s11+$0xE0] =	vst v12  }
0x22b: {  	v5 =	vor.u32 $0x3, v2;
	v6 =	vor.u32 $0x4, v2;
	v11 =	vshll.u32 v11, v1;
	[spmem:s3] =	stream.indirect.scatter.add.f32 [tilespmem:s12], [sflag:$0x3], $0x40, s10, s31, $0xb8;
	[tilespmem:$0x1FC80] =	vst v63  }
0x22c: {  	v7 =	vor.u32 $0x5, v2;
	v9 =	vor.u32 $0x6, v2;
	_ =	swait.ge [sflag:s15], $0x2000;
	v11 =	vadd.s32 v2, v11  }
0x22d: {  	v10 =	vshrl.u32 v10, $0x3;
	v14 =	vadd.s32 v14, v3;
	[sflag:s15] =	ssyncset.done $0x0;
	v11 =	vbroadcast v11, $0x0  }
0x22e: {  	p2 =	seq.s32 s6, $0x2B;
	s20 =	simm.s32 $0x5;
	v10 =	vshll.u32 v10, v1;
	v15 =	vadd.s32 v15, v4;
	v14 =	vbroadcast v14, $0x0;
	[sflag:s15] =	ssyncadd.s32 $0xFFFFE000  }
0x22f: {  	v13 =	vmov s20;
	s20 =	simm.s32 $0x6;
	v10 =	vadd.s32 v10, v5;
	v15 =	vbroadcast v15, $0x0;
	s11 =	simm.s32 $0x7;
	_ =	swait.ge [sflag:s16], $0x2000  }
0x230: {  	v16 =	vadd.s32 v16, v6;
	s10 =	sshrl.u32 @!p2 s19, $0x2;
	v10 =	vbroadcast v10, $0x0;
	v17 =	vmov s11;
	s11 =	simm.s32 @!p2 $0x8400;
	[sflag:s16] =	ssyncset.done $0x0  }
0x231: {  	v16 =	vbroadcast v16, $0x0;
	v12 =	vmov s20;
	v13 =	vshrl.u32 v13, $0x3;
	s9 =	sadd.s32 @!p2 $0x100, s10;
	s10 =	simm.s32 @!p2 $0x80;
	[sflag:s16] =	ssyncadd.s32 $0xFFFFE000  }
0x232: {  	v8 =	vor.u32 $0x7, v2;
	v12 =	vshrl.u32 v12, $0x3;
	v13 =	vshll.u32 v13, v1;
	[tilespmem:s11], [sflag:$0x1] =	stream.indirect.gather @!p2 [spmem:s1], $0x40, s9, s10, $0xb8;
	[tilespmem:$0x1FC80] =	vst v63  }
0x233: {  	v17 =	vshrl.u32 v17, $0x3;
	v12 =	vshll.u32 v12, v1;
	v13 =	vadd.s32 v13, v7;
	v18 =	vld.idx.msk [tilespmem:v11+s0+$0x0], $0xffff  }
0x234: {  	v17 =	vshll.u32 v17, v1;
	v12 =	vadd.s32 v12, v9;
	v13 =	vbroadcast v13, $0x0;
	v14 =	vld.idx.msk [tilespmem:v14+s0+$0x0], $0xffff  }
0x235: {  	v11 =	vbroadcast v12, $0x0;
	v12 =	vadd.s32 v17, v8;
	v15 =	vld.idx.msk [tilespmem:v15+s0+$0x0], $0xffff  }
0x236: {  	v19 =	vld.idx.msk [tilespmem:v10+s0+$0x0], $0xffff;
	v17 =	vbroadcast v12, $0x0  }
0x237: {  	s9 =	simm.s32 $0xA500;
	v16 =	vld.idx.msk [tilespmem:v16+s0+$0x0], $0xffff  }
0x238: {  	v20 =	vld [tilespmem:s9+$0xFFFFFF10]  }
0x239: {  	v21 =	vld [tilespmem:s9+$0xFFFFFF20]  }
0x23a: {  	v12 =	vld.idx.msk [tilespmem:v13+s0+$0x0], $0xffff  }
0x23b: {  	v13 =	vld [tilespmem:s9+$0xF0]  }
0x23c: {  	v10 =	vld.idx.msk [tilespmem:v17+s0+$0x0], $0xffff  }
0x23d: {  	v17 =	vld [tilespmem:s9+$0xFFFFFF00]  }
0x23e: {  	v22 =	vld [tilespmem:s9+$0xFFFFFF30]  }
0x23f: {  	v23 =	vld [tilespmem:s9+$0xFFFFFF40]  }
0x240: {  	v24 =	vld [tilespmem:s9+$0xFFFFFF50]  }
0x241: {  	v25 =	vld [tilespmem:s9+$0xFFFFFF60];
	v13 =	vmul.f32 v13, v10  }
0x242: {  	v63 =	vld [tilespmem:s9+$0x50];
	v17 =	vmul.f32 v17, v18  }
0x243: {  	v20 =	vmul.f32 v20, v18;
	v11 =	vld.idx.msk [tilespmem:v11+s0+$0x0], $0xffff;
	[tilespmem:s9+$0xF0] =	vst v13  }
0x244: {  	[tilespmem:s9+$0xFFFFFF00] =	vst v17;
	v13 =	vmul.f32 v21, v18;
	v17 =	vld [tilespmem:s9+$0xFFFFFF70]  }
0x245: {  	[tilespmem:s9+$0xFFFFFF10] =	vst v20;
	v20 =	vld [tilespmem:s9+$0xFFFFFF80];
	v18 =	vmul.f32 v22, v18  }
0x246: {  	v21 =	vld [tilespmem:s9+$0xFFFFFF90];
	[tilespmem:s9+$0xFFFFFF20] =	vst v13;
	v13 =	vmul.f32 v23, v14  }
0x247: {  	v22 =	vld [tilespmem:s9+$0xFFFFFFA0];
	[tilespmem:s9+$0xFFFFFF30] =	vst v18;
	v18 =	vmul.f32 v24, v14  }
0x248: {  	s20 =	simm.s32 $0x8;
	v23 =	vld [tilespmem:s9+$0xFFFFFFB0];
	[tilespmem:s9+$0xFFFFFF40] =	vst v13;
	v13 =	vmul.f32 v25, v14  }
0x249: {  	v24 =	vmov s20;
	s20 =	simm.s32 $0xB;
	[tilespmem:s9+$0xFFFFFF50] =	vst v18;
	v14 =	vmul.f32 v17, v14;
	v17 =	vld [tilespmem:s9+$0xFFFFFFC0]  }
0x24a: {  	s19 =	simm.s32 $0xA;
	s11 =	simm.s32 $0x9;
	v26 =	vmov s20;
	v18 =	vshrl.u32 v24, $0x3;
	[tilespmem:s9+$0xFFFFFF60] =	vst v13;
	v13 =	vmul.f32 v20, v15;
	v20 =	vld [tilespmem:s9+$0xFFFFFFD0]  }
0x24b: {  	s20 =	simm.s32 $0xE;
	v24 =	vmov s11;
	v25 =	vmov s19;
	s11 =	simm.s32 $0xC;
	[tilespmem:s9+$0xFFFFFF70] =	vst v14;
	v14 =	vmul.f32 v21, v15;
	v21 =	vld [tilespmem:s9+$0xFFFFFFE0]  }
0x24c: {  	s19 =	simm.s32 $0xD;
	v29 =	vmov s20;
	v27 =	vmov s11;
	[tilespmem:s9+$0xFFFFFF80] =	vst v13;
	v13 =	vmul.f32 v22, v15;
	v22 =	vld [tilespmem:s9+$0xFFFFFFF0]  }
0x24d: {  	v28 =	vmov s19;
	v18 =	vshll.u32 v18, v1;
	[tilespmem:s9+$0xFFFFFF90] =	vst v14;
	v14 =	vmul.f32 v23, v15;
	v15 =	vld [tilespmem:s9+$0x0]  }
0x24e: {  	v62 =	vshrl.u32 v29, $0x3;
	v18 =	vadd.s32 v2, v18;
	[tilespmem:s9+$0xFFFFFFA0] =	vst v13;
	v13 =	vmul.f32 v17, v19;
	v17 =	vld [tilespmem:s9+$0x10]  }
0x24f: {  	v23 =	vshrl.u32 v24, $0x3;
	v24 =	vshrl.u32 v25, $0x3;
	[tilespmem:s9+$0xFFFFFFB0] =	vst v14;
	v14 =	vmul.f32 v20, v19;
	v20 =	vld [tilespmem:s9+$0x20]  }
0x250: {  	v25 =	vshrl.u32 v26, $0x3;
	v26 =	vshrl.u32 v27, $0x3;
	[tilespmem:s9+$0xFFFFFFC0] =	vst v13;
	v13 =	vmul.f32 v21, v19;
	v21 =	vld [tilespmem:s9+$0x30]  }
0x251: {  	v27 =	vshrl.u32 v28, $0x3;
	v28 =	vshll.u32 v62, v1;
	[tilespmem:s9+$0xFFFFFFD0] =	vst v14;
	v14 =	vmul.f32 v22, v19;
	v19 =	vld [tilespmem:s9+$0x40]  }
0x252: {  	v23 =	vshll.u32 v23, v1;
	v26 =	vshll.u32 v26, v1;
	[tilespmem:s9+$0xFFFFFFE0] =	vst v13;
	v13 =	vmul.f32 v15, v16  }
0x253: {  	v30 =	vld [tilespmem:s9+$0x60];
	v27 =	vshll.u32 v27, v1;
	v22 =	vshll.u32 v24, v1;
	[tilespmem:s9+$0xFFFFFFF0] =	vst v14;
	v17 =	vmul.f32 v17, v16  }
0x254: {  	v24 =	vshll.u32 v25, v1;
	v15 =	vld [tilespmem:s9+$0x70];
	v14 =	vbroadcast v18, $0x0;
	[tilespmem:s9+$0x0] =	vst v13;
	v18 =	vmul.f32 v20, v16  }
0x255: {  	v22 =	vadd.s32 v22, v4;
	v25 =	vadd.s32 v24, v5;
	v13 =	vld [tilespmem:s9+$0x80];
	[tilespmem:s9+$0x10] =	vst v17;
	v17 =	vmul.f32 v21, v16  }
0x256: {  	v24 =	vmul.f32 v63, v12;
	v20 =	vadd.s32 v23, v3;
	v16 =	vld [tilespmem:s9+$0x90];
	[tilespmem:s9+$0x20] =	vst v18;
	v19 =	vmul.f32 v19, v12  }
0x257: {  	v23 =	vadd.s32 v27, v7;
	v21 =	vadd.s32 v26, v6;
	v18 =	vbroadcast v20, $0x0;
	[tilespmem:s9+$0x30] =	vst v17;
	v17 =	vld [tilespmem:s9+$0xA0]  }
0x258: {  	s10 =	simm.s32 $0x10;
	s11 =	simm.s32 $0xF;
	v26 =	vmul.f32 v30, v12;
	v20 =	vbroadcast v22, $0x0;
	v22 =	vadd.s32 v28, v9;
	[tilespmem:s9+$0x40] =	vst v19;
	v19 =	vld [tilespmem:s9+$0xB0]  }
.LBB2_8:
0x259: {  	p2 =	slt.u32 s10, $0x78;
	v25 =	vbroadcast v25, $0x0;
	v27 =	vmov s11;
	[tilespmem:s9+$0x50] =	vst v24;
	v12 =	vmul.f32 v15, v12;
	v15 =	vld [tilespmem:s9+$0xC0]  }
0x25a: {  	v21 =	vbroadcast v21, $0x0;
	v24 =	vshrl.u32 v27, $0x3;
	[tilespmem:s9+$0x60] =	vst v26;
	v13 =	vmul.f32 v13, v11;
	v26 =	vld [tilespmem:s9+$0xD0]  }
0x25b: {  	v23 =	vbroadcast v23, $0x0;
	v24 =	vshll.u32 v24, v1;
	[tilespmem:s9+$0x70] =	vst v12;
	v12 =	vmul.f32 v16, v11;
	v16 =	vld [tilespmem:s9+$0xE0]  }
0x25c: {  	v22 =	vbroadcast v22, $0x0;
	v14 =	vld.idx.msk [tilespmem:v14+s0+$0x0], $0xffff;
	v24 =	vadd.s32 v24, v8;
	[tilespmem:s9+$0x80] =	vst v13;
	v13 =	vmul.f32 v17, v11  }
0x25d: {  	v17 =	vld.idx.msk [tilespmem:v18+s0+$0x0], $0xffff;
	v18 =	vbroadcast v24, $0x0;
	[tilespmem:s9+$0x90] =	vst v12;
	v11 =	vmul.f32 v19, v11  }
0x25e: {  	v19 =	vld.idx.msk [tilespmem:v20+s0+$0x0], $0xffff;
	[tilespmem:s9+$0xA0] =	vst v13;
	v12 =	vmul.f32 v15, v10  }
0x25f: {  	v15 =	vld.idx.msk [tilespmem:v25+s0+$0x0], $0xffff;
	[tilespmem:s9+$0xB0] =	vst v11;
	v11 =	vmul.f32 v26, v10  }
0x260: {  	v13 =	vld.idx.msk [tilespmem:v21+s0+$0x0], $0xffff;
	[tilespmem:s9+$0xC0] =	vst v12;
	v10 =	vmul.f32 v16, v10  }
0x261: {  	v12 =	vld.idx.msk [tilespmem:v23+s0+$0x0], $0xffff;
	[tilespmem:s9+$0xD0] =	vst v11  }
0x262: {  	v11 =	vld.idx.msk [tilespmem:v22+s0+$0x0], $0xffff;
	[tilespmem:s9+$0xE0] =	vst v10  }
0x263: {  	s9 =	sadd.s32 $0x200, s9;
	v10 =	vld.idx.msk [tilespmem:v18+s0+$0x0], $0xffff  }
0x264: {  	v16 =	vld [tilespmem:s9+$0xF0]  }
0x265: {  	v18 =	vld [tilespmem:s9+$0xFFFFFF00]  }
0x266: {  	v20 =	vld [tilespmem:s9+$0xFFFFFF10]  }
0x267: {  	v21 =	vld [tilespmem:s9+$0xFFFFFF20]  }
0x268: {  	v22 =	vld [tilespmem:s9+$0xFFFFFF30]  }
0x269: {  	v23 =	vld [tilespmem:s9+$0xFFFFFF40];
	v16 =	vmul.f32 v16, v10  }
0x26a: {  	v18 =	vmul.f32 v18, v14;
	v24 =	vld [tilespmem:s9+$0xFFFFFF50]  }
0x26b: {  	v20 =	vmul.f32 v20, v14;
	v25 =	vld [tilespmem:s9+$0xFFFFFF60];
	[tilespmem:s9+$0xF0] =	vst v16  }
0x26c: {  	[tilespmem:s9+$0xFFFFFF00] =	vst v18;
	v16 =	vmul.f32 v21, v14;
	v18 =	vld [tilespmem:s9+$0xFFFFFF70]  }
0x26d: {  	[tilespmem:s9+$0xFFFFFF10] =	vst v20;
	v14 =	vmul.f32 v22, v14;
	v20 =	vld [tilespmem:s9+$0xFFFFFF80]  }
0x26e: {  	[tilespmem:s9+$0xFFFFFF20] =	vst v16;
	v16 =	vmul.f32 v23, v17;
	v21 =	vld [tilespmem:s9+$0xFFFFFF90]  }
0x26f: {  	[tilespmem:s9+$0xFFFFFF30] =	vst v14;
	v14 =	vmul.f32 v24, v17;
	v22 =	vld [tilespmem:s9+$0xFFFFFFA0]  }
0x270: {  	[tilespmem:s9+$0xFFFFFF40] =	vst v16;
	v16 =	vmul.f32 v25, v17;
	v23 =	vld [tilespmem:s9+$0xFFFFFFB0]  }
0x271: {  	s11 =	sadd.s32 $0x1, s10;
	v24 =	vmov s10;
	[tilespmem:s9+$0xFFFFFF50] =	vst v14;
	v14 =	vmul.f32 v18, v17;
	v17 =	vld [tilespmem:s9+$0xFFFFFFC0]  }
0x272: {  	s19 =	sadd.s32 $0x3, s10;
	v18 =	vshrl.u32 v24, $0x3;
	v24 =	vmov s11;
	s11 =	sadd.s32 $0x2, s10;
	[tilespmem:s9+$0xFFFFFF60] =	vst v16;
	v16 =	vmul.f32 v20, v19;
	v20 =	vld [tilespmem:s9+$0xFFFFFFD0]  }
0x273: {  	v26 =	vmov s19;
	s19 =	sadd.s32 $0x5, s10;
	v25 =	vmov s11;
	s11 =	sadd.s32 $0x4, s10;
	[tilespmem:s9+$0xFFFFFF70] =	vst v14;
	v14 =	vmul.f32 v21, v19;
	v21 =	vld [tilespmem:s9+$0xFFFFFFE0]  }
0x274: {  	v28 =	vmov s19;
	v27 =	vmov s11;
	s11 =	sadd.s32 $0x6, s10;
	[tilespmem:s9+$0xFFFFFF80] =	vst v16;
	v16 =	vmul.f32 v22, v19;
	v22 =	vld [tilespmem:s9+$0xFFFFFFF0]  }
0x275: {  	v18 =	vshll.u32 v18, v1;
	v29 =	vmov s11;
	[tilespmem:s9+$0xFFFFFF90] =	vst v14;
	v14 =	vmul.f32 v23, v19;
	v19 =	vld [tilespmem:s9+$0x0]  }
0x276: {  	v23 =	vshrl.u32 v24, $0x3;
	v24 =	vshrl.u32 v25, $0x3;
	[tilespmem:s9+$0xFFFFFFA0] =	vst v16;
	v16 =	vmul.f32 v17, v15;
	v17 =	vld [tilespmem:s9+$0x10]  }
0x277: {  	v25 =	vshrl.u32 v26, $0x3;
	v26 =	vshrl.u32 v27, $0x3;
	[tilespmem:s9+$0xFFFFFFB0] =	vst v14;
	v14 =	vmul.f32 v20, v15;
	v20 =	vld [tilespmem:s9+$0x20]  }
0x278: {  	v27 =	vshrl.u32 v28, $0x3;
	v28 =	vshrl.u32 v29, $0x3;
	[tilespmem:s9+$0xFFFFFFC0] =	vst v16;
	v16 =	vmul.f32 v21, v15;
	v21 =	vld [tilespmem:s9+$0x30]  }
0x279: {  	v18 =	vadd.s32 v2, v18;
	v23 =	vshll.u32 v23, v1;
	[tilespmem:s9+$0xFFFFFFD0] =	vst v14;
	v14 =	vmul.f32 v22, v15;
	v22 =	vld [tilespmem:s9+$0x40]  }
0x27a: {  	v24 =	vshll.u32 v24, v1;
	v25 =	vshll.u32 v25, v1;
	[tilespmem:s9+$0xFFFFFFE0] =	vst v16;
	v15 =	vmul.f32 v19, v13;
	v19 =	vld [tilespmem:s9+$0x50]  }
0x27b: {  	v16 =	vshll.u32 v26, v1;
	v26 =	vshll.u32 v27, v1;
	[tilespmem:s9+$0xFFFFFFF0] =	vst v14;
	v17 =	vmul.f32 v17, v13;
	v27 =	vld [tilespmem:s9+$0x60]  }
.Ltmp9:
0x27c: {  	v28 =	vshll.u32 v28, v1;
	v14 =	vbroadcast v18, $0x0;
	[tilespmem:s9+$0x0] =	vst v15;
	v18 =	vmul.f32 v20, v13;
	v15 =	vld [tilespmem:s9+$0x70];
	(pc) =	sbr.rel @p2 .LBB2_8-.Ltmp9, $4  }
0x27d: {  	v29 =	vadd.s32 v24, v4;
	v20 =	vadd.s32 v23, v3;
	[tilespmem:s9+$0x10] =	vst v17;
	v17 =	vmul.f32 v21, v13;
	v13 =	vld [tilespmem:s9+$0x80]  }
0x27e: {  	v25 =	vadd.s32 v25, v5;
	v21 =	vadd.s32 v16, v6;
	[tilespmem:s9+$0x20] =	vst v18;
	v30 =	vmul.f32 v22, v12;
	v16 =	vld [tilespmem:s9+$0x90]  }
0x27f: {  	v23 =	vadd.s32 v26, v7;
	v18 =	vbroadcast v20, $0x0;
	[tilespmem:s9+$0x30] =	vst v17;
	v24 =	vmul.f32 v19, v12;
	v17 =	vld [tilespmem:s9+$0xA0]  }
0x280: {  	s11 =	sadd.s32 $0x7, s10;
	s10 =	sadd.s32 $0x8, s10;
	v20 =	vbroadcast v29, $0x0;
	v22 =	vadd.s32 v28, v9;
	[tilespmem:s9+$0x40] =	vst v30;
	v26 =	vmul.f32 v27, v12;
	v19 =	vld [tilespmem:s9+$0xB0]  }
0x281: {  	_ = 	snop  }
0x282: {  	v4 =	vld [tilespmem:s9+$0xC0]  }
0x283: {  	v6 =	vld [tilespmem:s9+$0xD0]  }
0x284: {  	v9 =	vld [tilespmem:s9+$0xE0]  }
0x285: {  	v50 =	vld.idx.msk [tilespmem:v14+s0+$0x0], $0xffff  }
0x286: {  	v18 =	vld.idx.msk [tilespmem:v18+s0+$0x0], $0xffff  }
0x287: {  	s10 =	sadd.s32 $0x200, s9;
	v20 =	vld.idx.msk [tilespmem:v20+s0+$0x0], $0xffff  }
0x288: {  	v54 =	vld [tilespmem:s10+$0xF0]  }
0x289: {  	v56 =	vld [tilespmem:s10+$0xFFFFFF00]  }
0x28a: {  	v57 =	vld [tilespmem:s10+$0xFFFFFF10]  }
0x28b: {  	[tilespmem:s9+$0x50] =	vst v24;
	v12 =	vmul.f32 v15, v12;
	v58 =	vld [tilespmem:s10+$0xFFFFFF20]  }
0x28c: {  	[tilespmem:s9+$0x60] =	vst v26;
	v13 =	vmul.f32 v13, v11;
	v60 =	vld [tilespmem:s10+$0xFFFFFF30]  }
0x28d: {  	v61 =	vld [tilespmem:s10+$0xFFFFFF40];
	[tilespmem:s9+$0x70] =	vst v12;
	v52 =	vmul.f32 v16, v11  }
0x28e: {  	v5 =	vbroadcast v21, $0x0;
	v21 =	vld [tilespmem:s10+$0xFFFFFF60];
	[tilespmem:s9+$0x80] =	vst v13;
	v53 =	vmul.f32 v17, v11  }
0x28f: {  	v7 =	vbroadcast v23, $0x0;
	v23 =	vld [tilespmem:s10+$0xFFFFFF70];
	[tilespmem:s9+$0x90] =	vst v52;
	v55 =	vmul.f32 v19, v11  }
0x290: {  	v24 =	vld [tilespmem:s10+$0xFFFFFF80];
	[tilespmem:s9+$0xA0] =	vst v53;
	v4 =	vmul.f32 v4, v10  }
0x291: {  	v26 =	vld [tilespmem:s10+$0xFFFFFF90];
	v6 =	vmul.f32 v6, v10;
	[tilespmem:s9+$0xB0] =	vst v55  }
0x292: {  	v28 =	vld [tilespmem:s10+$0xFFFFFFA0];
	v59 =	vmul.f32 v9, v10;
	[tilespmem:s9+$0xC0] =	vst v4  }
0x293: {  	v3 =	vmov s11;
	v30 =	vld [tilespmem:s10+$0xFFFFFFB0];
	v63 =	vmul.f32 v56, v50;
	[tilespmem:s9+$0xD0] =	vst v6  }
0x294: {  	v2 =	vbroadcast v25, $0x0;
	v3 =	vshrl.u32 v3, $0x3;
	v32 =	vld [tilespmem:s10+$0xFFFFFFC0];
	v13 =	vmul.f32 v57, v50;
	[tilespmem:s9+$0xE0] =	vst v59  }
0x295: {  	v51 =	vbroadcast v22, $0x0;
	v34 =	vld [tilespmem:s10+$0xFFFFFFD0];
	v3 =	vshll.u32 v3, v1;
	v22 =	vmul.f32 v58, v50;
	[tilespmem:s10+$0xFFFFFF00] =	vst v63  }
0x296: {  	v35 =	vld [tilespmem:s10+$0xFFFFFFE0];
	v3 =	vadd.s32 v3, v8;
	v8 =	vmul.f32 v60, v50;
	[tilespmem:s10+$0xFFFFFF10] =	vst v13  }
0x297: {  	v37 =	vld [tilespmem:s10+$0xFFFFFFF0];
	v25 =	vmul.f32 v61, v18;
	[tilespmem:s10+$0xFFFFFF20] =	vst v22  }
0x298: {  	v39 =	vld [tilespmem:s10+$0x0];
	v29 =	vmul.f32 v21, v18;
	[tilespmem:s10+$0xFFFFFF30] =	vst v8  }
0x299: {  	v19 =	vld [tilespmem:s10+$0xFFFFFF50];
	v31 =	vmul.f32 v23, v18;
	[tilespmem:s10+$0xFFFFFF40] =	vst v25  }
0x29a: {  	v2 =	vld.idx.msk [tilespmem:v2+s0+$0x0], $0xffff;
	v33 =	vmul.f32 v24, v20;
	[tilespmem:s10+$0xFFFFFF60] =	vst v29  }
0x29b: {  	v41 =	vld [tilespmem:s10+$0x10];
	v36 =	vmul.f32 v28, v20;
	[tilespmem:s10+$0xFFFFFF70] =	vst v31  }
0x29c: {  	v43 =	vld [tilespmem:s10+$0x20];
	v38 =	vmul.f32 v30, v20;
	[tilespmem:s10+$0xFFFFFF80] =	vst v33  }
0x29d: {  	v45 =	vld [tilespmem:s10+$0x30];
	v3 =	vbroadcast v3, $0x0;
	v6 =	vmul.f32 v26, v20;
	[tilespmem:s10+$0xFFFFFFA0] =	vst v36  }
0x29e: {  	v5 =	vld.idx.msk [tilespmem:v5+s0+$0x0], $0xffff;
	[tilespmem:s10+$0xFFFFFFB0] =	vst v38;
	v27 =	vmul.f32 v19, v18  }
0x29f: {  	v46 =	vld [tilespmem:s10+$0x40];
	[tilespmem:s10+$0xFFFFFF90] =	vst v6;
	v40 =	vmul.f32 v32, v2  }
0x2a0: {  	v48 =	vld [tilespmem:s10+$0x50];
	[tilespmem:s10+$0xFFFFFF50] =	vst v27;
	v42 =	vmul.f32 v34, v2  }
0x2a1: {  	v7 =	vld.idx.msk [tilespmem:v7+s0+$0x0], $0xffff;
	v44 =	vmul.f32 v35, v2;
	[tilespmem:s10+$0xFFFFFFC0] =	vst v40  }
0x2a2: {  	v49 =	vld [tilespmem:s10+$0x60];
	v2 =	vmul.f32 v37, v2;
	[tilespmem:s10+$0xFFFFFFD0] =	vst v42  }
0x2a3: {  	v3 =	vld.idx.msk [tilespmem:v3+s0+$0x0], $0xffff;
	v47 =	vmul.f32 v39, v5;
	[tilespmem:s10+$0xFFFFFFE0] =	vst v44  }
0x2a4: {  	v52 =	vld [tilespmem:s10+$0x80];
	v50 =	vmul.f32 v43, v5;
	[tilespmem:s10+$0xFFFFFFF0] =	vst v2  }
0x2a5: {  	v14 =	vld.idx.msk [tilespmem:v51+s0+$0x0], $0xffff;
	v2 =	vmul.f32 v41, v5;
	[tilespmem:s10+$0x0] =	vst v47  }
0x2a6: {  	v51 =	vld [tilespmem:s10+$0x70];
	v53 =	vmul.f32 v46, v7;
	[tilespmem:s10+$0x20] =	vst v50  }
0x2a7: {  	[tilespmem:s10+$0x10] =	vst v2;
	v2 =	vmul.f32 v45, v5  }
0x2a8: {  	v56 =	vmul.f32 v49, v7;
	[tilespmem:s10+$0x40] =	vst v53;
	v62 =	vmul.f32 v54, v3;
	v54 =	vld [tilespmem:s10+$0x90]  }
0x2a9: {  	v58 =	vld [tilespmem:s10+$0xC0];
	[tilespmem:s10+$0x30] =	vst v2;
	v2 =	vmul.f32 v48, v7  }
0x2aa: {  	v57 =	vld [tilespmem:s10+$0xB0];
	v59 =	vmul.f32 v52, v14;
	[tilespmem:s10+$0x60] =	vst v56  }
0x2ab: {  	v55 =	vld [tilespmem:s10+$0xA0];
	[tilespmem:s10+$0x50] =	vst v2;
	v2 =	vmul.f32 v51, v7  }
0x2ac: {  	v60 =	vld [tilespmem:s10+$0xD0];
	[tilespmem:s10+$0x80] =	vst v59  }
0x2ad: {  	v61 =	vld [tilespmem:s10+$0xE0];
	[tilespmem:s10+$0x70] =	vst v2;
	v2 =	vmul.f32 v54, v14  }
0x2ae: {  	v63 =	vmul.f32 v58, v3;
	[tilespmem:s10+$0xF0] =	vst v62  }
0x2af: {  	s6 =	sadd.s32 $0x1, s6;
	[tilespmem:s10+$0x90] =	vst v2;
	v2 =	vmul.f32 v57, v14  }
0x2b0: {  	p2 =	seq.s32 s6, $0x2C;
	v62 =	vmul.f32 v55, v14;
	[tilespmem:s10+$0xC0] =	vst v63  }
.Ltmp10:
0x2b1: {  	[tilespmem:s10+$0xB0] =	vst v2;
	v2 =	vmul.f32 v60, v3;
	(pc) =	sbr.rel @!p2 .LBB2_5-.Ltmp10, $4  }
.Ltmp11:
0x2b2: {  	[tilespmem:s10+$0xA0] =	vst v62;
	v3 =	vmul.f32 v61, v3;
	(pc) =	sbr.rel @p2 .LBB2_16-.Ltmp11, $4  }
0x2b3: {  	[tilespmem:s10+$0xD0] =	vst v2  }
0x2b4: {  	s8 =	sadd.s32 $0x2C00, s8;
	[tilespmem:s10+$0xE0] =	vst v3  }
0x2b5: {  	[spmem:s3] =	stream.indirect.scatter.add.f32 [tilespmem:s14], [sflag:$0x4], $0x40, s8, s31, $0xb8;
	[tilespmem:$0x1FC80] =	vst v63  }
0x2b6: {  	_ = 	snop  }
.LBB2_17:
0x2b7: {  	_ =	sfence.sel $0x180000  }
0x2b8: {  	[bflag:$0x0] =	sbarrier.arrive $0xFFFF  }
0x2b9: {  	_ =	strace $0x9000004A  }
0x2ba: {  	s0 =	stileid.u32;
	[bflag:$0x2] =	sbarrier.arrive $0xFFFF  }
0x2bb: {  	p0 =	sne.s32 s0, $0x0;
	s0 =	rddreg [dreg:$0x3]  }
0x2bc: {  	s0 =	sadd.s32 @!p0 $0x100000, s0  }
0x2bd: {  	[sflag:s0] =	ssyncadd.tile.s32 @!p0 $0x1;
	_ =	shalt  }
.Lfunc_end2:
_tile_overlayer_lowered:
.L_overlay_start_2:
0x2be: {  	(tag) =	ssettag $0x2  }
0x2bf: {  	s0 =	rddreg [dreg:$0x0];
	s2 =	stileid.u32  }
0x2c0: {  	s1 =	rddreg [dreg:$0x1];
	p0 =	sne.s32 s2, $0x0  }
0x2c1: {  	s3 =	rddreg [dreg:$0x2];
	[bflag:$0x3] =	sbarrier.arrive $0xFFFF;
	s2 =	simm.s32 @!p0 $0x1C05  }
0x2c2: {  	[timem:s3], [sflag:s2] =	dma.local @!p0 [hbm:s0], s1  }
0x2c3: {  	s0 =	simm.s32 @!p0 $0x5  }
0x2c4: {  	_ =	swait.ge @!p0 [sflag:s0], s1  }
0x2c5: {  	s1 =	ssub.s32 @!p0 $0x0, s1;
	[sflag:s0] =	ssyncset.done @!p0 $0x0  }
0x2c6: {  	[sflag:s0] =	ssyncadd.s32 @!p0 s1  }
0x2c7: {  	[bflag:$0x3] =	sbarrier.arrive $0xFFFF  }
0x2c8: {  	_ =	shalt  }

// kernel: kernel.14.cloned.1.call-start
scs
__scs_entry_jumppad:
0x0: {  	(pc) =	sbr.rel $0x88, $3  }
0x1: {  	(tag) =	ssettag $0x0;
	lr =	simm.s32 $0x1  }
0x2: {  	[smem:$0x3F97] =	sst lr;
	_ =	strace $0xD0000000  }
0x3: {  	_ = 	snop  }
0x4: {  	_ = 	snop  }
0x5: {  	_ = 	snop  }
0x6: {  	_ = 	snop  }
0x7: {  	_ = 	snop  }
__scs_overlays_trampoline_lowered:
0x8: {  	[smem:$0x3FA6] =	sst s0  }
0x9: {  	[smem:$0x3FA7] =	sst s1  }
0xa: {  	[smem:$0x3FA8] =	sst s2  }
0xb: {  	[smem:$0x3FA9] =	sst s3  }
0xc: {  	[smem:$0x3FAA] =	sst s4  }
0xd: {  	[smem:$0x3FAB] =	sst s5  }
0xe: {  	[smem:$0x3FAC] =	sst s6  }
0xf: {  	[smem:$0x3FAD] =	sst s7  }
0x10: {  	[smem:$0x3FAE] =	sst s8  }
0x11: {  	[smem:$0x3FAF] =	sst s9;
	s0 =	simm.s32 @!p0 $0x0  }
0x12: {  	s1 =	sld [smem:$0x3F95];
	s0 =	simm.s32 @p0 $0x1  }
0x13: {  	[smem:$0x3FB0] =	sst s0;
	s0 =	simm.s32 @!p1 $0x0  }
0x14: {  	s2 =	sld [smem:$0x3F94];
	s0 =	simm.s32 @p1 $0x1  }
0x15: {  	[smem:$0x3FB1] =	sst s0;
	s0 =	simm.s32 @!p2 $0x0  }
0x16: {  	s3 =	sld [smem:$0x3FDB];
	s0 =	simm.s32 @p2 $0x1  }
0x17: {  	s4 =	simm.s32 $0x1BF5;
	[smem:$0x3FB3] =	sst s0  }
0x18: {  	s0 =	sld [smem:$0x3F96];
	_ =	swait.ge [sflag:s4], $0x0  }
0x19: {  	s7 =	sld [smem:$0x3F97]  }
0x1a: {  	s8 =	sadd.s32 $0xFFFFE003, lr  }
0x1b: {  	s9 =	sadd.s32 $0xFFFFFEF7, lr;
	s5 =	simm.s32 $0xFFFFFFFF;
	p2 =	slt.u32 s8, $0xFFFFF086  }
0x1c: {  	p1 =	slt.u32 s9, $0xF7A;
	s5 =	simm.s32 @!p2 $0x0  }
0x1d: {  	s5 =	simm.s32 @p1 $0x1;
	p0 =	seq.s32 s7, s2  }
0x1e: {  	s7 =	smul.u32 @!p0 $0xF7A, s2;
	p2 =	seq.s32 @!p0 s5, $0x0  }
0x1f: {  	s9 =	smul.u32 $0xF7A, s1;
	s8 =	simm.s32 @!p0 $0x1BF5;
	p2 =	por !p2, p0  }
0x20: {  	[sflag:s8] =	ssyncset.s32 @!p0 $0xFFFFF086;
	s6 =	sadd.s32 @!p0 s3, s7;
	s7 =	simm.s32 @!p0 $0x108  }
0x21: {  	s3 =	sadd.s32 s3, s9;
	s6 =	sadd.s32 @!p0 $0x88, s6;
	s7 =	simm.s32 @p2 $0x1082  }
0x22: {  	[simem:s7], [sflag:s8] =	dma.local @!p0 [hbm:s6], $0xF7A  }
0x23: {  	s9 =	sor.u32 $0xD0000000, s2;
	s6 =	simm.s32 $0x108;
	_ =	swait.ge @!p0 [sflag:s8], $0x0  }
0x24: {  	s3 =	sadd.s32 $0x88, s3;
	s6 =	simm.s32 @!p1 $0x1082;
	[sflag:s4] =	ssyncset.s32 $0xFFFFF086  }
0x25: {  	[simem:s6], [sflag:s4] =	dma.local [hbm:s3], $0xF7A  }
0x26: {  	[smem:$0x3F97] =	sst s1;
	(tag) =	ssettag s2;
	_ =	strace s9  }
0x27: {  	s1 =	sld [smem:$0x3FA7]  }
0x28: {  	s2 =	sld [smem:$0x3FA8]  }
0x29: {  	s4 =	sld [smem:$0x3FAA]  }
0x2a: {  	p0 =	seq.s32 s5, $0x0;
	s5 =	sld [smem:$0x3FAB]  }
0x2b: {  	s6 =	sld [smem:$0x3FAC]  }
0x2c: {  	s7 =	sld [smem:$0x3FAD]  }
0x2d: {  	s3 =	simm.s32 $0x108;
	s8 =	sld [smem:$0x3FAE]  }
0x2e: {  	s3 =	simm.s32 @!p0 $0x1082;
	s9 =	sld [smem:$0x3FAF]  }
0x2f: {  	lr =	sadd.s32 s0, s3;
	s0 =	sld [smem:$0x3FA6]  }
0x30: {  	s3 =	sld [smem:$0x3FA9]  }
0x31: {  	[smem:$0x3FB2] =	sst s10  }
0x32: {  	s10 =	sld [smem:$0x3FB0];
	_ =	sdelay $0x3  }
0x33: {  	p0 =	seq.s32 s10, $0x1;
	s10 =	sld [smem:$0x3FB2];
	_ =	sdelay $0x3  }
0x34: {  	[smem:$0x3FB2] =	sst s10  }
0x35: {  	s10 =	sld [smem:$0x3FB1];
	_ =	sdelay $0x3  }
0x36: {  	p1 =	seq.s32 s10, $0x1;
	s10 =	sld [smem:$0x3FB2];
	_ =	sdelay $0x3  }
0x37: {  	[smem:$0x3FB2] =	sst s10  }
0x38: {  	s10 =	sld [smem:$0x3FB3]  }
0x39: {  	_ = 	snop;
	(pc) =	sbr.ind lr, $3  }
0x3a: {  	_ = 	snop  }
0x3b: {  	_ = 	snop  }
0x3c: {  	p2 =	seq.s32 s10, $0x1;
	s10 =	sld [smem:$0x3FB2]  }
0x3d: {  	_ =	shalt  }
0x3e: {  	_ =	shalt  }
0x3f: {  	_ =	shalt  }
0x40: {  	_ =	shalt  }
0x41: {  	_ =	shalt  }
0x42: {  	_ =	shalt  }
0x43: {  	_ =	shalt  }
0x44: {  	_ =	shalt  }
0x45: {  	_ =	shalt  }
0x46: {  	_ =	shalt  }
0x47: {  	_ =	shalt  }
0x48: {  	_ =	shalt  }
0x49: {  	_ =	shalt  }
0x4a: {  	_ =	shalt  }
0x4b: {  	_ =	shalt  }
0x4c: {  	_ =	shalt  }
0x4d: {  	_ =	shalt  }
0x4e: {  	_ =	shalt  }
0x4f: {  	_ =	shalt  }
0x50: {  	_ =	shalt  }
0x51: {  	_ =	shalt  }
0x52: {  	_ =	shalt  }
0x53: {  	_ =	shalt  }
0x54: {  	_ =	shalt  }
0x55: {  	_ =	shalt  }
0x56: {  	_ =	shalt  }
0x57: {  	_ =	shalt  }
0x58: {  	_ =	shalt  }
0x59: {  	_ =	shalt  }
0x5a: {  	_ =	shalt  }
0x5b: {  	_ =	shalt  }
0x5c: {  	_ =	shalt  }
0x5d: {  	_ =	shalt  }
0x5e: {  	_ =	shalt  }
0x5f: {  	_ =	shalt  }
0x60: {  	_ =	shalt  }
0x61: {  	_ =	shalt  }
0x62: {  	_ =	shalt  }
0x63: {  	_ =	shalt  }
0x64: {  	_ =	shalt  }
0x65: {  	_ =	shalt  }
0x66: {  	_ =	shalt  }
0x67: {  	_ =	shalt  }
0x68: {  	_ =	shalt  }
0x69: {  	_ =	shalt  }
0x6a: {  	_ =	shalt  }
0x6b: {  	_ =	shalt  }
0x6c: {  	_ =	shalt  }
0x6d: {  	_ =	shalt  }
0x6e: {  	_ =	shalt  }
0x6f: {  	_ =	shalt  }
0x70: {  	_ =	shalt  }
0x71: {  	_ =	shalt  }
0x72: {  	_ =	shalt  }
0x73: {  	_ =	shalt  }
0x74: {  	_ =	shalt  }
0x75: {  	_ =	shalt  }
0x76: {  	_ =	shalt  }
0x77: {  	_ =	shalt  }
0x78: {  	_ =	shalt  }
0x79: {  	_ =	shalt  }
0x7a: {  	_ =	shalt  }
0x7b: {  	_ =	shalt  }
0x7c: {  	_ =	shalt  }
0x7d: {  	_ =	shalt  }
0x7e: {  	_ =	shalt  }
0x7f: {  	_ =	shalt  }
0x80: {  	_ =	shalt  }
0x81: {  	_ =	shalt  }
0x82: {  	_ =	shalt  }
0x83: {  	_ =	shalt  }
0x84: {  	_ =	shalt  }
0x85: {  	_ =	shalt  }
0x86: {  	_ =	shalt  }
0x87: {  	_ =	shalt  }
.Lfunc_end0:
.L_simem_size_0:
called_computation.2_lowered:
.L_overlay_start_0:
0x88: {  	s2 =	sld [smem:$0x3FD9]  }
0x89: {  	s3 =	sld [smem:$0x3FFE];
	_ =	sdelay $0x1  }
0x8a: {  	s1 =	srdreg.scid  }
0x8b: {  	s0 =	sand.u32 $0x1, s1  }
0x8c: {  	s16 =	sshll.u32 s0, $0xA;
	s2 =	sadd.s32 s3, s2  }
0x8d: {  	s2 =	sadd.s32 s2, s16  }
0x8e: {  	[smem:$0x3FBE] =	sst s2  }
0x8f: {  	_ = 	snop  }
0x90: {  	(tm) =	ssettm $0x1  }
0x91: {  	s17 =	sld [smem:$0x3FFB];
	_ =	sdelay $0x3  }
0x92: {  	_ =	strace s17  }
0x93: {  	s2 =	sld [smem:$0x3FFC];
	_ =	sdelay $0x3  }
0x94: {  	_ =	strace s2  }
0x95: {  	s2 =	sld [smem:$0x3FFD];
	_ =	sdelay $0x3  }
0x96: {  	_ =	strace s2  }
0x97: {  	_ =	strace $0x8FFFFFFF  }
0x98: {  	s18 =	sld [smem:$0x3FDB];
	_ =	sdelay $0x1  }
0x99: {  	s19 =	simm.s32 $_scs_section_size  }
0x9a: {  	s4 =	simm.s32 $_size__tile_overlayer_lowered;
	s5 =	simm.s32 $_tile_overlayer_lowered  }
0x9b: {  	s22 =	simm.s32 $0x1BFF;
	s21 =	sshll.u32 s5, $0x1;
	s2 =	sadd.s32 s19, s18  }
0x9c: {  	s6 =	simm.s32 $0x0;
	s20 =	sshll.u32 s4, $0x1;
	s4 =	sadd.s32 s21, s2  }
0x9d: {  	[timem:s6], [sflag:s22] =	dma.local [hbm:s4], s20  }
0x9e: {  	_ =	swait.ge [sflag:s22], s20  }
0x9f: {  	s3 =	ssub.s32 $0x0, s20;
	[sflag:s22] =	ssyncset.done $0x0  }
0xa0: {  	[sflag:s22] =	ssyncadd.s32 s3;
	_ =	sdelay $0x1  }
0xa1: {  	s23 =	simm.s32 $0x1B8B  }
0xa2: {  	_ =	swait.ge [sflag:s23], $0x1  }
0xa3: {  	[sflag:s23] =	ssyncset.done $0x0  }
0xa4: {  	s25 =	simm.s32 $0x1B8E;
	s24 =	sld [smem:$0x3FFE];
	[sflag:s23] =	ssyncadd.s32 $0xFFFFFFFF  }
0xa5: {  	s26 =	simm.s32 $execute0_lowered;
	[smem:$0x3FD2] =	sst s25  }
0xa6: {  	s4 =	sshll.u32 s26, $0x1;
	_ =	strace $0x8000004C;
	[dreg:$0x1] =	wrdreg $0xFFFFFFFF  }
0xa7: {  	s28 =	simm.s32 $_size_execute0_lowered;
	s2 =	sadd.s32 s2, s4;
	[dreg:$0x0] =	wrdreg $0x0  }
0xa8: {  	s4 =	sshll.u32 s28, $0x1;
	[dreg:$0x2] =	wrdreg s2  }
0xa9: {  	[dreg:$0x3] =	wrdreg s4  }
0xaa: {  	[dreg:$0x4] =	wrdreg $0xC0  }
0xab: {  	_ =	task [dreg:s6], $0x5FFFF  }
0xac: {  	[dreg:$0x1] =	wrdreg $0xFFFFFFFF  }
0xad: {  	[dreg:$0x0] =	wrdreg $0x60  }
0xae: {  	[dreg:$0x2] =	wrdreg s24  }
0xaf: {  	[dreg:$0x3] =	wrdreg $0xF2200  }
0xb0: {  	[dreg:$0x4] =	wrdreg $0xA4000  }
0xb1: {  	[dreg:$0x5] =	wrdreg $0x9  }
0xb2: {  	_ =	task.clear_ibuf [dreg:s6], $0x6FFFF;
	_ =	strace $0x9000004C  }
0xb3: {  	s29 =	simm.s32 $0x9;
	_ =	strace $0x8000004E  }
0xb4: {  	_ =	swait.ge [sflag:s29], $0x1  }
0xb5: {  	[sflag:s29] =	ssyncadd.s32 $0xFFFFFFFF  }
0xb6: {  	_ =	strace $0x9000004E  }
0xb7: {  	_ =	sfence  }
0xb8: {  	s30 =	sld [smem:$0x0];
	_ =	sdelay $0x2  }
0xb9: {  	s31 =	sshll.u32 s1, $0xD;
	s1 =	sshrl.u32 s1, $0x2  }
0xba: {  	s3 =	sand.u32 $0x4000, s31;
	s1 =	sadd.s32 s1, s30  }
0xbb: {  	s0 =	sor.u32 s3, s0;
	s1 =	sshll.u32 s1, $0x11  }
0xbc: {  	s0 =	sor.u32 s1, s0  }
0xbd: {  	s0 =	sadd.s32 $0x8F2B, s0  }
0xbe: {  	[sflag:s0] =	ssyncadd.remote.s32 $0x1  }
0xbf: {  	_ =	sfence.sel $0xFFFF  }
0xc0: {  	[dreg:$0x0] =	wrdreg $0xFFFFFFFF;
	(pc) =	sbr.abs _section_cstart, $3  }
0xc1: {  	[dreg:$0x1] =	wrdreg $0xFFFFFFFF  }
0xc2: {  	_ =	task.clear_ibuf [dreg:s6], $0x2FFFF;
	_ =	strace $0x9FFFFFFF  }
0xc3: {  	(tm) =	ssettm $0x7FFFFFFF  }
tec
execute0_lowered:
.L_overlay_start_1:
0x0: {  	(tag) =	ssettag $0x1  }
0x1: {  	s0 =	rddreg [dreg:$0x0]  }
0x2: {  	s1 =	rddreg [dreg:$0x1]  }
0x3: {  	s3 =	rddreg [dreg:$0x2]  }
0x4: {  	s4 =	simm.s32 $0x0;
	s15 =	stileid.u32;
	s5 =	srdreg.scid  }
0x5: {  	s30 =	simm.s32 $0x5;
	s31 =	simm.s32 $0x80;
	[smem:$0x7FF] =	sst s4  }
0x6: {  	s2 =	smul.u32 $0x4E00, s15;
	s6 =	sadd.s32 $0x16800, s0;
	s8 =	sadd.s32 $0x1E00, s0  }
0x7: {  	s5 =	sand.u32 $0x1, s5;
	s9 =	sadd.s32 $0xBE00, s0;
	s12 =	smul.u32 $0x13800, s15  }
0x8: {  	s13 =	sadd.s32 $0x2A600, s0;
	s14 =	sadd.s32 $0x49200, s1;
	s25 =	smul.u32 $0x580, s15  }
0x9: {  	s17 =	smul.u32 $0x2400, s15;
	p1 =	seq.s32 s15, $0xF;
	s28 =	sadd.s32 $0x4C200, s3  }
0xa: {  	s29 =	sadd.s32 $0x4D200, s3;
	s15 =	simm.s32 $0x2;
	_ =	strace $0x8000004D  }
0xb: {  	s10 =	ssub.s32 $0x2, s5;
	p0 =	seq.s32 s5, $0x1;
	s5 =	smul.u32 $0x4E200, s5  }
0xc: {  	s7 =	sshrl.u32 s2, $0x3;
	s11 =	sshrl.u32 s10, $0x1;
	s24 =	sshrl.u32 s12, $0x2  }
0xd: {  	s19 =	sadd.s32 s6, s25;
	s12 =	sshrl.u32 s17, $0x3;
	s20 =	sadd.s32 s8, s25  }
0xe: {  	s17 =	simm.s32 $0x4;
	s7 =	sadd.s32 s7, s0;
	s10 =	ssub.s32 s10, s11  }
0xf: {  	s11 =	sadd.s32 s2, s1;
	s0 =	sadd.s32 $0x29A40, s0;
	[dreg:$0xa] =	wrdreg s19  }
0x10: {  	[dreg:$0xb] =	wrdreg s20;
	s21 =	sadd.s32 $0x5800, s12;
	s23 =	sadd.s32 s2, s5  }
0x11: {  	s5 =	sshrl.u32 s5, $0x3;
	s7 =	sadd.s32 $0x20800, s7;
	[dreg:$0x5] =	wrdreg s0  }
0x12: {  	s2 =	sadd.s32 s2, s3;
	s0 =	sadd.s32 s9, s25;
	[dreg:$0x4] =	wrdreg s7  }
0x13: {  	s12 =	simm.s32 $0x8400;
	s6 =	sadd.s32 s6, s21;
	[dreg:$0xc] =	wrdreg s0  }
0x14: {  	s22 =	sadd.s32 s8, s21;
	s25 =	sadd.s32 s13, s5;
	[dreg:$0xd] =	wrdreg s6  }
0x15: {  	s7 =	sadd.s32 s24, s3;
	[dreg:$0xe] =	wrdreg s22;
	s0 =	sadd.s32 s9, s21  }
0x16: {  	s24 =	sshrl.u32 s23, $0x3;
	s26 =	sadd.s32 $0x1000, s7;
	[dreg:$0xf] =	wrdreg s0  }
0x17: {  	s22 =	smax.u32 s10, $0x1;
	s16 =	sadd.s32 $0x2000, s7;
	[dreg:$0x6] =	wrdreg s26  }
0x18: {  	s23 =	sshrl.u32 @p1 s14, $0x3;
	s18 =	sadd.s32 $0x4000, s7;
	[dreg:$0x7] =	wrdreg s16  }
0x19: {  	s14 =	simm.s32 $0x9400;
	s0 =	sadd.s32 s13, s24;
	[dreg:$0x9] =	wrdreg s18  }
.Ltmp0:
0x1a: {  	s16 =	sadd.s32 $0x3000, s7;
	[dreg:$0x10] =	wrdreg s0;
	(pc) =	sbr.rel .LBB2_1-.Ltmp0, $4  }
0x1b: {  	s24 =	sshrl.u32 @!p1 s11, $0x3;
	s26 =	sadd.s32 $0x4A200, s3;
	[dreg:$0x8] =	wrdreg s16  }
0x1c: {  	s13 =	simm.s32 $0x1;
	s0 =	sadd.s32 $0x9240, s25;
	[dreg:$0x11] =	wrdreg s26  }
0x1d: {  	v1 =	vimm.s32 $0x0;
	vm0 =	vcmask $0x300;
	s18 =	sadd.s32 $0x49200, s3;
	s25 =	sshrl.u32 @!p1 s2, $0x3;
	[dreg:$0x12] =	wrdreg s0  }
0x1e: {  	v0 =	vimm.f32 $0.0e+00;
	v1 =	vsel vm0, $0x3, v1;
	s26 =	sadd.s32 $0x4B200, s3;
	s0 =	simm.s32 $0x5800;
	s16 =	simm.s32 $0x3  }
.LBB2_16:
0x1f: {  	_ =	swait.ge [sflag:s17], $0x1000  }
0x20: {  	[sflag:s17] =	ssyncset.done $0x0  }
0x21: {  	[sflag:s17] =	ssyncadd.s32 $0xFFFFF000  }
0x22: {  	[bflag:$0x0] =	sbarrier.arrive $0xFFFF  }
0x23: {  	s5 =	sshrl.u32 @p1 s18, $0x3;
	s6 =	simm.s32 @p1 $0x1FC5;
	s8 =	rddreg [dreg:$0x12]  }
0x24: {  	[hbm:s8], [sflag:s6] =	dma.local @p1 [spmem:s5], $0xA00  }
0x25: {  	s5 =	simm.s32 @p1 $0x5  }
0x26: {  	_ =	swait.ge @p1 [sflag:s5], $0xA00  }
0x27: {  	s4 =	sadd.s32 $0x1, s4;
	[sflag:s5] =	ssyncset.done @p1 $0x0  }
0x28: {  	p2 =	sne.s32 s4, s22;
	[sflag:s5] =	ssyncadd.s32 @p1 $0xFFFFF600;
	s5 =	rddreg [dreg:$0x10]  }
0x29: {  	[hbm:s5], [sflag:s2] =	dma.local @!p1 [spmem:s25], $0x9C0  }
.Ltmp1:
0x2a: {  	_ = 	snop;
	(pc) =	sbr.rel @!p2 .LBB2_17-.Ltmp1, $4  }
0x2b: {  	s2 =	simm.s32 @!p1 $0x5  }
0x2c: {  	_ =	swait.ge @!p1 [sflag:s2], $0x9C0  }
0x2d: {  	[sflag:s2] =	ssyncset.done @!p1 $0x0  }
0x2e: {  	[sflag:s2] =	ssyncadd.s32 @!p1 $0xFFFFF640  }
.LBB2_1:
0x2f: {  	s2 =	simm.s32 @p1 $0x1FC5;
	s5 =	rddreg [dreg:$0x5]  }
0x30: {  	[spmem:s23], [sflag:s2] =	dma.local @p1 [hbm:s5], $0xA00  }
0x31: {  	s2 =	simm.s32 @p1 $0x5  }
0x32: {  	s5 =	stileid.u32;
	_ =	swait.ge @p1 [sflag:s2], $0xA00  }
0x33: {  	s5 =	sshll.u32 @!p1 s5, $0x6;
	[sflag:s2] =	ssyncset.done @p1 $0x0  }
0x34: {  	[sflag:s2] =	ssyncadd.s32 @p1 $0xFFFFF600;
	s2 =	sor.u32 @!p1 $0x1C05, s5;
	s5 =	rddreg [dreg:$0x4]  }
0x35: {  	[spmem:s24], [sflag:s2] =	dma.local @!p1 [hbm:s5], $0x9C0  }
0x36: {  	s5 =	simm.s32 @!p1 $0x5  }
0x37: {  	_ =	swait.ge @!p1 [sflag:s5], $0x9C0  }
0x38: {  	[sflag:s5] =	ssyncset.done @!p1 $0x0  }
0x39: {  	s6 =	simm.s32 $0x0;
	[sflag:s5] =	ssyncadd.s32 @!p1 $0xFFFFF640;
	s5 =	simm.s32 $0x80  }
.LBB2_2:
0x3a: {  	p2 =	sne.s32 s5, $0x3F80;
	[tilespmem:s6+$0x8400] =	vst v0;
	s8 =	smov.u32 s5;
	s5 =	sadd.s32 $0x80, s5  }
.Ltmp2:
0x3b: {  	[tilespmem:s6+$0x8410] =	vst v0;
	(pc) =	sbr.rel @p2 .LBB2_2-.Ltmp2, $2  }
0x3c: {  	_ =	sdelay $0x2  }
0x3d: {  	s6 =	sshra.s32 s8, $0x2  }
0x3e: {  	[tilespmem:s6+$0x8400] =	vst v0  }
0x3f: {  	[tilespmem:s6+$0x8410] =	vst v0;
	s5 =	simm.s32 @p1 $0x8400;
	s6 =	simm.s32 @p1 $0x5  }
0x40: {  	[spmem:s18] =	stream.linear.scatter @p1 [tilespmem:s5], [sflag:$0x5], $0x1000, $0x38;
	[tilespmem:$0x14040] =	vst v63  }
0x41: {  	_ =	swait.ge @p1 [sflag:s6], $0x1000  }
0x42: {  	[sflag:s6] =	ssyncset.done @p1 $0x0  }
0x43: {  	s8 =	rddreg [dreg:$0x11];
	[sflag:s6] =	ssyncadd.s32 @p1 $0xFFFFF000  }
0x44: {  	[spmem:s8] =	stream.linear.scatter @p1 [tilespmem:s5], [sflag:$0x5], $0x1000, $0x38;
	[tilespmem:$0x14040] =	vst v63  }
0x45: {  	_ =	swait.ge @p1 [sflag:s6], $0x1000  }
0x46: {  	[sflag:s6] =	ssyncset.done @p1 $0x0  }
0x47: {  	[sflag:s6] =	ssyncadd.s32 @p1 $0xFFFFF000  }
0x48: {  	[spmem:s26] =	stream.linear.scatter @p1 [tilespmem:s5], [sflag:$0x5], $0x1000, $0x38;
	[tilespmem:$0x14040] =	vst v63  }
0x49: {  	_ =	swait.ge @p1 [sflag:s6], $0x1000  }
0x4a: {  	[sflag:s6] =	ssyncset.done @p1 $0x0  }
0x4b: {  	[sflag:s6] =	ssyncadd.s32 @p1 $0xFFFFF000  }
0x4c: {  	[spmem:s28] =	stream.linear.scatter @p1 [tilespmem:s5], [sflag:$0x5], $0x1000, $0x38;
	[tilespmem:$0x14040] =	vst v63  }
0x4d: {  	_ =	swait.ge @p1 [sflag:s6], $0x1000  }
0x4e: {  	[sflag:s6] =	ssyncset.done @p1 $0x0  }
0x4f: {  	[sflag:s6] =	ssyncadd.s32 @p1 $0xFFFFF000  }
0x50: {  	[spmem:s29] =	stream.linear.scatter @p1 [tilespmem:s5], [sflag:$0x5], $0x1000, $0x38;
	[tilespmem:$0x14040] =	vst v63  }
0x51: {  	_ =	swait.ge @p1 [sflag:s6], $0x1000  }
0x52: {  	[sflag:s6] =	ssyncset.done @p1 $0x0  }
0x53: {  	s5 =	simm.s32 @!p1 $0x8400;
	[sflag:s6] =	ssyncadd.s32 @p1 $0xFFFFF000;
	s6 =	simm.s32 @!p1 $0x5  }
0x54: {  	[spmem:s7] =	stream.linear.scatter @!p1 [tilespmem:s5], [sflag:$0x5], $0x1000, $0x38;
	[tilespmem:$0x14040] =	vst v63  }
0x55: {  	_ =	swait.ge @!p1 [sflag:s6], $0x1000  }
0x56: {  	[sflag:s6] =	ssyncset.done @!p1 $0x0  }
0x57: {  	s8 =	rddreg [dreg:$0x6];
	[sflag:s6] =	ssyncadd.s32 @!p1 $0xFFFFF000  }
0x58: {  	[spmem:s8] =	stream.linear.scatter @!p1 [tilespmem:s5], [sflag:$0x5], $0x1000, $0x38;
	[tilespmem:$0x14040] =	vst v63  }
0x59: {  	_ =	swait.ge @!p1 [sflag:s6], $0x1000  }
0x5a: {  	[sflag:s6] =	ssyncset.done @!p1 $0x0  }
0x5b: {  	s8 =	rddreg [dreg:$0x7];
	[sflag:s6] =	ssyncadd.s32 @!p1 $0xFFFFF000  }
0x5c: {  	[spmem:s8] =	stream.linear.scatter @!p1 [tilespmem:s5], [sflag:$0x5], $0x1000, $0x38;
	[tilespmem:$0x14040] =	vst v63  }
0x5d: {  	_ =	swait.ge @!p1 [sflag:s6], $0x1000  }
0x5e: {  	[sflag:s6] =	ssyncset.done @!p1 $0x0  }
0x5f: {  	s8 =	rddreg [dreg:$0x8];
	[sflag:s6] =	ssyncadd.s32 @!p1 $0xFFFFF000  }
0x60: {  	[spmem:s8] =	stream.linear.scatter @!p1 [tilespmem:s5], [sflag:$0x5], $0x1000, $0x38;
	[tilespmem:$0x14040] =	vst v63  }
0x61: {  	_ =	swait.ge @!p1 [sflag:s6], $0x1000  }
0x62: {  	[sflag:s6] =	ssyncset.done @!p1 $0x0  }
0x63: {  	s8 =	rddreg [dreg:$0x9];
	[sflag:s6] =	ssyncadd.s32 @!p1 $0xFFFFF000  }
0x64: {  	[spmem:s8] =	stream.linear.scatter @!p1 [tilespmem:s5], [sflag:$0x5], $0xE00, $0x38;
	[tilespmem:$0x14040] =	vst v63  }
.Ltmp3:
0x65: {  	_ =	swait.ge @!p1 [sflag:s6], $0xE00;
	(pc) =	sbr.rel @!p0 .LBB2_4-.Ltmp3, $4  }
0x66: {  	[sflag:s6] =	ssyncset.done @!p1 $0x0  }
0x67: {  	[sflag:s6] =	ssyncadd.s32 @!p1 $0xFFFFF200  }
0x68: {  	[bflag:$0x0] =	sbarrier.arrive $0xFFFF  }
0x69: {  	s5 =	simm.s32 $0x0  }
0x6a: {  	s6 =	rddreg [dreg:$0xd]  }
0x6b: {  	[tilespmem:s5], [sflag:$0x5] =	stream.linear.gather [hbm4b:s6+s5], $0x2400, $0x38;
	[tilespmem:$0x14040] =	vst v63  }
0x6c: {  	_ =	swait.ge [sflag:s30], $0x2400  }
0x6d: {  	[sflag:s30] =	ssyncset.done $0x0  }
0x6e: {  	s8 =	simm.s32 $0x2C00;
	s20 =	rddreg [dreg:$0xe];
	[sflag:s30] =	ssyncadd.s32 $0xFFFFDC00  }
0x6f: {  	[tilespmem:s8], [sflag:$0x5] =	stream.linear.gather [hbm4b:s20+s5], $0x2400, $0x38;
	[tilespmem:$0x14040] =	vst v63  }
0x70: {  	_ =	swait.ge [sflag:s30], $0x2400  }
0x71: {  	[sflag:s30] =	ssyncset.done $0x0  }
0x72: {  	s21 =	rddreg [dreg:$0xf];
	[sflag:s30] =	ssyncadd.s32 $0xFFFFDC00  }
0x73: {  	[tilespmem:s0], [sflag:$0x5] =	stream.linear.gather [hbm4b:s21+s5], $0x2400, $0x38;
	[tilespmem:$0x14040] =	vst v63  }
0x74: {  	_ =	swait.ge [sflag:s30], $0x2400  }
0x75: {  	[sflag:s30] =	ssyncset.done $0x0  }
0x76: {  	s6 =	simm.s32 $0x0;
	[sflag:s30] =	ssyncadd.s32 $0xFFFFDC00  }
0x77: {  	[tilespmem:s12], [sflag:$0x1] =	stream.indirect.gather [spmem:s1], $0x20, s5, s31, $0xb8;
	[tilespmem:$0x14040] =	vst v63  }
.LBB2_11:
0x78: {  	s8 =	sshll.u32 s6, $0x1;
	v10 =	vmov s5;
	s20 =	simm.s32 $0x1  }
0x79: {  	s10 =	simm.s32 $0x2;
	s21 =	simm.s32 $0x3;
	s11 =	simm.s32 $0x4;
	v10 =	vshrl.u32 v10, $0x3;
	v11 =	vmov s20  }
0x7a: {  	s9 =	sshll.u32 s8, $0x7;
	v12 =	vmov s10;
	v13 =	vmov s21;
	v14 =	vmov s11  }
0x7b: {  	_ =	swait.ge [sflag:s13], $0x1000;
	s11 =	simm.s32 $0x5;
	v3 =	vmov s9;
	v10 =	vshll.u32 v10, v1;
	v11 =	vshrl.u32 v11, $0x3  }
0x7c: {  	p2 =	seq.s32 s6, $0x0;
	[sflag:s13] =	ssyncset.done $0x0;
	v15 =	vmov s11;
	v4 =	vor.u32 $0x1, v3;
	v11 =	vshll.u32 v11, v1  }
0x7d: {  	s10 =	simm.s32 @!p2 $0x4;
	v12 =	vshrl.u32 v12, $0x3;
	v13 =	vshrl.u32 v13, $0x3;
	[sflag:s13] =	ssyncadd.s32 $0xFFFFF000;
	v11 =	vadd.s32 v11, v4  }
0x7e: {  	v14 =	vshrl.u32 v14, $0x3;
	s9 =	sor.u32 $0x1, s8;
	v6 =	vor.u32 $0x3, v3;
	_ =	swait.ge @!p2 [sflag:s10], $0x1000;
	v11 =	vbroadcast v11, $0x0  }
0x7f: {  	s20 =	simm.s32 $0x7;
	v7 =	vor.u32 $0x4, v3;
	v13 =	vshll.u32 v13, v1;
	v14 =	vshll.u32 v14, v1;
	s21 =	sshll.u32 s9, $0x9;
	[sflag:s10] =	ssyncset.done @!p2 $0x0  }
0x80: {  	v17 =	vmov s20;
	v13 =	vadd.s32 v13, v6;
	v14 =	vadd.s32 v14, v7;
	s8 =	sshrl.u32 s21, $0x2;
	[sflag:s10] =	ssyncadd.s32 @!p2 $0xFFFFF000;
	s10 =	simm.s32 $0x8480  }
0x81: {  	v13 =	vbroadcast v13, $0x0;
	v18 =	vbroadcast v14, $0x0;
	v14 =	vshrl.u32 v17, $0x3;
	[tilespmem:s14], [sflag:$0x2] =	stream.indirect.gather [spmem:s1], $0x20, s8, s31, $0xb8;
	[tilespmem:$0x14040] =	vst v63  }
0x82: {  	v5 =	vor.u32 $0x2, v3;
	v2 =	vor.u32 $0x7, v3;
	v14 =	vshll.u32 v14, v1;
	v24 =	vld [tilespmem:s10+$0xFFFFFF80]  }
0x83: {  	v8 =	vor.u32 $0x5, v3;
	v15 =	vshrl.u32 v15, $0x3;
	v14 =	vadd.s32 v14, v2;
	v27 =	vld [tilespmem:s10+$0xFFFFFF90]  }
0x84: {  	v10 =	vadd.s32 v3, v10;
	v12 =	vshll.u32 v12, v1;
	v19 =	vld.idx.msk [tilespmem:v11+s0+$0x0], $0xffff;
	v11 =	vbroadcast v14, $0x0  }
0x85: {  	v10 =	vbroadcast v10, $0x0;
	v15 =	vshll.u32 v15, v1;
	v12 =	vadd.s32 v12, v5;
	v28 =	vld [tilespmem:s10+$0xFFFFFFA0]  }
0x86: {  	s19 =	simm.s32 $0x6;
	v12 =	vbroadcast v12, $0x0;
	v15 =	vadd.s32 v15, v8;
	v29 =	vld [tilespmem:s10+$0xFFFFFFB0]  }
0x87: {  	v16 =	vmov s19;
	s21 =	simm.s32 $0xA;
	v15 =	vbroadcast v15, $0x0;
	v14 =	vld.idx.msk [tilespmem:v13+s0+$0x0], $0xffff  }
0x88: {  	v16 =	vshrl.u32 v16, $0x3;
	v21 =	vmov s21;
	s21 =	simm.s32 $0xE;
	v13 =	vld.idx.msk [tilespmem:v18+s0+$0x0], $0xffff  }
0x89: {  	v9 =	vor.u32 $0x6, v3;
	v16 =	vshll.u32 v16, v1;
	v26 =	vmov s21;
	v18 =	vld [tilespmem:s10+$0x70]  }
0x8a: {  	s20 =	simm.s32 $0x9;
	v16 =	vadd.s32 v16, v9;
	v21 =	vshrl.u32 v21, $0x3;
	v26 =	vshrl.u32 v26, $0x3;
	v11 =	vld.idx.msk [tilespmem:v11+s0+$0x0], $0xffff  }
0x8b: {  	v26 =	vshll.u32 v26, v1;
	v17 =	vld.idx.msk [tilespmem:v10+s0+$0x0], $0xffff;
	v10 =	vbroadcast v16, $0x0;
	v16 =	vmov s20;
	s20 =	simm.s32 $0xC  }
0x8c: {  	s19 =	simm.s32 $0x8;
	v26 =	vadd.s32 v26, v9;
	v20 =	vld.idx.msk [tilespmem:v12+s0+$0x0], $0xffff;
	v23 =	vmov s20;
	s20 =	simm.s32 $0xD;
	v16 =	vshrl.u32 v16, $0x3  }
0x8d: {  	v12 =	vld.idx.msk [tilespmem:v15+s0+$0x0], $0xffff;
	v15 =	vmov s19;
	s19 =	simm.s32 $0xB;
	v25 =	vmov s20;
	v23 =	vshrl.u32 v23, $0x3  }
0x8e: {  	v31 =	vld [tilespmem:s10+$0xFFFFFFC0];
	v30 =	vshll.u32 v16, v1;
	v15 =	vshrl.u32 v15, $0x3;
	v22 =	vmov s19  }
0x8f: {  	v32 =	vld [tilespmem:s10+$0xFFFFFFE0];
	v23 =	vshll.u32 v23, v1;
	v22 =	vshrl.u32 v22, $0x3;
	v16 =	vmul.f32 v18, v11  }
0x90: {  	v18 =	vshll.u32 v21, v1;
	v21 =	vshll.u32 v22, v1;
	v22 =	vmul.f32 v24, v17;
	v24 =	vld [tilespmem:s10+$0xFFFFFFD0]  }
0x91: {  	v25 =	vshrl.u32 v25, $0x3;
	v15 =	vshll.u32 v15, v1;
	v10 =	vld.idx.msk [tilespmem:v10+s0+$0x0], $0xffff;
	v17 =	vmul.f32 v27, v17;
	[tilespmem:s10+$0x70] =	vst v16  }
0x92: {  	v25 =	vshll.u32 v25, v1;
	v15 =	vadd.s32 v3, v15;
	[tilespmem:s10+$0xFFFFFF80] =	vst v22;
	v22 =	vmul.f32 v28, v19;
	v16 =	vld [tilespmem:s10+$0xFFFFFFF0]  }
0x93: {  	v23 =	vadd.s32 v23, v7;
	v15 =	vbroadcast v15, $0x0;
	[tilespmem:s10+$0xFFFFFF90] =	vst v17;
	v19 =	vmul.f32 v29, v19;
	v17 =	vld [tilespmem:s10+$0x0]  }
0x94: {  	v28 =	vadd.s32 v30, v4;
	v30 =	vadd.s32 v18, v5;
	v29 =	vmul.f32 v31, v20;
	v18 =	vld [tilespmem:s10+$0x10];
	[tilespmem:s10+$0xFFFFFFA0] =	vst v22  }
0x95: {  	v27 =	vadd.s32 v21, v6;
	v21 =	vbroadcast v28, $0x0;
	[tilespmem:s10+$0xFFFFFFB0] =	vst v19;
	v19 =	vld [tilespmem:s10+$0x20];
	v24 =	vmul.f32 v24, v20  }
0x96: {  	s11 =	simm.s32 $0x10;
	s19 =	simm.s32 $0xF;
	v25 =	vadd.s32 v25, v8;
	v28 =	vmul.f32 v32, v14;
	v22 =	vbroadcast v30, $0x0;
	[tilespmem:s10+$0xFFFFFFC0] =	vst v29;
	v20 =	vld [tilespmem:s10+$0x30]  }
.LBB2_12:
0x97: {  	p2 =	slt.u32 s11, $0x78;
	v27 =	vbroadcast v27, $0x0;
	v29 =	vmov s19;
	[tilespmem:s10+$0xFFFFFFD0] =	vst v24;
	v14 =	vmul.f32 v16, v14;
	v16 =	vld [tilespmem:s10+$0x40]  }
0x98: {  	v23 =	vbroadcast v23, $0x0;
	v24 =	vshrl.u32 v29, $0x3;
	[tilespmem:s10+$0xFFFFFFE0] =	vst v28;
	v17 =	vmul.f32 v17, v13;
	v28 =	vld [tilespmem:s10+$0x50]  }
0x99: {  	v25 =	vbroadcast v25, $0x0;
	v24 =	vshll.u32 v24, v1;
	[tilespmem:s10+$0xFFFFFFF0] =	vst v14;
	v13 =	vmul.f32 v18, v13;
	v18 =	vld [tilespmem:s10+$0x60]  }
0x9a: {  	v26 =	vbroadcast v26, $0x0;
	v15 =	vld.idx.msk [tilespmem:v15+s0+$0x0], $0xffff;
	v14 =	vadd.s32 v24, v2;
	[tilespmem:s10+$0x0] =	vst v17;
	v17 =	vmul.f32 v19, v12  }
0x9b: {  	v19 =	vld.idx.msk [tilespmem:v21+s0+$0x0], $0xffff;
	v21 =	vbroadcast v14, $0x0;
	[tilespmem:s10+$0x10] =	vst v13;
	v12 =	vmul.f32 v20, v12  }
0x9c: {  	v20 =	vld.idx.msk [tilespmem:v22+s0+$0x0], $0xffff;
	[tilespmem:s10+$0x20] =	vst v17;
	v16 =	vmul.f32 v16, v10  }
0x9d: {  	v14 =	vld.idx.msk [tilespmem:v27+s0+$0x0], $0xffff;
	[tilespmem:s10+$0x30] =	vst v12;
	v10 =	vmul.f32 v28, v10  }
0x9e: {  	v13 =	vld.idx.msk [tilespmem:v23+s0+$0x0], $0xffff;
	[tilespmem:s10+$0x40] =	vst v16;
	v11 =	vmul.f32 v18, v11  }
0x9f: {  	v12 =	vld.idx.msk [tilespmem:v25+s0+$0x0], $0xffff;
	[tilespmem:s10+$0x50] =	vst v10  }
0xa0: {  	v10 =	vld.idx.msk [tilespmem:v26+s0+$0x0], $0xffff;
	[tilespmem:s10+$0x60] =	vst v11  }
0xa1: {  	s19 =	sadd.s32 $0x1, s11;
	v16 =	vmov s11;
	s10 =	sadd.s32 $0x100, s10;
	v11 =	vld.idx.msk [tilespmem:v21+s0+$0x0], $0xffff  }
0xa2: {  	s20 =	sadd.s32 $0x3, s11;
	s21 =	sadd.s32 $0x4, s11;
	v17 =	vmov s19;
	s19 =	sadd.s32 $0x2, s11;
	v16 =	vshrl.u32 v16, $0x3;
	v18 =	vld [tilespmem:s10+$0x70]  }
0xa3: {  	v22 =	vmov s20;
	s20 =	sadd.s32 $0x6, s11;
	v23 =	vmov s21;
	v21 =	vmov s19;
	s19 =	sadd.s32 $0x5, s11;
	v24 =	vld [tilespmem:s10+$0xFFFFFF80]  }
0xa4: {  	v16 =	vshll.u32 v16, v1;
	v26 =	vmov s20;
	v25 =	vmov s19;
	v27 =	vld [tilespmem:s10+$0xFFFFFF90]  }
0xa5: {  	v17 =	vshrl.u32 v17, $0x3;
	v22 =	vshrl.u32 v22, $0x3;
	v21 =	vshrl.u32 v21, $0x3;
	v28 =	vld [tilespmem:s10+$0xFFFFFFA0]  }
0xa6: {  	v23 =	vshrl.u32 v23, $0x3;
	v26 =	vshrl.u32 v26, $0x3;
	v25 =	vshrl.u32 v25, $0x3;
	v29 =	vld [tilespmem:s10+$0xFFFFFFB0]  }
0xa7: {  	v17 =	vshll.u32 v17, v1;
	v16 =	vadd.s32 v3, v16;
	v30 =	vld [tilespmem:s10+$0xFFFFFFC0];
	v18 =	vmul.f32 v18, v11  }
0xa8: {  	v22 =	vshll.u32 v22, v1;
	v21 =	vshll.u32 v21, v1;
	v24 =	vmul.f32 v24, v15;
	v31 =	vld [tilespmem:s10+$0xFFFFFFD0]  }
0xa9: {  	v23 =	vshll.u32 v23, v1;
	v25 =	vshll.u32 v25, v1;
	v27 =	vmul.f32 v27, v15;
	v32 =	vld [tilespmem:s10+$0xFFFFFFE0];
	[tilespmem:s10+$0x70] =	vst v18  }
.Ltmp4:
0xaa: {  	v26 =	vshll.u32 v26, v1;
	v15 =	vbroadcast v16, $0x0;
	[tilespmem:s10+$0xFFFFFF80] =	vst v24;
	v18 =	vmul.f32 v28, v19;
	v16 =	vld [tilespmem:s10+$0xFFFFFFF0];
	(pc) =	sbr.rel @p2 .LBB2_12-.Ltmp4, $4  }
0xab: {  	v24 =	vadd.s32 v17, v4;
	v28 =	vadd.s32 v21, v5;
	[tilespmem:s10+$0xFFFFFF90] =	vst v27;
	v19 =	vmul.f32 v29, v19;
	v17 =	vld [tilespmem:s10+$0x0]  }
0xac: {  	v23 =	vadd.s32 v23, v7;
	v27 =	vadd.s32 v22, v6;
	[tilespmem:s10+$0xFFFFFFA0] =	vst v18;
	v29 =	vmul.f32 v30, v20;
	v18 =	vld [tilespmem:s10+$0x10]  }
0xad: {  	v25 =	vadd.s32 v25, v8;
	v21 =	vbroadcast v24, $0x0;
	[tilespmem:s10+$0xFFFFFFB0] =	vst v19;
	v24 =	vmul.f32 v31, v20;
	v19 =	vld [tilespmem:s10+$0x20]  }
0xae: {  	s19 =	sadd.s32 $0x7, s11;
	s11 =	sadd.s32 $0x8, s11;
	v26 =	vadd.s32 v26, v9;
	v22 =	vbroadcast v28, $0x0;
	[tilespmem:s10+$0xFFFFFFC0] =	vst v29;
	v28 =	vmul.f32 v32, v14;
	v20 =	vld [tilespmem:s10+$0x30]  }
0xaf: {  	_ = 	snop  }
0xb0: {  	v3 =	vbroadcast v27, $0x0;
	v4 =	vmov s19;
	v5 =	vld [tilespmem:s10+$0x40]  }
0xb1: {  	v6 =	vbroadcast v23, $0x0;
	v7 =	vld [tilespmem:s10+$0x50];
	v4 =	vshrl.u32 v4, $0x3  }
0xb2: {  	v8 =	vbroadcast v25, $0x0;
	v9 =	vld [tilespmem:s10+$0x60];
	v4 =	vshll.u32 v4, v1  }
0xb3: {  	v15 =	vld.idx.msk [tilespmem:v15+s0+$0x0], $0xffff;
	v23 =	vbroadcast v26, $0x0;
	v2 =	vadd.s32 v4, v2  }
0xb4: {  	v4 =	vld.idx.msk [tilespmem:v21+s0+$0x0], $0xffff;
	v2 =	vbroadcast v2, $0x0  }
0xb5: {  	v21 =	vld.idx.msk [tilespmem:v22+s0+$0x0], $0xffff  }
0xb6: {  	v3 =	vld.idx.msk [tilespmem:v3+s0+$0x0], $0xffff  }
0xb7: {  	v6 =	vld.idx.msk [tilespmem:v6+s0+$0x0], $0xffff  }
0xb8: {  	v5 =	vmul.f32 v5, v10;
	v8 =	vld.idx.msk [tilespmem:v8+s0+$0x0], $0xffff  }
0xb9: {  	[tilespmem:s10+$0xFFFFFFD0] =	vst v24;
	v22 =	vld.idx.msk [tilespmem:v23+s0+$0x0], $0xffff  }
0xba: {  	s11 =	sadd.s32 $0x100, s10;
	[tilespmem:s10+$0x40] =	vst v5;
	v5 =	vmul.f32 v9, v11;
	v23 =	vld.idx.msk [tilespmem:v2+s0+$0x0], $0xffff  }
0xbb: {  	[tilespmem:s10+$0xFFFFFFE0] =	vst v28;
	v2 =	vmul.f32 v16, v14;
	v16 =	vmul.f32 v17, v13;
	v17 =	vld [tilespmem:s11+$0xFFFFFF80]  }
0xbc: {  	v9 =	vld [tilespmem:s11+$0xFFFFFFE0];
	[tilespmem:s10+$0x60] =	vst v5  }
0xbd: {  	[tilespmem:s10+$0xFFFFFFF0] =	vst v2;
	v2 =	vmul.f32 v18, v13;
	v13 =	vld [tilespmem:s11+$0xFFFFFF90]  }
0xbe: {  	[tilespmem:s10+$0x0] =	vst v16;
	v16 =	vmul.f32 v19, v12;
	v18 =	vld [tilespmem:s11+$0xFFFFFFA0]  }
0xbf: {  	v14 =	vld [tilespmem:s11+$0x70];
	[tilespmem:s10+$0x10] =	vst v2;
	v2 =	vmul.f32 v20, v12  }
0xc0: {  	v12 =	vld [tilespmem:s11+$0xFFFFFFB0];
	[tilespmem:s10+$0x20] =	vst v16;
	v5 =	vmul.f32 v17, v15  }
0xc1: {  	v16 =	vld [tilespmem:s11+$0xFFFFFFC0];
	[tilespmem:s10+$0x30] =	vst v2;
	v2 =	vmul.f32 v7, v10  }
0xc2: {  	v7 =	vld [tilespmem:s11+$0xFFFFFFD0];
	v13 =	vmul.f32 v13, v15;
	[tilespmem:s11+$0xFFFFFF80] =	vst v5  }
0xc3: {  	v11 =	vld [tilespmem:s11+$0x0];
	v5 =	vmul.f32 v18, v4;
	[tilespmem:s10+$0x50] =	vst v2  }
0xc4: {  	v10 =	vld [tilespmem:s11+$0xFFFFFFF0];
	v2 =	vmul.f32 v14, v23;
	[tilespmem:s11+$0xFFFFFF90] =	vst v13  }
0xc5: {  	v14 =	vld [tilespmem:s11+$0x20];
	v4 =	vmul.f32 v12, v4;
	[tilespmem:s11+$0xFFFFFFA0] =	vst v5  }
0xc6: {  	v12 =	vld [tilespmem:s11+$0x30];
	v5 =	vmul.f32 v16, v21;
	[tilespmem:s11+$0x70] =	vst v2  }
0xc7: {  	v13 =	vld [tilespmem:s11+$0x40];
	[tilespmem:s11+$0xFFFFFFB0] =	vst v4;
	v4 =	vmul.f32 v7, v21  }
0xc8: {  	v2 =	vld [tilespmem:s11+$0x10];
	[tilespmem:s11+$0xFFFFFFC0] =	vst v5;
	v5 =	vmul.f32 v9, v3  }
0xc9: {  	v7 =	vld [tilespmem:s11+$0x50];
	v3 =	vmul.f32 v10, v3;
	[tilespmem:s11+$0xFFFFFFD0] =	vst v4  }
0xca: {  	v9 =	vld [tilespmem:s11+$0x60];
	[tilespmem:s11+$0xFFFFFFE0] =	vst v5;
	v4 =	vmul.f32 v11, v6  }
0xcb: {  	[tilespmem:s11+$0xFFFFFFF0] =	vst v3;
	v3 =	vmul.f32 v14, v8  }
0xcc: {  	s10 =	simm.s32 $0x2;
	v10 =	vmul.f32 v12, v8;
	[tilespmem:s11+$0x0] =	vst v4  }
0xcd: {  	s9 =	sshll.u32 s9, $0x7;
	v14 =	vmov s10;
	v11 =	vmul.f32 v13, v22;
	[tilespmem:s11+$0x20] =	vst v3  }
0xce: {  	v14 =	vshrl.u32 v14, $0x3;
	v5 =	vmul.f32 v2, v6;
	v2 =	vmov s9;
	[tilespmem:s11+$0x30] =	vst v10  }
0xcf: {  	s19 =	simm.s32 $0x0;
	v14 =	vshll.u32 v14, v1;
	v12 =	vmul.f32 v7, v22;
	v13 =	vmul.f32 v9, v23;
	[tilespmem:s11+$0x40] =	vst v11  }
0xd0: {  	s20 =	simm.s32 $0x1;
	v4 =	vor.u32 $0x1, v2;
	v6 =	vor.u32 $0x3, v2;
	v10 =	vmov s19;
	s19 =	sshll.u32 s6, $0xA;
	[tilespmem:s11+$0x10] =	vst v5  }
0xd1: {  	v7 =	vor.u32 $0x4, v2;
	v8 =	vor.u32 $0x5, v2;
	v11 =	vmov s20;
	s20 =	simm.s32 $0x4;
	s10 =	sshrl.u32 s19, $0x2;
	[tilespmem:s11+$0x50] =	vst v12  }
0xd2: {  	s21 =	simm.s32 $0x3;
	v5 =	vor.u32 $0x2, v2;
	v10 =	vshrl.u32 v10, $0x3;
	v15 =	vmov s20;
	s20 =	simm.s32 $0x5;
	[tilespmem:s11+$0x60] =	vst v13;
	s10 =	sadd.s32 $0x2C00, s10  }
0xd3: {  	v11 =	vshrl.u32 v11, $0x3;
	v12 =	vmov s21;
	v10 =	vshll.u32 v10, v1;
	[spmem:s3] =	stream.indirect.scatter.add.f32 [tilespmem:s12], [sflag:$0x3], $0x20, s10, s31, $0xb8;
	[tilespmem:$0x14040] =	vst v63  }
0xd4: {  	v13 =	vmov s20;
	v11 =	vshll.u32 v11, v1;
	v10 =	vadd.s32 v2, v10;
	_ =	swait.ge [sflag:s15], $0x1000  }
0xd5: {  	v15 =	vshrl.u32 v15, $0x3;
	v11 =	vadd.s32 v11, v4;
	v10 =	vbroadcast v10, $0x0;
	[sflag:s15] =	ssyncset.done $0x0  }
0xd6: {  	v14 =	vadd.s32 v14, v5;
	v15 =	vshll.u32 v15, v1;
	v11 =	vbroadcast v11, $0x0;
	[sflag:s15] =	ssyncadd.s32 $0xFFFFF000  }
0xd7: {  	p2 =	seq.s32 s6, $0x23;
	s20 =	simm.s32 $0x7;
	v12 =	vshrl.u32 v12, $0x3;
	v14 =	vbroadcast v14, $0x0;
	v15 =	vadd.s32 v15, v7;
	_ =	swait.ge [sflag:s16], $0x1000  }
0xd8: {  	s11 =	simm.s32 @!p2 $0x8400;
	v13 =	vshrl.u32 v13, $0x3;
	s10 =	sshrl.u32 @!p2 s19, $0x2;
	v12 =	vshll.u32 v12, v1;
	v15 =	vbroadcast v15, $0x0;
	[sflag:s16] =	ssyncset.done $0x0  }
0xd9: {  	v17 =	vmov s20;
	v13 =	vshll.u32 v13, v1;
	s9 =	sadd.s32 @!p2 $0x100, s10;
	s10 =	simm.s32 @!p2 $0x80;
	v12 =	vadd.s32 v12, v6;
	[sflag:s16] =	ssyncadd.s32 $0xFFFFF000  }
0xda: {  	v17 =	vshrl.u32 v17, $0x3;
	v13 =	vadd.s32 v13, v8;
	v12 =	vbroadcast v12, $0x0;
	[tilespmem:s11], [sflag:$0x1] =	stream.indirect.gather @!p2 [spmem:s1], $0x20, s9, s10, $0xb8;
	[tilespmem:$0x14040] =	vst v63  }
0xdb: {  	v3 =	vor.u32 $0x7, v2;
	v18 =	vbroadcast v13, $0x0;
	v13 =	vshll.u32 v17, v1;
	v17 =	vld.idx.msk [tilespmem:v10+s0+$0x0], $0xffff  }
0xdc: {  	v13 =	vadd.s32 v13, v3;
	v19 =	vld.idx.msk [tilespmem:v11+s0+$0x0], $0xffff  }
0xdd: {  	v11 =	vbroadcast v13, $0x0;
	v21 =	vld.idx.msk [tilespmem:v14+s0+$0x0], $0xffff  }
0xde: {  	s9 =	simm.s32 $0x9480;
	v13 =	vld.idx.msk [tilespmem:v15+s0+$0x0], $0xffff  }
0xdf: {  	s21 =	simm.s32 $0x6;
	v24 =	vld [tilespmem:s9+$0xFFFFFF80]  }
0xe0: {  	v16 =	vmov s21;
	s20 =	simm.s32 $0xB;
	v14 =	vld.idx.msk [tilespmem:v12+s0+$0x0], $0xffff  }
0xe1: {  	v16 =	vshrl.u32 v16, $0x3;
	v22 =	vmov s20;
	s20 =	simm.s32 $0xD;
	v12 =	vld.idx.msk [tilespmem:v18+s0+$0x0], $0xffff  }
0xe2: {  	v9 =	vor.u32 $0x6, v2;
	s19 =	simm.s32 $0xA;
	v16 =	vshll.u32 v16, v1;
	v25 =	vmov s20;
	v18 =	vld [tilespmem:s9+$0x70]  }
0xe3: {  	v20 =	vmov s19;
	v16 =	vadd.s32 v16, v9;
	v25 =	vshrl.u32 v25, $0x3;
	v11 =	vld.idx.msk [tilespmem:v11+s0+$0x0], $0xffff  }
0xe4: {  	s21 =	simm.s32 $0x8;
	v20 =	vshrl.u32 v20, $0x3;
	v25 =	vshll.u32 v25, v1;
	v10 =	vbroadcast v16, $0x0;
	v27 =	vld [tilespmem:s9+$0xFFFFFF90]  }
0xe5: {  	v22 =	vshrl.u32 v22, $0x3;
	v25 =	vadd.s32 v25, v8;
	s11 =	simm.s32 $0x9;
	v15 =	vmov s21;
	s21 =	simm.s32 $0xC;
	v28 =	vld [tilespmem:s9+$0xFFFFFFA0]  }
0xe6: {  	v16 =	vmov s11;
	v29 =	vld [tilespmem:s9+$0xFFFFFFB0];
	v15 =	vshrl.u32 v15, $0x3;
	v23 =	vmov s21;
	s21 =	simm.s32 $0xE  }
0xe7: {  	v31 =	vld [tilespmem:s9+$0xFFFFFFC0];
	v16 =	vshrl.u32 v16, $0x3;
	v15 =	vshll.u32 v15, v1;
	v26 =	vmov s21  }
0xe8: {  	v32 =	vld [tilespmem:s9+$0xFFFFFFE0];
	v23 =	vshrl.u32 v23, $0x3;
	v30 =	vshll.u32 v16, v1;
	v16 =	vmul.f32 v18, v11  }
0xe9: {  	v18 =	vshll.u32 v20, v1;
	v20 =	vshll.u32 v22, v1;
	v22 =	vmul.f32 v24, v17;
	v24 =	vld [tilespmem:s9+$0xFFFFFFD0]  }
0xea: {  	v26 =	vshrl.u32 v26, $0x3;
	v15 =	vadd.s32 v2, v15;
	v10 =	vld.idx.msk [tilespmem:v10+s0+$0x0], $0xffff;
	v17 =	vmul.f32 v27, v17;
	[tilespmem:s9+$0x70] =	vst v16  }
0xeb: {  	v23 =	vshll.u32 v23, v1;
	v15 =	vbroadcast v15, $0x0;
	[tilespmem:s9+$0xFFFFFF80] =	vst v22;
	v22 =	vmul.f32 v28, v19;
	v16 =	vld [tilespmem:s9+$0xFFFFFFF0]  }
0xec: {  	v33 =	vshll.u32 v26, v1;
	v26 =	vadd.s32 v30, v4;
	[tilespmem:s9+$0xFFFFFF90] =	vst v17;
	v19 =	vmul.f32 v29, v19;
	v17 =	vld [tilespmem:s9+$0x0]  }
0xed: {  	v23 =	vadd.s32 v23, v7;
	v28 =	vadd.s32 v18, v5;
	v29 =	vmul.f32 v31, v21;
	v18 =	vld [tilespmem:s9+$0x10];
	[tilespmem:s9+$0xFFFFFFA0] =	vst v22  }
0xee: {  	v27 =	vadd.s32 v20, v6;
	v20 =	vbroadcast v26, $0x0;
	[tilespmem:s9+$0xFFFFFFB0] =	vst v19;
	v19 =	vld [tilespmem:s9+$0x20];
	v26 =	vmul.f32 v24, v21  }
0xef: {  	s10 =	simm.s32 $0x10;
	s11 =	simm.s32 $0xF;
	v22 =	vbroadcast v28, $0x0;
	[tilespmem:s9+$0xFFFFFFC0] =	vst v29;
	v28 =	vmul.f32 v32, v14;
	v24 =	vadd.s32 v33, v9;
	v21 =	vld [tilespmem:s9+$0x30]  }
.LBB2_14:
0xf0: {  	p2 =	slt.u32 s10, $0x78;
	v27 =	vbroadcast v27, $0x0;
	v29 =	vmov s11;
	[tilespmem:s9+$0xFFFFFFD0] =	vst v26;
	v14 =	vmul.f32 v16, v14;
	v16 =	vld [tilespmem:s9+$0x40]  }
0xf1: {  	v23 =	vbroadcast v23, $0x0;
	v26 =	vshrl.u32 v29, $0x3;
	[tilespmem:s9+$0xFFFFFFE0] =	vst v28;
	v17 =	vmul.f32 v17, v13;
	v28 =	vld [tilespmem:s9+$0x50]  }
0xf2: {  	v25 =	vbroadcast v25, $0x0;
	v26 =	vshll.u32 v26, v1;
	[tilespmem:s9+$0xFFFFFFF0] =	vst v14;
	v13 =	vmul.f32 v18, v13;
	v18 =	vld [tilespmem:s9+$0x60]  }
0xf3: {  	v24 =	vbroadcast v24, $0x0;
	v15 =	vld.idx.msk [tilespmem:v15+s0+$0x0], $0xffff;
	v14 =	vadd.s32 v26, v3;
	[tilespmem:s9+$0x0] =	vst v17;
	v17 =	vmul.f32 v19, v12  }
0xf4: {  	v19 =	vld.idx.msk [tilespmem:v20+s0+$0x0], $0xffff;
	v20 =	vbroadcast v14, $0x0;
	[tilespmem:s9+$0x10] =	vst v13;
	v12 =	vmul.f32 v21, v12  }
0xf5: {  	v21 =	vld.idx.msk [tilespmem:v22+s0+$0x0], $0xffff;
	[tilespmem:s9+$0x20] =	vst v17;
	v16 =	vmul.f32 v16, v10  }
0xf6: {  	v14 =	vld.idx.msk [tilespmem:v27+s0+$0x0], $0xffff;
	[tilespmem:s9+$0x30] =	vst v12;
	v10 =	vmul.f32 v28, v10  }
0xf7: {  	v13 =	vld.idx.msk [tilespmem:v23+s0+$0x0], $0xffff;
	[tilespmem:s9+$0x40] =	vst v16;
	v11 =	vmul.f32 v18, v11  }
0xf8: {  	v12 =	vld.idx.msk [tilespmem:v25+s0+$0x0], $0xffff;
	[tilespmem:s9+$0x50] =	vst v10  }
0xf9: {  	v10 =	vld.idx.msk [tilespmem:v24+s0+$0x0], $0xffff;
	[tilespmem:s9+$0x60] =	vst v11  }
0xfa: {  	s11 =	sadd.s32 $0x1, s10;
	v16 =	vmov s10;
	s9 =	sadd.s32 $0x100, s9;
	v11 =	vld.idx.msk [tilespmem:v20+s0+$0x0], $0xffff  }
0xfb: {  	s19 =	sadd.s32 $0x3, s10;
	s20 =	sadd.s32 $0x4, s10;
	v17 =	vmov s11;
	s11 =	sadd.s32 $0x2, s10;
	v16 =	vshrl.u32 v16, $0x3;
	v18 =	vld [tilespmem:s9+$0x70]  }
0xfc: {  	v22 =	vmov s19;
	s19 =	sadd.s32 $0x6, s10;
	v23 =	vmov s20;
	v20 =	vmov s11;
	s11 =	sadd.s32 $0x5, s10;
	v24 =	vld [tilespmem:s9+$0xFFFFFF80]  }
0xfd: {  	v26 =	vmov s19;
	v16 =	vshll.u32 v16, v1;
	v25 =	vmov s11;
	v27 =	vld [tilespmem:s9+$0xFFFFFF90]  }
0xfe: {  	v17 =	vshrl.u32 v17, $0x3;
	v22 =	vshrl.u32 v22, $0x3;
	v20 =	vshrl.u32 v20, $0x3;
	v28 =	vld [tilespmem:s9+$0xFFFFFFA0]  }
0xff: {  	v26 =	vshrl.u32 v26, $0x3;
	v23 =	vshrl.u32 v23, $0x3;
	v25 =	vshrl.u32 v25, $0x3;
	v29 =	vld [tilespmem:s9+$0xFFFFFFB0]  }
0x100: {  	v17 =	vshll.u32 v17, v1;
	v16 =	vadd.s32 v2, v16;
	v30 =	vld [tilespmem:s9+$0xFFFFFFC0];
	v18 =	vmul.f32 v18, v11  }
0x101: {  	v22 =	vshll.u32 v22, v1;
	v20 =	vshll.u32 v20, v1;
	v24 =	vmul.f32 v24, v15;
	v31 =	vld [tilespmem:s9+$0xFFFFFFD0]  }
0x102: {  	v23 =	vshll.u32 v23, v1;
	v25 =	vshll.u32 v25, v1;
	v27 =	vmul.f32 v27, v15;
	v32 =	vld [tilespmem:s9+$0xFFFFFFE0];
	[tilespmem:s9+$0x70] =	vst v18  }
.Ltmp5:
0x103: {  	v33 =	vshll.u32 v26, v1;
	v15 =	vbroadcast v16, $0x0;
	[tilespmem:s9+$0xFFFFFF80] =	vst v24;
	v18 =	vmul.f32 v28, v19;
	v16 =	vld [tilespmem:s9+$0xFFFFFFF0];
	(pc) =	sbr.rel @p2 .LBB2_14-.Ltmp5, $4  }
0x104: {  	v24 =	vadd.s32 v17, v4;
	v28 =	vadd.s32 v20, v5;
	[tilespmem:s9+$0xFFFFFF90] =	vst v27;
	v19 =	vmul.f32 v29, v19;
	v17 =	vld [tilespmem:s9+$0x0]  }
0x105: {  	v23 =	vadd.s32 v23, v7;
	v27 =	vadd.s32 v22, v6;
	[tilespmem:s9+$0xFFFFFFA0] =	vst v18;
	v29 =	vmul.f32 v30, v21;
	v18 =	vld [tilespmem:s9+$0x10]  }
0x106: {  	v25 =	vadd.s32 v25, v8;
	v20 =	vbroadcast v24, $0x0;
	[tilespmem:s9+$0xFFFFFFB0] =	vst v19;
	v26 =	vmul.f32 v31, v21;
	v19 =	vld [tilespmem:s9+$0x20]  }
0x107: {  	s11 =	sadd.s32 $0x7, s10;
	s10 =	sadd.s32 $0x8, s10;
	v22 =	vbroadcast v28, $0x0;
	v24 =	vadd.s32 v33, v9;
	[tilespmem:s9+$0xFFFFFFC0] =	vst v29;
	v28 =	vmul.f32 v32, v14;
	v21 =	vld [tilespmem:s9+$0x30]  }
0x108: {  	_ = 	snop  }
0x109: {  	v5 =	vld [tilespmem:s9+$0x40]  }
0x10a: {  	v7 =	vld [tilespmem:s9+$0x50]  }
0x10b: {  	v9 =	vld [tilespmem:s9+$0x60]  }
0x10c: {  	v32 =	vld.idx.msk [tilespmem:v15+s0+$0x0], $0xffff  }
0x10d: {  	v20 =	vld.idx.msk [tilespmem:v20+s0+$0x0], $0xffff  }
0x10e: {  	s10 =	sadd.s32 $0x100, s9;
	v22 =	vld.idx.msk [tilespmem:v22+s0+$0x0], $0xffff  }
0x10f: {  	v37 =	vld [tilespmem:s10+$0x70]  }
0x110: {  	v39 =	vld [tilespmem:s10+$0xFFFFFF80]  }
0x111: {  	[tilespmem:s9+$0xFFFFFFD0] =	vst v26;
	v14 =	vmul.f32 v16, v14;
	v40 =	vld [tilespmem:s10+$0xFFFFFF90]  }
0x112: {  	[tilespmem:s9+$0xFFFFFFE0] =	vst v28;
	v34 =	vmul.f32 v17, v13;
	v41 =	vld [tilespmem:s10+$0xFFFFFFA0]  }
0x113: {  	v43 =	vld [tilespmem:s10+$0xFFFFFFB0];
	[tilespmem:s9+$0xFFFFFFF0] =	vst v14;
	v35 =	vmul.f32 v18, v13  }
0x114: {  	v2 =	vbroadcast v27, $0x0;
	v44 =	vld [tilespmem:s10+$0xFFFFFFC0];
	[tilespmem:s9+$0x0] =	vst v34;
	v36 =	vmul.f32 v19, v12  }
0x115: {  	v47 =	vld [tilespmem:s10+$0xFFFFFFD0];
	[tilespmem:s9+$0x10] =	vst v35;
	v38 =	vmul.f32 v21, v12  }
0x116: {  	v4 =	vmov s11;
	v6 =	vbroadcast v23, $0x0;
	v48 =	vld [tilespmem:s10+$0xFFFFFFE0];
	[tilespmem:s9+$0x20] =	vst v36;
	v5 =	vmul.f32 v5, v10  }
0x117: {  	v8 =	vbroadcast v25, $0x0;
	v4 =	vshrl.u32 v4, $0x3;
	v50 =	vld [tilespmem:s10+$0xFFFFFFF0];
	v7 =	vmul.f32 v7, v10;
	[tilespmem:s9+$0x30] =	vst v38  }
0x118: {  	v33 =	vbroadcast v24, $0x0;
	v52 =	vld [tilespmem:s10+$0x0];
	v4 =	vshll.u32 v4, v1;
	v42 =	vmul.f32 v9, v11;
	[tilespmem:s9+$0x40] =	vst v5  }
0x119: {  	v56 =	vld [tilespmem:s10+$0x20];
	v3 =	vadd.s32 v4, v3;
	v46 =	vmul.f32 v39, v32;
	[tilespmem:s9+$0x50] =	vst v7  }
0x11a: {  	v3 =	vbroadcast v3, $0x0;
	v2 =	vld.idx.msk [tilespmem:v2+s0+$0x0], $0xffff;
	v4 =	vmul.f32 v40, v32;
	[tilespmem:s9+$0x60] =	vst v42  }
0x11b: {  	v59 =	vld [tilespmem:s10+$0x40];
	v49 =	vmul.f32 v41, v20;
	[tilespmem:s10+$0xFFFFFF80] =	vst v46  }
0x11c: {  	v6 =	vld.idx.msk [tilespmem:v6+s0+$0x0], $0xffff;
	v51 =	vmul.f32 v43, v20;
	[tilespmem:s10+$0xFFFFFF90] =	vst v4  }
0x11d: {  	v8 =	vld.idx.msk [tilespmem:v8+s0+$0x0], $0xffff;
	v53 =	vmul.f32 v44, v22;
	[tilespmem:s10+$0xFFFFFFA0] =	vst v49  }
0x11e: {  	v15 =	vld.idx.msk [tilespmem:v33+s0+$0x0], $0xffff;
	v55 =	vmul.f32 v47, v22;
	[tilespmem:s10+$0xFFFFFFB0] =	vst v51  }
0x11f: {  	v54 =	vld [tilespmem:s10+$0x10];
	[tilespmem:s10+$0xFFFFFFC0] =	vst v53;
	v57 =	vmul.f32 v48, v2  }
0x120: {  	[tilespmem:s10+$0xFFFFFFD0] =	vst v55;
	v3 =	vld.idx.msk [tilespmem:v3+s0+$0x0], $0xffff;
	v2 =	vmul.f32 v50, v2  }
0x121: {  	v58 =	vld [tilespmem:s10+$0x30];
	v60 =	vmul.f32 v52, v6;
	[tilespmem:s10+$0xFFFFFFE0] =	vst v57  }
0x122: {  	v62 =	vld [tilespmem:s10+$0x60];
	v63 =	vmul.f32 v56, v8;
	[tilespmem:s10+$0xFFFFFFF0] =	vst v2  }
0x123: {  	v61 =	vld [tilespmem:s10+$0x50];
	v4 =	vmul.f32 v59, v15;
	[tilespmem:s10+$0x0] =	vst v60  }
0x124: {  	v2 =	vmul.f32 v54, v6;
	[tilespmem:s10+$0x20] =	vst v63  }
0x125: {  	s6 =	sadd.s32 $0x1, s6;
	[tilespmem:s10+$0x40] =	vst v4;
	v45 =	vmul.f32 v37, v3  }
0x126: {  	p2 =	sne.s32 s6, $0x24;
	[tilespmem:s10+$0x10] =	vst v2;
	v2 =	vmul.f32 v58, v8  }
.Ltmp6:
0x127: {  	v3 =	vmul.f32 v62, v3;
	[tilespmem:s10+$0x70] =	vst v45;
	(pc) =	sbr.rel @p2 .LBB2_11-.Ltmp6, $4  }
.Ltmp7:
0x128: {  	[tilespmem:s10+$0x30] =	vst v2;
	v2 =	vmul.f32 v61, v15;
	(pc) =	sbr.rel @!p2 .LBB2_16-.Ltmp7, $4  }
0x129: {  	[tilespmem:s10+$0x60] =	vst v3  }
0x12a: {  	s8 =	sadd.s32 $0x2C00, s8;
	[tilespmem:s10+$0x50] =	vst v2  }
0x12b: {  	[spmem:s3] =	stream.indirect.scatter.add.f32 [tilespmem:s14], [sflag:$0x4], $0x20, s8, s31, $0xb8;
	[tilespmem:$0x14040] =	vst v63  }
0x12c: {  	_ = 	snop  }
.LBB2_4:
0x12d: {  	s6 =	rddreg [dreg:$0xa]  }
0x12e: {  	[tilespmem:s5], [sflag:$0x5] =	stream.linear.gather [hbm4b:s6+s5], $0x2C00, $0x38;
	[tilespmem:$0x14040] =	vst v63  }
0x12f: {  	_ =	swait.ge [sflag:s30], $0x2C00  }
0x130: {  	[sflag:s30] =	ssyncset.done $0x0  }
0x131: {  	s8 =	simm.s32 $0x2C00;
	s20 =	rddreg [dreg:$0xb];
	[sflag:s30] =	ssyncadd.s32 $0xFFFFD400  }
0x132: {  	[tilespmem:s8], [sflag:$0x5] =	stream.linear.gather [hbm4b:s20+s5], $0x2C00, $0x38;
	[tilespmem:$0x14040] =	vst v63  }
0x133: {  	_ =	swait.ge [sflag:s30], $0x2C00  }
0x134: {  	[sflag:s30] =	ssyncset.done $0x0  }
0x135: {  	s21 =	rddreg [dreg:$0xc];
	[sflag:s30] =	ssyncadd.s32 $0xFFFFD400  }
0x136: {  	[tilespmem:s0], [sflag:$0x5] =	stream.linear.gather [hbm4b:s21+s5], $0x2C00, $0x38;
	[tilespmem:$0x14040] =	vst v63  }
0x137: {  	_ =	swait.ge [sflag:s30], $0x2C00  }
0x138: {  	[sflag:s30] =	ssyncset.done $0x0  }
0x139: {  	s6 =	simm.s32 $0x0;
	[sflag:s30] =	ssyncadd.s32 $0xFFFFD400  }
0x13a: {  	[tilespmem:s12], [sflag:$0x1] =	stream.indirect.gather [spmem:s1], $0x20, s5, s31, $0xb8;
	[tilespmem:$0x14040] =	vst v63  }
.LBB2_5:
0x13b: {  	s8 =	sshll.u32 s6, $0x1;
	v10 =	vmov s5;
	s20 =	simm.s32 $0x1  }
0x13c: {  	s10 =	simm.s32 $0x2;
	s21 =	simm.s32 $0x3;
	s11 =	simm.s32 $0x4;
	v10 =	vshrl.u32 v10, $0x3;
	v11 =	vmov s20  }
0x13d: {  	s9 =	sshll.u32 s8, $0x7;
	v12 =	vmov s10;
	v13 =	vmov s21;
	v14 =	vmov s11  }
0x13e: {  	_ =	swait.ge [sflag:s13], $0x1000;
	s11 =	simm.s32 $0x5;
	v3 =	vmov s9;
	v10 =	vshll.u32 v10, v1;
	v11 =	vshrl.u32 v11, $0x3  }
0x13f: {  	p2 =	seq.s32 s6, $0x0;
	[sflag:s13] =	ssyncset.done $0x0;
	v15 =	vmov s11;
	v4 =	vor.u32 $0x1, v3;
	v11 =	vshll.u32 v11, v1  }
0x140: {  	s10 =	simm.s32 @!p2 $0x4;
	v12 =	vshrl.u32 v12, $0x3;
	v13 =	vshrl.u32 v13, $0x3;
	[sflag:s13] =	ssyncadd.s32 $0xFFFFF000;
	v11 =	vadd.s32 v11, v4  }
0x141: {  	v14 =	vshrl.u32 v14, $0x3;
	s9 =	sor.u32 $0x1, s8;
	v6 =	vor.u32 $0x3, v3;
	_ =	swait.ge @!p2 [sflag:s10], $0x1000;
	v11 =	vbroadcast v11, $0x0  }
0x142: {  	s20 =	simm.s32 $0x7;
	v7 =	vor.u32 $0x4, v3;
	v13 =	vshll.u32 v13, v1;
	v14 =	vshll.u32 v14, v1;
	s21 =	sshll.u32 s9, $0x9;
	[sflag:s10] =	ssyncset.done @!p2 $0x0  }
0x143: {  	v17 =	vmov s20;
	v13 =	vadd.s32 v13, v6;
	v14 =	vadd.s32 v14, v7;
	s8 =	sshrl.u32 s21, $0x2;
	[sflag:s10] =	ssyncadd.s32 @!p2 $0xFFFFF000;
	s10 =	simm.s32 $0x8480  }
0x144: {  	v13 =	vbroadcast v13, $0x0;
	v18 =	vbroadcast v14, $0x0;
	v14 =	vshrl.u32 v17, $0x3;
	[tilespmem:s14], [sflag:$0x2] =	stream.indirect.gather [spmem:s1], $0x20, s8, s31, $0xb8;
	[tilespmem:$0x14040] =	vst v63  }
0x145: {  	v5 =	vor.u32 $0x2, v3;
	v2 =	vor.u32 $0x7, v3;
	v14 =	vshll.u32 v14, v1;
	v24 =	vld [tilespmem:s10+$0xFFFFFF80]  }
0x146: {  	v8 =	vor.u32 $0x5, v3;
	v15 =	vshrl.u32 v15, $0x3;
	v14 =	vadd.s32 v14, v2;
	v27 =	vld [tilespmem:s10+$0xFFFFFF90]  }
0x147: {  	v10 =	vadd.s32 v3, v10;
	v12 =	vshll.u32 v12, v1;
	v19 =	vld.idx.msk [tilespmem:v11+s0+$0x0], $0xffff;
	v11 =	vbroadcast v14, $0x0  }
0x148: {  	v10 =	vbroadcast v10, $0x0;
	v15 =	vshll.u32 v15, v1;
	v12 =	vadd.s32 v12, v5;
	v28 =	vld [tilespmem:s10+$0xFFFFFFA0]  }
0x149: {  	s19 =	simm.s32 $0x6;
	v12 =	vbroadcast v12, $0x0;
	v15 =	vadd.s32 v15, v8;
	v29 =	vld [tilespmem:s10+$0xFFFFFFB0]  }
0x14a: {  	v16 =	vmov s19;
	s21 =	simm.s32 $0xA;
	v15 =	vbroadcast v15, $0x0;
	v14 =	vld.idx.msk [tilespmem:v13+s0+$0x0], $0xffff  }
0x14b: {  	v16 =	vshrl.u32 v16, $0x3;
	v21 =	vmov s21;
	s21 =	simm.s32 $0xE;
	v13 =	vld.idx.msk [tilespmem:v18+s0+$0x0], $0xffff  }
0x14c: {  	v9 =	vor.u32 $0x6, v3;
	v16 =	vshll.u32 v16, v1;
	v26 =	vmov s21;
	v18 =	vld [tilespmem:s10+$0x70]  }
0x14d: {  	s20 =	simm.s32 $0x9;
	v16 =	vadd.s32 v16, v9;
	v21 =	vshrl.u32 v21, $0x3;
	v26 =	vshrl.u32 v26, $0x3;
	v11 =	vld.idx.msk [tilespmem:v11+s0+$0x0], $0xffff  }
0x14e: {  	v26 =	vshll.u32 v26, v1;
	v17 =	vld.idx.msk [tilespmem:v10+s0+$0x0], $0xffff;
	v10 =	vbroadcast v16, $0x0;
	v16 =	vmov s20;
	s20 =	simm.s32 $0xC  }
0x14f: {  	s19 =	simm.s32 $0x8;
	v26 =	vadd.s32 v26, v9;
	v20 =	vld.idx.msk [tilespmem:v12+s0+$0x0], $0xffff;
	v23 =	vmov s20;
	s20 =	simm.s32 $0xD;
	v16 =	vshrl.u32 v16, $0x3  }
0x150: {  	v12 =	vld.idx.msk [tilespmem:v15+s0+$0x0], $0xffff;
	v15 =	vmov s19;
	s19 =	simm.s32 $0xB;
	v25 =	vmov s20;
	v23 =	vshrl.u32 v23, $0x3  }
0x151: {  	v31 =	vld [tilespmem:s10+$0xFFFFFFC0];
	v30 =	vshll.u32 v16, v1;
	v15 =	vshrl.u32 v15, $0x3;
	v22 =	vmov s19  }
0x152: {  	v32 =	vld [tilespmem:s10+$0xFFFFFFE0];
	v23 =	vshll.u32 v23, v1;
	v22 =	vshrl.u32 v22, $0x3;
	v16 =	vmul.f32 v18, v11  }
0x153: {  	v18 =	vshll.u32 v21, v1;
	v21 =	vshll.u32 v22, v1;
	v22 =	vmul.f32 v24, v17;
	v24 =	vld [tilespmem:s10+$0xFFFFFFD0]  }
0x154: {  	v25 =	vshrl.u32 v25, $0x3;
	v15 =	vshll.u32 v15, v1;
	v10 =	vld.idx.msk [tilespmem:v10+s0+$0x0], $0xffff;
	v17 =	vmul.f32 v27, v17;
	[tilespmem:s10+$0x70] =	vst v16  }
0x155: {  	v25 =	vshll.u32 v25, v1;
	v15 =	vadd.s32 v3, v15;
	[tilespmem:s10+$0xFFFFFF80] =	vst v22;
	v22 =	vmul.f32 v28, v19;
	v16 =	vld [tilespmem:s10+$0xFFFFFFF0]  }
0x156: {  	v23 =	vadd.s32 v23, v7;
	v15 =	vbroadcast v15, $0x0;
	[tilespmem:s10+$0xFFFFFF90] =	vst v17;
	v19 =	vmul.f32 v29, v19;
	v17 =	vld [tilespmem:s10+$0x0]  }
0x157: {  	v28 =	vadd.s32 v30, v4;
	v30 =	vadd.s32 v18, v5;
	v29 =	vmul.f32 v31, v20;
	v18 =	vld [tilespmem:s10+$0x10];
	[tilespmem:s10+$0xFFFFFFA0] =	vst v22  }
0x158: {  	v27 =	vadd.s32 v21, v6;
	v21 =	vbroadcast v28, $0x0;
	[tilespmem:s10+$0xFFFFFFB0] =	vst v19;
	v19 =	vld [tilespmem:s10+$0x20];
	v24 =	vmul.f32 v24, v20  }
0x159: {  	s11 =	simm.s32 $0x10;
	s19 =	simm.s32 $0xF;
	v25 =	vadd.s32 v25, v8;
	v28 =	vmul.f32 v32, v14;
	v22 =	vbroadcast v30, $0x0;
	[tilespmem:s10+$0xFFFFFFC0] =	vst v29;
	v20 =	vld [tilespmem:s10+$0x30]  }
.LBB2_6:
0x15a: {  	p2 =	slt.u32 s11, $0x78;
	v27 =	vbroadcast v27, $0x0;
	v29 =	vmov s19;
	[tilespmem:s10+$0xFFFFFFD0] =	vst v24;
	v14 =	vmul.f32 v16, v14;
	v16 =	vld [tilespmem:s10+$0x40]  }
0x15b: {  	v23 =	vbroadcast v23, $0x0;
	v24 =	vshrl.u32 v29, $0x3;
	[tilespmem:s10+$0xFFFFFFE0] =	vst v28;
	v17 =	vmul.f32 v17, v13;
	v28 =	vld [tilespmem:s10+$0x50]  }
0x15c: {  	v25 =	vbroadcast v25, $0x0;
	v24 =	vshll.u32 v24, v1;
	[tilespmem:s10+$0xFFFFFFF0] =	vst v14;
	v13 =	vmul.f32 v18, v13;
	v18 =	vld [tilespmem:s10+$0x60]  }
0x15d: {  	v26 =	vbroadcast v26, $0x0;
	v15 =	vld.idx.msk [tilespmem:v15+s0+$0x0], $0xffff;
	v14 =	vadd.s32 v24, v2;
	[tilespmem:s10+$0x0] =	vst v17;
	v17 =	vmul.f32 v19, v12  }
0x15e: {  	v19 =	vld.idx.msk [tilespmem:v21+s0+$0x0], $0xffff;
	v21 =	vbroadcast v14, $0x0;
	[tilespmem:s10+$0x10] =	vst v13;
	v12 =	vmul.f32 v20, v12  }
0x15f: {  	v20 =	vld.idx.msk [tilespmem:v22+s0+$0x0], $0xffff;
	[tilespmem:s10+$0x20] =	vst v17;
	v16 =	vmul.f32 v16, v10  }
0x160: {  	v14 =	vld.idx.msk [tilespmem:v27+s0+$0x0], $0xffff;
	[tilespmem:s10+$0x30] =	vst v12;
	v10 =	vmul.f32 v28, v10  }
0x161: {  	v13 =	vld.idx.msk [tilespmem:v23+s0+$0x0], $0xffff;
	[tilespmem:s10+$0x40] =	vst v16;
	v11 =	vmul.f32 v18, v11  }
0x162: {  	v12 =	vld.idx.msk [tilespmem:v25+s0+$0x0], $0xffff;
	[tilespmem:s10+$0x50] =	vst v10  }
0x163: {  	v10 =	vld.idx.msk [tilespmem:v26+s0+$0x0], $0xffff;
	[tilespmem:s10+$0x60] =	vst v11  }
0x164: {  	s19 =	sadd.s32 $0x1, s11;
	v16 =	vmov s11;
	s10 =	sadd.s32 $0x100, s10;
	v11 =	vld.idx.msk [tilespmem:v21+s0+$0x0], $0xffff  }
0x165: {  	s20 =	sadd.s32 $0x3, s11;
	s21 =	sadd.s32 $0x4, s11;
	v17 =	vmov s19;
	s19 =	sadd.s32 $0x2, s11;
	v16 =	vshrl.u32 v16, $0x3;
	v18 =	vld [tilespmem:s10+$0x70]  }
0x166: {  	v22 =	vmov s20;
	s20 =	sadd.s32 $0x6, s11;
	v23 =	vmov s21;
	v21 =	vmov s19;
	s19 =	sadd.s32 $0x5, s11;
	v24 =	vld [tilespmem:s10+$0xFFFFFF80]  }
0x167: {  	v16 =	vshll.u32 v16, v1;
	v26 =	vmov s20;
	v25 =	vmov s19;
	v27 =	vld [tilespmem:s10+$0xFFFFFF90]  }
0x168: {  	v17 =	vshrl.u32 v17, $0x3;
	v22 =	vshrl.u32 v22, $0x3;
	v21 =	vshrl.u32 v21, $0x3;
	v28 =	vld [tilespmem:s10+$0xFFFFFFA0]  }
0x169: {  	v23 =	vshrl.u32 v23, $0x3;
	v26 =	vshrl.u32 v26, $0x3;
	v25 =	vshrl.u32 v25, $0x3;
	v29 =	vld [tilespmem:s10+$0xFFFFFFB0]  }
0x16a: {  	v17 =	vshll.u32 v17, v1;
	v16 =	vadd.s32 v3, v16;
	v30 =	vld [tilespmem:s10+$0xFFFFFFC0];
	v18 =	vmul.f32 v18, v11  }
0x16b: {  	v22 =	vshll.u32 v22, v1;
	v21 =	vshll.u32 v21, v1;
	v24 =	vmul.f32 v24, v15;
	v31 =	vld [tilespmem:s10+$0xFFFFFFD0]  }
0x16c: {  	v23 =	vshll.u32 v23, v1;
	v25 =	vshll.u32 v25, v1;
	v27 =	vmul.f32 v27, v15;
	v32 =	vld [tilespmem:s10+$0xFFFFFFE0];
	[tilespmem:s10+$0x70] =	vst v18  }
.Ltmp8:
0x16d: {  	v26 =	vshll.u32 v26, v1;
	v15 =	vbroadcast v16, $0x0;
	[tilespmem:s10+$0xFFFFFF80] =	vst v24;
	v18 =	vmul.f32 v28, v19;
	v16 =	vld [tilespmem:s10+$0xFFFFFFF0];
	(pc) =	sbr.rel @p2 .LBB2_6-.Ltmp8, $4  }
0x16e: {  	v24 =	vadd.s32 v17, v4;
	v28 =	vadd.s32 v21, v5;
	[tilespmem:s10+$0xFFFFFF90] =	vst v27;
	v19 =	vmul.f32 v29, v19;
	v17 =	vld [tilespmem:s10+$0x0]  }
0x16f: {  	v23 =	vadd.s32 v23, v7;
	v27 =	vadd.s32 v22, v6;
	[tilespmem:s10+$0xFFFFFFA0] =	vst v18;
	v29 =	vmul.f32 v30, v20;
	v18 =	vld [tilespmem:s10+$0x10]  }
0x170: {  	v25 =	vadd.s32 v25, v8;
	v21 =	vbroadcast v24, $0x0;
	[tilespmem:s10+$0xFFFFFFB0] =	vst v19;
	v24 =	vmul.f32 v31, v20;
	v19 =	vld [tilespmem:s10+$0x20]  }
0x171: {  	s19 =	sadd.s32 $0x7, s11;
	s11 =	sadd.s32 $0x8, s11;
	v26 =	vadd.s32 v26, v9;
	v22 =	vbroadcast v28, $0x0;
	[tilespmem:s10+$0xFFFFFFC0] =	vst v29;
	v28 =	vmul.f32 v32, v14;
	v20 =	vld [tilespmem:s10+$0x30]  }
0x172: {  	_ = 	snop  }
0x173: {  	v3 =	vbroadcast v27, $0x0;
	v4 =	vmov s19;
	v5 =	vld [tilespmem:s10+$0x40]  }
0x174: {  	v6 =	vbroadcast v23, $0x0;
	v7 =	vld [tilespmem:s10+$0x50];
	v4 =	vshrl.u32 v4, $0x3  }
0x175: {  	v8 =	vbroadcast v25, $0x0;
	v9 =	vld [tilespmem:s10+$0x60];
	v4 =	vshll.u32 v4, v1  }
0x176: {  	v15 =	vld.idx.msk [tilespmem:v15+s0+$0x0], $0xffff;
	v23 =	vbroadcast v26, $0x0;
	v2 =	vadd.s32 v4, v2  }
0x177: {  	v4 =	vld.idx.msk [tilespmem:v21+s0+$0x0], $0xffff;
	v2 =	vbroadcast v2, $0x0  }
0x178: {  	v21 =	vld.idx.msk [tilespmem:v22+s0+$0x0], $0xffff  }
0x179: {  	v3 =	vld.idx.msk [tilespmem:v3+s0+$0x0], $0xffff  }
0x17a: {  	v6 =	vld.idx.msk [tilespmem:v6+s0+$0x0], $0xffff  }
0x17b: {  	v5 =	vmul.f32 v5, v10;
	v8 =	vld.idx.msk [tilespmem:v8+s0+$0x0], $0xffff  }
0x17c: {  	[tilespmem:s10+$0xFFFFFFD0] =	vst v24;
	v22 =	vld.idx.msk [tilespmem:v23+s0+$0x0], $0xffff  }
0x17d: {  	s11 =	sadd.s32 $0x100, s10;
	[tilespmem:s10+$0x40] =	vst v5;
	v5 =	vmul.f32 v9, v11;
	v23 =	vld.idx.msk [tilespmem:v2+s0+$0x0], $0xffff  }
0x17e: {  	[tilespmem:s10+$0xFFFFFFE0] =	vst v28;
	v2 =	vmul.f32 v16, v14;
	v16 =	vmul.f32 v17, v13;
	v17 =	vld [tilespmem:s11+$0xFFFFFF80]  }
0x17f: {  	v9 =	vld [tilespmem:s11+$0xFFFFFFE0];
	[tilespmem:s10+$0x60] =	vst v5  }
0x180: {  	[tilespmem:s10+$0xFFFFFFF0] =	vst v2;
	v2 =	vmul.f32 v18, v13;
	v13 =	vld [tilespmem:s11+$0xFFFFFF90]  }
0x181: {  	[tilespmem:s10+$0x0] =	vst v16;
	v16 =	vmul.f32 v19, v12;
	v18 =	vld [tilespmem:s11+$0xFFFFFFA0]  }
0x182: {  	v14 =	vld [tilespmem:s11+$0x70];
	[tilespmem:s10+$0x10] =	vst v2;
	v2 =	vmul.f32 v20, v12  }
0x183: {  	v12 =	vld [tilespmem:s11+$0xFFFFFFB0];
	[tilespmem:s10+$0x20] =	vst v16;
	v5 =	vmul.f32 v17, v15  }
0x184: {  	v16 =	vld [tilespmem:s11+$0xFFFFFFC0];
	[tilespmem:s10+$0x30] =	vst v2;
	v2 =	vmul.f32 v7, v10  }
0x185: {  	v7 =	vld [tilespmem:s11+$0xFFFFFFD0];
	v13 =	vmul.f32 v13, v15;
	[tilespmem:s11+$0xFFFFFF80] =	vst v5  }
0x186: {  	v11 =	vld [tilespmem:s11+$0x0];
	v5 =	vmul.f32 v18, v4;
	[tilespmem:s10+$0x50] =	vst v2  }
0x187: {  	v10 =	vld [tilespmem:s11+$0xFFFFFFF0];
	v2 =	vmul.f32 v14, v23;
	[tilespmem:s11+$0xFFFFFF90] =	vst v13  }
0x188: {  	v14 =	vld [tilespmem:s11+$0x20];
	v4 =	vmul.f32 v12, v4;
	[tilespmem:s11+$0xFFFFFFA0] =	vst v5  }
0x189: {  	v12 =	vld [tilespmem:s11+$0x30];
	v5 =	vmul.f32 v16, v21;
	[tilespmem:s11+$0x70] =	vst v2  }
0x18a: {  	v13 =	vld [tilespmem:s11+$0x40];
	[tilespmem:s11+$0xFFFFFFB0] =	vst v4;
	v4 =	vmul.f32 v7, v21  }
0x18b: {  	v2 =	vld [tilespmem:s11+$0x10];
	[tilespmem:s11+$0xFFFFFFC0] =	vst v5;
	v5 =	vmul.f32 v9, v3  }
0x18c: {  	v7 =	vld [tilespmem:s11+$0x50];
	v3 =	vmul.f32 v10, v3;
	[tilespmem:s11+$0xFFFFFFD0] =	vst v4  }
0x18d: {  	v9 =	vld [tilespmem:s11+$0x60];
	[tilespmem:s11+$0xFFFFFFE0] =	vst v5;
	v4 =	vmul.f32 v11, v6  }
0x18e: {  	[tilespmem:s11+$0xFFFFFFF0] =	vst v3;
	v3 =	vmul.f32 v14, v8  }
0x18f: {  	s10 =	simm.s32 $0x2;
	v10 =	vmul.f32 v12, v8;
	[tilespmem:s11+$0x0] =	vst v4  }
0x190: {  	s9 =	sshll.u32 s9, $0x7;
	v14 =	vmov s10;
	v11 =	vmul.f32 v13, v22;
	[tilespmem:s11+$0x20] =	vst v3  }
0x191: {  	v14 =	vshrl.u32 v14, $0x3;
	v5 =	vmul.f32 v2, v6;
	v2 =	vmov s9;
	[tilespmem:s11+$0x30] =	vst v10  }
0x192: {  	s19 =	simm.s32 $0x0;
	v14 =	vshll.u32 v14, v1;
	v12 =	vmul.f32 v7, v22;
	v13 =	vmul.f32 v9, v23;
	[tilespmem:s11+$0x40] =	vst v11  }
0x193: {  	s20 =	simm.s32 $0x1;
	v4 =	vor.u32 $0x1, v2;
	v6 =	vor.u32 $0x3, v2;
	v10 =	vmov s19;
	s19 =	sshll.u32 s6, $0xA;
	[tilespmem:s11+$0x10] =	vst v5  }
0x194: {  	v7 =	vor.u32 $0x4, v2;
	v8 =	vor.u32 $0x5, v2;
	v11 =	vmov s20;
	s20 =	simm.s32 $0x4;
	s10 =	sshrl.u32 s19, $0x2;
	[tilespmem:s11+$0x50] =	vst v12  }
0x195: {  	s21 =	simm.s32 $0x3;
	v5 =	vor.u32 $0x2, v2;
	v10 =	vshrl.u32 v10, $0x3;
	v15 =	vmov s20;
	s20 =	simm.s32 $0x5;
	[tilespmem:s11+$0x60] =	vst v13;
	s10 =	sadd.s32 $0x2C00, s10  }
0x196: {  	v11 =	vshrl.u32 v11, $0x3;
	v12 =	vmov s21;
	v10 =	vshll.u32 v10, v1;
	[spmem:s3] =	stream.indirect.scatter.add.f32 [tilespmem:s12], [sflag:$0x3], $0x20, s10, s31, $0xb8;
	[tilespmem:$0x14040] =	vst v63  }
0x197: {  	v13 =	vmov s20;
	v11 =	vshll.u32 v11, v1;
	v10 =	vadd.s32 v2, v10;
	_ =	swait.ge [sflag:s15], $0x1000  }
0x198: {  	v15 =	vshrl.u32 v15, $0x3;
	v11 =	vadd.s32 v11, v4;
	v10 =	vbroadcast v10, $0x0;
	[sflag:s15] =	ssyncset.done $0x0  }
0x199: {  	v14 =	vadd.s32 v14, v5;
	v15 =	vshll.u32 v15, v1;
	v11 =	vbroadcast v11, $0x0;
	[sflag:s15] =	ssyncadd.s32 $0xFFFFF000  }
0x19a: {  	p2 =	seq.s32 s6, $0x2B;
	s20 =	simm.s32 $0x7;
	v12 =	vshrl.u32 v12, $0x3;
	v14 =	vbroadcast v14, $0x0;
	v15 =	vadd.s32 v15, v7;
	_ =	swait.ge [sflag:s16], $0x1000  }
0x19b: {  	s11 =	simm.s32 @!p2 $0x8400;
	v13 =	vshrl.u32 v13, $0x3;
	s10 =	sshrl.u32 @!p2 s19, $0x2;
	v12 =	vshll.u32 v12, v1;
	v15 =	vbroadcast v15, $0x0;
	[sflag:s16] =	ssyncset.done $0x0  }
0x19c: {  	v17 =	vmov s20;
	v13 =	vshll.u32 v13, v1;
	s9 =	sadd.s32 @!p2 $0x100, s10;
	s10 =	simm.s32 @!p2 $0x80;
	v12 =	vadd.s32 v12, v6;
	[sflag:s16] =	ssyncadd.s32 $0xFFFFF000  }
0x19d: {  	v17 =	vshrl.u32 v17, $0x3;
	v13 =	vadd.s32 v13, v8;
	v12 =	vbroadcast v12, $0x0;
	[tilespmem:s11], [sflag:$0x1] =	stream.indirect.gather @!p2 [spmem:s1], $0x20, s9, s10, $0xb8;
	[tilespmem:$0x14040] =	vst v63  }
0x19e: {  	v3 =	vor.u32 $0x7, v2;
	v18 =	vbroadcast v13, $0x0;
	v13 =	vshll.u32 v17, v1;
	v17 =	vld.idx.msk [tilespmem:v10+s0+$0x0], $0xffff  }
0x19f: {  	v13 =	vadd.s32 v13, v3;
	v19 =	vld.idx.msk [tilespmem:v11+s0+$0x0], $0xffff  }
0x1a0: {  	v11 =	vbroadcast v13, $0x0;
	v21 =	vld.idx.msk [tilespmem:v14+s0+$0x0], $0xffff  }
0x1a1: {  	s9 =	simm.s32 $0x9480;
	v13 =	vld.idx.msk [tilespmem:v15+s0+$0x0], $0xffff  }
0x1a2: {  	s21 =	simm.s32 $0x6;
	v24 =	vld [tilespmem:s9+$0xFFFFFF80]  }
0x1a3: {  	v16 =	vmov s21;
	s20 =	simm.s32 $0xB;
	v14 =	vld.idx.msk [tilespmem:v12+s0+$0x0], $0xffff  }
0x1a4: {  	v16 =	vshrl.u32 v16, $0x3;
	v22 =	vmov s20;
	s20 =	simm.s32 $0xD;
	v12 =	vld.idx.msk [tilespmem:v18+s0+$0x0], $0xffff  }
0x1a5: {  	v9 =	vor.u32 $0x6, v2;
	s19 =	simm.s32 $0xA;
	v16 =	vshll.u32 v16, v1;
	v25 =	vmov s20;
	v18 =	vld [tilespmem:s9+$0x70]  }
0x1a6: {  	v20 =	vmov s19;
	v16 =	vadd.s32 v16, v9;
	v25 =	vshrl.u32 v25, $0x3;
	v11 =	vld.idx.msk [tilespmem:v11+s0+$0x0], $0xffff  }
0x1a7: {  	s21 =	simm.s32 $0x8;
	v20 =	vshrl.u32 v20, $0x3;
	v25 =	vshll.u32 v25, v1;
	v10 =	vbroadcast v16, $0x0;
	v27 =	vld [tilespmem:s9+$0xFFFFFF90]  }
0x1a8: {  	v22 =	vshrl.u32 v22, $0x3;
	v25 =	vadd.s32 v25, v8;
	s11 =	simm.s32 $0x9;
	v15 =	vmov s21;
	s21 =	simm.s32 $0xC;
	v28 =	vld [tilespmem:s9+$0xFFFFFFA0]  }
0x1a9: {  	v16 =	vmov s11;
	v29 =	vld [tilespmem:s9+$0xFFFFFFB0];
	v15 =	vshrl.u32 v15, $0x3;
	v23 =	vmov s21;
	s21 =	simm.s32 $0xE  }
0x1aa: {  	v31 =	vld [tilespmem:s9+$0xFFFFFFC0];
	v16 =	vshrl.u32 v16, $0x3;
	v15 =	vshll.u32 v15, v1;
	v26 =	vmov s21  }
0x1ab: {  	v32 =	vld [tilespmem:s9+$0xFFFFFFE0];
	v23 =	vshrl.u32 v23, $0x3;
	v30 =	vshll.u32 v16, v1;
	v16 =	vmul.f32 v18, v11  }
0x1ac: {  	v18 =	vshll.u32 v20, v1;
	v20 =	vshll.u32 v22, v1;
	v22 =	vmul.f32 v24, v17;
	v24 =	vld [tilespmem:s9+$0xFFFFFFD0]  }
0x1ad: {  	v26 =	vshrl.u32 v26, $0x3;
	v15 =	vadd.s32 v2, v15;
	v10 =	vld.idx.msk [tilespmem:v10+s0+$0x0], $0xffff;
	v17 =	vmul.f32 v27, v17;
	[tilespmem:s9+$0x70] =	vst v16  }
0x1ae: {  	v23 =	vshll.u32 v23, v1;
	v15 =	vbroadcast v15, $0x0;
	[tilespmem:s9+$0xFFFFFF80] =	vst v22;
	v22 =	vmul.f32 v28, v19;
	v16 =	vld [tilespmem:s9+$0xFFFFFFF0]  }
0x1af: {  	v33 =	vshll.u32 v26, v1;
	v26 =	vadd.s32 v30, v4;
	[tilespmem:s9+$0xFFFFFF90] =	vst v17;
	v19 =	vmul.f32 v29, v19;
	v17 =	vld [tilespmem:s9+$0x0]  }
0x1b0: {  	v23 =	vadd.s32 v23, v7;
	v28 =	vadd.s32 v18, v5;
	v29 =	vmul.f32 v31, v21;
	v18 =	vld [tilespmem:s9+$0x10];
	[tilespmem:s9+$0xFFFFFFA0] =	vst v22  }
0x1b1: {  	v27 =	vadd.s32 v20, v6;
	v20 =	vbroadcast v26, $0x0;
	[tilespmem:s9+$0xFFFFFFB0] =	vst v19;
	v19 =	vld [tilespmem:s9+$0x20];
	v26 =	vmul.f32 v24, v21  }
0x1b2: {  	s10 =	simm.s32 $0x10;
	s11 =	simm.s32 $0xF;
	v22 =	vbroadcast v28, $0x0;
	[tilespmem:s9+$0xFFFFFFC0] =	vst v29;
	v28 =	vmul.f32 v32, v14;
	v24 =	vadd.s32 v33, v9;
	v21 =	vld [tilespmem:s9+$0x30]  }
.LBB2_8:
0x1b3: {  	p2 =	slt.u32 s10, $0x78;
	v27 =	vbroadcast v27, $0x0;
	v29 =	vmov s11;
	[tilespmem:s9+$0xFFFFFFD0] =	vst v26;
	v14 =	vmul.f32 v16, v14;
	v16 =	vld [tilespmem:s9+$0x40]  }
0x1b4: {  	v23 =	vbroadcast v23, $0x0;
	v26 =	vshrl.u32 v29, $0x3;
	[tilespmem:s9+$0xFFFFFFE0] =	vst v28;
	v17 =	vmul.f32 v17, v13;
	v28 =	vld [tilespmem:s9+$0x50]  }
0x1b5: {  	v25 =	vbroadcast v25, $0x0;
	v26 =	vshll.u32 v26, v1;
	[tilespmem:s9+$0xFFFFFFF0] =	vst v14;
	v13 =	vmul.f32 v18, v13;
	v18 =	vld [tilespmem:s9+$0x60]  }
0x1b6: {  	v24 =	vbroadcast v24, $0x0;
	v15 =	vld.idx.msk [tilespmem:v15+s0+$0x0], $0xffff;
	v14 =	vadd.s32 v26, v3;
	[tilespmem:s9+$0x0] =	vst v17;
	v17 =	vmul.f32 v19, v12  }
0x1b7: {  	v19 =	vld.idx.msk [tilespmem:v20+s0+$0x0], $0xffff;
	v20 =	vbroadcast v14, $0x0;
	[tilespmem:s9+$0x10] =	vst v13;
	v12 =	vmul.f32 v21, v12  }
0x1b8: {  	v21 =	vld.idx.msk [tilespmem:v22+s0+$0x0], $0xffff;
	[tilespmem:s9+$0x20] =	vst v17;
	v16 =	vmul.f32 v16, v10  }
0x1b9: {  	v14 =	vld.idx.msk [tilespmem:v27+s0+$0x0], $0xffff;
	[tilespmem:s9+$0x30] =	vst v12;
	v10 =	vmul.f32 v28, v10  }
0x1ba: {  	v13 =	vld.idx.msk [tilespmem:v23+s0+$0x0], $0xffff;
	[tilespmem:s9+$0x40] =	vst v16;
	v11 =	vmul.f32 v18, v11  }
0x1bb: {  	v12 =	vld.idx.msk [tilespmem:v25+s0+$0x0], $0xffff;
	[tilespmem:s9+$0x50] =	vst v10  }
0x1bc: {  	v10 =	vld.idx.msk [tilespmem:v24+s0+$0x0], $0xffff;
	[tilespmem:s9+$0x60] =	vst v11  }
0x1bd: {  	s11 =	sadd.s32 $0x1, s10;
	v16 =	vmov s10;
	s9 =	sadd.s32 $0x100, s9;
	v11 =	vld.idx.msk [tilespmem:v20+s0+$0x0], $0xffff  }
0x1be: {  	s19 =	sadd.s32 $0x3, s10;
	s20 =	sadd.s32 $0x4, s10;
	v17 =	vmov s11;
	s11 =	sadd.s32 $0x2, s10;
	v16 =	vshrl.u32 v16, $0x3;
	v18 =	vld [tilespmem:s9+$0x70]  }
0x1bf: {  	v22 =	vmov s19;
	s19 =	sadd.s32 $0x6, s10;
	v23 =	vmov s20;
	v20 =	vmov s11;
	s11 =	sadd.s32 $0x5, s10;
	v24 =	vld [tilespmem:s9+$0xFFFFFF80]  }
0x1c0: {  	v26 =	vmov s19;
	v16 =	vshll.u32 v16, v1;
	v25 =	vmov s11;
	v27 =	vld [tilespmem:s9+$0xFFFFFF90]  }
0x1c1: {  	v17 =	vshrl.u32 v17, $0x3;
	v22 =	vshrl.u32 v22, $0x3;
	v20 =	vshrl.u32 v20, $0x3;
	v28 =	vld [tilespmem:s9+$0xFFFFFFA0]  }
0x1c2: {  	v26 =	vshrl.u32 v26, $0x3;
	v23 =	vshrl.u32 v23, $0x3;
	v25 =	vshrl.u32 v25, $0x3;
	v29 =	vld [tilespmem:s9+$0xFFFFFFB0]  }
0x1c3: {  	v17 =	vshll.u32 v17, v1;
	v16 =	vadd.s32 v2, v16;
	v30 =	vld [tilespmem:s9+$0xFFFFFFC0];
	v18 =	vmul.f32 v18, v11  }
0x1c4: {  	v22 =	vshll.u32 v22, v1;
	v20 =	vshll.u32 v20, v1;
	v24 =	vmul.f32 v24, v15;
	v31 =	vld [tilespmem:s9+$0xFFFFFFD0]  }
0x1c5: {  	v23 =	vshll.u32 v23, v1;
	v25 =	vshll.u32 v25, v1;
	v27 =	vmul.f32 v27, v15;
	v32 =	vld [tilespmem:s9+$0xFFFFFFE0];
	[tilespmem:s9+$0x70] =	vst v18  }
.Ltmp9:
0x1c6: {  	v33 =	vshll.u32 v26, v1;
	v15 =	vbroadcast v16, $0x0;
	[tilespmem:s9+$0xFFFFFF80] =	vst v24;
	v18 =	vmul.f32 v28, v19;
	v16 =	vld [tilespmem:s9+$0xFFFFFFF0];
	(pc) =	sbr.rel @p2 .LBB2_8-.Ltmp9, $4  }
0x1c7: {  	v24 =	vadd.s32 v17, v4;
	v28 =	vadd.s32 v20, v5;
	[tilespmem:s9+$0xFFFFFF90] =	vst v27;
	v19 =	vmul.f32 v29, v19;
	v17 =	vld [tilespmem:s9+$0x0]  }
0x1c8: {  	v23 =	vadd.s32 v23, v7;
	v27 =	vadd.s32 v22, v6;
	[tilespmem:s9+$0xFFFFFFA0] =	vst v18;
	v29 =	vmul.f32 v30, v21;
	v18 =	vld [tilespmem:s9+$0x10]  }
0x1c9: {  	v25 =	vadd.s32 v25, v8;
	v20 =	vbroadcast v24, $0x0;
	[tilespmem:s9+$0xFFFFFFB0] =	vst v19;
	v26 =	vmul.f32 v31, v21;
	v19 =	vld [tilespmem:s9+$0x20]  }
0x1ca: {  	s11 =	sadd.s32 $0x7, s10;
	s10 =	sadd.s32 $0x8, s10;
	v22 =	vbroadcast v28, $0x0;
	v24 =	vadd.s32 v33, v9;
	[tilespmem:s9+$0xFFFFFFC0] =	vst v29;
	v28 =	vmul.f32 v32, v14;
	v21 =	vld [tilespmem:s9+$0x30]  }
0x1cb: {  	_ = 	snop  }
0x1cc: {  	v5 =	vld [tilespmem:s9+$0x40]  }
0x1cd: {  	v7 =	vld [tilespmem:s9+$0x50]  }
0x1ce: {  	v9 =	vld [tilespmem:s9+$0x60]  }
0x1cf: {  	v32 =	vld.idx.msk [tilespmem:v15+s0+$0x0], $0xffff  }
0x1d0: {  	v20 =	vld.idx.msk [tilespmem:v20+s0+$0x0], $0xffff  }
0x1d1: {  	s10 =	sadd.s32 $0x100, s9;
	v22 =	vld.idx.msk [tilespmem:v22+s0+$0x0], $0xffff  }
0x1d2: {  	v37 =	vld [tilespmem:s10+$0x70]  }
0x1d3: {  	v39 =	vld [tilespmem:s10+$0xFFFFFF80]  }
0x1d4: {  	[tilespmem:s9+$0xFFFFFFD0] =	vst v26;
	v14 =	vmul.f32 v16, v14;
	v40 =	vld [tilespmem:s10+$0xFFFFFF90]  }
0x1d5: {  	[tilespmem:s9+$0xFFFFFFE0] =	vst v28;
	v34 =	vmul.f32 v17, v13;
	v41 =	vld [tilespmem:s10+$0xFFFFFFA0]  }
0x1d6: {  	v43 =	vld [tilespmem:s10+$0xFFFFFFB0];
	[tilespmem:s9+$0xFFFFFFF0] =	vst v14;
	v35 =	vmul.f32 v18, v13  }
0x1d7: {  	v2 =	vbroadcast v27, $0x0;
	v44 =	vld [tilespmem:s10+$0xFFFFFFC0];
	[tilespmem:s9+$0x0] =	vst v34;
	v36 =	vmul.f32 v19, v12  }
0x1d8: {  	v47 =	vld [tilespmem:s10+$0xFFFFFFD0];
	[tilespmem:s9+$0x10] =	vst v35;
	v38 =	vmul.f32 v21, v12  }
0x1d9: {  	v4 =	vmov s11;
	v6 =	vbroadcast v23, $0x0;
	v48 =	vld [tilespmem:s10+$0xFFFFFFE0];
	[tilespmem:s9+$0x20] =	vst v36;
	v5 =	vmul.f32 v5, v10  }
0x1da: {  	v8 =	vbroadcast v25, $0x0;
	v4 =	vshrl.u32 v4, $0x3;
	v50 =	vld [tilespmem:s10+$0xFFFFFFF0];
	v7 =	vmul.f32 v7, v10;
	[tilespmem:s9+$0x30] =	vst v38  }
0x1db: {  	v33 =	vbroadcast v24, $0x0;
	v52 =	vld [tilespmem:s10+$0x0];
	v4 =	vshll.u32 v4, v1;
	v42 =	vmul.f32 v9, v11;
	[tilespmem:s9+$0x40] =	vst v5  }
0x1dc: {  	v56 =	vld [tilespmem:s10+$0x20];
	v3 =	vadd.s32 v4, v3;
	v46 =	vmul.f32 v39, v32;
	[tilespmem:s9+$0x50] =	vst v7  }
0x1dd: {  	v3 =	vbroadcast v3, $0x0;
	v2 =	vld.idx.msk [tilespmem:v2+s0+$0x0], $0xffff;
	v4 =	vmul.f32 v40, v32;
	[tilespmem:s9+$0x60] =	vst v42  }
0x1de: {  	v59 =	vld [tilespmem:s10+$0x40];
	v49 =	vmul.f32 v41, v20;
	[tilespmem:s10+$0xFFFFFF80] =	vst v46  }
0x1df: {  	v6 =	vld.idx.msk [tilespmem:v6+s0+$0x0], $0xffff;
	v51 =	vmul.f32 v43, v20;
	[tilespmem:s10+$0xFFFFFF90] =	vst v4  }
0x1e0: {  	v8 =	vld.idx.msk [tilespmem:v8+s0+$0x0], $0xffff;
	v53 =	vmul.f32 v44, v22;
	[tilespmem:s10+$0xFFFFFFA0] =	vst v49  }
0x1e1: {  	v15 =	vld.idx.msk [tilespmem:v33+s0+$0x0], $0xffff;
	v55 =	vmul.f32 v47, v22;
	[tilespmem:s10+$0xFFFFFFB0] =	vst v51  }
0x1e2: {  	v54 =	vld [tilespmem:s10+$0x10];
	[tilespmem:s10+$0xFFFFFFC0] =	vst v53;
	v57 =	vmul.f32 v48, v2  }
0x1e3: {  	[tilespmem:s10+$0xFFFFFFD0] =	vst v55;
	v3 =	vld.idx.msk [tilespmem:v3+s0+$0x0], $0xffff;
	v2 =	vmul.f32 v50, v2  }
0x1e4: {  	v58 =	vld [tilespmem:s10+$0x30];
	v60 =	vmul.f32 v52, v6;
	[tilespmem:s10+$0xFFFFFFE0] =	vst v57  }
0x1e5: {  	v62 =	vld [tilespmem:s10+$0x60];
	v63 =	vmul.f32 v56, v8;
	[tilespmem:s10+$0xFFFFFFF0] =	vst v2  }
0x1e6: {  	v61 =	vld [tilespmem:s10+$0x50];
	v4 =	vmul.f32 v59, v15;
	[tilespmem:s10+$0x0] =	vst v60  }
0x1e7: {  	v2 =	vmul.f32 v54, v6;
	[tilespmem:s10+$0x20] =	vst v63  }
0x1e8: {  	s6 =	sadd.s32 $0x1, s6;
	[tilespmem:s10+$0x40] =	vst v4;
	v45 =	vmul.f32 v37, v3  }
0x1e9: {  	p2 =	seq.s32 s6, $0x2C;
	[tilespmem:s10+$0x10] =	vst v2;
	v2 =	vmul.f32 v58, v8  }
.Ltmp10:
0x1ea: {  	v3 =	vmul.f32 v62, v3;
	[tilespmem:s10+$0x70] =	vst v45;
	(pc) =	sbr.rel @!p2 .LBB2_5-.Ltmp10, $4  }
.Ltmp11:
0x1eb: {  	[tilespmem:s10+$0x30] =	vst v2;
	v2 =	vmul.f32 v61, v15;
	(pc) =	sbr.rel @p2 .LBB2_16-.Ltmp11, $4  }
0x1ec: {  	[tilespmem:s10+$0x60] =	vst v3  }
0x1ed: {  	s8 =	sadd.s32 $0x2C00, s8;
	[tilespmem:s10+$0x50] =	vst v2  }
0x1ee: {  	[spmem:s3] =	stream.indirect.scatter.add.f32 [tilespmem:s14], [sflag:$0x4], $0x20, s8, s31, $0xb8;
	[tilespmem:$0x14040] =	vst v63  }
0x1ef: {  	_ = 	snop  }
.LBB2_17:
0x1f0: {  	_ =	sfence.sel $0x180000  }
0x1f1: {  	[bflag:$0x0] =	sbarrier.arrive $0xFFFF  }
0x1f2: {  	_ =	strace $0x9000004D  }
0x1f3: {  	s0 =	stileid.u32;
	[bflag:$0x2] =	sbarrier.arrive $0xFFFF  }
0x1f4: {  	p0 =	sne.s32 s0, $0x0;
	s0 =	rddreg [dreg:$0x3]  }
0x1f5: {  	s0 =	sadd.s32 @!p0 $0x100000, s0  }
0x1f6: {  	[sflag:s0] =	ssyncadd.tile.s32 @!p0 $0x1;
	_ =	shalt  }
.Lfunc_end2:
_tile_overlayer_lowered:
.L_overlay_start_2:
0x1f7: {  	(tag) =	ssettag $0x2  }
0x1f8: {  	s0 =	rddreg [dreg:$0x0];
	s2 =	stileid.u32  }
0x1f9: {  	s1 =	rddreg [dreg:$0x1];
	p0 =	sne.s32 s2, $0x0  }
0x1fa: {  	s3 =	rddreg [dreg:$0x2];
	[bflag:$0x3] =	sbarrier.arrive $0xFFFF;
	s2 =	simm.s32 @!p0 $0x1C05  }
0x1fb: {  	[timem:s3], [sflag:s2] =	dma.local @!p0 [hbm:s0], s1  }
0x1fc: {  	s0 =	simm.s32 @!p0 $0x5  }
0x1fd: {  	_ =	swait.ge @!p0 [sflag:s0], s1  }
0x1fe: {  	s1 =	ssub.s32 @!p0 $0x0, s1;
	[sflag:s0] =	ssyncset.done @!p0 $0x0  }
0x1ff: {  	[sflag:s0] =	ssyncadd.s32 @!p0 s1  }
0x200: {  	[bflag:$0x3] =	sbarrier.arrive $0xFFFF  }
0x201: {  	_ =	shalt  }

// kernel: kernel.8.cloned.1.call-start
scs
__scs_entry_jumppad:
0x0: {  	(pc) =	sbr.rel $0x88, $3  }
0x1: {  	(tag) =	ssettag $0x0;
	lr =	simm.s32 $0x1  }
0x2: {  	[smem:$0x3F97] =	sst lr;
	_ =	strace $0xD0000000  }
0x3: {  	_ = 	snop  }
0x4: {  	_ = 	snop  }
0x5: {  	_ = 	snop  }
0x6: {  	_ = 	snop  }
0x7: {  	_ = 	snop  }
__scs_overlays_trampoline_lowered:
0x8: {  	[smem:$0x3FA6] =	sst s0  }
0x9: {  	[smem:$0x3FA7] =	sst s1  }
0xa: {  	[smem:$0x3FA8] =	sst s2  }
0xb: {  	[smem:$0x3FA9] =	sst s3  }
0xc: {  	[smem:$0x3FAA] =	sst s4  }
0xd: {  	[smem:$0x3FAB] =	sst s5  }
0xe: {  	[smem:$0x3FAC] =	sst s6  }
0xf: {  	[smem:$0x3FAD] =	sst s7  }
0x10: {  	[smem:$0x3FAE] =	sst s8  }
0x11: {  	[smem:$0x3FAF] =	sst s9;
	s0 =	simm.s32 @!p0 $0x0  }
0x12: {  	s1 =	sld [smem:$0x3F95];
	s0 =	simm.s32 @p0 $0x1  }
0x13: {  	[smem:$0x3FB0] =	sst s0;
	s0 =	simm.s32 @!p1 $0x0  }
0x14: {  	s2 =	sld [smem:$0x3F94];
	s0 =	simm.s32 @p1 $0x1  }
0x15: {  	[smem:$0x3FB1] =	sst s0;
	s0 =	simm.s32 @!p2 $0x0  }
0x16: {  	s3 =	sld [smem:$0x3FDB];
	s0 =	simm.s32 @p2 $0x1  }
0x17: {  	s4 =	simm.s32 $0x1BF5;
	[smem:$0x3FB3] =	sst s0  }
0x18: {  	s0 =	sld [smem:$0x3F96];
	_ =	swait.ge [sflag:s4], $0x0  }
0x19: {  	s7 =	sld [smem:$0x3F97]  }
0x1a: {  	s8 =	sadd.s32 $0xFFFFE003, lr  }
0x1b: {  	s9 =	sadd.s32 $0xFFFFFEF7, lr;
	s5 =	simm.s32 $0xFFFFFFFF;
	p2 =	slt.u32 s8, $0xFFFFF086  }
0x1c: {  	p1 =	slt.u32 s9, $0xF7A;
	s5 =	simm.s32 @!p2 $0x0  }
0x1d: {  	s5 =	simm.s32 @p1 $0x1;
	p0 =	seq.s32 s7, s2  }
0x1e: {  	s7 =	smul.u32 @!p0 $0xF7A, s2;
	p2 =	seq.s32 @!p0 s5, $0x0  }
0x1f: {  	s9 =	smul.u32 $0xF7A, s1;
	s8 =	simm.s32 @!p0 $0x1BF5;
	p2 =	por !p2, p0  }
0x20: {  	[sflag:s8] =	ssyncset.s32 @!p0 $0xFFFFF086;
	s6 =	sadd.s32 @!p0 s3, s7;
	s7 =	simm.s32 @!p0 $0x108  }
0x21: {  	s3 =	sadd.s32 s3, s9;
	s6 =	sadd.s32 @!p0 $0x88, s6;
	s7 =	simm.s32 @p2 $0x1082  }
0x22: {  	[simem:s7], [sflag:s8] =	dma.local @!p0 [hbm:s6], $0xF7A  }
0x23: {  	s9 =	sor.u32 $0xD0000000, s2;
	s6 =	simm.s32 $0x108;
	_ =	swait.ge @!p0 [sflag:s8], $0x0  }
0x24: {  	s3 =	sadd.s32 $0x88, s3;
	s6 =	simm.s32 @!p1 $0x1082;
	[sflag:s4] =	ssyncset.s32 $0xFFFFF086  }
0x25: {  	[simem:s6], [sflag:s4] =	dma.local [hbm:s3], $0xF7A  }
0x26: {  	[smem:$0x3F97] =	sst s1;
	(tag) =	ssettag s2;
	_ =	strace s9  }
0x27: {  	s1 =	sld [smem:$0x3FA7]  }
0x28: {  	s2 =	sld [smem:$0x3FA8]  }
0x29: {  	s4 =	sld [smem:$0x3FAA]  }
0x2a: {  	p0 =	seq.s32 s5, $0x0;
	s5 =	sld [smem:$0x3FAB]  }
0x2b: {  	s6 =	sld [smem:$0x3FAC]  }
0x2c: {  	s7 =	sld [smem:$0x3FAD]  }
0x2d: {  	s3 =	simm.s32 $0x108;
	s8 =	sld [smem:$0x3FAE]  }
0x2e: {  	s3 =	simm.s32 @!p0 $0x1082;
	s9 =	sld [smem:$0x3FAF]  }
0x2f: {  	lr =	sadd.s32 s0, s3;
	s0 =	sld [smem:$0x3FA6]  }
0x30: {  	s3 =	sld [smem:$0x3FA9]  }
0x31: {  	[smem:$0x3FB2] =	sst s10  }
0x32: {  	s10 =	sld [smem:$0x3FB0];
	_ =	sdelay $0x3  }
0x33: {  	p0 =	seq.s32 s10, $0x1;
	s10 =	sld [smem:$0x3FB2];
	_ =	sdelay $0x3  }
0x34: {  	[smem:$0x3FB2] =	sst s10  }
0x35: {  	s10 =	sld [smem:$0x3FB1];
	_ =	sdelay $0x3  }
0x36: {  	p1 =	seq.s32 s10, $0x1;
	s10 =	sld [smem:$0x3FB2];
	_ =	sdelay $0x3  }
0x37: {  	[smem:$0x3FB2] =	sst s10  }
0x38: {  	s10 =	sld [smem:$0x3FB3]  }
0x39: {  	_ = 	snop;
	(pc) =	sbr.ind lr, $3  }
0x3a: {  	_ = 	snop  }
0x3b: {  	_ = 	snop  }
0x3c: {  	p2 =	seq.s32 s10, $0x1;
	s10 =	sld [smem:$0x3FB2]  }
0x3d: {  	_ =	shalt  }
0x3e: {  	_ =	shalt  }
0x3f: {  	_ =	shalt  }
0x40: {  	_ =	shalt  }
0x41: {  	_ =	shalt  }
0x42: {  	_ =	shalt  }
0x43: {  	_ =	shalt  }
0x44: {  	_ =	shalt  }
0x45: {  	_ =	shalt  }
0x46: {  	_ =	shalt  }
0x47: {  	_ =	shalt  }
0x48: {  	_ =	shalt  }
0x49: {  	_ =	shalt  }
0x4a: {  	_ =	shalt  }
0x4b: {  	_ =	shalt  }
0x4c: {  	_ =	shalt  }
0x4d: {  	_ =	shalt  }
0x4e: {  	_ =	shalt  }
0x4f: {  	_ =	shalt  }
0x50: {  	_ =	shalt  }
0x51: {  	_ =	shalt  }
0x52: {  	_ =	shalt  }
0x53: {  	_ =	shalt  }
0x54: {  	_ =	shalt  }
0x55: {  	_ =	shalt  }
0x56: {  	_ =	shalt  }
0x57: {  	_ =	shalt  }
0x58: {  	_ =	shalt  }
0x59: {  	_ =	shalt  }
0x5a: {  	_ =	shalt  }
0x5b: {  	_ =	shalt  }
0x5c: {  	_ =	shalt  }
0x5d: {  	_ =	shalt  }
0x5e: {  	_ =	shalt  }
0x5f: {  	_ =	shalt  }
0x60: {  	_ =	shalt  }
0x61: {  	_ =	shalt  }
0x62: {  	_ =	shalt  }
0x63: {  	_ =	shalt  }
0x64: {  	_ =	shalt  }
0x65: {  	_ =	shalt  }
0x66: {  	_ =	shalt  }
0x67: {  	_ =	shalt  }
0x68: {  	_ =	shalt  }
0x69: {  	_ =	shalt  }
0x6a: {  	_ =	shalt  }
0x6b: {  	_ =	shalt  }
0x6c: {  	_ =	shalt  }
0x6d: {  	_ =	shalt  }
0x6e: {  	_ =	shalt  }
0x6f: {  	_ =	shalt  }
0x70: {  	_ =	shalt  }
0x71: {  	_ =	shalt  }
0x72: {  	_ =	shalt  }
0x73: {  	_ =	shalt  }
0x74: {  	_ =	shalt  }
0x75: {  	_ =	shalt  }
0x76: {  	_ =	shalt  }
0x77: {  	_ =	shalt  }
0x78: {  	_ =	shalt  }
0x79: {  	_ =	shalt  }
0x7a: {  	_ =	shalt  }
0x7b: {  	_ =	shalt  }
0x7c: {  	_ =	shalt  }
0x7d: {  	_ =	shalt  }
0x7e: {  	_ =	shalt  }
0x7f: {  	_ =	shalt  }
0x80: {  	_ =	shalt  }
0x81: {  	_ =	shalt  }
0x82: {  	_ =	shalt  }
0x83: {  	_ =	shalt  }
0x84: {  	_ =	shalt  }
0x85: {  	_ =	shalt  }
0x86: {  	_ =	shalt  }
0x87: {  	_ =	shalt  }
.Lfunc_end0:
.L_simem_size_0:
called_computation_lowered:
.L_overlay_start_0:
0x88: {  	s2 =	sld [smem:$0x3FD9]  }
0x89: {  	s3 =	sld [smem:$0x3FFE];
	_ =	sdelay $0x1  }
0x8a: {  	s1 =	srdreg.scid  }
0x8b: {  	s0 =	sand.u32 $0x1, s1  }
0x8c: {  	s16 =	sshll.u32 s0, $0xA;
	s2 =	sadd.s32 s3, s2  }
0x8d: {  	s2 =	sadd.s32 s2, s16  }
0x8e: {  	[smem:$0x3FBE] =	sst s2  }
0x8f: {  	_ = 	snop  }
0x90: {  	(tm) =	ssettm $0x1  }
0x91: {  	s17 =	sld [smem:$0x3FFB];
	_ =	sdelay $0x3  }
0x92: {  	_ =	strace s17  }
0x93: {  	s2 =	sld [smem:$0x3FFC];
	_ =	sdelay $0x3  }
0x94: {  	_ =	strace s2  }
0x95: {  	s2 =	sld [smem:$0x3FFD];
	_ =	sdelay $0x3  }
0x96: {  	_ =	strace s2  }
0x97: {  	_ =	strace $0x8FFFFFFF  }
0x98: {  	s18 =	sld [smem:$0x3FDB];
	_ =	sdelay $0x1  }
0x99: {  	s19 =	simm.s32 $_scs_section_size  }
0x9a: {  	s4 =	simm.s32 $_size__tile_overlayer_lowered;
	s5 =	simm.s32 $_tile_overlayer_lowered  }
0x9b: {  	s22 =	simm.s32 $0x1BFF;
	s21 =	sshll.u32 s5, $0x1;
	s2 =	sadd.s32 s19, s18  }
0x9c: {  	s6 =	simm.s32 $0x0;
	s20 =	sshll.u32 s4, $0x1;
	s4 =	sadd.s32 s21, s2  }
0x9d: {  	[timem:s6], [sflag:s22] =	dma.local [hbm:s4], s20  }
0x9e: {  	_ =	swait.ge [sflag:s22], s20  }
0x9f: {  	s3 =	ssub.s32 $0x0, s20;
	[sflag:s22] =	ssyncset.done $0x0  }
0xa0: {  	[sflag:s22] =	ssyncadd.s32 s3;
	_ =	sdelay $0x1  }
0xa1: {  	s23 =	simm.s32 $0x1B8B  }
0xa2: {  	_ =	swait.ge [sflag:s23], $0x1  }
0xa3: {  	[sflag:s23] =	ssyncset.done $0x0  }
0xa4: {  	s25 =	simm.s32 $0x1B8E;
	s24 =	sld [smem:$0x3FFE];
	[sflag:s23] =	ssyncadd.s32 $0xFFFFFFFF  }
0xa5: {  	s26 =	simm.s32 $execute0_lowered;
	[smem:$0x3FD2] =	sst s25  }
0xa6: {  	s4 =	sshll.u32 s26, $0x1;
	_ =	strace $0x80000046;
	[dreg:$0x1] =	wrdreg $0xFFFFFFFF  }
0xa7: {  	s28 =	simm.s32 $_size_execute0_lowered;
	s2 =	sadd.s32 s2, s4;
	[dreg:$0x0] =	wrdreg $0x0  }
0xa8: {  	s4 =	sshll.u32 s28, $0x1;
	[dreg:$0x2] =	wrdreg s2  }
0xa9: {  	[dreg:$0x3] =	wrdreg s4  }
0xaa: {  	[dreg:$0x4] =	wrdreg $0xC0  }
0xab: {  	_ =	task [dreg:s6], $0x5FFFF  }
0xac: {  	[dreg:$0x1] =	wrdreg $0xFFFFFFFF  }
0xad: {  	[dreg:$0x0] =	wrdreg $0x60  }
0xae: {  	[dreg:$0x2] =	wrdreg s24  }
0xaf: {  	[dreg:$0x3] =	wrdreg $0x52800  }
0xb0: {  	[dreg:$0x4] =	wrdreg $0x9  }
0xb1: {  	_ =	task.clear_ibuf [dreg:s6], $0x5FFFF;
	_ =	strace $0x90000046  }
0xb2: {  	s29 =	simm.s32 $0x9;
	_ =	strace $0x80000048  }
0xb3: {  	_ =	swait.ge [sflag:s29], $0x1  }
0xb4: {  	[sflag:s29] =	ssyncadd.s32 $0xFFFFFFFF  }
0xb5: {  	_ =	strace $0x90000048  }
0xb6: {  	_ =	sfence  }
0xb7: {  	s30 =	sld [smem:$0x0];
	_ =	sdelay $0x2  }
0xb8: {  	s31 =	sshll.u32 s1, $0xD;
	s1 =	sshrl.u32 s1, $0x2  }
0xb9: {  	s3 =	sand.u32 $0x4000, s31;
	s1 =	sadd.s32 s1, s30  }
0xba: {  	s0 =	sor.u32 s3, s0;
	s1 =	sshll.u32 s1, $0x11  }
0xbb: {  	s0 =	sor.u32 s1, s0  }
0xbc: {  	s0 =	sadd.s32 $0x8F2B, s0  }
0xbd: {  	[sflag:s0] =	ssyncadd.remote.s32 $0x1  }
0xbe: {  	_ =	sfence.sel $0xFFFF  }
0xbf: {  	[dreg:$0x0] =	wrdreg $0xFFFFFFFF;
	(pc) =	sbr.abs _section_cstart, $3  }
0xc0: {  	[dreg:$0x1] =	wrdreg $0xFFFFFFFF  }
0xc1: {  	_ =	task.clear_ibuf [dreg:s6], $0x2FFFF;
	_ =	strace $0x9FFFFFFF  }
0xc2: {  	(tm) =	ssettm $0x7FFFFFFF  }
0xc3: {  	_ =	shalt  }
tec
execute0_lowered:
.L_overlay_start_1:
0x0: {  	(tag) =	ssettag $0x1  }
0x1: {  	s5 =	rddreg [dreg:$0x0]  }
0x2: {  	s0 =	srdreg.scid;
	s2 =	rddreg [dreg:$0x1];
	s3 =	simm.s32 $0x0  }
0x3: {  	s14 =	simm.s32 $0x1;
	s18 =	simm.s32 $0x0;
	s4 =	sand.u32 $0x1, s0  }
0x4: {  	s0 =	stileid.u32;
	[smem:$0x7FF] =	sst s3;
	s12 =	sadd.s32 $0x15E00, s5  }
0x5: {  	s1 =	sshll.u32 s4, $0x4;
	s7 =	ssub.s32 $0x2, s4;
	s8 =	smul.u32 $0x270, s0  }
0x6: {  	s10 =	smul.u32 $0x2710, s4;
	p0 =	seq.s32 s0, $0xF;
	s6 =	sor.u32 s0, s1  }
0x7: {  	s1 =	rddreg [dreg:$0x2];
	_ =	strace $0x80000047;
	s9 =	sshrl.u32 s7, $0x1  }
0x8: {  	s16 =	sshll.u32 @!p0 s0, $0x6;
	s6 =	smul.u32 $0x500, s6;
	s13 =	ssub.s32 s7, s9  }
0x9: {  	s4 =	sadd.s32 s8, s2;
	s30 =	sadd.s32 s8, s10;
	s31 =	sshrl.u32 s10, $0x3  }
0xa: {  	s16 =	sor.u32 @!p0 $0x1C02, s16;
	s8 =	sshrl.u32 s30, $0x3;
	s9 =	sadd.s32 s12, s31  }
0xb: {  	s10 =	smax.u32 s13, $0x1;
	s13 =	simm.s32 $0x80;
	s17 =	sshrl.u32 @!p0 s4, $0x3  }
0xc: {  	s11 =	sadd.s32 s6, s5;
	s5 =	sadd.s32 $0x2490, s2;
	s8 =	sadd.s32 s12, s8  }
0xd: {  	s9 =	sadd.s32 $0x492, s9;
	s12 =	simm.s32 $0x2800;
	s6 =	sadd.s32 $0x1E00, s11  }
0xe: {  	v0 =	vimm.f32 $0.0e+00;
	s7 =	sadd.s32 $0xBE00, s11;
	s11 =	simm.s32 $0x2;
	s15 =	sshrl.u32 @p0 s5, $0x3  }
.LBB2_1:
0xf: {  	[tilespmem:$0x5000] =	vst v0  }
0x10: {  	[tilespmem:$0x5010] =	vst v0  }
0x11: {  	[tilespmem:$0x5020] =	vst v0  }
0x12: {  	[tilespmem:$0x5030] =	vst v0  }
0x13: {  	[tilespmem:$0x5040] =	vst v0  }
0x14: {  	[tilespmem:$0x5050] =	vst v0  }
0x15: {  	[tilespmem:$0x5060] =	vst v0  }
0x16: {  	[tilespmem:$0x5070] =	vst v0  }
0x17: {  	[tilespmem:$0x5080] =	vst v0  }
0x18: {  	[tilespmem:$0x5090] =	vst v0  }
0x19: {  	[tilespmem:$0x50A0] =	vst v0  }
0x1a: {  	[tilespmem:$0x50B0] =	vst v0  }
0x1b: {  	[tilespmem:$0x50C0] =	vst v0  }
0x1c: {  	[tilespmem:$0x50D0] =	vst v0  }
0x1d: {  	[tilespmem:$0x50E0] =	vst v0  }
0x1e: {  	[tilespmem:$0x50F0] =	vst v0  }
0x1f: {  	[tilespmem:$0x5100] =	vst v0  }
0x20: {  	[tilespmem:$0x5110] =	vst v0  }
0x21: {  	[tilespmem:$0x5120] =	vst v0  }
0x22: {  	[tilespmem:$0x5130] =	vst v0  }
0x23: {  	[tilespmem:$0x5140] =	vst v0  }
0x24: {  	[tilespmem:$0x5150] =	vst v0  }
0x25: {  	[tilespmem:$0x5160] =	vst v0  }
0x26: {  	[tilespmem:$0x5170] =	vst v0  }
0x27: {  	[tilespmem:$0x5180] =	vst v0  }
0x28: {  	[tilespmem:$0x5190] =	vst v0  }
0x29: {  	[tilespmem:$0x51A0] =	vst v0  }
0x2a: {  	[tilespmem:$0x51B0] =	vst v0  }
0x2b: {  	[tilespmem:$0x51C0] =	vst v0  }
0x2c: {  	[tilespmem:$0x51D0] =	vst v0  }
0x2d: {  	[tilespmem:$0x51E0] =	vst v0  }
0x2e: {  	[tilespmem:$0x51F0] =	vst v0  }
0x2f: {  	[tilespmem:$0x5200] =	vst v0  }
0x30: {  	[tilespmem:$0x5210] =	vst v0  }
0x31: {  	[tilespmem:$0x5220] =	vst v0  }
0x32: {  	[tilespmem:$0x5230] =	vst v0  }
0x33: {  	[tilespmem:$0x5240] =	vst v0  }
0x34: {  	[tilespmem:$0x5250] =	vst v0  }
0x35: {  	[tilespmem:$0x5260] =	vst v0  }
0x36: {  	[tilespmem:$0x5270] =	vst v0;
	s19 =	simm.s32 @p0 $0x5000  }
0x37: {  	[spmem:s5] =	stream.linear.scatter @p0 [tilespmem:s19], [sflag:$0x2], $0x280, $0x38;
	[tilespmem:$0x54F8] =	vst v63  }
0x38: {  	s19 =	simm.s32 @p0 $0x2  }
0x39: {  	_ =	swait.ge @p0 [sflag:s19], $0x280  }
0x3a: {  	[sflag:s19] =	ssyncset.done @p0 $0x0  }
0x3b: {  	[sflag:s19] =	ssyncadd.s32 @p0 $0xFFFFFD80;
	s19 =	simm.s32 @!p0 $0x5000  }
0x3c: {  	[spmem:s4] =	stream.linear.scatter @!p0 [tilespmem:s19], [sflag:$0x2], $0x270, $0x38;
	[tilespmem:$0x54F8] =	vst v63  }
0x3d: {  	s19 =	simm.s32 @!p0 $0x2  }
0x3e: {  	_ =	swait.ge @!p0 [sflag:s19], $0x270  }
0x3f: {  	[sflag:s19] =	ssyncset.done @!p0 $0x0  }
0x40: {  	[sflag:s19] =	ssyncadd.s32 @!p0 $0xFFFFFD90  }
0x41: {  	[bflag:$0x0] =	sbarrier.arrive $0xFFFF  }
0x42: {  	[tilespmem:s3], [sflag:$0x2] =	stream.linear.gather [hbm4b:s6+s3], $0x2800, $0x38;
	[tilespmem:$0x54F8] =	vst v63  }
0x43: {  	_ =	swait.ge [sflag:s11], $0x2800  }
0x44: {  	[sflag:s11] =	ssyncset.done $0x0  }
0x45: {  	[sflag:s11] =	ssyncadd.s32 $0xFFFFD800  }
0x46: {  	[tilespmem:s12], [sflag:$0x2] =	stream.linear.gather [hbm4b:s7+s3], $0x2800, $0x38;
	[tilespmem:$0x54F8] =	vst v63  }
0x47: {  	_ =	swait.ge [sflag:s11], $0x2800  }
0x48: {  	[sflag:s11] =	ssyncset.done $0x0  }
0x49: {  	s26 =	simm.s32 $0x0;
	s20 =	simm.s32 $0x2800;
	[sflag:s11] =	ssyncadd.s32 $0xFFFFD800  }
0x4a: {  	[spmem:s2] =	stream.indirect.scatter.add.f32 [tilespmem:s20], [sflag:$0x1], $0x1, s26, s13, $0xb8;
	[tilespmem:$0x54F8] =	vst v63  }
0x4b: {  	s28 =	simm.s32 $0x2880;
	s29 =	simm.s32 $0x80  }
0x4c: {  	[spmem:s2] =	stream.indirect.scatter.add.f32 [tilespmem:s28], [sflag:$0x1], $0x1, s29, s13, $0xb8;
	[tilespmem:$0x54F8] =	vst v63  }
0x4d: {  	s30 =	simm.s32 $0x2900;
	s31 =	simm.s32 $0x100  }
0x4e: {  	[spmem:s2] =	stream.indirect.scatter.add.f32 [tilespmem:s30], [sflag:$0x1], $0x1, s31, s13, $0xb8;
	[tilespmem:$0x54F8] =	vst v63  }
0x4f: {  	s21 =	simm.s32 $0x2980;
	s22 =	simm.s32 $0x180  }
0x50: {  	[spmem:s2] =	stream.indirect.scatter.add.f32 [tilespmem:s21], [sflag:$0x1], $0x1, s22, s13, $0xb8;
	[tilespmem:$0x54F8] =	vst v63  }
0x51: {  	s23 =	simm.s32 $0x2A00;
	s24 =	simm.s32 $0x200  }
0x52: {  	[spmem:s2] =	stream.indirect.scatter.add.f32 [tilespmem:s23], [sflag:$0x1], $0x1, s24, s13, $0xb8;
	[tilespmem:$0x54F8] =	vst v63  }
0x53: {  	s25 =	simm.s32 $0x2A80;
	s26 =	simm.s32 $0x280  }
0x54: {  	[spmem:s2] =	stream.indirect.scatter.add.f32 [tilespmem:s25], [sflag:$0x1], $0x1, s26, s13, $0xb8;
	[tilespmem:$0x54F8] =	vst v63  }
0x55: {  	s28 =	simm.s32 $0x2B00;
	s29 =	simm.s32 $0x300  }
0x56: {  	[spmem:s2] =	stream.indirect.scatter.add.f32 [tilespmem:s28], [sflag:$0x1], $0x1, s29, s13, $0xb8;
	[tilespmem:$0x54F8] =	vst v63  }
0x57: {  	s30 =	simm.s32 $0x2B80;
	s31 =	simm.s32 $0x380  }
0x58: {  	[spmem:s2] =	stream.indirect.scatter.add.f32 [tilespmem:s30], [sflag:$0x1], $0x1, s31, s13, $0xb8;
	[tilespmem:$0x54F8] =	vst v63  }
0x59: {  	_ =	swait.ge [sflag:s14], $0x80  }
0x5a: {  	[sflag:s14] =	ssyncset.done $0x0  }
0x5b: {  	[sflag:s14] =	ssyncadd.s32 $0xFFFFFF80  }
0x5c: {  	_ =	swait.ge [sflag:s14], $0x80  }
0x5d: {  	[sflag:s14] =	ssyncset.done $0x0  }
0x5e: {  	[sflag:s14] =	ssyncadd.s32 $0xFFFFFF80  }
0x5f: {  	_ =	swait.ge [sflag:s14], $0x80  }
0x60: {  	[sflag:s14] =	ssyncset.done $0x0  }
0x61: {  	[sflag:s14] =	ssyncadd.s32 $0xFFFFFF80  }
0x62: {  	_ =	swait.ge [sflag:s14], $0x80  }
0x63: {  	[sflag:s14] =	ssyncset.done $0x0  }
0x64: {  	[sflag:s14] =	ssyncadd.s32 $0xFFFFFF80  }
0x65: {  	_ =	swait.ge [sflag:s14], $0x80  }
0x66: {  	[sflag:s14] =	ssyncset.done $0x0  }
0x67: {  	[sflag:s14] =	ssyncadd.s32 $0xFFFFFF80  }
0x68: {  	_ =	swait.ge [sflag:s14], $0x80  }
0x69: {  	[sflag:s14] =	ssyncset.done $0x0  }
0x6a: {  	[sflag:s14] =	ssyncadd.s32 $0xFFFFFF80  }
0x6b: {  	_ =	swait.ge [sflag:s14], $0x80  }
0x6c: {  	[sflag:s14] =	ssyncset.done $0x0  }
0x6d: {  	[sflag:s14] =	ssyncadd.s32 $0xFFFFFF80  }
0x6e: {  	_ =	swait.ge [sflag:s14], $0x80  }
0x6f: {  	s22 =	simm.s32 $0x2000;
	s21 =	simm.s32 $0x400;
	[sflag:s14] =	ssyncset.done $0x0  }
.LBB2_2:
0x70: {  	s23 =	sadd.s32 $0x2800, s21  }
0x71: {  	[sflag:s14] =	ssyncadd.s32 $0xFFFFFF80;
	s20 =	smov.u32 s22;
	s19 =	sadd.s32 $0x1000, s22  }
0x72: {  	[spmem:s2] =	stream.indirect.scatter.add.f32 [tilespmem:s23], [sflag:$0x1], $0x1, s21, s13, $0xb8;
	[tilespmem:$0x54F8] =	vst v63  }
0x73: {  	p1 =	sne.s32 s22, $0x9000;
	s22 =	sadd.s32 $0x2880, s21;
	s23 =	sadd.s32 $0x80, s21  }
0x74: {  	[spmem:s2] =	stream.indirect.scatter.add.f32 [tilespmem:s22], [sflag:$0x1], $0x1, s23, s13, $0xb8;
	[tilespmem:$0x54F8] =	vst v63  }
0x75: {  	s22 =	sadd.s32 $0x2900, s21;
	s23 =	sadd.s32 $0x100, s21  }
0x76: {  	[spmem:s2] =	stream.indirect.scatter.add.f32 [tilespmem:s22], [sflag:$0x1], $0x1, s23, s13, $0xb8;
	[tilespmem:$0x54F8] =	vst v63  }
0x77: {  	s22 =	sadd.s32 $0x2980, s21;
	s23 =	sadd.s32 $0x180, s21  }
0x78: {  	[spmem:s2] =	stream.indirect.scatter.add.f32 [tilespmem:s22], [sflag:$0x1], $0x1, s23, s13, $0xb8;
	[tilespmem:$0x54F8] =	vst v63  }
0x79: {  	s22 =	sadd.s32 $0x2A00, s21;
	s23 =	sadd.s32 $0x200, s21  }
0x7a: {  	[spmem:s2] =	stream.indirect.scatter.add.f32 [tilespmem:s22], [sflag:$0x1], $0x1, s23, s13, $0xb8;
	[tilespmem:$0x54F8] =	vst v63  }
0x7b: {  	s22 =	sadd.s32 $0x2A80, s21;
	s23 =	sadd.s32 $0x280, s21  }
0x7c: {  	[spmem:s2] =	stream.indirect.scatter.add.f32 [tilespmem:s22], [sflag:$0x1], $0x1, s23, s13, $0xb8;
	[tilespmem:$0x54F8] =	vst v63  }
0x7d: {  	s22 =	sadd.s32 $0x2B00, s21;
	s23 =	sadd.s32 $0x300, s21  }
0x7e: {  	[spmem:s2] =	stream.indirect.scatter.add.f32 [tilespmem:s22], [sflag:$0x1], $0x1, s23, s13, $0xb8;
	[tilespmem:$0x54F8] =	vst v63  }
0x7f: {  	s22 =	sadd.s32 $0x2B80, s21;
	s21 =	sadd.s32 $0x380, s21  }
0x80: {  	[spmem:s2] =	stream.indirect.scatter.add.f32 [tilespmem:s22], [sflag:$0x1], $0x1, s21, s13, $0xb8;
	[tilespmem:$0x54F8] =	vst v63  }
0x81: {  	_ =	swait.ge [sflag:s14], $0x80  }
0x82: {  	[sflag:s14] =	ssyncset.done $0x0  }
0x83: {  	[sflag:s14] =	ssyncadd.s32 $0xFFFFFF80  }
0x84: {  	_ =	swait.ge [sflag:s14], $0x80  }
0x85: {  	[sflag:s14] =	ssyncset.done $0x0  }
0x86: {  	[sflag:s14] =	ssyncadd.s32 $0xFFFFFF80  }
0x87: {  	_ =	swait.ge [sflag:s14], $0x80  }
0x88: {  	[sflag:s14] =	ssyncset.done $0x0  }
0x89: {  	[sflag:s14] =	ssyncadd.s32 $0xFFFFFF80  }
0x8a: {  	_ =	swait.ge [sflag:s14], $0x80  }
0x8b: {  	[sflag:s14] =	ssyncset.done $0x0  }
0x8c: {  	[sflag:s14] =	ssyncadd.s32 $0xFFFFFF80  }
0x8d: {  	_ =	swait.ge [sflag:s14], $0x80  }
0x8e: {  	[sflag:s14] =	ssyncset.done $0x0  }
0x8f: {  	[sflag:s14] =	ssyncadd.s32 $0xFFFFFF80  }
0x90: {  	_ =	swait.ge [sflag:s14], $0x80  }
0x91: {  	[sflag:s14] =	ssyncset.done $0x0  }
0x92: {  	[sflag:s14] =	ssyncadd.s32 $0xFFFFFF80  }
.Ltmp0:
0x93: {  	_ =	swait.ge [sflag:s14], $0x80;
	(pc) =	sbr.rel @p1 .LBB2_2-.Ltmp0, $4  }
0x94: {  	[sflag:s14] =	ssyncset.done $0x0  }
0x95: {  	[sflag:s14] =	ssyncadd.s32 $0xFFFFFF80  }
0x96: {  	_ =	swait.ge [sflag:s14], $0x80  }
0x97: {  	s21 =	sshra.s32 s20, $0x2;
	s22 =	smov.u32 s19;
	[sflag:s14] =	ssyncset.done $0x0  }
0x98: {  	s19 =	sadd.s32 $0x2800, s21;
	[sflag:s14] =	ssyncadd.s32 $0xFFFFFF80  }
0x99: {  	[spmem:s2] =	stream.indirect.scatter.add.f32 [tilespmem:s19], [sflag:$0x1], $0x1, s21, s13, $0xb8;
	[tilespmem:$0x54F8] =	vst v63  }
0x9a: {  	s29 =	sadd.s32 $0x2880, s21;
	s20 =	sadd.s32 $0x80, s21  }
0x9b: {  	[spmem:s2] =	stream.indirect.scatter.add.f32 [tilespmem:s29], [sflag:$0x1], $0x1, s20, s13, $0xb8;
	[tilespmem:$0x54F8] =	vst v63  }
0x9c: {  	s30 =	sadd.s32 $0x2900, s21;
	s31 =	sadd.s32 $0x100, s21  }
0x9d: {  	[spmem:s2] =	stream.indirect.scatter.add.f32 [tilespmem:s30], [sflag:$0x1], $0x1, s31, s13, $0xb8;
	[tilespmem:$0x54F8] =	vst v63  }
0x9e: {  	s22 =	sadd.s32 $0x180, s21;
	s20 =	sadd.s32 $0x2980, s21  }
0x9f: {  	[spmem:s2] =	stream.indirect.scatter.add.f32 [tilespmem:s20], [sflag:$0x1], $0x1, s22, s13, $0xb8;
	[tilespmem:$0x54F8] =	vst v63  }
0xa0: {  	s23 =	sadd.s32 $0x2A00, s21;
	s24 =	sadd.s32 $0x200, s21  }
0xa1: {  	[spmem:s2] =	stream.indirect.scatter.add.f32 [tilespmem:s23], [sflag:$0x1], $0x1, s24, s13, $0xb8;
	[tilespmem:$0x54F8] =	vst v63  }
0xa2: {  	s25 =	sadd.s32 $0x2A80, s21;
	s26 =	sadd.s32 $0x280, s21  }
0xa3: {  	[spmem:s2] =	stream.indirect.scatter.add.f32 [tilespmem:s25], [sflag:$0x1], $0x1, s26, s13, $0xb8;
	[tilespmem:$0x54F8] =	vst v63  }
0xa4: {  	s28 =	sadd.s32 $0x2B00, s21;
	s29 =	sadd.s32 $0x300, s21  }
0xa5: {  	[spmem:s2] =	stream.indirect.scatter.add.f32 [tilespmem:s28], [sflag:$0x1], $0x1, s29, s13, $0xb8;
	[tilespmem:$0x54F8] =	vst v63  }
0xa6: {  	s30 =	sadd.s32 $0x2B80, s21;
	s31 =	sadd.s32 $0x380, s21  }
0xa7: {  	[spmem:s2] =	stream.indirect.scatter.add.f32 [tilespmem:s30], [sflag:$0x1], $0x1, s31, s13, $0xb8;
	[tilespmem:$0x54F8] =	vst v63  }
0xa8: {  	_ =	swait.ge [sflag:s14], $0x80  }
0xa9: {  	[sflag:s14] =	ssyncset.done $0x0  }
0xaa: {  	[sflag:s14] =	ssyncadd.s32 $0xFFFFFF80  }
0xab: {  	_ =	swait.ge [sflag:s14], $0x80  }
0xac: {  	[sflag:s14] =	ssyncset.done $0x0  }
0xad: {  	[sflag:s14] =	ssyncadd.s32 $0xFFFFFF80  }
0xae: {  	_ =	swait.ge [sflag:s14], $0x80  }
0xaf: {  	[sflag:s14] =	ssyncset.done $0x0  }
0xb0: {  	[sflag:s14] =	ssyncadd.s32 $0xFFFFFF80  }
0xb1: {  	_ =	swait.ge [sflag:s14], $0x80  }
0xb2: {  	[sflag:s14] =	ssyncset.done $0x0  }
0xb3: {  	[sflag:s14] =	ssyncadd.s32 $0xFFFFFF80  }
0xb4: {  	_ =	swait.ge [sflag:s14], $0x80  }
0xb5: {  	[sflag:s14] =	ssyncset.done $0x0  }
0xb6: {  	[sflag:s14] =	ssyncadd.s32 $0xFFFFFF80  }
0xb7: {  	_ =	swait.ge [sflag:s14], $0x80  }
0xb8: {  	[sflag:s14] =	ssyncset.done $0x0  }
0xb9: {  	[sflag:s14] =	ssyncadd.s32 $0xFFFFFF80  }
0xba: {  	_ =	swait.ge [sflag:s14], $0x80  }
0xbb: {  	[sflag:s14] =	ssyncset.done $0x0  }
0xbc: {  	[sflag:s14] =	ssyncadd.s32 $0xFFFFFF80  }
0xbd: {  	_ =	swait.ge [sflag:s14], $0x80  }
0xbe: {  	[sflag:s14] =	ssyncset.done $0x0  }
0xbf: {  	[sflag:s14] =	ssyncadd.s32 $0xFFFFFF80  }
0xc0: {  	s19 =	simm.s32 @p0 $0x1FC2;
	[bflag:$0x0] =	sbarrier.arrive $0xFFFF  }
0xc1: {  	[hbm:s9], [sflag:s19] =	dma.local @p0 [spmem:s15], $0x50  }
0xc2: {  	s19 =	simm.s32 @p0 $0x2  }
0xc3: {  	s18 =	sadd.s32 $0x1, s18;
	_ =	swait.ge @p0 [sflag:s19], $0x50  }
0xc4: {  	p1 =	sne.s32 s18, s10;
	[sflag:s19] =	ssyncset.done @p0 $0x0  }
.Ltmp1:
0xc5: {  	[sflag:s19] =	ssyncadd.s32 @p0 $0xFFFFFFB0;
	s19 =	simm.s32 @!p0 $0x2;
	(pc) =	sbr.rel @p1 .LBB2_1-.Ltmp1, $4  }
0xc6: {  	[hbm:s8], [sflag:s16] =	dma.local @!p0 [spmem:s17], $0x4E  }
0xc7: {  	_ =	swait.ge @!p0 [sflag:s19], $0x4E  }
0xc8: {  	[sflag:s19] =	ssyncset.done @!p0 $0x0  }
0xc9: {  	[sflag:s19] =	ssyncadd.s32 @!p0 $0xFFFFFFB2  }
0xca: {  	_ =	sfence.sel $0x180000  }
0xcb: {  	[bflag:$0x0] =	sbarrier.arrive $0xFFFF  }
0xcc: {  	p0 =	sne.s32 s0, $0x0;
	_ =	strace $0x90000047  }
0xcd: {  	s0 =	sadd.s32 @!p0 $0x100000, s1;
	[bflag:$0x2] =	sbarrier.arrive $0xFFFF  }
0xce: {  	[sflag:s0] =	ssyncadd.tile.s32 @!p0 $0x1;
	_ =	shalt  }
.Lfunc_end2:
_tile_overlayer_lowered:
.L_overlay_start_2:
0xcf: {  	(tag) =	ssettag $0x2  }
0xd0: {  	s0 =	rddreg [dreg:$0x0];
	s2 =	stileid.u32  }
0xd1: {  	s1 =	rddreg [dreg:$0x1];
	p0 =	sne.s32 s2, $0x0  }
0xd2: {  	s3 =	rddreg [dreg:$0x2];
	[bflag:$0x3] =	sbarrier.arrive $0xFFFF;
	s2 =	simm.s32 @!p0 $0x1C02  }
0xd3: {  	[timem:s3], [sflag:s2] =	dma.local @!p0 [hbm:s0], s1  }
0xd4: {  	s0 =	simm.s32 @!p0 $0x2  }
0xd5: {  	_ =	swait.ge @!p0 [sflag:s0], s1  }
0xd6: {  	s1 =	ssub.s32 @!p0 $0x0, s1;
	[sflag:s0] =	ssyncset.done @!p0 $0x0  }
0xd7: {  	[sflag:s0] =	ssyncadd.s32 @!p0 s1  }
0xd8: {  	[bflag:$0x3] =	sbarrier.arrive $0xFFFF  }
0xd9: {  	_ =	shalt  }

</sc_bundles>
